<compile_context>
chip_gen: v7x
topology: tpu7x:2x2x1
jax: 0.10.2.dev20260603
libtpu: 0.0.44.dev20260713+nightly
codegen_flags: <defaults>
</compile_context>

<pallas_src>
import functools

import jax
import jax.numpy as jnp
from jax import lax
from jax.experimental import pallas as pl
from jax.experimental.pallas import tpu as pltpu
from jax.experimental.pallas import tpu_sc as plsc

N, E, L, DH, HEADS, HD, B = 10000, 160000, 6, 256, 8, 32, 64
BLK = 512
NBLK = 320
E_PAD = NBLK * BLK
NPB = 21
N_PAD = NPB * BLK
WIN = 528
F32 = jnp.float32


def _ln(x, g, b):
    mu = jnp.mean(x, axis=-1, keepdims=True)
    var = jnp.mean((x - mu) ** 2, axis=-1, keepdims=True)
    return (x - mu) * jax.lax.rsqrt(var + 1e-5) * g + b


def _head_selector():
    c = lax.broadcasted_iota(jnp.int32, (DH, HEADS), 0)
    h = lax.broadcasted_iota(jnp.int32, (DH, HEADS), 1)
    return (c // HD == h).astype(F32)



def _emb_body(an_ref, tab_ref, w_ref, b_ref, g_ref, bb_ref, o_ref):
    an = an_ref[...]
    oh = (an == lax.broadcasted_iota(jnp.int32, (BLK, 119), 1)).astype(F32)
    t = jnp.dot(oh, tab_ref[...], preferred_element_type=F32)
    y = jnp.dot(t, w_ref[...], preferred_element_type=F32) + b_ref[...]
    o_ref[...] = jax.nn.silu(_ln(y, g_ref[...], bb_ref[...]))


def _edgeattr_body(ps_ref, pd_ref, c_ref, w_ref, o_ref):
    diff = ps_ref[...] - pd_ref[...]
    d2 = jnp.sum(diff * diff, axis=1, keepdims=True)
    d = jnp.sqrt(d2)
    gamma = 1.0 / (2.0 * w_ref[...] ** 2)
    rbf = jnp.exp(-gamma * (d - c_ref[...]) ** 2)
    cut = 0.5 * (jnp.cos(jnp.pi * d / 10.0) + 1.0) * (d < 10.0).astype(F32)
    o_ref[...] = rbf * cut


def _dense1_body(x_ref, g_ref, b_ref, wq_ref, bq_ref, wk_ref, bk_ref,
                 wv_ref, bv_ref, ws_ref, bs_ref,
                 q_ref, kv_ref, s_ref):
    h = _ln(x_ref[...], g_ref[...], b_ref[...])
    q_ref[...] = jnp.dot(h, wq_ref[...], preferred_element_type=F32) + bq_ref[...]
    kv_ref[:, :DH] = jnp.dot(h, wk_ref[...], preferred_element_type=F32) + bk_ref[...]
    kv_ref[:, DH:] = jnp.dot(h, wv_ref[...], preferred_element_type=F32) + bv_ref[...]
    s_ref[...] = jnp.dot(h, ws_ref[...], preferred_element_type=F32) + bs_ref[...]


def _logits_body(q_ref, kve_ref, ea_ref, we_ref, dst_ref, a_ref, gmax_ref):
    i = pl.program_id(0)
    dst = dst_ref[...]
    start = (dst_ref[0, 0] // 8) * 8
    li = dst - start
    oh = (li == lax.broadcasted_iota(jnp.int32, (BLK, WIN), 1)).astype(F32)
    qe = jnp.dot(oh, q_ref[pl.ds(start, WIN), :], preferred_element_type=F32)
    e_blk = jnp.dot(ea_ref[...], we_ref[...], preferred_element_type=F32)
    prod = qe * (kve_ref[:, :DH] + e_blk)
    a = jnp.dot(prod, _head_selector(), preferred_element_type=F32)
    a = a * (1.0 / (HD ** 0.5))
    gi = i * BLK + lax.broadcasted_iota(jnp.int32, (BLK, HEADS), 0)
    a = jnp.where(gi < E, a, -1e30)
    a_ref[...] = a

    @pl.when(i == 0)
    def _():
        gmax_ref[...] = jnp.full((1, HEADS), -1e30, F32)

    gmax_ref[...] = jnp.maximum(gmax_ref[...], jnp.max(a, axis=0, keepdims=True))


def _scatter_body(a_ref, kve_ref, ea_ref, we_ref, gmax_ref, dst_ref,
                  msg_ref, den_ref):
    i = pl.program_id(0)

    @pl.when(i == 0)
    def _():
        msg_ref[...] = jnp.zeros((N_PAD, DH), F32)
        den_ref[...] = jnp.zeros((N_PAD, HEADS), F32)

    dst = dst_ref[...]
    start = (dst_ref[0, 0] // 8) * 8
    li = dst - start
    oh = (li == lax.broadcasted_iota(jnp.int32, (BLK, WIN), 1)).astype(F32)
    w = jnp.exp(a_ref[...] - gmax_ref[...])
    sel = _head_selector()
    e_blk = jnp.dot(ea_ref[...], we_ref[...], preferred_element_type=F32)
    vpe = kve_ref[:, DH:] + e_blk
    wb = jnp.dot(w, sel.T, preferred_element_type=F32)
    acc = jnp.dot(oh.T, vpe * wb, preferred_element_type=F32)
    dacc = jnp.dot(oh.T, w, preferred_element_type=F32)
    msg_ref[pl.ds(start, WIN), :] = msg_ref[pl.ds(start, WIN), :] + acc
    den_ref[pl.ds(start, WIN), :] = den_ref[pl.ds(start, WIN), :] + dacc


def _combine_body(x_ref, msg_ref, den_ref, sk_ref, al_ref, g_ref, b_ref,
                  w1_ref, b1_ref, w2_ref, b2_ref, o_ref):
    sel = _head_selector()
    dexp = jnp.dot(den_ref[...], sel.T, preferred_element_type=F32)
    attn = msg_ref[...] / (dexp + 1e-16) + sk_ref[...]
    x1 = x_ref[...] + al_ref[0, 0] * attn
    h2 = _ln(x1, g_ref[...], b_ref[...])
    f = jnp.dot(jax.nn.silu(jnp.dot(h2, w1_ref[...], preferred_element_type=F32) + b1_ref[...]),
                w2_ref[...], preferred_element_type=F32) + b2_ref[...]
    o_ref[...] = x1 + f


def _head_body(x4_ref, x5_ref, x6_ref, bt_ref, ew1_ref, eb1_ref, ew2_ref,
               eb2_ref, fw1_ref, fb1_ref, fw2_ref, fb2_ref,
               xm_ref, en_ref, fo_ref):
    i = pl.program_id(0)
    xm = (x4_ref[...] + x5_ref[...] + x6_ref[...]) * (1.0 / 3.0)
    xm_ref[...] = xm
    ae = jnp.dot(jax.nn.silu(jnp.dot(xm, ew1_ref[...], preferred_element_type=F32) + eb1_ref[...]),
                 ew2_ref[...], preferred_element_type=F32) + eb2_ref[...]
    gi = i * BLK + lax.broadcasted_iota(jnp.int32, (BLK, 8), 0)
    ae = jnp.where(gi < N, ae, 0.0)
    bo = (bt_ref[...] == lax.broadcasted_iota(jnp.int32, (BLK, B), 1)).astype(F32)

    @pl.when(i == 0)
    def _():
        en_ref[...] = jnp.zeros((B, 8), F32)

    en_ref[...] = en_ref[...] + jnp.dot(bo.T, ae, preferred_element_type=F32)
    fo_ref[...] = jnp.dot(jax.nn.silu(jnp.dot(xm, fw1_ref[...], preferred_element_type=F32) + fb1_ref[...]),
                          fw2_ref[...], preferred_element_type=F32) + fb2_ref[...]



def _spec(shape, im):
    return pl.BlockSpec(shape, im)


def _w(shape):
    nd = len(shape)
    return pl.BlockSpec(shape, lambda i: (0,) * nd)


def _emb_call(an2, tab, w, b, g, bb):
    return pl.pallas_call(
        _emb_body,
        grid=(NPB,),
        in_specs=[_spec((BLK, 1), lambda i: (i, 0)), _w(tab.shape), _w(w.shape),
                  _w(b.shape), _w(g.shape), _w(bb.shape)],
        out_specs=_spec((BLK, DH), lambda i: (i, 0)),
        out_shape=jax.ShapeDtypeStruct((N_PAD, DH), F32),
    )(an2, tab, w, b, g, bb)


def _edgeattr_call(ps, pd, c, w):
    return pl.pallas_call(
        _edgeattr_body,
        grid=(NBLK,),
        in_specs=[_spec((BLK, 128), lambda i: (i, 0)), _spec((BLK, 128), lambda i: (i, 0)),
                  _w(c.shape), _w(w.shape)],
        out_specs=_spec((BLK, DH), lambda i: (i, 0)),
        out_shape=jax.ShapeDtypeStruct((E_PAD, DH), F32),
    )(ps, pd, c, w)


def _dense1_call(x, g, b, wq, bq, wk, bk, wv, bv, ws, bs):
    eb = _spec((BLK, DH), lambda i: (i, 0))
    return pl.pallas_call(
        _dense1_body,
        grid=(NPB,),
        in_specs=[eb] + [_w(a.shape) for a in (g, b, wq, bq, wk, bk, wv, bv, ws, bs)],
        out_specs=[eb, _spec((BLK, 2 * DH), lambda i: (i, 0)), eb],
        out_shape=[jax.ShapeDtypeStruct((N_PAD, DH), F32),
                   jax.ShapeDtypeStruct((N_PAD, 2 * DH), F32),
                   jax.ShapeDtypeStruct((N_PAD, DH), F32)],
    )(x, g, b, wq, bq, wk, bk, wv, bv, ws, bs)


def _logits_call(q, kve, ea, we, dst2):
    eb = _spec((BLK, DH), lambda i: (i, 0))
    return pl.pallas_call(
        _logits_body,
        grid=(NBLK,),
        in_specs=[_w((N_PAD, DH)), _spec((BLK, 2 * DH), lambda i: (i, 0)), eb,
                  _w(we.shape), _spec((BLK, 1), lambda i: (i, 0))],
        out_specs=[_spec((BLK, HEADS), lambda i: (i, 0)), _w((1, HEADS))],
        out_shape=[jax.ShapeDtypeStruct((E_PAD, HEADS), F32),
                   jax.ShapeDtypeStruct((1, HEADS), F32)],
    )(q, kve, ea, we, dst2)


def _scatter_call(a, kve, ea, we, gmax, dst2):
    eb = _spec((BLK, DH), lambda i: (i, 0))
    return pl.pallas_call(
        _scatter_body,
        grid=(NBLK,),
        in_specs=[_spec((BLK, HEADS), lambda i: (i, 0)),
                  _spec((BLK, 2 * DH), lambda i: (i, 0)), eb, _w(we.shape),
                  _w((1, HEADS)), _spec((BLK, 1), lambda i: (i, 0))],
        out_specs=[_w((N_PAD, DH)), _w((N_PAD, HEADS))],
        out_shape=[jax.ShapeDtypeStruct((N_PAD, DH), F32),
                   jax.ShapeDtypeStruct((N_PAD, HEADS), F32)],
    )(a, kve, ea, we, gmax, dst2)


def _combine_call(x, msg, den, sk, al, g, b, w1, b1, w2, b2):
    eb = _spec((BLK, DH), lambda i: (i, 0))
    return pl.pallas_call(
        _combine_body,
        grid=(NPB,),
        in_specs=[eb, eb, _spec((BLK, HEADS), lambda i: (i, 0)), eb,
                  _w(al.shape), _w(g.shape), _w(b.shape), _w(w1.shape),
                  _w(b1.shape), _w(w2.shape), _w(b2.shape)],
        out_specs=eb,
        out_shape=jax.ShapeDtypeStruct((N_PAD, DH), F32),
    )(x, msg, den, sk, al, g, b, w1, b1, w2, b2)


def _head_call(x4, x5, x6, bt2, ew1, eb1, ew2, eb2, fw1, fb1, fw2, fb2):
    eb = _spec((BLK, DH), lambda i: (i, 0))
    return pl.pallas_call(
        _head_body,
        grid=(NPB,),
        in_specs=[eb, eb, eb, _spec((BLK, 1), lambda i: (i, 0))]
                 + [_w(a.shape) for a in (ew1, eb1, ew2, eb2, fw1, fb1, fw2, fb2)],
        out_specs=[eb, _w((B, 8)), _spec((BLK, 8), lambda i: (i, 0))],
        out_shape=[jax.ShapeDtypeStruct((N_PAD, DH), F32),
                   jax.ShapeDtypeStruct((B, 8), F32),
                   jax.ShapeDtypeStruct((N_PAD, 8), F32)],
    )(x4, x5, x6, bt2, ew1, eb1, ew2, eb2, fw1, fb1, fw2, fb2)



CHUNK = 128


def _sc_gather2(table, idx_a, idx_b, d):
    info = plsc.get_sparse_core_info()
    nc, ns = info.num_cores, info.num_subcores
    nw = nc * ns
    bpw = E_PAD // nw
    nch = bpw // CHUNK
    mesh = plsc.VectorSubcoreMesh(core_axis_name="c", subcore_axis_name="s")

    @functools.partial(
        pl.kernel, mesh=mesh,
        out_type=[jax.ShapeDtypeStruct((E_PAD, d), F32)] * 2,
        scratch_types=[
            pltpu.VMEM((CHUNK,), jnp.int32), pltpu.VMEM((CHUNK,), jnp.int32),
            pltpu.VMEM((CHUNK, d), F32), pltpu.VMEM((CHUNK, d), F32),
            pltpu.SemaphoreType.DMA, pltpu.SemaphoreType.DMA,
        ],
    )
    def k(tab_h, ia_h, ib_h, oa_h, ob_h, ia_v, ib_v, ra_v, rb_v, sa, sb):
        wid = lax.axis_index("s") * nc + lax.axis_index("c")
        base = wid * bpw

        def body(c, _):
            off = base + c * CHUNK
            pltpu.sync_copy(ia_h.at[pl.ds(off, CHUNK)], ia_v)
            pltpu.sync_copy(ib_h.at[pl.ds(off, CHUNK)], ib_v)
            ca = pltpu.async_copy(tab_h.at[ia_v], ra_v, sa)
            cb = pltpu.async_copy(tab_h.at[ib_v], rb_v, sb)
            ca.wait()
            cb.wait()
            pltpu.sync_copy(ra_v, oa_h.at[pl.ds(off, CHUNK)])
            pltpu.sync_copy(rb_v, ob_h.at[pl.ds(off, CHUNK)])
            return _

        lax.fori_loop(0, nch, body, None)

    return k(table, idx_a, idx_b)


def _sc_gather1(table, idx, d):
    info = plsc.get_sparse_core_info()
    nc, ns = info.num_cores, info.num_subcores
    nw = nc * ns
    bpw = E_PAD // nw
    nch = bpw // CHUNK
    mesh = plsc.VectorSubcoreMesh(core_axis_name="c", subcore_axis_name="s")

    @functools.partial(
        pl.kernel, mesh=mesh,
        out_type=jax.ShapeDtypeStruct((E_PAD, d), F32),
        scratch_types=[
            pltpu.VMEM((CHUNK,), jnp.int32),
            pltpu.VMEM((CHUNK, d), F32),
            pltpu.SemaphoreType.DMA,
        ],
    )
    def k(tab_h, i_h, o_h, i_v, r_v, sem):
        wid = lax.axis_index("s") * nc + lax.axis_index("c")
        base = wid * bpw

        def body(c, _):
            off = base + c * CHUNK
            pltpu.sync_copy(i_h.at[pl.ds(off, CHUNK)], i_v)
            pltpu.async_copy(tab_h.at[i_v], r_v, sem).wait()
            pltpu.sync_copy(r_v, o_h.at[pl.ds(off, CHUNK)])
            return _

        lax.fori_loop(0, nch, body, None)

    return k(table, idx)



def kernel(atomic_numbers, pos, edge_index, batch, params):
    p = params
    r2 = lambda a: a.reshape(1, -1).astype(F32)

    src = edge_index[0].astype(jnp.int32)
    dst = edge_index[1].astype(jnp.int32)
    perm = jnp.argsort(dst)
    src_s = src[perm]
    dst_s = dst[perm]
    padn = E_PAD - E
    src_sp = jnp.concatenate([src_s, jnp.zeros((padn,), jnp.int32)])
    dst_gp = jnp.concatenate([dst_s, jnp.zeros((padn,), jnp.int32)])
    dst_wp = jnp.concatenate([dst_s, jnp.full((padn,), dst_s[-1], jnp.int32)])
    dst2 = dst_wp.reshape(E_PAD, 1)
    an2 = jnp.concatenate([atomic_numbers.astype(jnp.int32),
                           jnp.zeros((N_PAD - N,), jnp.int32)]).reshape(N_PAD, 1)
    bt2 = jnp.concatenate([batch.astype(jnp.int32),
                           jnp.full((N_PAD - N,), B - 1, jnp.int32)]).reshape(N_PAD, 1)
    posp = jnp.pad(pos.astype(F32), ((0, 0), (0, 125)))

    tab = jnp.concatenate([p['elem_emb'], p['radius_emb'], p['en_emb'], p['ie_emb']],
                          axis=1).astype(F32)
    x = _emb_call(an2, tab, p['proj_W'].astype(F32), r2(p['proj_b']),
                  r2(p['proj_ln_g']), r2(p['proj_ln_b']))

    ps, pd = _sc_gather2(posp, src_sp, dst_gp, 128)
    ea = _edgeattr_call(ps, pd, r2(p['rbf_centers']), r2(p['rbf_widths']))

    feats = [x]
    for l in range(L):
        q, kv, sk = _dense1_call(
            x, r2(p['n1_g'][l]), r2(p['n1_b'][l]),
            p['Wq'][l], r2(p['bq'][l]), p['Wk'][l], r2(p['bk'][l]),
            p['Wv'][l], r2(p['bv'][l]), p['Wskip'][l], r2(p['bskip'][l]))
        kve = _sc_gather1(kv, src_sp, 2 * DH)
        we = p['We'][l].astype(F32)
        a, gmax = _logits_call(q, kve, ea, we, dst2)
        msg, den = _scatter_call(a, kve, ea, we, gmax, dst2)
        x = _combine_call(x, msg, den, sk, p['alpha'][l].reshape(1, 1),
                          r2(p['n2_g'][l]), r2(p['n2_b'][l]),
                          p['f_W1'][l], r2(p['f_b1'][l]),
                          p['f_W2'][l], r2(p['f_b2'][l]))
        feats.append(x)

    ew2 = jnp.pad(p['e_W2'].astype(F32), ((0, 0), (0, 7)))
    eb2 = jnp.pad(p['e_b2'].astype(F32).reshape(1, 1), ((0, 0), (0, 7)))
    fw2 = jnp.pad(p['fr_W2'].astype(F32), ((0, 0), (0, 5)))
    fb2 = jnp.pad(p['fr_b2'].astype(F32).reshape(1, 3), ((0, 0), (0, 5)))
    xm, en, fo = _head_call(feats[L - 2], feats[L - 1], feats[L], bt2,
                            p['e_W1'].astype(F32), r2(p['e_b1']), ew2, eb2,
                            p['fr_W1'].astype(F32), r2(p['fr_b1']), fw2, fb2)
    energy = en[:, 0]
    forces = fo[:N, :3]
    return energy, forces, xm[:N]

# --- scband reference (transcript-rebuilt; emitter-appended) ---
"""Pipeline reference for scband-pretrained-gnn-7275674599646 (READ-ONLY COPY).

The authoritative reference and input builder live on the scoring server;
editing this copy changes nothing except your own understanding.
"""

import jax, jax.numpy as jnp
import numpy as np

N, E, L, DH, HEADS, HD, B = 10000, 160000, 6, 256, 8, 32, 64

def layer_norm(x, g, b):
    mu = jnp.mean(x, axis=-1, keepdims=True)
    var = jnp.var(x, axis=-1, keepdims=True)
    return (x - mu) / jnp.sqrt(var + 1e-5) * g + b

def setup_inputs(seed: int = 0):
    key = jax.random.key(seed)
    ks = iter(jax.random.split(key, 80))
    atomic_numbers = jax.random.randint(next(ks), (N,), 0, 119)
    pos = jax.random.normal(next(ks), (N, 3), dtype=jnp.float32)
    edge_index = jax.random.randint(next(ks), (2, E), 0, N)
    batch = jnp.sort(jax.random.randint(next(ks), (N,), 0, B))
    def lin(k, i, o):
        return (jax.random.normal(k, (i, o), dtype=jnp.float32) / np.sqrt(i)).astype(jnp.float32)
    def lins(k, i, o):
        return (jax.random.normal(k, (L, i, o), dtype=jnp.float32) / np.sqrt(i)).astype(jnp.float32)
    params = {
        'elem_emb': jax.random.normal(next(ks), (119, 128), dtype=jnp.float32) * 0.05,
        'radius_emb': 1.0 + 0.1 * jax.random.normal(next(ks), (119, 1), dtype=jnp.float32),
        'en_emb': 2.5 + 0.5 * jax.random.normal(next(ks), (119, 1), dtype=jnp.float32),
        'ie_emb': 10.0 + 2.0 * jax.random.normal(next(ks), (119, 1), dtype=jnp.float32),
        'proj_W': lin(next(ks), 131, DH), 'proj_b': jnp.zeros((DH,), jnp.float32),
        'proj_ln_g': jnp.ones((DH,), jnp.float32), 'proj_ln_b': jnp.zeros((DH,), jnp.float32),
        'rbf_centers': jnp.linspace(0.0, 10.0, DH).astype(jnp.float32),
        'rbf_widths': jnp.ones((DH,), jnp.float32) * 0.5,
        'n1_g': jnp.ones((L, DH), jnp.float32), 'n1_b': jnp.zeros((L, DH), jnp.float32),
        'Wq': lins(next(ks), DH, DH), 'bq': jnp.zeros((L, DH), jnp.float32),
        'Wk': lins(next(ks), DH, DH), 'bk': jnp.zeros((L, DH), jnp.float32),
        'Wv': lins(next(ks), DH, DH), 'bv': jnp.zeros((L, DH), jnp.float32),
        'We': lins(next(ks), DH, DH),
        'Wskip': lins(next(ks), DH, DH), 'bskip': jnp.zeros((L, DH), jnp.float32),
        'alpha': jnp.ones((L,), jnp.float32),
        'n2_g': jnp.ones((L, DH), jnp.float32), 'n2_b': jnp.zeros((L, DH), jnp.float32),
        'f_W1': lins(next(ks), DH, 4 * DH), 'f_b1': jnp.zeros((L, 4 * DH), jnp.float32),
        'f_W2': lins(next(ks), 4 * DH, DH), 'f_b2': jnp.zeros((L, DH), jnp.float32),
        'e_W1': lin(next(ks), DH, DH), 'e_b1': jnp.zeros((DH,), jnp.float32),
        'e_W2': lin(next(ks), DH, 1), 'e_b2': jnp.zeros((1,), jnp.float32),
        'fr_W1': lin(next(ks), DH, DH), 'fr_b1': jnp.zeros((DH,), jnp.float32),
        'fr_W2': lin(next(ks), DH, 3), 'fr_b2': jnp.zeros((3,), jnp.float32),
    }
    return {'atomic_numbers': atomic_numbers, 'pos': pos, 'edge_index': edge_index, 'batch': batch, 'params': params}

def forward_fn(pos, params, atomic_numbers, edge_index, batch):
    p = params
    an = atomic_numbers
    # AtomEmbedding + atom_proj
    x = jnp.concatenate([p['elem_emb'][an], p['radius_emb'][an], p['en_emb'][an], p['ie_emb'][an]], axis=-1)
    x = jax.nn.silu(layer_norm(x @ p['proj_W'] + p['proj_b'], p['proj_ln_g'], p['proj_ln_b']))
    src, dst = edge_index[0], edge_index[1]
    # DistanceExpansion (Gaussian RBF + cosine cutoff)
    edge_vec = pos[src] - pos[dst]
    d = jnp.linalg.norm(edge_vec, axis=-1)
    gamma = 1.0 / (2.0 * p['rbf_widths'] ** 2)
    rbf = jnp.exp(-gamma * (d[:, None] - p['rbf_centers']) ** 2)
    cut = 0.5 * (jnp.cos(np.pi * d / 10.0) + 1.0) * (d < 10.0).astype(jnp.float32)
    edge_attr = rbf * cut[:, None]
    feats = [x]
    for l in range(L):
        # InteractionBlock: pre-norm + TransformerConv attention
        h = layer_norm(x, p['n1_g'][l], p['n1_b'][l])
        q = (h @ p['Wq'][l] + p['bq'][l]).reshape(N, HEADS, HD)
        k = (h @ p['Wk'][l] + p['bk'][l]).reshape(N, HEADS, HD)
        v = (h @ p['Wv'][l] + p['bv'][l]).reshape(N, HEADS, HD)
        e = (edge_attr @ p['We'][l]).reshape(E, HEADS, HD)
        k_j = k[src] + e
        a = jnp.sum(q[dst] * k_j, axis=-1) / jnp.sqrt(float(HD))  # [E, HEADS]
        amax = jax.ops.segment_max(a, dst, num_segments=N)
        a = jnp.exp(a - amax[dst])
        denom = jax.ops.segment_sum(a, dst, num_segments=N)
        a = a / (denom[dst] + 1e-16)
        msg = (v[src] + e) * a[:, :, None]
        attn = jax.ops.segment_sum(msg, dst, num_segments=N).reshape(N, DH)
        attn = attn + h @ p['Wskip'][l] + p['bskip'][l]
        x = x + p['alpha'][l] * attn
        h2 = layer_norm(x, p['n2_g'][l], p['n2_b'][l])
        h2 = jax.nn.silu(h2 @ p['f_W1'][l] + p['f_b1'][l]) @ p['f_W2'][l] + p['f_b2'][l]
        x = x + h2
        feats.append(x)
    x = jnp.mean(jnp.stack(feats[-3:], axis=0), axis=0)
    ae = jax.nn.silu(x @ p['e_W1'] + p['e_b1']) @ p['e_W2'] + p['e_b2']
    energy = jax.ops.segment_sum(ae, batch, num_segments=B).squeeze(-1)
    forces = jax.nn.silu(x @ p['fr_W1'] + p['fr_b1']) @ p['fr_W2'] + p['fr_b2']
    return energy, forces, x

def reference(atomic_numbers, pos, edge_index, batch, params):
    return forward_fn(pos, params, atomic_numbers, edge_index, batch)

if __name__ == "__main__":
    import jax
    _d = setup_inputs()
    print(jax.jit(kernel)(*tuple(_d.values())))

</pallas_src>

<mosaic_0001>
#map = affine_map<(d0, d1) -> (0, 0)>
#map1 = affine_map<(d0, d1) -> (0)>
module attributes {stable_mosaic.version = 14 : i64} {
  func.func @k(%arg0: i32, %arg1: i32, %arg2: memref<10000x128xf32, #tpu.memory_space<hbm>>, %arg3: memref<163840xi32, #tpu.memory_space<hbm>>, %arg4: memref<163840xi32, #tpu.memory_space<hbm>>, %arg5: memref<163840x128xf32, #tpu.memory_space<hbm>>, %arg6: memref<163840x128xf32, #tpu.memory_space<hbm>>, %arg7: memref<128xi32, #tpu.memory_space<vmem>>, %arg8: memref<128xi32, #tpu.memory_space<vmem>>, %arg9: memref<128x128xf32, #tpu.memory_space<vmem>>, %arg10: memref<128x128xf32, #tpu.memory_space<vmem>>, %arg11: memref<!tpu.dma_semaphore, #tpu.memory_space<semaphore_mem>>, %arg12: memref<!tpu.dma_semaphore, #tpu.memory_space<semaphore_mem>>) attributes {dimension_semantics = [#tpu.dimension_semantics<core_parallel>, #tpu.dimension_semantics<subcore_parallel>], iteration_bounds = array<i64: 2, 16>, scalar_prefetch = 0 : i64, scratch_operands = 6 : i64, tpu.core_type = #tpu.core_type<sc_vector_subcore>, window_params = [{transform_indices = #map}, {transform_indices = #map1}, {transform_indices = #map1}, {transform_indices = #map}, {transform_indices = #map}]} {
    %mul3A = arith.constant 2 : i32
    %mul3A_0 = arith.muli %arg1, %mul3A : i32
    %add3A = arith.addi %mul3A_0, %arg0 : i32
    %mul3A_1 = arith.constant 5120 : i32
    %mul3A_2 = arith.muli %add3A, %mul3A_1 : i32
    %scan3A = arith.constant 0 : i32
    %scan3A_3 = arith.constant 40 : i32
    %scan3A_4 = arith.addi %scan3A, %scan3A_3 : i32
    %scan3A_5 = arith.constant 1 : i32
    scf.for %scan3A_7 = %scan3A to %scan3A_4 step %scan3A_5  : i32 {
      %mul3A_8 = arith.constant 128 : i32
      %mul3A_9 = arith.muli %scan3A_7, %mul3A_8 : i32
      %add3A_10 = arith.addi %mul3A_2, %mul3A_9 : i32
      "tpu.region"() ({
        %run_scoped3A = tpu.sem_alloc : memref<!tpu.dma_semaphore, #tpu.memory_space<semaphore_mem>>
        %dma_start3A_21 = tpu.memref_slice %arg3[%add3A_10] : memref<163840xi32, #tpu.memory_space<hbm>> -> memref<128xi32, #tpu.memory_space<hbm>>
        %dma_start3A_22 = tpu.memref_slice %arg3[%add3A_10] : memref<163840xi32, #tpu.memory_space<hbm>> -> memref<128xi32, #tpu.memory_space<hbm>>
        tpu.enqueue_dma source(%dma_start3A_22 : memref<128xi32, #tpu.memory_space<hbm>>) target(%arg7 : memref<128xi32, #tpu.memory_space<vmem>>) target_semaphore(%run_scoped3A : memref<!tpu.dma_semaphore, #tpu.memory_space<semaphore_mem>>)
        %dma_wait3A_23 = tpu.memref_slice %arg3[%add3A_10] : memref<163840xi32, #tpu.memory_space<hbm>> -> memref<128xi32, #tpu.memory_space<hbm>>
        %dma_wait3A_24 = tpu.memref_slice %arg3[%add3A_10] : memref<163840xi32, #tpu.memory_space<hbm>> -> memref<128xi32, #tpu.memory_space<hbm>>
        tpu.wait_dma2 semaphore(%run_scoped3A : memref<!tpu.dma_semaphore, #tpu.memory_space<semaphore_mem>>) src(%dma_wait3A_24 : memref<128xi32, #tpu.memory_space<hbm>>) dst(%arg7 : memref<128xi32, #tpu.memory_space<vmem>>)
        tpu.yield
      }) : () -> ()
      "tpu.region"() ({
        %run_scoped3A = tpu.sem_alloc : memref<!tpu.dma_semaphore, #tpu.memory_space<semaphore_mem>>
        %dma_start3A_21 = tpu.memref_slice %arg4[%add3A_10] : memref<163840xi32, #tpu.memory_space<hbm>> -> memref<128xi32, #tpu.memory_space<hbm>>
        %dma_start3A_22 = tpu.memref_slice %arg4[%add3A_10] : memref<163840xi32, #tpu.memory_space<hbm>> -> memref<128xi32, #tpu.memory_space<hbm>>
        tpu.enqueue_dma source(%dma_start3A_22 : memref<128xi32, #tpu.memory_space<hbm>>) target(%arg8 : memref<128xi32, #tpu.memory_space<vmem>>) target_semaphore(%run_scoped3A : memref<!tpu.dma_semaphore, #tpu.memory_space<semaphore_mem>>)
        %dma_wait3A_23 = tpu.memref_slice %arg4[%add3A_10] : memref<163840xi32, #tpu.memory_space<hbm>> -> memref<128xi32, #tpu.memory_space<hbm>>
        %dma_wait3A_24 = tpu.memref_slice %arg4[%add3A_10] : memref<163840xi32, #tpu.memory_space<hbm>> -> memref<128xi32, #tpu.memory_space<hbm>>
        tpu.wait_dma2 semaphore(%run_scoped3A : memref<!tpu.dma_semaphore, #tpu.memory_space<semaphore_mem>>) src(%dma_wait3A_24 : memref<128xi32, #tpu.memory_space<hbm>>) dst(%arg8 : memref<128xi32, #tpu.memory_space<vmem>>)
        tpu.yield
      }) : () -> ()
      %dma_start3A = arith.constant 0 : i32
      %dma_start3A_11 = arith.constant 0 : i32
      %dma_start3A_12 = tpu.memref_slice %arg2[%dma_start3A, %dma_start3A_11] : memref<10000x128xf32, #tpu.memory_space<hbm>> -> memref<10000x128xf32, #tpu.memory_space<hbm>>
      tpu.enqueue_indirect_dma source(%dma_start3A_12 : memref<10000x128xf32, #tpu.memory_space<hbm>>) target(%arg9 : memref<128x128xf32, #tpu.memory_space<vmem>>) offsets(%arg7 : memref<128xi32, #tpu.memory_space<vmem>>) semaphore(%arg11 : memref<!tpu.dma_semaphore, #tpu.memory_space<semaphore_mem>>)
      %dma_start3A_13 = arith.constant 0 : i32
      %dma_start3A_14 = arith.constant 0 : i32
      %dma_start3A_15 = tpu.memref_slice %arg2[%dma_start3A_13, %dma_start3A_14] : memref<10000x128xf32, #tpu.memory_space<hbm>> -> memref<10000x128xf32, #tpu.memory_space<hbm>>
      tpu.enqueue_indirect_dma source(%dma_start3A_15 : memref<10000x128xf32, #tpu.memory_space<hbm>>) target(%arg10 : memref<128x128xf32, #tpu.memory_space<vmem>>) offsets(%arg8 : memref<128xi32, #tpu.memory_space<vmem>>) semaphore(%arg12 : memref<!tpu.dma_semaphore, #tpu.memory_space<semaphore_mem>>)
      %dma_wait3A = arith.constant 0 : i32
      %dma_wait3A_16 = arith.constant 0 : i32
      %dma_wait3A_17 = tpu.memref_slice %arg2[%dma_wait3A, %dma_wait3A_16] : memref<10000x128xf32, #tpu.memory_space<hbm>> -> memref<10000x128xf32, #tpu.memory_space<hbm>>
      tpu.wait_indirect_dma semaphore(%arg11 : memref<!tpu.dma_semaphore, #tpu.memory_space<semaphore_mem>>) src(%dma_wait3A_17 : memref<10000x128xf32, #tpu.memory_space<hbm>>) dst(%arg9 : memref<128x128xf32, #tpu.memory_space<vmem>>)
      %dma_wait3A_18 = arith.constant 0 : i32
      %dma_wait3A_19 = arith.constant 0 : i32
      %dma_wait3A_20 = tpu.memref_slice %arg2[%dma_wait3A_18, %dma_wait3A_19] : memref<10000x128xf32, #tpu.memory_space<hbm>> -> memref<10000x128xf32, #tpu.memory_space<hbm>>
      tpu.wait_indirect_dma semaphore(%arg12 : memref<!tpu.dma_semaphore, #tpu.memory_space<semaphore_mem>>) src(%dma_wait3A_20 : memref<10000x128xf32, #tpu.memory_space<hbm>>) dst(%arg10 : memref<128x128xf32, #tpu.memory_space<vmem>>)
      "tpu.region"() ({
        %run_scoped3A = tpu.sem_alloc : memref<!tpu.dma_semaphore, #tpu.memory_space<semaphore_mem>>
        %dma_start3A_21 = arith.constant 0 : i32
        %dma_start3A_22 = tpu.memref_slice %arg5[%add3A_10, %dma_start3A_21] : memref<163840x128xf32, #tpu.memory_space<hbm>> -> memref<128x128xf32, #tpu.memory_space<hbm>>
        %dma_start3A_23 = arith.constant 0 : i32
        %dma_start3A_24 = tpu.memref_slice %arg5[%add3A_10, %dma_start3A_23] : memref<163840x128xf32, #tpu.memory_space<hbm>> -> memref<128x128xf32, #tpu.memory_space<hbm>>
        tpu.enqueue_dma source(%arg9 : memref<128x128xf32, #tpu.memory_space<vmem>>) target(%dma_start3A_24 : memref<128x128xf32, #tpu.memory_space<hbm>>) target_semaphore(%run_scoped3A : memref<!tpu.dma_semaphore, #tpu.memory_space<semaphore_mem>>)
        %dma_wait3A_25 = arith.constant 0 : i32
        %dma_wait3A_26 = tpu.memref_slice %arg5[%add3A_10, %dma_wait3A_25] : memref<163840x128xf32, #tpu.memory_space<hbm>> -> memref<128x128xf32, #tpu.memory_space<hbm>>
        %dma_wait3A_27 = arith.constant 0 : i32
        %dma_wait3A_28 = tpu.memref_slice %arg5[%add3A_10, %dma_wait3A_27] : memref<163840x128xf32, #tpu.memory_space<hbm>> -> memref<128x128xf32, #tpu.memory_space<hbm>>
        tpu.wait_dma2 semaphore(%run_scoped3A : memref<!tpu.dma_semaphore, #tpu.memory_space<semaphore_mem>>) src(%arg9 : memref<128x128xf32, #tpu.memory_space<vmem>>) dst(%dma_wait3A_28 : memref<128x128xf32, #tpu.memory_space<hbm>>)
        tpu.yield
      }) : () -> ()
      "tpu.region"() ({
        %run_scoped3A = tpu.sem_alloc : memref<!tpu.dma_semaphore, #tpu.memory_space<semaphore_mem>>
        %dma_start3A_21 = arith.constant 0 : i32
        %dma_start3A_22 = tpu.memref_slice %arg6[%add3A_10, %dma_start3A_21] : memref<163840x128xf32, #tpu.memory_space<hbm>> -> memref<128x128xf32, #tpu.memory_space<hbm>>
        %dma_start3A_23 = arith.constant 0 : i32
        %dma_start3A_24 = tpu.memref_slice %arg6[%add3A_10, %dma_start3A_23] : memref<163840x128xf32, #tpu.memory_space<hbm>> -> memref<128x128xf32, #tpu.memory_space<hbm>>
        tpu.enqueue_dma source(%arg10 : memref<128x128xf32, #tpu.memory_space<vmem>>) target(%dma_start3A_24 : memref<128x128xf32, #tpu.memory_space<hbm>>) target_semaphore(%run_scoped3A : memref<!tpu.dma_semaphore, #tpu.memory_space<semaphore_mem>>)
        %dma_wait3A_25 = arith.constant 0 : i32
        %dma_wait3A_26 = tpu.memref_slice %arg6[%add3A_10, %dma_wait3A_25] : memref<163840x128xf32, #tpu.memory_space<hbm>> -> memref<128x128xf32, #tpu.memory_space<hbm>>
        %dma_wait3A_27 = arith.constant 0 : i32
        %dma_wait3A_28 = tpu.memref_slice %arg6[%add3A_10, %dma_wait3A_27] : memref<163840x128xf32, #tpu.memory_space<hbm>> -> memref<128x128xf32, #tpu.memory_space<hbm>>
        tpu.wait_dma2 semaphore(%run_scoped3A : memref<!tpu.dma_semaphore, #tpu.memory_space<semaphore_mem>>) src(%arg10 : memref<128x128xf32, #tpu.memory_space<vmem>>) dst(%dma_wait3A_28 : memref<128x128xf32, #tpu.memory_space<hbm>>)
        tpu.yield
      }) : () -> ()
    }
    %scan3A_6 = arith.constant 40 : i32
    return
  }
}

#map = affine_map<(d0, d1) -> (0, 0)>
#map1 = affine_map<(d0, d1) -> (0)>
module attributes {stable_mosaic.version = 14 : i64} {
  func.func @k(%arg0: i32, %arg1: i32, %arg2: memref<10752x512xf32, #tpu.memory_space<hbm>>, %arg3: memref<163840xi32, #tpu.memory_space<hbm>>, %arg4: memref<163840x512xf32, #tpu.memory_space<hbm>>, %arg5: memref<128xi32, #tpu.memory_space<vmem>>, %arg6: memref<128x512xf32, #tpu.memory_space<vmem>>, %arg7: memref<!tpu.dma_semaphore, #tpu.memory_space<semaphore_mem>>) attributes {dimension_semantics = [#tpu.dimension_semantics<core_parallel>, #tpu.dimension_semantics<subcore_parallel>], iteration_bounds = array<i64: 2, 16>, scalar_prefetch = 0 : i64, scratch_operands = 3 : i64, tpu.core_type = #tpu.core_type<sc_vector_subcore>, window_params = [{transform_indices = #map}, {transform_indices = #map1}, {transform_indices = #map}]} {
    %mul3A = arith.constant 2 : i32
    %mul3A_0 = arith.muli %arg1, %mul3A : i32
    %add3A = arith.addi %mul3A_0, %arg0 : i32
    %mul3A_1 = arith.constant 5120 : i32
    %mul3A_2 = arith.muli %add3A, %mul3A_1 : i32
    %scan3A = arith.constant 0 : i32
    %scan3A_3 = arith.constant 40 : i32
    %scan3A_4 = arith.addi %scan3A, %scan3A_3 : i32
    %scan3A_5 = arith.constant 1 : i32
    scf.for %scan3A_7 = %scan3A to %scan3A_4 step %scan3A_5  : i32 {
      %mul3A_8 = arith.constant 128 : i32
      %mul3A_9 = arith.muli %scan3A_7, %mul3A_8 : i32
      %add3A_10 = arith.addi %mul3A_2, %mul3A_9 : i32
      "tpu.region"() ({
        %run_scoped3A = tpu.sem_alloc : memref<!tpu.dma_semaphore, #tpu.memory_space<semaphore_mem>>
        %dma_start3A_15 = tpu.memref_slice %arg3[%add3A_10] : memref<163840xi32, #tpu.memory_space<hbm>> -> memref<128xi32, #tpu.memory_space<hbm>>
        %dma_start3A_16 = tpu.memref_slice %arg3[%add3A_10] : memref<163840xi32, #tpu.memory_space<hbm>> -> memref<128xi32, #tpu.memory_space<hbm>>
        tpu.enqueue_dma source(%dma_start3A_16 : memref<128xi32, #tpu.memory_space<hbm>>) target(%arg5 : memref<128xi32, #tpu.memory_space<vmem>>) target_semaphore(%run_scoped3A : memref<!tpu.dma_semaphore, #tpu.memory_space<semaphore_mem>>)
        %dma_wait3A_17 = tpu.memref_slice %arg3[%add3A_10] : memref<163840xi32, #tpu.memory_space<hbm>> -> memref<128xi32, #tpu.memory_space<hbm>>
        %dma_wait3A_18 = tpu.memref_slice %arg3[%add3A_10] : memref<163840xi32, #tpu.memory_space<hbm>> -> memref<128xi32, #tpu.memory_space<hbm>>
        tpu.wait_dma2 semaphore(%run_scoped3A : memref<!tpu.dma_semaphore, #tpu.memory_space<semaphore_mem>>) src(%dma_wait3A_18 : memref<128xi32, #tpu.memory_space<hbm>>) dst(%arg5 : memref<128xi32, #tpu.memory_space<vmem>>)
        tpu.yield
      }) : () -> ()
      %dma_start3A = arith.constant 0 : i32
      %dma_start3A_11 = arith.constant 0 : i32
      %dma_start3A_12 = tpu.memref_slice %arg2[%dma_start3A, %dma_start3A_11] : memref<10752x512xf32, #tpu.memory_space<hbm>> -> memref<10752x512xf32, #tpu.memory_space<hbm>>
      tpu.enqueue_indirect_dma source(%dma_start3A_12 : memref<10752x512xf32, #tpu.memory_space<hbm>>) target(%arg6 : memref<128x512xf32, #tpu.memory_space<vmem>>) offsets(%arg5 : memref<128xi32, #tpu.memory_space<vmem>>) semaphore(%arg7 : memref<!tpu.dma_semaphore, #tpu.memory_space<semaphore_mem>>)
      %dma_wait3A = arith.constant 0 : i32
      %dma_wait3A_13 = arith.constant 0 : i32
      %dma_wait3A_14 = tpu.memref_slice %arg2[%dma_wait3A, %dma_wait3A_13] : memref<10752x512xf32, #tpu.memory_space<hbm>> -> memref<10752x512xf32, #tpu.memory_space<hbm>>
      tpu.wait_indirect_dma semaphore(%arg7 : memref<!tpu.dma_semaphore, #tpu.memory_space<semaphore_mem>>) src(%dma_wait3A_14 : memref<10752x512xf32, #tpu.memory_space<hbm>>) dst(%arg6 : memref<128x512xf32, #tpu.memory_space<vmem>>)
      "tpu.region"() ({
        %run_scoped3A = tpu.sem_alloc : memref<!tpu.dma_semaphore, #tpu.memory_space<semaphore_mem>>
        %dma_start3A_15 = arith.constant 0 : i32
        %dma_start3A_16 = tpu.memref_slice %arg4[%add3A_10, %dma_start3A_15] : memref<163840x512xf32, #tpu.memory_space<hbm>> -> memref<128x512xf32, #tpu.memory_space<hbm>>
        %dma_start3A_17 = arith.constant 0 : i32
        %dma_start3A_18 = tpu.memref_slice %arg4[%add3A_10, %dma_start3A_17] : memref<163840x512xf32, #tpu.memory_space<hbm>> -> memref<128x512xf32, #tpu.memory_space<hbm>>
        tpu.enqueue_dma source(%arg6 : memref<128x512xf32, #tpu.memory_space<vmem>>) target(%dma_start3A_18 : memref<128x512xf32, #tpu.memory_space<hbm>>) target_semaphore(%run_scoped3A : memref<!tpu.dma_semaphore, #tpu.memory_space<semaphore_mem>>)
        %dma_wait3A_19 = arith.constant 0 : i32
        %dma_wait3A_20 = tpu.memref_slice %arg4[%add3A_10, %dma_wait3A_19] : memref<163840x512xf32, #tpu.memory_space<hbm>> -> memref<128x512xf32, #tpu.memory_space<hbm>>
        %dma_wait3A_21 = arith.constant 0 : i32
        %dma_wait3A_22 = tpu.memref_slice %arg4[%add3A_10, %dma_wait3A_21] : memref<163840x512xf32, #tpu.memory_space<hbm>> -> memref<128x512xf32, #tpu.memory_space<hbm>>
        tpu.wait_dma2 semaphore(%run_scoped3A : memref<!tpu.dma_semaphore, #tpu.memory_space<semaphore_mem>>) src(%arg6 : memref<128x512xf32, #tpu.memory_space<vmem>>) dst(%dma_wait3A_22 : memref<128x512xf32, #tpu.memory_space<hbm>>)
        tpu.yield
      }) : () -> ()
    }
    %scan3A_6 = arith.constant 40 : i32
    return
  }
}

#map = affine_map<(d0, d1) -> (0, 0)>
#map1 = affine_map<(d0, d1) -> (0)>
module attributes {stable_mosaic.version = 14 : i64} {
  func.func @k(%arg0: i32, %arg1: i32, %arg2: memref<10752x512xf32, #tpu.memory_space<hbm>>, %arg3: memref<163840xi32, #tpu.memory_space<hbm>>, %arg4: memref<163840x512xf32, #tpu.memory_space<hbm>>, %arg5: memref<128xi32, #tpu.memory_space<vmem>>, %arg6: memref<128x512xf32, #tpu.memory_space<vmem>>, %arg7: memref<!tpu.dma_semaphore, #tpu.memory_space<semaphore_mem>>) attributes {dimension_semantics = [#tpu.dimension_semantics<core_parallel>, #tpu.dimension_semantics<subcore_parallel>], iteration_bounds = array<i64: 2, 16>, scalar_prefetch = 0 : i64, scratch_operands = 3 : i64, tpu.core_type = #tpu.core_type<sc_vector_subcore>, window_params = [{transform_indices = #map}, {transform_indices = #map1}, {transform_indices = #map}]} {
    %mul3A = arith.constant 2 : i32
    %mul3A_0 = arith.muli %arg1, %mul3A : i32
    %add3A = arith.addi %mul3A_0, %arg0 : i32
    %mul3A_1 = arith.constant 5120 : i32
    %mul3A_2 = arith.muli %add3A, %mul3A_1 : i32
    %scan3A = arith.constant 0 : i32
    %scan3A_3 = arith.constant 40 : i32
    %scan3A_4 = arith.addi %scan3A, %scan3A_3 : i32
    %scan3A_5 = arith.constant 1 : i32
    scf.for %scan3A_7 = %scan3A to %scan3A_4 step %scan3A_5  : i32 {
      %mul3A_8 = arith.constant 128 : i32
      %mul3A_9 = arith.muli %scan3A_7, %mul3A_8 : i32
      %add3A_10 = arith.addi %mul3A_2, %mul3A_9 : i32
      "tpu.region"() ({
        %run_scoped3A = tpu.sem_alloc : memref<!tpu.dma_semaphore, #tpu.memory_space<semaphore_mem>>
        %dma_start3A_15 = tpu.memref_slice %arg3[%add3A_10] : memref<163840xi32, #tpu.memory_space<hbm>> -> memref<128xi32, #tpu.memory_space<hbm>>
        %dma_start3A_16 = tpu.memref_slice %arg3[%add3A_10] : memref<163840xi32, #tpu.memory_space<hbm>> -> memref<128xi32, #tpu.memory_space<hbm>>
        tpu.enqueue_dma source(%dma_start3A_16 : memref<128xi32, #tpu.memory_space<hbm>>) target(%arg5 : memref<128xi32, #tpu.memory_space<vmem>>) target_semaphore(%run_scoped3A : memref<!tpu.dma_semaphore, #tpu.memory_space<semaphore_mem>>)
        %dma_wait3A_17 = tpu.memref_slice %arg3[%add3A_10] : memref<163840xi32, #tpu.memory_space<hbm>> -> memref<128xi32, #tpu.memory_space<hbm>>
        %dma_wait3A_18 = tpu.memref_slice %arg3[%add3A_10] : memref<163840xi32, #tpu.memory_space<hbm>> -> memref<128xi32, #tpu.memory_space<hbm>>
        tpu.wait_dma2 semaphore(%run_scoped3A : memref<!tpu.dma_semaphore, #tpu.memory_space<semaphore_mem>>) src(%dma_wait3A_18 : memref<128xi32, #tpu.memory_space<hbm>>) dst(%arg5 : memref<128xi32, #tpu.memory_space<vmem>>)
        tpu.yield
      }) : () -> ()
      %dma_start3A = arith.constant 0 : i32
      %dma_start3A_11 = arith.constant 0 : i32
      %dma_start3A_12 = tpu.memref_slice %arg2[%dma_start3A, %dma_start3A_11] : memref<10752x512xf32, #tpu.memory_space<hbm>> -> memref<10752x512xf32, #tpu.memory_space<hbm>>
      tpu.enqueue_indirect_dma source(%dma_start3A_12 : memref<10752x512xf32, #tpu.memory_space<hbm>>) target(%arg6 : memref<128x512xf32, #tpu.memory_space<vmem>>) offsets(%arg5 : memref<128xi32, #tpu.memory_space<vmem>>) semaphore(%arg7 : memref<!tpu.dma_semaphore, #tpu.memory_space<semaphore_mem>>)
      %dma_wait3A = arith.constant 0 : i32
      %dma_wait3A_13 = arith.constant 0 : i32
      %dma_wait3A_14 = tpu.memref_slice %arg2[%dma_wait3A, %dma_wait3A_13] : memref<10752x512xf32, #tpu.memory_space<hbm>> -> memref<10752x512xf32, #tpu.memory_space<hbm>>
      tpu.wait_indirect_dma semaphore(%arg7 : memref<!tpu.dma_semaphore, #tpu.memory_space<semaphore_mem>>) src(%dma_wait3A_14 : memref<10752x512xf32, #tpu.memory_space<hbm>>) dst(%arg6 : memref<128x512xf32, #tpu.memory_space<vmem>>)
      "tpu.region"() ({
        %run_scoped3A = tpu.sem_alloc : memref<!tpu.dma_semaphore, #tpu.memory_space<semaphore_mem>>
        %dma_start3A_15 = arith.constant 0 : i32
        %dma_start3A_16 = tpu.memref_slice %arg4[%add3A_10, %dma_start3A_15] : memref<163840x512xf32, #tpu.memory_space<hbm>> -> memref<128x512xf32, #tpu.memory_space<hbm>>
        %dma_start3A_17 = arith.constant 0 : i32
        %dma_start3A_18 = tpu.memref_slice %arg4[%add3A_10, %dma_start3A_17] : memref<163840x512xf32, #tpu.memory_space<hbm>> -> memref<128x512xf32, #tpu.memory_space<hbm>>
        tpu.enqueue_dma source(%arg6 : memref<128x512xf32, #tpu.memory_space<vmem>>) target(%dma_start3A_18 : memref<128x512xf32, #tpu.memory_space<hbm>>) target_semaphore(%run_scoped3A : memref<!tpu.dma_semaphore, #tpu.memory_space<semaphore_mem>>)
        %dma_wait3A_19 = arith.constant 0 : i32
        %dma_wait3A_20 = tpu.memref_slice %arg4[%add3A_10, %dma_wait3A_19] : memref<163840x512xf32, #tpu.memory_space<hbm>> -> memref<128x512xf32, #tpu.memory_space<hbm>>
        %dma_wait3A_21 = arith.constant 0 : i32
        %dma_wait3A_22 = tpu.memref_slice %arg4[%add3A_10, %dma_wait3A_21] : memref<163840x512xf32, #tpu.memory_space<hbm>> -> memref<128x512xf32, #tpu.memory_space<hbm>>
        tpu.wait_dma2 semaphore(%run_scoped3A : memref<!tpu.dma_semaphore, #tpu.memory_space<semaphore_mem>>) src(%arg6 : memref<128x512xf32, #tpu.memory_space<vmem>>) dst(%dma_wait3A_22 : memref<128x512xf32, #tpu.memory_space<hbm>>)
        tpu.yield
      }) : () -> ()
    }
    %scan3A_6 = arith.constant 40 : i32
    return
  }
}

#map = affine_map<(d0, d1) -> (0, 0)>
#map1 = affine_map<(d0, d1) -> (0)>
module attributes {stable_mosaic.version = 14 : i64} {
  func.func @k(%arg0: i32, %arg1: i32, %arg2: memref<10752x512xf32, #tpu.memory_space<hbm>>, %arg3: memref<163840xi32, #tpu.memory_space<hbm>>, %arg4: memref<163840x512xf32, #tpu.memory_space<hbm>>, %arg5: memref<128xi32, #tpu.memory_space<vmem>>, %arg6: memref<128x512xf32, #tpu.memory_space<vmem>>, %arg7: memref<!tpu.dma_semaphore, #tpu.memory_space<semaphore_mem>>) attributes {dimension_semantics = [#tpu.dimension_semantics<core_parallel>, #tpu.dimension_semantics<subcore_parallel>], iteration_bounds = array<i64: 2, 16>, scalar_prefetch = 0 : i64, scratch_operands = 3 : i64, tpu.core_type = #tpu.core_type<sc_vector_subcore>, window_params = [{transform_indices = #map}, {transform_indices = #map1}, {transform_indices = #map}]} {
    %mul3A = arith.constant 2 : i32
    %mul3A_0 = arith.muli %arg1, %mul3A : i32
    %add3A = arith.addi %mul3A_0, %arg0 : i32
    %mul3A_1 = arith.constant 5120 : i32
    %mul3A_2 = arith.muli %add3A, %mul3A_1 : i32
    %scan3A = arith.constant 0 : i32
    %scan3A_3 = arith.constant 40 : i32
    %scan3A_4 = arith.addi %scan3A, %scan3A_3 : i32
    %scan3A_5 = arith.constant 1 : i32
    scf.for %scan3A_7 = %scan3A to %scan3A_4 step %scan3A_5  : i32 {
      %mul3A_8 = arith.constant 128 : i32
      %mul3A_9 = arith.muli %scan3A_7, %mul3A_8 : i32
      %add3A_10 = arith.addi %mul3A_2, %mul3A_9 : i32
      "tpu.region"() ({
        %run_scoped3A = tpu.sem_alloc : memref<!tpu.dma_semaphore, #tpu.memory_space<semaphore_mem>>
        %dma_start3A_15 = tpu.memref_slice %arg3[%add3A_10] : memref<163840xi32, #tpu.memory_space<hbm>> -> memref<128xi32, #tpu.memory_space<hbm>>
        %dma_start3A_16 = tpu.memref_slice %arg3[%add3A_10] : memref<163840xi32, #tpu.memory_space<hbm>> -> memref<128xi32, #tpu.memory_space<hbm>>
        tpu.enqueue_dma source(%dma_start3A_16 : memref<128xi32, #tpu.memory_space<hbm>>) target(%arg5 : memref<128xi32, #tpu.memory_space<vmem>>) target_semaphore(%run_scoped3A : memref<!tpu.dma_semaphore, #tpu.memory_space<semaphore_mem>>)
        %dma_wait3A_17 = tpu.memref_slice %arg3[%add3A_10] : memref<163840xi32, #tpu.memory_space<hbm>> -> memref<128xi32, #tpu.memory_space<hbm>>
        %dma_wait3A_18 = tpu.memref_slice %arg3[%add3A_10] : memref<163840xi32, #tpu.memory_space<hbm>> -> memref<128xi32, #tpu.memory_space<hbm>>
        tpu.wait_dma2 semaphore(%run_scoped3A : memref<!tpu.dma_semaphore, #tpu.memory_space<semaphore_mem>>) src(%dma_wait3A_18 : memref<128xi32, #tpu.memory_space<hbm>>) dst(%arg5 : memref<128xi32, #tpu.memory_space<vmem>>)
        tpu.yield
      }) : () -> ()
      %dma_start3A = arith.constant 0 : i32
      %dma_start3A_11 = arith.constant 0 : i32
      %dma_start3A_12 = tpu.memref_slice %arg2[%dma_start3A, %dma_start3A_11] : memref<10752x512xf32, #tpu.memory_space<hbm>> -> memref<10752x512xf32, #tpu.memory_space<hbm>>
      tpu.enqueue_indirect_dma source(%dma_start3A_12 : memref<10752x512xf32, #tpu.memory_space<hbm>>) target(%arg6 : memref<128x512xf32, #tpu.memory_space<vmem>>) offsets(%arg5 : memref<128xi32, #tpu.memory_space<vmem>>) semaphore(%arg7 : memref<!tpu.dma_semaphore, #tpu.memory_space<semaphore_mem>>)
      %dma_wait3A = arith.constant 0 : i32
      %dma_wait3A_13 = arith.constant 0 : i32
      %dma_wait3A_14 = tpu.memref_slice %arg2[%dma_wait3A, %dma_wait3A_13] : memref<10752x512xf32, #tpu.memory_space<hbm>> -> memref<10752x512xf32, #tpu.memory_space<hbm>>
      tpu.wait_indirect_dma semaphore(%arg7 : memref<!tpu.dma_semaphore, #tpu.memory_space<semaphore_mem>>) src(%dma_wait3A_14 : memref<10752x512xf32, #tpu.memory_space<hbm>>) dst(%arg6 : memref<128x512xf32, #tpu.memory_space<vmem>>)
      "tpu.region"() ({
        %run_scoped3A = tpu.sem_alloc : memref<!tpu.dma_semaphore, #tpu.memory_space<semaphore_mem>>
        %dma_start3A_15 = arith.constant 0 : i32
        %dma_start3A_16 = tpu.memref_slice %arg4[%add3A_10, %dma_start3A_15] : memref<163840x512xf32, #tpu.memory_space<hbm>> -> memref<128x512xf32, #tpu.memory_space<hbm>>
        %dma_start3A_17 = arith.constant 0 : i32
        %dma_start3A_18 = tpu.memref_slice %arg4[%add3A_10, %dma_start3A_17] : memref<163840x512xf32, #tpu.memory_space<hbm>> -> memref<128x512xf32, #tpu.memory_space<hbm>>
        tpu.enqueue_dma source(%arg6 : memref<128x512xf32, #tpu.memory_space<vmem>>) target(%dma_start3A_18 : memref<128x512xf32, #tpu.memory_space<hbm>>) target_semaphore(%run_scoped3A : memref<!tpu.dma_semaphore, #tpu.memory_space<semaphore_mem>>)
        %dma_wait3A_19 = arith.constant 0 : i32
        %dma_wait3A_20 = tpu.memref_slice %arg4[%add3A_10, %dma_wait3A_19] : memref<163840x512xf32, #tpu.memory_space<hbm>> -> memref<128x512xf32, #tpu.memory_space<hbm>>
        %dma_wait3A_21 = arith.constant 0 : i32
        %dma_wait3A_22 = tpu.memref_slice %arg4[%add3A_10, %dma_wait3A_21] : memref<163840x512xf32, #tpu.memory_space<hbm>> -> memref<128x512xf32, #tpu.memory_space<hbm>>
        tpu.wait_dma2 semaphore(%run_scoped3A : memref<!tpu.dma_semaphore, #tpu.memory_space<semaphore_mem>>) src(%arg6 : memref<128x512xf32, #tpu.memory_space<vmem>>) dst(%dma_wait3A_22 : memref<128x512xf32, #tpu.memory_space<hbm>>)
        tpu.yield
      }) : () -> ()
    }
    %scan3A_6 = arith.constant 40 : i32
    return
  }
}

#map = affine_map<(d0, d1) -> (0, 0)>
#map1 = affine_map<(d0, d1) -> (0)>
module attributes {stable_mosaic.version = 14 : i64} {
  func.func @k(%arg0: i32, %arg1: i32, %arg2: memref<10752x512xf32, #tpu.memory_space<hbm>>, %arg3: memref<163840xi32, #tpu.memory_space<hbm>>, %arg4: memref<163840x512xf32, #tpu.memory_space<hbm>>, %arg5: memref<128xi32, #tpu.memory_space<vmem>>, %arg6: memref<128x512xf32, #tpu.memory_space<vmem>>, %arg7: memref<!tpu.dma_semaphore, #tpu.memory_space<semaphore_mem>>) attributes {dimension_semantics = [#tpu.dimension_semantics<core_parallel>, #tpu.dimension_semantics<subcore_parallel>], iteration_bounds = array<i64: 2, 16>, scalar_prefetch = 0 : i64, scratch_operands = 3 : i64, tpu.core_type = #tpu.core_type<sc_vector_subcore>, window_params = [{transform_indices = #map}, {transform_indices = #map1}, {transform_indices = #map}]} {
    %mul3A = arith.constant 2 : i32
    %mul3A_0 = arith.muli %arg1, %mul3A : i32
    %add3A = arith.addi %mul3A_0, %arg0 : i32
    %mul3A_1 = arith.constant 5120 : i32
    %mul3A_2 = arith.muli %add3A, %mul3A_1 : i32
    %scan3A = arith.constant 0 : i32
    %scan3A_3 = arith.constant 40 : i32
    %scan3A_4 = arith.addi %scan3A, %scan3A_3 : i32
    %scan3A_5 = arith.constant 1 : i32
    scf.for %scan3A_7 = %scan3A to %scan3A_4 step %scan3A_5  : i32 {
      %mul3A_8 = arith.constant 128 : i32
      %mul3A_9 = arith.muli %scan3A_7, %mul3A_8 : i32
      %add3A_10 = arith.addi %mul3A_2, %mul3A_9 : i32
      "tpu.region"() ({
        %run_scoped3A = tpu.sem_alloc : memref<!tpu.dma_semaphore, #tpu.memory_space<semaphore_mem>>
        %dma_start3A_15 = tpu.memref_slice %arg3[%add3A_10] : memref<163840xi32, #tpu.memory_space<hbm>> -> memref<128xi32, #tpu.memory_space<hbm>>
        %dma_start3A_16 = tpu.memref_slice %arg3[%add3A_10] : memref<163840xi32, #tpu.memory_space<hbm>> -> memref<128xi32, #tpu.memory_space<hbm>>
        tpu.enqueue_dma source(%dma_start3A_16 : memref<128xi32, #tpu.memory_space<hbm>>) target(%arg5 : memref<128xi32, #tpu.memory_space<vmem>>) target_semaphore(%run_scoped3A : memref<!tpu.dma_semaphore, #tpu.memory_space<semaphore_mem>>)
        %dma_wait3A_17 = tpu.memref_slice %arg3[%add3A_10] : memref<163840xi32, #tpu.memory_space<hbm>> -> memref<128xi32, #tpu.memory_space<hbm>>
        %dma_wait3A_18 = tpu.memref_slice %arg3[%add3A_10] : memref<163840xi32, #tpu.memory_space<hbm>> -> memref<128xi32, #tpu.memory_space<hbm>>
        tpu.wait_dma2 semaphore(%run_scoped3A : memref<!tpu.dma_semaphore, #tpu.memory_space<semaphore_mem>>) src(%dma_wait3A_18 : memref<128xi32, #tpu.memory_space<hbm>>) dst(%arg5 : memref<128xi32, #tpu.memory_space<vmem>>)
        tpu.yield
      }) : () -> ()
      %dma_start3A = arith.constant 0 : i32
      %dma_start3A_11 = arith.constant 0 : i32
      %dma_start3A_12 = tpu.memref_slice %arg2[%dma_start3A, %dma_start3A_11] : memref<10752x512xf32, #tpu.memory_space<hbm>> -> memref<10752x512xf32, #tpu.memory_space<hbm>>
      tpu.enqueue_indirect_dma source(%dma_start3A_12 : memref<10752x512xf32, #tpu.memory_space<hbm>>) target(%arg6 : memref<128x512xf32, #tpu.memory_space<vmem>>) offsets(%arg5 : memref<128xi32, #tpu.memory_space<vmem>>) semaphore(%arg7 : memref<!tpu.dma_semaphore, #tpu.memory_space<semaphore_mem>>)
      %dma_wait3A = arith.constant 0 : i32
      %dma_wait3A_13 = arith.constant 0 : i32
      %dma_wait3A_14 = tpu.memref_slice %arg2[%dma_wait3A, %dma_wait3A_13] : memref<10752x512xf32, #tpu.memory_space<hbm>> -> memref<10752x512xf32, #tpu.memory_space<hbm>>
      tpu.wait_indirect_dma semaphore(%arg7 : memref<!tpu.dma_semaphore, #tpu.memory_space<semaphore_mem>>) src(%dma_wait3A_14 : memref<10752x512xf32, #tpu.memory_space<hbm>>) dst(%arg6 : memref<128x512xf32, #tpu.memory_space<vmem>>)
      "tpu.region"() ({
        %run_scoped3A = tpu.sem_alloc : memref<!tpu.dma_semaphore, #tpu.memory_space<semaphore_mem>>
        %dma_start3A_15 = arith.constant 0 : i32
        %dma_start3A_16 = tpu.memref_slice %arg4[%add3A_10, %dma_start3A_15] : memref<163840x512xf32, #tpu.memory_space<hbm>> -> memref<128x512xf32, #tpu.memory_space<hbm>>
        %dma_start3A_17 = arith.constant 0 : i32
        %dma_start3A_18 = tpu.memref_slice %arg4[%add3A_10, %dma_start3A_17] : memref<163840x512xf32, #tpu.memory_space<hbm>> -> memref<128x512xf32, #tpu.memory_space<hbm>>
        tpu.enqueue_dma source(%arg6 : memref<128x512xf32, #tpu.memory_space<vmem>>) target(%dma_start3A_18 : memref<128x512xf32, #tpu.memory_space<hbm>>) target_semaphore(%run_scoped3A : memref<!tpu.dma_semaphore, #tpu.memory_space<semaphore_mem>>)
        %dma_wait3A_19 = arith.constant 0 : i32
        %dma_wait3A_20 = tpu.memref_slice %arg4[%add3A_10, %dma_wait3A_19] : memref<163840x512xf32, #tpu.memory_space<hbm>> -> memref<128x512xf32, #tpu.memory_space<hbm>>
        %dma_wait3A_21 = arith.constant 0 : i32
        %dma_wait3A_22 = tpu.memref_slice %arg4[%add3A_10, %dma_wait3A_21] : memref<163840x512xf32, #tpu.memory_space<hbm>> -> memref<128x512xf32, #tpu.memory_space<hbm>>
        tpu.wait_dma2 semaphore(%run_scoped3A : memref<!tpu.dma_semaphore, #tpu.memory_space<semaphore_mem>>) src(%arg6 : memref<128x512xf32, #tpu.memory_space<vmem>>) dst(%dma_wait3A_22 : memref<128x512xf32, #tpu.memory_space<hbm>>)
        tpu.yield
      }) : () -> ()
    }
    %scan3A_6 = arith.constant 40 : i32
    return
  }
}

#map = affine_map<(d0, d1) -> (0, 0)>
#map1 = affine_map<(d0, d1) -> (0)>
module attributes {stable_mosaic.version = 14 : i64} {
  func.func @k(%arg0: i32, %arg1: i32, %arg2: memref<10752x512xf32, #tpu.memory_space<hbm>>, %arg3: memref<163840xi32, #tpu.memory_space<hbm>>, %arg4: memref<163840x512xf32, #tpu.memory_space<hbm>>, %arg5: memref<128xi32, #tpu.memory_space<vmem>>, %arg6: memref<128x512xf32, #tpu.memory_space<vmem>>, %arg7: memref<!tpu.dma_semaphore, #tpu.memory_space<semaphore_mem>>) attributes {dimension_semantics = [#tpu.dimension_semantics<core_parallel>, #tpu.dimension_semantics<subcore_parallel>], iteration_bounds = array<i64: 2, 16>, scalar_prefetch = 0 : i64, scratch_operands = 3 : i64, tpu.core_type = #tpu.core_type<sc_vector_subcore>, window_params = [{transform_indices = #map}, {transform_indices = #map1}, {transform_indices = #map}]} {
    %mul3A = arith.constant 2 : i32
    %mul3A_0 = arith.muli %arg1, %mul3A : i32
    %add3A = arith.addi %mul3A_0, %arg0 : i32
    %mul3A_1 = arith.constant 5120 : i32
    %mul3A_2 = arith.muli %add3A, %mul3A_1 : i32
    %scan3A = arith.constant 0 : i32
    %scan3A_3 = arith.constant 40 : i32
    %scan3A_4 = arith.addi %scan3A, %scan3A_3 : i32
    %scan3A_5 = arith.constant 1 : i32
    scf.for %scan3A_7 = %scan3A to %scan3A_4 step %scan3A_5  : i32 {
      %mul3A_8 = arith.constant 128 : i32
      %mul3A_9 = arith.muli %scan3A_7, %mul3A_8 : i32
      %add3A_10 = arith.addi %mul3A_2, %mul3A_9 : i32
      "tpu.region"() ({
        %run_scoped3A = tpu.sem_alloc : memref<!tpu.dma_semaphore, #tpu.memory_space<semaphore_mem>>
        %dma_start3A_15 = tpu.memref_slice %arg3[%add3A_10] : memref<163840xi32, #tpu.memory_space<hbm>> -> memref<128xi32, #tpu.memory_space<hbm>>
        %dma_start3A_16 = tpu.memref_slice %arg3[%add3A_10] : memref<163840xi32, #tpu.memory_space<hbm>> -> memref<128xi32, #tpu.memory_space<hbm>>
        tpu.enqueue_dma source(%dma_start3A_16 : memref<128xi32, #tpu.memory_space<hbm>>) target(%arg5 : memref<128xi32, #tpu.memory_space<vmem>>) target_semaphore(%run_scoped3A : memref<!tpu.dma_semaphore, #tpu.memory_space<semaphore_mem>>)
        %dma_wait3A_17 = tpu.memref_slice %arg3[%add3A_10] : memref<163840xi32, #tpu.memory_space<hbm>> -> memref<128xi32, #tpu.memory_space<hbm>>
        %dma_wait3A_18 = tpu.memref_slice %arg3[%add3A_10] : memref<163840xi32, #tpu.memory_space<hbm>> -> memref<128xi32, #tpu.memory_space<hbm>>
        tpu.wait_dma2 semaphore(%run_scoped3A : memref<!tpu.dma_semaphore, #tpu.memory_space<semaphore_mem>>) src(%dma_wait3A_18 : memref<128xi32, #tpu.memory_space<hbm>>) dst(%arg5 : memref<128xi32, #tpu.memory_space<vmem>>)
        tpu.yield
      }) : () -> ()
      %dma_start3A = arith.constant 0 : i32
      %dma_start3A_11 = arith.constant 0 : i32
      %dma_start3A_12 = tpu.memref_slice %arg2[%dma_start3A, %dma_start3A_11] : memref<10752x512xf32, #tpu.memory_space<hbm>> -> memref<10752x512xf32, #tpu.memory_space<hbm>>
      tpu.enqueue_indirect_dma source(%dma_start3A_12 : memref<10752x512xf32, #tpu.memory_space<hbm>>) target(%arg6 : memref<128x512xf32, #tpu.memory_space<vmem>>) offsets(%arg5 : memref<128xi32, #tpu.memory_space<vmem>>) semaphore(%arg7 : memref<!tpu.dma_semaphore, #tpu.memory_space<semaphore_mem>>)
      %dma_wait3A = arith.constant 0 : i32
      %dma_wait3A_13 = arith.constant 0 : i32
      %dma_wait3A_14 = tpu.memref_slice %arg2[%dma_wait3A, %dma_wait3A_13] : memref<10752x512xf32, #tpu.memory_space<hbm>> -> memref<10752x512xf32, #tpu.memory_space<hbm>>
      tpu.wait_indirect_dma semaphore(%arg7 : memref<!tpu.dma_semaphore, #tpu.memory_space<semaphore_mem>>) src(%dma_wait3A_14 : memref<10752x512xf32, #tpu.memory_space<hbm>>) dst(%arg6 : memref<128x512xf32, #tpu.memory_space<vmem>>)
      "tpu.region"() ({
        %run_scoped3A = tpu.sem_alloc : memref<!tpu.dma_semaphore, #tpu.memory_space<semaphore_mem>>
        %dma_start3A_15 = arith.constant 0 : i32
        %dma_start3A_16 = tpu.memref_slice %arg4[%add3A_10, %dma_start3A_15] : memref<163840x512xf32, #tpu.memory_space<hbm>> -> memref<128x512xf32, #tpu.memory_space<hbm>>
        %dma_start3A_17 = arith.constant 0 : i32
        %dma_start3A_18 = tpu.memref_slice %arg4[%add3A_10, %dma_start3A_17] : memref<163840x512xf32, #tpu.memory_space<hbm>> -> memref<128x512xf32, #tpu.memory_space<hbm>>
        tpu.enqueue_dma source(%arg6 : memref<128x512xf32, #tpu.memory_space<vmem>>) target(%dma_start3A_18 : memref<128x512xf32, #tpu.memory_space<hbm>>) target_semaphore(%run_scoped3A : memref<!tpu.dma_semaphore, #tpu.memory_space<semaphore_mem>>)
        %dma_wait3A_19 = arith.constant 0 : i32
        %dma_wait3A_20 = tpu.memref_slice %arg4[%add3A_10, %dma_wait3A_19] : memref<163840x512xf32, #tpu.memory_space<hbm>> -> memref<128x512xf32, #tpu.memory_space<hbm>>
        %dma_wait3A_21 = arith.constant 0 : i32
        %dma_wait3A_22 = tpu.memref_slice %arg4[%add3A_10, %dma_wait3A_21] : memref<163840x512xf32, #tpu.memory_space<hbm>> -> memref<128x512xf32, #tpu.memory_space<hbm>>
        tpu.wait_dma2 semaphore(%run_scoped3A : memref<!tpu.dma_semaphore, #tpu.memory_space<semaphore_mem>>) src(%arg6 : memref<128x512xf32, #tpu.memory_space<vmem>>) dst(%dma_wait3A_22 : memref<128x512xf32, #tpu.memory_space<hbm>>)
        tpu.yield
      }) : () -> ()
    }
    %scan3A_6 = arith.constant 40 : i32
    return
  }
}

#map = affine_map<(d0, d1) -> (0, 0)>
#map1 = affine_map<(d0, d1) -> (0)>
module attributes {stable_mosaic.version = 14 : i64} {
  func.func @k(%arg0: i32, %arg1: i32, %arg2: memref<10752x512xf32, #tpu.memory_space<hbm>>, %arg3: memref<163840xi32, #tpu.memory_space<hbm>>, %arg4: memref<163840x512xf32, #tpu.memory_space<hbm>>, %arg5: memref<128xi32, #tpu.memory_space<vmem>>, %arg6: memref<128x512xf32, #tpu.memory_space<vmem>>, %arg7: memref<!tpu.dma_semaphore, #tpu.memory_space<semaphore_mem>>) attributes {dimension_semantics = [#tpu.dimension_semantics<core_parallel>, #tpu.dimension_semantics<subcore_parallel>], iteration_bounds = array<i64: 2, 16>, scalar_prefetch = 0 : i64, scratch_operands = 3 : i64, tpu.core_type = #tpu.core_type<sc_vector_subcore>, window_params = [{transform_indices = #map}, {transform_indices = #map1}, {transform_indices = #map}]} {
    %mul3A = arith.constant 2 : i32
    %mul3A_0 = arith.muli %arg1, %mul3A : i32
    %add3A = arith.addi %mul3A_0, %arg0 : i32
    %mul3A_1 = arith.constant 5120 : i32
    %mul3A_2 = arith.muli %add3A, %mul3A_1 : i32
    %scan3A = arith.constant 0 : i32
    %scan3A_3 = arith.constant 40 : i32
    %scan3A_4 = arith.addi %scan3A, %scan3A_3 : i32
    %scan3A_5 = arith.constant 1 : i32
    scf.for %scan3A_7 = %scan3A to %scan3A_4 step %scan3A_5  : i32 {
      %mul3A_8 = arith.constant 128 : i32
      %mul3A_9 = arith.muli %scan3A_7, %mul3A_8 : i32
      %add3A_10 = arith.addi %mul3A_2, %mul3A_9 : i32
      "tpu.region"() ({
        %run_scoped3A = tpu.sem_alloc : memref<!tpu.dma_semaphore, #tpu.memory_space<semaphore_mem>>
        %dma_start3A_15 = tpu.memref_slice %arg3[%add3A_10] : memref<163840xi32, #tpu.memory_space<hbm>> -> memref<128xi32, #tpu.memory_space<hbm>>
        %dma_start3A_16 = tpu.memref_slice %arg3[%add3A_10] : memref<163840xi32, #tpu.memory_space<hbm>> -> memref<128xi32, #tpu.memory_space<hbm>>
        tpu.enqueue_dma source(%dma_start3A_16 : memref<128xi32, #tpu.memory_space<hbm>>) target(%arg5 : memref<128xi32, #tpu.memory_space<vmem>>) target_semaphore(%run_scoped3A : memref<!tpu.dma_semaphore, #tpu.memory_space<semaphore_mem>>)
        %dma_wait3A_17 = tpu.memref_slice %arg3[%add3A_10] : memref<163840xi32, #tpu.memory_space<hbm>> -> memref<128xi32, #tpu.memory_space<hbm>>
        %dma_wait3A_18 = tpu.memref_slice %arg3[%add3A_10] : memref<163840xi32, #tpu.memory_space<hbm>> -> memref<128xi32, #tpu.memory_space<hbm>>
        tpu.wait_dma2 semaphore(%run_scoped3A : memref<!tpu.dma_semaphore, #tpu.memory_space<semaphore_mem>>) src(%dma_wait3A_18 : memref<128xi32, #tpu.memory_space<hbm>>) dst(%arg5 : memref<128xi32, #tpu.memory_space<vmem>>)
        tpu.yield
      }) : () -> ()
      %dma_start3A = arith.constant 0 : i32
      %dma_start3A_11 = arith.constant 0 : i32
      %dma_start3A_12 = tpu.memref_slice %arg2[%dma_start3A, %dma_start3A_11] : memref<10752x512xf32, #tpu.memory_space<hbm>> -> memref<10752x512xf32, #tpu.memory_space<hbm>>
      tpu.enqueue_indirect_dma source(%dma_start3A_12 : memref<10752x512xf32, #tpu.memory_space<hbm>>) target(%arg6 : memref<128x512xf32, #tpu.memory_space<vmem>>) offsets(%arg5 : memref<128xi32, #tpu.memory_space<vmem>>) semaphore(%arg7 : memref<!tpu.dma_semaphore, #tpu.memory_space<semaphore_mem>>)
      %dma_wait3A = arith.constant 0 : i32
      %dma_wait3A_13 = arith.constant 0 : i32
      %dma_wait3A_14 = tpu.memref_slice %arg2[%dma_wait3A, %dma_wait3A_13] : memref<10752x512xf32, #tpu.memory_space<hbm>> -> memref<10752x512xf32, #tpu.memory_space<hbm>>
      tpu.wait_indirect_dma semaphore(%arg7 : memref<!tpu.dma_semaphore, #tpu.memory_space<semaphore_mem>>) src(%dma_wait3A_14 : memref<10752x512xf32, #tpu.memory_space<hbm>>) dst(%arg6 : memref<128x512xf32, #tpu.memory_space<vmem>>)
      "tpu.region"() ({
        %run_scoped3A = tpu.sem_alloc : memref<!tpu.dma_semaphore, #tpu.memory_space<semaphore_mem>>
        %dma_start3A_15 = arith.constant 0 : i32
        %dma_start3A_16 = tpu.memref_slice %arg4[%add3A_10, %dma_start3A_15] : memref<163840x512xf32, #tpu.memory_space<hbm>> -> memref<128x512xf32, #tpu.memory_space<hbm>>
        %dma_start3A_17 = arith.constant 0 : i32
        %dma_start3A_18 = tpu.memref_slice %arg4[%add3A_10, %dma_start3A_17] : memref<163840x512xf32, #tpu.memory_space<hbm>> -> memref<128x512xf32, #tpu.memory_space<hbm>>
        tpu.enqueue_dma source(%arg6 : memref<128x512xf32, #tpu.memory_space<vmem>>) target(%dma_start3A_18 : memref<128x512xf32, #tpu.memory_space<hbm>>) target_semaphore(%run_scoped3A : memref<!tpu.dma_semaphore, #tpu.memory_space<semaphore_mem>>)
        %dma_wait3A_19 = arith.constant 0 : i32
        %dma_wait3A_20 = tpu.memref_slice %arg4[%add3A_10, %dma_wait3A_19] : memref<163840x512xf32, #tpu.memory_space<hbm>> -> memref<128x512xf32, #tpu.memory_space<hbm>>
        %dma_wait3A_21 = arith.constant 0 : i32
        %dma_wait3A_22 = tpu.memref_slice %arg4[%add3A_10, %dma_wait3A_21] : memref<163840x512xf32, #tpu.memory_space<hbm>> -> memref<128x512xf32, #tpu.memory_space<hbm>>
        tpu.wait_dma2 semaphore(%run_scoped3A : memref<!tpu.dma_semaphore, #tpu.memory_space<semaphore_mem>>) src(%arg6 : memref<128x512xf32, #tpu.memory_space<vmem>>) dst(%dma_wait3A_22 : memref<128x512xf32, #tpu.memory_space<hbm>>)
        tpu.yield
      }) : () -> ()
    }
    %scan3A_6 = arith.constant 40 : i32
    return
  }
}

module attributes {stable_mosaic.version = 14 : i64} {
  func.func @_emb_body(%arg0: i32, %arg1: memref<512x1xi32, #tpu.memory_space<vmem>>, %arg2: memref<119x131xf32, #tpu.memory_space<vmem>>, %arg3: memref<131x256xf32, #tpu.memory_space<vmem>>, %arg4: memref<1x256xf32, #tpu.memory_space<vmem>>, %arg5: memref<1x256xf32, #tpu.memory_space<vmem>>, %arg6: memref<1x256xf32, #tpu.memory_space<vmem>>, %arg7: memref<512x256xf32, #tpu.memory_space<vmem>>) attributes {dimension_semantics = [#tpu.dimension_semantics<arbitrary>], iteration_bounds = array<i64: 21>, scalar_prefetch = 0 : i64, scratch_operands = 0 : i64, tpu.core_type = #tpu.core_type<tc>, window_params = [{transform_indices = @transform_0, window_bounds = array<i64: 512, 1>}, {pipeline_mode = #tpu.pipeline_mode<synchronous>, transform_indices = @transform_1, window_bounds = array<i64: 119, 131>}, {pipeline_mode = #tpu.pipeline_mode<synchronous>, transform_indices = @transform_2, window_bounds = array<i64: 131, 256>}, {pipeline_mode = #tpu.pipeline_mode<synchronous>, transform_indices = @transform_3, window_bounds = array<i64: 1, 256>}, {pipeline_mode = #tpu.pipeline_mode<synchronous>, transform_indices = @transform_4, window_bounds = array<i64: 1, 256>}, {pipeline_mode = #tpu.pipeline_mode<synchronous>, transform_indices = @transform_5, window_bounds = array<i64: 1, 256>}, {transform_indices = @transform_6, window_bounds = array<i64: 512, 256>}]} {
    %get3A = arith.constant 0 : index
    %get3A_0 = arith.constant 0 : index
    %get3A_1 = vector.load %arg1[%get3A, %get3A_0] : memref<512x1xi32, #tpu.memory_space<vmem>>, vector<512x1xi32>
    %iota3A = tpu.iota {dimensions = array<i32: 1>} : vector<512x119xi32>
    %eq3A = vector.broadcast %get3A_1 : vector<512x1xi32> to vector<512x119xi32>
    %eq3A_2 = arith.cmpi eq, %eq3A, %iota3A : vector<512x119xi32>
    %convert_element_type3A = arith.extui %eq3A_2 : vector<512x119xi1> to vector<512x119xi32>
    %convert_element_type3A_3 = arith.sitofp %convert_element_type3A : vector<512x119xi32> to vector<512x119xf32>
    %get3A_4 = arith.constant 0 : index
    %get3A_5 = arith.constant 0 : index
    %get3A_6 = vector.load %arg2[%get3A_4, %get3A_5] : memref<119x131xf32, #tpu.memory_space<vmem>>, vector<119x131xf32>
    %dot_general3A = arith.constant dense<0.000000e+00> : vector<512x131xf32>
    %dot_general3A_7 = tpu.matmul %convert_element_type3A_3, %get3A_6, %dot_general3A {dimension_numbers = #tpu.dot_dimension_numbers<[1], [0], [0], [1], [0, 0, 1, 1], [], []>, transpose_lhs_hint = false} : vector<512x119xf32>, vector<119x131xf32>, vector<512x131xf32> -> vector<512x131xf32>
    %get3A_8 = arith.constant 0 : index
    %get3A_9 = arith.constant 0 : index
    %get3A_10 = vector.load %arg3[%get3A_8, %get3A_9] : memref<131x256xf32, #tpu.memory_space<vmem>>, vector<131x256xf32>
    %dot_general3A_11 = arith.constant dense<0.000000e+00> : vector<512x256xf32>
    %dot_general3A_12 = tpu.matmul %dot_general3A_7, %get3A_10, %dot_general3A_11 {dimension_numbers = #tpu.dot_dimension_numbers<[1], [0], [0], [1], [0, 0, 1, 1], [], []>, transpose_lhs_hint = false} : vector<512x131xf32>, vector<131x256xf32>, vector<512x256xf32> -> vector<512x256xf32>
    %get3A_13 = arith.constant 0 : index
    %get3A_14 = arith.constant 0 : index
    %get3A_15 = vector.load %arg4[%get3A_13, %get3A_14] : memref<1x256xf32, #tpu.memory_space<vmem>>, vector<1x256xf32>
    %add3A = vector.broadcast %get3A_15 : vector<1x256xf32> to vector<512x256xf32>
    %add3A_16 = arith.addf %dot_general3A_12, %add3A : vector<512x256xf32>
    %get3A_17 = arith.constant 0 : index
    %get3A_18 = arith.constant 0 : index
    %get3A_19 = vector.load %arg5[%get3A_17, %get3A_18] : memref<1x256xf32, #tpu.memory_space<vmem>>, vector<1x256xf32>
    %get3A_20 = arith.constant 0 : index
    %get3A_21 = arith.constant 0 : index
    %get3A_22 = vector.load %arg6[%get3A_20, %get3A_21] : memref<1x256xf32, #tpu.memory_space<vmem>>, vector<1x256xf32>
    %reduce_sum3A = arith.constant dense<0.000000e+00> : vector<512xf32>
    %reduce_sum3A_23 = vector.multi_reduction <add>, %add3A_16, %reduce_sum3A [1] : vector<512x256xf32> to vector<512xf32>
    %broadcast_in_dim3A = vector.shape_cast %reduce_sum3A_23 : vector<512xf32> to vector<512x1xf32>
    %div3A = arith.constant 2.560000e+02 : f32
    %div3A_24 = vector.broadcast %div3A : f32 to vector<512x1xf32>
    %div3A_25 = arith.divf %broadcast_in_dim3A, %div3A_24 : vector<512x1xf32>
    %sub3A = vector.broadcast %div3A_25 : vector<512x1xf32> to vector<512x256xf32>
    %sub3A_26 = arith.subf %add3A_16, %sub3A : vector<512x256xf32>
    %integer_pow3A = arith.mulf %sub3A_26, %sub3A_26 : vector<512x256xf32>
    %reduce_sum3A_27 = arith.constant dense<0.000000e+00> : vector<512xf32>
    %reduce_sum3A_28 = vector.multi_reduction <add>, %integer_pow3A, %reduce_sum3A_27 [1] : vector<512x256xf32> to vector<512xf32>
    %broadcast_in_dim3A_29 = vector.shape_cast %reduce_sum3A_28 : vector<512xf32> to vector<512x1xf32>
    %div3A_30 = arith.constant 2.560000e+02 : f32
    %div3A_31 = vector.broadcast %div3A_30 : f32 to vector<512x1xf32>
    %div3A_32 = arith.divf %broadcast_in_dim3A_29, %div3A_31 : vector<512x1xf32>
    %sub3A_33 = vector.broadcast %div3A_25 : vector<512x1xf32> to vector<512x256xf32>
    %sub3A_34 = arith.subf %add3A_16, %sub3A_33 : vector<512x256xf32>
    %add3A_35 = arith.constant 9.99999974E-6 : f32
    %add3A_36 = vector.broadcast %add3A_35 : f32 to vector<512x1xf32>
    %add3A_37 = arith.addf %div3A_32, %add3A_36 : vector<512x1xf32>
    %rsqrt3A = math.rsqrt %add3A_37 : vector<512x1xf32>
    %mul3A = vector.broadcast %rsqrt3A : vector<512x1xf32> to vector<512x256xf32>
    %mul3A_38 = arith.mulf %sub3A_34, %mul3A : vector<512x256xf32>
    %mul3A_39 = vector.broadcast %get3A_19 : vector<1x256xf32> to vector<512x256xf32>
    %mul3A_40 = arith.mulf %mul3A_38, %mul3A_39 : vector<512x256xf32>
    %add3A_41 = vector.broadcast %get3A_22 : vector<1x256xf32> to vector<512x256xf32>
    %add3A_42 = arith.addf %mul3A_40, %add3A_41 : vector<512x256xf32>
    %logistic3A = arith.negf %add3A_42 : vector<512x256xf32>
    %logistic3A_43 = math.exp %logistic3A : vector<512x256xf32>
    %logistic3A_44 = arith.constant 1.000000e+00 : f32
    %logistic3A_45 = vector.broadcast %logistic3A_44 : f32 to vector<512x256xf32>
    %logistic3A_46 = arith.addf %logistic3A_45, %logistic3A_43 : vector<512x256xf32>
    %logistic3A_47 = arith.divf %logistic3A_45, %logistic3A_46 : vector<512x256xf32>
    %mul3A_48 = arith.mulf %add3A_42, %logistic3A_47 : vector<512x256xf32>
    %swap3A = arith.constant 0 : index
    %swap3A_49 = arith.constant 0 : index
    %swap3A_50 = vector.load %arg7[%swap3A, %swap3A_49] : memref<512x256xf32, #tpu.memory_space<vmem>>, vector<512x256xf32>
    tpu.vector_store %arg7[%swap3A, %swap3A_49], %mul3A_48 {strides = array<i32>} : memref<512x256xf32, #tpu.memory_space<vmem>>, vector<512x256xf32>,
    return
  }
  func.func @transform_0(%arg0: i32) -> (i32, i32) {
    %c0_i32 = arith.constant 0 : i32
    %c0_i32_0 = arith.constant 0 : i32
    return %arg0, %c0_i32 : i32, i32
  }
  func.func @transform_1(%arg0: i32) -> (i32, i32) {
    %c0_i32 = arith.constant 0 : i32
    %c0_i32_0 = arith.constant 0 : i32
    %c0_i32_1 = arith.constant 0 : i32
    return %c0_i32, %c0_i32_0 : i32, i32
  }
  func.func @transform_2(%arg0: i32) -> (i32, i32) {
    %c0_i32 = arith.constant 0 : i32
    %c0_i32_0 = arith.constant 0 : i32
    %c0_i32_1 = arith.constant 0 : i32
    return %c0_i32, %c0_i32_0 : i32, i32
  }
  func.func @transform_3(%arg0: i32) -> (i32, i32) {
    %c0_i32 = arith.constant 0 : i32
    %c0_i32_0 = arith.constant 0 : i32
    %c0_i32_1 = arith.constant 0 : i32
    return %c0_i32, %c0_i32_0 : i32, i32
  }
  func.func @transform_4(%arg0: i32) -> (i32, i32) {
    %c0_i32 = arith.constant 0 : i32
    %c0_i32_0 = arith.constant 0 : i32
    %c0_i32_1 = arith.constant 0 : i32
    return %c0_i32, %c0_i32_0 : i32, i32
  }
  func.func @transform_5(%arg0: i32) -> (i32, i32) {
    %c0_i32 = arith.constant 0 : i32
    %c0_i32_0 = arith.constant 0 : i32
    %c0_i32_1 = arith.constant 0 : i32
    return %c0_i32, %c0_i32_0 : i32, i32
  }
  func.func @transform_6(%arg0: i32) -> (i32, i32) {
    %c0_i32 = arith.constant 0 : i32
    %c0_i32_0 = arith.constant 0 : i32
    return %arg0, %c0_i32 : i32, i32
  }
}

module attributes {stable_mosaic.version = 14 : i64} {
  func.func @_dense1_body(%arg0: i32, %arg1: memref<512x256xf32, #tpu.memory_space<vmem>>, %arg2: memref<1x256xf32, #tpu.memory_space<vmem>>, %arg3: memref<1x256xf32, #tpu.memory_space<vmem>>, %arg4: memref<256x256xf32, #tpu.memory_space<vmem>>, %arg5: memref<1x256xf32, #tpu.memory_space<vmem>>, %arg6: memref<256x256xf32, #tpu.memory_space<vmem>>, %arg7: memref<1x256xf32, #tpu.memory_space<vmem>>, %arg8: memref<256x256xf32, #tpu.memory_space<vmem>>, %arg9: memref<1x256xf32, #tpu.memory_space<vmem>>, %arg10: memref<256x256xf32, #tpu.memory_space<vmem>>, %arg11: memref<1x256xf32, #tpu.memory_space<vmem>>, %arg12: memref<512x256xf32, #tpu.memory_space<vmem>>, %arg13: memref<512x512xf32, #tpu.memory_space<vmem>>, %arg14: memref<512x256xf32, #tpu.memory_space<vmem>>) attributes {dimension_semantics = [#tpu.dimension_semantics<arbitrary>], iteration_bounds = array<i64: 21>, scalar_prefetch = 0 : i64, scratch_operands = 0 : i64, tpu.core_type = #tpu.core_type<tc>, window_params = [{transform_indices = @transform_0, window_bounds = array<i64: 512, 256>}, {pipeline_mode = #tpu.pipeline_mode<synchronous>, transform_indices = @transform_1, window_bounds = array<i64: 1, 256>}, {pipeline_mode = #tpu.pipeline_mode<synchronous>, transform_indices = @transform_2, window_bounds = array<i64: 1, 256>}, {pipeline_mode = #tpu.pipeline_mode<synchronous>, transform_indices = @transform_3, window_bounds = array<i64: 256, 256>}, {pipeline_mode = #tpu.pipeline_mode<synchronous>, transform_indices = @transform_4, window_bounds = array<i64: 1, 256>}, {pipeline_mode = #tpu.pipeline_mode<synchronous>, transform_indices = @transform_5, window_bounds = array<i64: 256, 256>}, {pipeline_mode = #tpu.pipeline_mode<synchronous>, transform_indices = @transform_6, window_bounds = array<i64: 1, 256>}, {pipeline_mode = #tpu.pipeline_mode<synchronous>, transform_indices = @transform_7, window_bounds = array<i64: 256, 256>}, {pipeline_mode = #tpu.pipeline_mode<synchronous>, transform_indices = @transform_8, window_bounds = array<i64: 1, 256>}, {pipeline_mode = #tpu.pipeline_mode<synchronous>, transform_indices = @transform_9, window_bounds = array<i64: 256, 256>}, {pipeline_mode = #tpu.pipeline_mode<synchronous>, transform_indices = @transform_10, window_bounds = array<i64: 1, 256>}, {transform_indices = @transform_11, window_bounds = array<i64: 512, 256>}, {transform_indices = @transform_12, window_bounds = array<i64: 512, 512>}, {transform_indices = @transform_13, window_bounds = array<i64: 512, 256>}]} {
    %get3A = arith.constant 0 : index
    %get3A_0 = arith.constant 0 : index
    %get3A_1 = vector.load %arg1[%get3A, %get3A_0] : memref<512x256xf32, #tpu.memory_space<vmem>>, vector<512x256xf32>
    %get3A_2 = arith.constant 0 : index
    %get3A_3 = arith.constant 0 : index
    %get3A_4 = vector.load %arg2[%get3A_2, %get3A_3] : memref<1x256xf32, #tpu.memory_space<vmem>>, vector<1x256xf32>
    %get3A_5 = arith.constant 0 : index
    %get3A_6 = arith.constant 0 : index
    %get3A_7 = vector.load %arg3[%get3A_5, %get3A_6] : memref<1x256xf32, #tpu.memory_space<vmem>>, vector<1x256xf32>
    %reduce_sum3A = arith.constant dense<0.000000e+00> : vector<512xf32>
    %reduce_sum3A_8 = vector.multi_reduction <add>, %get3A_1, %reduce_sum3A [1] : vector<512x256xf32> to vector<512xf32>
    %broadcast_in_dim3A = vector.shape_cast %reduce_sum3A_8 : vector<512xf32> to vector<512x1xf32>
    %div3A = arith.constant 2.560000e+02 : f32
    %div3A_9 = vector.broadcast %div3A : f32 to vector<512x1xf32>
    %div3A_10 = arith.divf %broadcast_in_dim3A, %div3A_9 : vector<512x1xf32>
    %sub3A = vector.broadcast %div3A_10 : vector<512x1xf32> to vector<512x256xf32>
    %sub3A_11 = arith.subf %get3A_1, %sub3A : vector<512x256xf32>
    %integer_pow3A = arith.mulf %sub3A_11, %sub3A_11 : vector<512x256xf32>
    %reduce_sum3A_12 = arith.constant dense<0.000000e+00> : vector<512xf32>
    %reduce_sum3A_13 = vector.multi_reduction <add>, %integer_pow3A, %reduce_sum3A_12 [1] : vector<512x256xf32> to vector<512xf32>
    %broadcast_in_dim3A_14 = vector.shape_cast %reduce_sum3A_13 : vector<512xf32> to vector<512x1xf32>
    %div3A_15 = arith.constant 2.560000e+02 : f32
    %div3A_16 = vector.broadcast %div3A_15 : f32 to vector<512x1xf32>
    %div3A_17 = arith.divf %broadcast_in_dim3A_14, %div3A_16 : vector<512x1xf32>
    %sub3A_18 = vector.broadcast %div3A_10 : vector<512x1xf32> to vector<512x256xf32>
    %sub3A_19 = arith.subf %get3A_1, %sub3A_18 : vector<512x256xf32>
    %add3A = arith.constant 9.99999974E-6 : f32
    %add3A_20 = vector.broadcast %add3A : f32 to vector<512x1xf32>
    %add3A_21 = arith.addf %div3A_17, %add3A_20 : vector<512x1xf32>
    %rsqrt3A = math.rsqrt %add3A_21 : vector<512x1xf32>
    %mul3A = vector.broadcast %rsqrt3A : vector<512x1xf32> to vector<512x256xf32>
    %mul3A_22 = arith.mulf %sub3A_19, %mul3A : vector<512x256xf32>
    %mul3A_23 = vector.broadcast %get3A_4 : vector<1x256xf32> to vector<512x256xf32>
    %mul3A_24 = arith.mulf %mul3A_22, %mul3A_23 : vector<512x256xf32>
    %add3A_25 = vector.broadcast %get3A_7 : vector<1x256xf32> to vector<512x256xf32>
    %add3A_26 = arith.addf %mul3A_24, %add3A_25 : vector<512x256xf32>
    %get3A_27 = arith.constant 0 : index
    %get3A_28 = arith.constant 0 : index
    %get3A_29 = vector.load %arg4[%get3A_27, %get3A_28] : memref<256x256xf32, #tpu.memory_space<vmem>>, vector<256x256xf32>
    %dot_general3A = arith.constant dense<0.000000e+00> : vector<512x256xf32>
    %dot_general3A_30 = tpu.matmul %add3A_26, %get3A_29, %dot_general3A {dimension_numbers = #tpu.dot_dimension_numbers<[1], [0], [0], [1], [0, 0, 1, 1], [], []>, transpose_lhs_hint = false} : vector<512x256xf32>, vector<256x256xf32>, vector<512x256xf32> -> vector<512x256xf32>
    %get3A_31 = arith.constant 0 : index
    %get3A_32 = arith.constant 0 : index
    %get3A_33 = vector.load %arg5[%get3A_31, %get3A_32] : memref<1x256xf32, #tpu.memory_space<vmem>>, vector<1x256xf32>
    %add3A_34 = vector.broadcast %get3A_33 : vector<1x256xf32> to vector<512x256xf32>
    %add3A_35 = arith.addf %dot_general3A_30, %add3A_34 : vector<512x256xf32>
    %swap3A = arith.constant 0 : index
    %swap3A_36 = arith.constant 0 : index
    %swap3A_37 = vector.load %arg12[%swap3A, %swap3A_36] : memref<512x256xf32, #tpu.memory_space<vmem>>, vector<512x256xf32>
    tpu.vector_store %arg12[%swap3A, %swap3A_36], %add3A_35 {strides = array<i32>} : memref<512x256xf32, #tpu.memory_space<vmem>>, vector<512x256xf32>,
    %get3A_38 = arith.constant 0 : index
    %get3A_39 = arith.constant 0 : index
    %get3A_40 = vector.load %arg6[%get3A_38, %get3A_39] : memref<256x256xf32, #tpu.memory_space<vmem>>, vector<256x256xf32>
    %dot_general3A_41 = arith.constant dense<0.000000e+00> : vector<512x256xf32>
    %dot_general3A_42 = tpu.matmul %add3A_26, %get3A_40, %dot_general3A_41 {dimension_numbers = #tpu.dot_dimension_numbers<[1], [0], [0], [1], [0, 0, 1, 1], [], []>, transpose_lhs_hint = false} : vector<512x256xf32>, vector<256x256xf32>, vector<512x256xf32> -> vector<512x256xf32>
    %get3A_43 = arith.constant 0 : index
    %get3A_44 = arith.constant 0 : index
    %get3A_45 = vector.load %arg7[%get3A_43, %get3A_44] : memref<1x256xf32, #tpu.memory_space<vmem>>, vector<1x256xf32>
    %add3A_46 = vector.broadcast %get3A_45 : vector<1x256xf32> to vector<512x256xf32>
    %add3A_47 = arith.addf %dot_general3A_42, %add3A_46 : vector<512x256xf32>
    %swap3A_48 = arith.constant 0 : index
    %swap3A_49 = arith.constant 0 : index
    %swap3A_50 = vector.load %arg13[%swap3A_48, %swap3A_49] : memref<512x512xf32, #tpu.memory_space<vmem>>, vector<512x256xf32>
    tpu.vector_store %arg13[%swap3A_48, %swap3A_49], %add3A_47 {strides = array<i32>} : memref<512x512xf32, #tpu.memory_space<vmem>>, vector<512x256xf32>,
    %get3A_51 = arith.constant 0 : index
    %get3A_52 = arith.constant 0 : index
    %get3A_53 = vector.load %arg8[%get3A_51, %get3A_52] : memref<256x256xf32, #tpu.memory_space<vmem>>, vector<256x256xf32>
    %dot_general3A_54 = arith.constant dense<0.000000e+00> : vector<512x256xf32>
    %dot_general3A_55 = tpu.matmul %add3A_26, %get3A_53, %dot_general3A_54 {dimension_numbers = #tpu.dot_dimension_numbers<[1], [0], [0], [1], [0, 0, 1, 1], [], []>, transpose_lhs_hint = false} : vector<512x256xf32>, vector<256x256xf32>, vector<512x256xf32> -> vector<512x256xf32>
    %get3A_56 = arith.constant 0 : index
    %get3A_57 = arith.constant 0 : index
    %get3A_58 = vector.load %arg9[%get3A_56, %get3A_57] : memref<1x256xf32, #tpu.memory_space<vmem>>, vector<1x256xf32>
    %add3A_59 = vector.broadcast %get3A_58 : vector<1x256xf32> to vector<512x256xf32>
    %add3A_60 = arith.addf %dot_general3A_55, %add3A_59 : vector<512x256xf32>
    %swap3A_61 = arith.constant 0 : index
    %swap3A_62 = arith.constant 256 : index
    %swap3A_63 = vector.load %arg13[%swap3A_61, %swap3A_62] : memref<512x512xf32, #tpu.memory_space<vmem>>, vector<512x256xf32>
    tpu.vector_store %arg13[%swap3A_61, %swap3A_62], %add3A_60 {strides = array<i32>} : memref<512x512xf32, #tpu.memory_space<vmem>>, vector<512x256xf32>,
    %get3A_64 = arith.constant 0 : index
    %get3A_65 = arith.constant 0 : index
    %get3A_66 = vector.load %arg10[%get3A_64, %get3A_65] : memref<256x256xf32, #tpu.memory_space<vmem>>, vector<256x256xf32>
    %dot_general3A_67 = arith.constant dense<0.000000e+00> : vector<512x256xf32>
    %dot_general3A_68 = tpu.matmul %add3A_26, %get3A_66, %dot_general3A_67 {dimension_numbers = #tpu.dot_dimension_numbers<[1], [0], [0], [1], [0, 0, 1, 1], [], []>, transpose_lhs_hint = false} : vector<512x256xf32>, vector<256x256xf32>, vector<512x256xf32> -> vector<512x256xf32>
    %get3A_69 = arith.constant 0 : index
    %get3A_70 = arith.constant 0 : index
    %get3A_71 = vector.load %arg11[%get3A_69, %get3A_70] : memref<1x256xf32, #tpu.memory_space<vmem>>, vector<1x256xf32>
    %add3A_72 = vector.broadcast %get3A_71 : vector<1x256xf32> to vector<512x256xf32>
    %add3A_73 = arith.addf %dot_general3A_68, %add3A_72 : vector<512x256xf32>
    %swap3A_74 = arith.constant 0 : index
    %swap3A_75 = arith.constant 0 : index
    %swap3A_76 = vector.load %arg14[%swap3A_74, %swap3A_75] : memref<512x256xf32, #tpu.memory_space<vmem>>, vector<512x256xf32>
    tpu.vector_store %arg14[%swap3A_74, %swap3A_75], %add3A_73 {strides = array<i32>} : memref<512x256xf32, #tpu.memory_space<vmem>>, vector<512x256xf32>,
    return
  }
  func.func @transform_0(%arg0: i32) -> (i32, i32) {
    %c0_i32 = arith.constant 0 : i32
    %c0_i32_0 = arith.constant 0 : i32
    return %arg0, %c0_i32 : i32, i32
  }
  func.func @transform_1(%arg0: i32) -> (i32, i32) {
    %c0_i32 = arith.constant 0 : i32
    %c0_i32_0 = arith.constant 0 : i32
    %c0_i32_1 = arith.constant 0 : i32
    return %c0_i32, %c0_i32_0 : i32, i32
  }
  func.func @transform_2(%arg0: i32) -> (i32, i32) {
    %c0_i32 = arith.constant 0 : i32
    %c0_i32_0 = arith.constant 0 : i32
    %c0_i32_1 = arith.constant 0 : i32
    return %c0_i32, %c0_i32_0 : i32, i32
  }
  func.func @transform_3(%arg0: i32) -> (i32, i32) {
    %c0_i32 = arith.constant 0 : i32
    %c0_i32_0 = arith.constant 0 : i32
    %c0_i32_1 = arith.constant 0 : i32
    return %c0_i32, %c0_i32_0 : i32, i32
  }
  func.func @transform_4(%arg0: i32) -> (i32, i32) {
    %c0_i32 = arith.constant 0 : i32
    %c0_i32_0 = arith.constant 0 : i32
    %c0_i32_1 = arith.constant 0 : i32
    return %c0_i32, %c0_i32_0 : i32, i32
  }
  func.func @transform_5(%arg0: i32) -> (i32, i32) {
    %c0_i32 = arith.constant 0 : i32
    %c0_i32_0 = arith.constant 0 : i32
    %c0_i32_1 = arith.constant 0 : i32
    return %c0_i32, %c0_i32_0 : i32, i32
  }
  func.func @transform_6(%arg0: i32) -> (i32, i32) {
    %c0_i32 = arith.constant 0 : i32
    %c0_i32_0 = arith.constant 0 : i32
    %c0_i32_1 = arith.constant 0 : i32
    return %c0_i32, %c0_i32_0 : i32, i32
  }
  func.func @transform_7(%arg0: i32) -> (i32, i32) {
    %c0_i32 = arith.constant 0 : i32
    %c0_i32_0 = arith.constant 0 : i32
    %c0_i32_1 = arith.constant 0 : i32
    return %c0_i32, %c0_i32_0 : i32, i32
  }
  func.func @transform_8(%arg0: i32) -> (i32, i32) {
    %c0_i32 = arith.constant 0 : i32
    %c0_i32_0 = arith.constant 0 : i32
    %c0_i32_1 = arith.constant 0 : i32
    return %c0_i32, %c0_i32_0 : i32, i32
  }
  func.func @transform_9(%arg0: i32) -> (i32, i32) {
    %c0_i32 = arith.constant 0 : i32
    %c0_i32_0 = arith.constant 0 : i32
    %c0_i32_1 = arith.constant 0 : i32
    return %c0_i32, %c0_i32_0 : i32, i32
  }
  func.func @transform_10(%arg0: i32) -> (i32, i32) {
    %c0_i32 = arith.constant 0 : i32
    %c0_i32_0 = arith.constant 0 : i32
    %c0_i32_1 = arith.constant 0 : i32
    return %c0_i32, %c0_i32_0 : i32, i32
  }
  func.func @transform_11(%arg0: i32) -> (i32, i32) {
    %c0_i32 = arith.constant 0 : i32
    %c0_i32_0 = arith.constant 0 : i32
    return %arg0, %c0_i32 : i32, i32
  }
  func.func @transform_12(%arg0: i32) -> (i32, i32) {
    %c0_i32 = arith.constant 0 : i32
    %c0_i32_0 = arith.constant 0 : i32
    return %arg0, %c0_i32 : i32, i32
  }
  func.func @transform_13(%arg0: i32) -> (i32, i32) {
    %c0_i32 = arith.constant 0 : i32
    %c0_i32_0 = arith.constant 0 : i32
    return %arg0, %c0_i32 : i32, i32
  }
}

module attributes {stable_mosaic.version = 14 : i64} {
  func.func @_edgeattr_body(%arg0: i32, %arg1: memref<512x128xf32, #tpu.memory_space<vmem>>, %arg2: memref<512x128xf32, #tpu.memory_space<vmem>>, %arg3: memref<1x256xf32, #tpu.memory_space<vmem>>, %arg4: memref<1x256xf32, #tpu.memory_space<vmem>>, %arg5: memref<512x256xf32, #tpu.memory_space<vmem>>) attributes {dimension_semantics = [#tpu.dimension_semantics<arbitrary>], iteration_bounds = array<i64: 320>, scalar_prefetch = 0 : i64, scratch_operands = 0 : i64, tpu.core_type = #tpu.core_type<tc>, window_params = [{transform_indices = @transform_0, window_bounds = array<i64: 512, 128>}, {transform_indices = @transform_1, window_bounds = array<i64: 512, 128>}, {pipeline_mode = #tpu.pipeline_mode<synchronous>, transform_indices = @transform_2, window_bounds = array<i64: 1, 256>}, {pipeline_mode = #tpu.pipeline_mode<synchronous>, transform_indices = @transform_3, window_bounds = array<i64: 1, 256>}, {transform_indices = @transform_4, window_bounds = array<i64: 512, 256>}]} {
    %get3A = arith.constant 0 : index
    %get3A_0 = arith.constant 0 : index
    %get3A_1 = vector.load %arg1[%get3A, %get3A_0] : memref<512x128xf32, #tpu.memory_space<vmem>>, vector<512x128xf32>
    %get3A_2 = arith.constant 0 : index
    %get3A_3 = arith.constant 0 : index
    %get3A_4 = vector.load %arg2[%get3A_2, %get3A_3] : memref<512x128xf32, #tpu.memory_space<vmem>>, vector<512x128xf32>
    %sub3A = arith.subf %get3A_1, %get3A_4 : vector<512x128xf32>
    %mul3A = arith.mulf %sub3A, %sub3A : vector<512x128xf32>
    %reduce_sum3A = arith.constant dense<0.000000e+00> : vector<512xf32>
    %reduce_sum3A_5 = vector.multi_reduction <add>, %mul3A, %reduce_sum3A [1] : vector<512x128xf32> to vector<512xf32>
    %broadcast_in_dim3A = vector.shape_cast %reduce_sum3A_5 : vector<512xf32> to vector<512x1xf32>
    %sqrt3A = math.sqrt %broadcast_in_dim3A : vector<512x1xf32>
    %get3A_6 = arith.constant 0 : index
    %get3A_7 = arith.constant 0 : index
    %get3A_8 = vector.load %arg4[%get3A_6, %get3A_7] : memref<1x256xf32, #tpu.memory_space<vmem>>, vector<1x256xf32>
    %integer_pow3A = arith.mulf %get3A_8, %get3A_8 : vector<1x256xf32>
    %mul3A_9 = arith.constant 2.000000e+00 : f32
    %mul3A_10 = vector.broadcast %mul3A_9 : f32 to vector<1x256xf32>
    %mul3A_11 = arith.mulf %mul3A_10, %integer_pow3A : vector<1x256xf32>
    %div3A = arith.constant 1.000000e+00 : f32
    %div3A_12 = vector.broadcast %div3A : f32 to vector<1x256xf32>
    %div3A_13 = arith.divf %div3A_12, %mul3A_11 : vector<1x256xf32>
    %neg3A = arith.constant 0.000000e+00 : f32
    %neg3A_14 = vector.broadcast %neg3A : f32 to vector<1x256xf32>
    %neg3A_15 = arith.subf %neg3A_14, %div3A_13 : vector<1x256xf32>
    %get3A_16 = arith.constant 0 : index
    %get3A_17 = arith.constant 0 : index
    %get3A_18 = vector.load %arg3[%get3A_16, %get3A_17] : memref<1x256xf32, #tpu.memory_space<vmem>>, vector<1x256xf32>
    %sub3A_19 = vector.broadcast %sqrt3A : vector<512x1xf32> to vector<512x256xf32>
    %sub3A_20 = vector.broadcast %get3A_18 : vector<1x256xf32> to vector<512x256xf32>
    %sub3A_21 = arith.subf %sub3A_19, %sub3A_20 : vector<512x256xf32>
    %integer_pow3A_22 = arith.mulf %sub3A_21, %sub3A_21 : vector<512x256xf32>
    %mul3A_23 = vector.broadcast %neg3A_15 : vector<1x256xf32> to vector<512x256xf32>
    %mul3A_24 = arith.mulf %mul3A_23, %integer_pow3A_22 : vector<512x256xf32>
    %exp3A = math.exp %mul3A_24 : vector<512x256xf32>
    %mul3A_25 = arith.constant 3.14159274 : f32
    %mul3A_26 = vector.broadcast %mul3A_25 : f32 to vector<512x1xf32>
    %mul3A_27 = arith.mulf %mul3A_26, %sqrt3A : vector<512x1xf32>
    %div3A_28 = arith.constant 1.000000e+01 : f32
    %div3A_29 = vector.broadcast %div3A_28 : f32 to vector<512x1xf32>
    %div3A_30 = arith.divf %mul3A_27, %div3A_29 : vector<512x1xf32>
    %cos3A = math.cos %div3A_30 : vector<512x1xf32>
    %add3A = arith.constant 1.000000e+00 : f32
    %add3A_31 = vector.broadcast %add3A : f32 to vector<512x1xf32>
    %add3A_32 = arith.addf %cos3A, %add3A_31 : vector<512x1xf32>
    %mul3A_33 = arith.constant 5.000000e-01 : f32
    %mul3A_34 = vector.broadcast %mul3A_33 : f32 to vector<512x1xf32>
    %mul3A_35 = arith.mulf %mul3A_34, %add3A_32 : vector<512x1xf32>
    %lt3A = arith.constant 1.000000e+01 : f32
    %lt3A_36 = vector.broadcast %lt3A : f32 to vector<512x1xf32>
    %lt3A_37 = arith.cmpf olt, %sqrt3A, %lt3A_36 : vector<512x1xf32>
    %convert_element_type3A = arith.extui %lt3A_37 : vector<512x1xi1> to vector<512x1xi32>
    %convert_element_type3A_38 = arith.sitofp %convert_element_type3A : vector<512x1xi32> to vector<512x1xf32>
    %mul3A_39 = arith.mulf %mul3A_35, %convert_element_type3A_38 : vector<512x1xf32>
    %mul3A_40 = vector.broadcast %mul3A_39 : vector<512x1xf32> to vector<512x256xf32>
    %mul3A_41 = arith.mulf %exp3A, %mul3A_40 : vector<512x256xf32>
    %swap3A = arith.constant 0 : index
    %swap3A_42 = arith.constant 0 : index
    %swap3A_43 = vector.load %arg5[%swap3A, %swap3A_42] : memref<512x256xf32, #tpu.memory_space<vmem>>, vector<512x256xf32>
    tpu.vector_store %arg5[%swap3A, %swap3A_42], %mul3A_41 {strides = array<i32>} : memref<512x256xf32, #tpu.memory_space<vmem>>, vector<512x256xf32>,
    return
  }
  func.func @transform_0(%arg0: i32) -> (i32, i32) {
    %c0_i32 = arith.constant 0 : i32
    %c0_i32_0 = arith.constant 0 : i32
    return %arg0, %c0_i32 : i32, i32
  }
  func.func @transform_1(%arg0: i32) -> (i32, i32) {
    %c0_i32 = arith.constant 0 : i32
    %c0_i32_0 = arith.constant 0 : i32
    return %arg0, %c0_i32 : i32, i32
  }
  func.func @transform_2(%arg0: i32) -> (i32, i32) {
    %c0_i32 = arith.constant 0 : i32
    %c0_i32_0 = arith.constant 0 : i32
    %c0_i32_1 = arith.constant 0 : i32
    return %c0_i32, %c0_i32_0 : i32, i32
  }
  func.func @transform_3(%arg0: i32) -> (i32, i32) {
    %c0_i32 = arith.constant 0 : i32
    %c0_i32_0 = arith.constant 0 : i32
    %c0_i32_1 = arith.constant 0 : i32
    return %c0_i32, %c0_i32_0 : i32, i32
  }
  func.func @transform_4(%arg0: i32) -> (i32, i32) {
    %c0_i32 = arith.constant 0 : i32
    %c0_i32_0 = arith.constant 0 : i32
    return %arg0, %c0_i32 : i32, i32
  }
}

module attributes {stable_mosaic.version = 14 : i64} {
  func.func @_logits_body(%arg0: i32, %arg1: memref<10752x256xf32, #tpu.memory_space<vmem>>, %arg2: memref<512x512xf32, #tpu.memory_space<vmem>>, %arg3: memref<512x256xf32, #tpu.memory_space<vmem>>, %arg4: memref<256x256xf32, #tpu.memory_space<vmem>>, %arg5: memref<512x1xi32, #tpu.memory_space<vmem>>, %arg6: memref<512x8xf32, #tpu.memory_space<vmem>>, %arg7: memref<1x8xf32, #tpu.memory_space<vmem>>) attributes {dimension_semantics = [#tpu.dimension_semantics<arbitrary>], iteration_bounds = array<i64: 320>, scalar_prefetch = 0 : i64, scratch_operands = 0 : i64, tpu.core_type = #tpu.core_type<tc>, window_params = [{pipeline_mode = #tpu.pipeline_mode<synchronous>, transform_indices = @transform_0, window_bounds = array<i64: 10752, 256>}, {transform_indices = @transform_1, window_bounds = array<i64: 512, 512>}, {transform_indices = @transform_2, window_bounds = array<i64: 512, 256>}, {pipeline_mode = #tpu.pipeline_mode<synchronous>, transform_indices = @transform_3, window_bounds = array<i64: 256, 256>}, {transform_indices = @transform_4, window_bounds = array<i64: 512, 1>}, {transform_indices = @transform_5, window_bounds = array<i64: 512, 8>}, {pipeline_mode = #tpu.pipeline_mode<synchronous>, transform_indices = @transform_6, window_bounds = array<i64: 1, 8>}]} {
    %get3A = arith.constant 0 : index
    %get3A_0 = arith.constant 0 : index
    %get3A_1 = vector.load %arg5[%get3A, %get3A_0] : memref<512x1xi32, #tpu.memory_space<vmem>>, vector<512x1xi32>
    %get3A_2 = arith.constant 0 : index
    %get3A_3 = arith.constant 0 : index
    %get3A_4 = vector.load %arg5[%get3A_2, %get3A_3] : memref<512x1xi32, #tpu.memory_space<vmem>>, vector<1x1xi32>
    %get3A_5 = vector.extract %get3A_4[0, 0] : i32 from vector<1x1xi32>
    %jit3A = arith.constant 8 : i32
    %div3A = arith.divsi %get3A_5, %jit3A : i32
    %sign3A = arith.constant 0 : i32
    %sign3A_6 = arith.cmpi sgt, %get3A_5, %sign3A : i32
    %sign3A_7 = arith.extui %sign3A_6 : i1 to i32
    %sign3A_8 = arith.constant 0 : i32
    %sign3A_9 = arith.cmpi slt, %get3A_5, %sign3A_8 : i32
    %sign3A_10 = arith.extui %sign3A_9 : i1 to i32
    %sign3A_11 = arith.subi %sign3A_7, %sign3A_10 : i32
    %sign3A_12 = arith.constant 0 : i32
    %sign3A_13 = arith.cmpi sgt, %jit3A, %sign3A_12 : i32
    %sign3A_14 = arith.extui %sign3A_13 : i1 to i32
    %sign3A_15 = arith.constant 0 : i32
    %sign3A_16 = arith.cmpi slt, %jit3A, %sign3A_15 : i32
    %sign3A_17 = arith.extui %sign3A_16 : i1 to i32
    %sign3A_18 = arith.subi %sign3A_14, %sign3A_17 : i32
    %ne3A = arith.cmpi ne, %sign3A_11, %sign3A_18 : i32
    %rem3A = arith.remsi %get3A_5, %jit3A : i32
    %ne3A_19 = arith.constant 0 : i32
    %ne3A_20 = arith.cmpi ne, %rem3A, %ne3A_19 : i32
    %and3A = arith.andi %ne3A, %ne3A_20 : i1
    %sub3A = arith.constant 1 : i32
    %sub3A_21 = arith.subi %div3A, %sub3A : i32
    %select_n3A = arith.select %and3A, %sub3A_21, %div3A : i32
    %mul3A = arith.constant 8 : i32
    %mul3A_22 = arith.muli %select_n3A, %mul3A : i32
    %sub3A_23 = vector.broadcast %mul3A_22 : i32 to vector<512x1xi32>
    %sub3A_24 = arith.subi %get3A_1, %sub3A_23 : vector<512x1xi32>
    %iota3A = tpu.iota {dimensions = array<i32: 1>} : vector<512x528xi32>
    %eq3A = vector.broadcast %sub3A_24 : vector<512x1xi32> to vector<512x528xi32>
    %eq3A_25 = arith.cmpi eq, %eq3A, %iota3A : vector<512x528xi32>
    %convert_element_type3A = arith.extui %eq3A_25 : vector<512x528xi1> to vector<512x528xi32>
    %convert_element_type3A_26 = arith.sitofp %convert_element_type3A : vector<512x528xi32> to vector<512x528xf32>
    %get3A_27 = arith.index_cast %mul3A_22 : i32 to index
    %get3A_28 = arith.constant 0 : index
    %get3A_29 = vector.load %arg1[%get3A_27, %get3A_28] : memref<10752x256xf32, #tpu.memory_space<vmem>>, vector<528x256xf32>
    %dot_general3A = arith.constant dense<0.000000e+00> : vector<512x256xf32>
    %dot_general3A_30 = tpu.matmul %convert_element_type3A_26, %get3A_29, %dot_general3A {dimension_numbers = #tpu.dot_dimension_numbers<[1], [0], [0], [1], [0, 0, 1, 1], [], []>, transpose_lhs_hint = false} : vector<512x528xf32>, vector<528x256xf32>, vector<512x256xf32> -> vector<512x256xf32>
    %get3A_31 = arith.constant 0 : index
    %get3A_32 = arith.constant 0 : index
    %get3A_33 = vector.load %arg3[%get3A_31, %get3A_32] : memref<512x256xf32, #tpu.memory_space<vmem>>, vector<512x256xf32>
    %get3A_34 = arith.constant 0 : index
    %get3A_35 = arith.constant 0 : index
    %get3A_36 = vector.load %arg4[%get3A_34, %get3A_35] : memref<256x256xf32, #tpu.memory_space<vmem>>, vector<256x256xf32>
    %dot_general3A_37 = arith.constant dense<0.000000e+00> : vector<512x256xf32>
    %dot_general3A_38 = tpu.matmul %get3A_33, %get3A_36, %dot_general3A_37 {dimension_numbers = #tpu.dot_dimension_numbers<[1], [0], [0], [1], [0, 0, 1, 1], [], []>, transpose_lhs_hint = false} : vector<512x256xf32>, vector<256x256xf32>, vector<512x256xf32> -> vector<512x256xf32>
    %get3A_39 = arith.constant 0 : index
    %get3A_40 = arith.constant 0 : index
    %get3A_41 = vector.load %arg2[%get3A_39, %get3A_40] : memref<512x512xf32, #tpu.memory_space<vmem>>, vector<512x256xf32>
    %add3A = arith.addf %get3A_41, %dot_general3A_38 : vector<512x256xf32>
    %mul3A_42 = arith.mulf %dot_general3A_30, %add3A : vector<512x256xf32>
    %iota3A_43 = tpu.iota {dimensions = array<i32: 0>} : vector<256x8xi32>
    %iota3A_44 = tpu.iota {dimensions = array<i32: 1>} : vector<256x8xi32>
    %jit3A_45 = arith.constant 32 : i32
    %div3A_46 = vector.broadcast %jit3A_45 : i32 to vector<256x8xi32>
    %div3A_47 = arith.divsi %iota3A_43, %div3A_46 : vector<256x8xi32>
    %sign3A_48 = arith.constant 0 : i32
    %sign3A_49 = vector.broadcast %sign3A_48 : i32 to vector<256x8xi32>
    %sign3A_50 = arith.cmpi sgt, %iota3A_43, %sign3A_49 : vector<256x8xi32>
    %sign3A_51 = arith.extui %sign3A_50 : vector<256x8xi1> to vector<256x8xi32>
    %sign3A_52 = arith.constant 0 : i32
    %sign3A_53 = vector.broadcast %sign3A_52 : i32 to vector<256x8xi32>
    %sign3A_54 = arith.cmpi slt, %iota3A_43, %sign3A_53 : vector<256x8xi32>
    %sign3A_55 = arith.extui %sign3A_54 : vector<256x8xi1> to vector<256x8xi32>
    %sign3A_56 = arith.subi %sign3A_51, %sign3A_55 : vector<256x8xi32>
    %sign3A_57 = arith.constant 0 : i32
    %sign3A_58 = arith.cmpi sgt, %jit3A_45, %sign3A_57 : i32
    %sign3A_59 = arith.extui %sign3A_58 : i1 to i32
    %sign3A_60 = arith.constant 0 : i32
    %sign3A_61 = arith.cmpi slt, %jit3A_45, %sign3A_60 : i32
    %sign3A_62 = arith.extui %sign3A_61 : i1 to i32
    %sign3A_63 = arith.subi %sign3A_59, %sign3A_62 : i32
    %ne3A_64 = vector.broadcast %sign3A_63 : i32 to vector<256x8xi32>
    %ne3A_65 = arith.cmpi ne, %sign3A_56, %ne3A_64 : vector<256x8xi32>
    %rem3A_66 = vector.broadcast %jit3A_45 : i32 to vector<256x8xi32>
    %rem3A_67 = arith.remsi %iota3A_43, %rem3A_66 : vector<256x8xi32>
    %ne3A_68 = arith.constant 0 : i32
    %ne3A_69 = vector.broadcast %ne3A_68 : i32 to vector<256x8xi32>
    %ne3A_70 = arith.cmpi ne, %rem3A_67, %ne3A_69 : vector<256x8xi32>
    %and3A_71 = arith.andi %ne3A_65, %ne3A_70 : vector<256x8xi1>
    %sub3A_72 = arith.constant 1 : i32
    %sub3A_73 = vector.broadcast %sub3A_72 : i32 to vector<256x8xi32>
    %sub3A_74 = arith.subi %div3A_47, %sub3A_73 : vector<256x8xi32>
    %select_n3A_75 = arith.select %and3A_71, %sub3A_74, %div3A_47 : vector<256x8xi1>, vector<256x8xi32>
    %eq3A_76 = arith.cmpi eq, %select_n3A_75, %iota3A_44 : vector<256x8xi32>
    %convert_element_type3A_77 = arith.extui %eq3A_76 : vector<256x8xi1> to vector<256x8xi32>
    %convert_element_type3A_78 = arith.sitofp %convert_element_type3A_77 : vector<256x8xi32> to vector<256x8xf32>
    %dot_general3A_79 = arith.constant dense<0.000000e+00> : vector<512x8xf32>
    %dot_general3A_80 = tpu.matmul %mul3A_42, %convert_element_type3A_78, %dot_general3A_79 {dimension_numbers = #tpu.dot_dimension_numbers<[1], [0], [0], [1], [0, 0, 1, 1], [], []>, transpose_lhs_hint = false} : vector<512x256xf32>, vector<256x8xf32>, vector<512x8xf32> -> vector<512x8xf32>
    %mul3A_81 = arith.constant 0.176776692 : f32
    %mul3A_82 = vector.broadcast %mul3A_81 : f32 to vector<512x8xf32>
    %mul3A_83 = arith.mulf %dot_general3A_80, %mul3A_82 : vector<512x8xf32>
    %mul3A_84 = arith.constant 512 : i32
    %mul3A_85 = arith.muli %arg0, %mul3A_84 : i32
    %iota3A_86 = tpu.iota {dimensions = array<i32: 0>} : vector<512x8xi32>
    %add3A_87 = vector.broadcast %mul3A_85 : i32 to vector<512x8xi32>
    %add3A_88 = arith.addi %add3A_87, %iota3A_86 : vector<512x8xi32>
    %lt3A = arith.constant 160000 : i32
    %lt3A_89 = vector.broadcast %lt3A : i32 to vector<512x8xi32>
    %lt3A_90 = arith.cmpi slt, %add3A_88, %lt3A_89 : vector<512x8xi32>
    %jit3A_91 = arith.constant -1.000000e+30 : f32
    %broadcast_in_dim3A = vector.broadcast %jit3A_91 : f32 to vector<512x8xf32>
    %select_n3A_92 = arith.select %lt3A_90, %mul3A_83, %broadcast_in_dim3A : vector<512x8xi1>, vector<512x8xf32>
    %swap3A = arith.constant 0 : index
    %swap3A_93 = arith.constant 0 : index
    %swap3A_94 = vector.load %arg6[%swap3A, %swap3A_93] : memref<512x8xf32, #tpu.memory_space<vmem>>, vector<512x8xf32>
    tpu.vector_store %arg6[%swap3A, %swap3A_93], %select_n3A_92 {strides = array<i32>} : memref<512x8xf32, #tpu.memory_space<vmem>>, vector<512x8xf32>,
    %eq3A_95 = arith.constant 0 : i32
    %eq3A_96 = arith.cmpi eq, %arg0, %eq3A_95 : i32
    %convert_element_type3A_97 = arith.extui %eq3A_96 : i1 to i32
    %cond3A = arith.constant 0 : i32
    %cond3A_98 = arith.cmpi ne, %convert_element_type3A_97, %cond3A : i32
    scf.if %cond3A_98 {
      %broadcast_in_dim3A_107 = arith.constant -1.000000e+30 : f32
      %broadcast_in_dim3A_108 = vector.broadcast %broadcast_in_dim3A_107 : f32 to vector<1x8xf32>
      %swap3A_109 = arith.constant 0 : index
      %swap3A_110 = arith.constant 0 : index
      %swap3A_111 = vector.load %arg7[%swap3A_109, %swap3A_110] : memref<1x8xf32, #tpu.memory_space<vmem>>, vector<1x8xf32>
      tpu.vector_store %arg7[%swap3A_109, %swap3A_110], %broadcast_in_dim3A_108 {strides = array<i32>} : memref<1x8xf32, #tpu.memory_space<vmem>>, vector<1x8xf32>,
    } else {
    }
    %get3A_99 = arith.constant 0 : index
    %get3A_100 = arith.constant 0 : index
    %get3A_101 = vector.load %arg7[%get3A_99, %get3A_100] : memref<1x8xf32, #tpu.memory_space<vmem>>, vector<1x8xf32>
    %reduce_max3A = arith.constant dense<0xFF800000> : vector<8xf32>
    %reduce_max3A_102 = vector.multi_reduction <maximumf>, %select_n3A_92, %reduce_max3A [0] : vector<512x8xf32> to vector<8xf32>
    %broadcast_in_dim3A_103 = vector.shape_cast %reduce_max3A_102 : vector<8xf32> to vector<1x8xf32>
    %max3A = arith.maximumf %get3A_101, %broadcast_in_dim3A_103 : vector<1x8xf32>
    %swap3A_104 = arith.constant 0 : index
    %swap3A_105 = arith.constant 0 : index
    %swap3A_106 = vector.load %arg7[%swap3A_104, %swap3A_105] : memref<1x8xf32, #tpu.memory_space<vmem>>, vector<1x8xf32>
    tpu.vector_store %arg7[%swap3A_104, %swap3A_105], %max3A {strides = array<i32>} : memref<1x8xf32, #tpu.memory_space<vmem>>, vector<1x8xf32>,
    return
  }
  func.func @transform_0(%arg0: i32) -> (i32, i32) {
    %c0_i32 = arith.constant 0 : i32
    %c0_i32_0 = arith.constant 0 : i32
    %c0_i32_1 = arith.constant 0 : i32
    return %c0_i32, %c0_i32_0 : i32, i32
  }
  func.func @transform_1(%arg0: i32) -> (i32, i32) {
    %c0_i32 = arith.constant 0 : i32
    %c0_i32_0 = arith.constant 0 : i32
    return %arg0, %c0_i32 : i32, i32
  }
  func.func @transform_2(%arg0: i32) -> (i32, i32) {
    %c0_i32 = arith.constant 0 : i32
    %c0_i32_0 = arith.constant 0 : i32
    return %arg0, %c0_i32 : i32, i32
  }
  func.func @transform_3(%arg0: i32) -> (i32, i32) {
    %c0_i32 = arith.constant 0 : i32
    %c0_i32_0 = arith.constant 0 : i32
    %c0_i32_1 = arith.constant 0 : i32
    return %c0_i32, %c0_i32_0 : i32, i32
  }
  func.func @transform_4(%arg0: i32) -> (i32, i32) {
    %c0_i32 = arith.constant 0 : i32
    %c0_i32_0 = arith.constant 0 : i32
    return %arg0, %c0_i32 : i32, i32
  }
  func.func @transform_5(%arg0: i32) -> (i32, i32) {
    %c0_i32 = arith.constant 0 : i32
    %c0_i32_0 = arith.constant 0 : i32
    return %arg0, %c0_i32 : i32, i32
  }
  func.func @transform_6(%arg0: i32) -> (i32, i32) {
    %c0_i32 = arith.constant 0 : i32
    %c0_i32_0 = arith.constant 0 : i32
    %c0_i32_1 = arith.constant 0 : i32
    return %c0_i32, %c0_i32_0 : i32, i32
  }
}

module attributes {stable_mosaic.version = 14 : i64} {
  func.func @_scatter_body(%arg0: i32, %arg1: memref<512x8xf32, #tpu.memory_space<vmem>>, %arg2: memref<512x512xf32, #tpu.memory_space<vmem>>, %arg3: memref<512x256xf32, #tpu.memory_space<vmem>>, %arg4: memref<256x256xf32, #tpu.memory_space<vmem>>, %arg5: memref<1x8xf32, #tpu.memory_space<vmem>>, %arg6: memref<512x1xi32, #tpu.memory_space<vmem>>, %arg7: memref<10752x256xf32, #tpu.memory_space<vmem>>, %arg8: memref<10752x8xf32, #tpu.memory_space<vmem>>) attributes {dimension_semantics = [#tpu.dimension_semantics<arbitrary>], iteration_bounds = array<i64: 320>, scalar_prefetch = 0 : i64, scratch_operands = 0 : i64, tpu.core_type = #tpu.core_type<tc>, window_params = [{transform_indices = @transform_0, window_bounds = array<i64: 512, 8>}, {transform_indices = @transform_1, window_bounds = array<i64: 512, 512>}, {transform_indices = @transform_2, window_bounds = array<i64: 512, 256>}, {pipeline_mode = #tpu.pipeline_mode<synchronous>, transform_indices = @transform_3, window_bounds = array<i64: 256, 256>}, {pipeline_mode = #tpu.pipeline_mode<synchronous>, transform_indices = @transform_4, window_bounds = array<i64: 1, 8>}, {transform_indices = @transform_5, window_bounds = array<i64: 512, 1>}, {pipeline_mode = #tpu.pipeline_mode<synchronous>, transform_indices = @transform_6, window_bounds = array<i64: 10752, 256>}, {pipeline_mode = #tpu.pipeline_mode<synchronous>, transform_indices = @transform_7, window_bounds = array<i64: 10752, 8>}]} {
    %eq3A = arith.constant 0 : i32
    %eq3A_0 = arith.cmpi eq, %arg0, %eq3A : i32
    %convert_element_type3A = arith.extui %eq3A_0 : i1 to i32
    %cond3A = arith.constant 0 : i32
    %cond3A_1 = arith.cmpi ne, %convert_element_type3A, %cond3A : i32
    scf.if %cond3A_1 {
      %broadcast_in_dim3A = arith.constant 0.000000e+00 : f32
      %broadcast_in_dim3A_107 = vector.broadcast %broadcast_in_dim3A : f32 to vector<10752x256xf32>
      %swap3A_108 = arith.constant 0 : index
      %swap3A_109 = arith.constant 0 : index
      %swap3A_110 = vector.load %arg7[%swap3A_108, %swap3A_109] : memref<10752x256xf32, #tpu.memory_space<vmem>>, vector<10752x256xf32>
      tpu.vector_store %arg7[%swap3A_108, %swap3A_109], %broadcast_in_dim3A_107 {strides = array<i32>} : memref<10752x256xf32, #tpu.memory_space<vmem>>, vector<10752x256xf32>,
      %broadcast_in_dim3A_111 = arith.constant 0.000000e+00 : f32
      %broadcast_in_dim3A_112 = vector.broadcast %broadcast_in_dim3A_111 : f32 to vector<10752x8xf32>
      %swap3A_113 = arith.constant 0 : index
      %swap3A_114 = arith.constant 0 : index
      %swap3A_115 = vector.load %arg8[%swap3A_113, %swap3A_114] : memref<10752x8xf32, #tpu.memory_space<vmem>>, vector<10752x8xf32>
      tpu.vector_store %arg8[%swap3A_113, %swap3A_114], %broadcast_in_dim3A_112 {strides = array<i32>} : memref<10752x8xf32, #tpu.memory_space<vmem>>, vector<10752x8xf32>,
    } else {
    }
    %get3A = arith.constant 0 : index
    %get3A_2 = arith.constant 0 : index
    %get3A_3 = vector.load %arg6[%get3A, %get3A_2] : memref<512x1xi32, #tpu.memory_space<vmem>>, vector<512x1xi32>
    %get3A_4 = arith.constant 0 : index
    %get3A_5 = arith.constant 0 : index
    %get3A_6 = vector.load %arg6[%get3A_4, %get3A_5] : memref<512x1xi32, #tpu.memory_space<vmem>>, vector<1x1xi32>
    %get3A_7 = vector.extract %get3A_6[0, 0] : i32 from vector<1x1xi32>
    %jit3A = arith.constant 8 : i32
    %div3A = arith.divsi %get3A_7, %jit3A : i32
    %sign3A = arith.constant 0 : i32
    %sign3A_8 = arith.cmpi sgt, %get3A_7, %sign3A : i32
    %sign3A_9 = arith.extui %sign3A_8 : i1 to i32
    %sign3A_10 = arith.constant 0 : i32
    %sign3A_11 = arith.cmpi slt, %get3A_7, %sign3A_10 : i32
    %sign3A_12 = arith.extui %sign3A_11 : i1 to i32
    %sign3A_13 = arith.subi %sign3A_9, %sign3A_12 : i32
    %sign3A_14 = arith.constant 0 : i32
    %sign3A_15 = arith.cmpi sgt, %jit3A, %sign3A_14 : i32
    %sign3A_16 = arith.extui %sign3A_15 : i1 to i32
    %sign3A_17 = arith.constant 0 : i32
    %sign3A_18 = arith.cmpi slt, %jit3A, %sign3A_17 : i32
    %sign3A_19 = arith.extui %sign3A_18 : i1 to i32
    %sign3A_20 = arith.subi %sign3A_16, %sign3A_19 : i32
    %ne3A = arith.cmpi ne, %sign3A_13, %sign3A_20 : i32
    %rem3A = arith.remsi %get3A_7, %jit3A : i32
    %ne3A_21 = arith.constant 0 : i32
    %ne3A_22 = arith.cmpi ne, %rem3A, %ne3A_21 : i32
    %and3A = arith.andi %ne3A, %ne3A_22 : i1
    %sub3A = arith.constant 1 : i32
    %sub3A_23 = arith.subi %div3A, %sub3A : i32
    %select_n3A = arith.select %and3A, %sub3A_23, %div3A : i32
    %mul3A = arith.constant 8 : i32
    %mul3A_24 = arith.muli %select_n3A, %mul3A : i32
    %sub3A_25 = vector.broadcast %mul3A_24 : i32 to vector<512x1xi32>
    %sub3A_26 = arith.subi %get3A_3, %sub3A_25 : vector<512x1xi32>
    %iota3A = tpu.iota {dimensions = array<i32: 1>} : vector<512x528xi32>
    %eq3A_27 = vector.broadcast %sub3A_26 : vector<512x1xi32> to vector<512x528xi32>
    %eq3A_28 = arith.cmpi eq, %eq3A_27, %iota3A : vector<512x528xi32>
    %convert_element_type3A_29 = arith.extui %eq3A_28 : vector<512x528xi1> to vector<512x528xi32>
    %convert_element_type3A_30 = arith.sitofp %convert_element_type3A_29 : vector<512x528xi32> to vector<512x528xf32>
    %get3A_31 = arith.constant 0 : index
    %get3A_32 = arith.constant 0 : index
    %get3A_33 = vector.load %arg1[%get3A_31, %get3A_32] : memref<512x8xf32, #tpu.memory_space<vmem>>, vector<512x8xf32>
    %get3A_34 = arith.constant 0 : index
    %get3A_35 = arith.constant 0 : index
    %get3A_36 = vector.load %arg5[%get3A_34, %get3A_35] : memref<1x8xf32, #tpu.memory_space<vmem>>, vector<1x8xf32>
    %sub3A_37 = vector.broadcast %get3A_36 : vector<1x8xf32> to vector<512x8xf32>
    %sub3A_38 = arith.subf %get3A_33, %sub3A_37 : vector<512x8xf32>
    %exp3A = math.exp %sub3A_38 : vector<512x8xf32>
    %iota3A_39 = tpu.iota {dimensions = array<i32: 0>} : vector<256x8xi32>
    %iota3A_40 = tpu.iota {dimensions = array<i32: 1>} : vector<256x8xi32>
    %jit3A_41 = arith.constant 32 : i32
    %div3A_42 = vector.broadcast %jit3A_41 : i32 to vector<256x8xi32>
    %div3A_43 = arith.divsi %iota3A_39, %div3A_42 : vector<256x8xi32>
    %sign3A_44 = arith.constant 0 : i32
    %sign3A_45 = vector.broadcast %sign3A_44 : i32 to vector<256x8xi32>
    %sign3A_46 = arith.cmpi sgt, %iota3A_39, %sign3A_45 : vector<256x8xi32>
    %sign3A_47 = arith.extui %sign3A_46 : vector<256x8xi1> to vector<256x8xi32>
    %sign3A_48 = arith.constant 0 : i32
    %sign3A_49 = vector.broadcast %sign3A_48 : i32 to vector<256x8xi32>
    %sign3A_50 = arith.cmpi slt, %iota3A_39, %sign3A_49 : vector<256x8xi32>
    %sign3A_51 = arith.extui %sign3A_50 : vector<256x8xi1> to vector<256x8xi32>
    %sign3A_52 = arith.subi %sign3A_47, %sign3A_51 : vector<256x8xi32>
    %sign3A_53 = arith.constant 0 : i32
    %sign3A_54 = arith.cmpi sgt, %jit3A_41, %sign3A_53 : i32
    %sign3A_55 = arith.extui %sign3A_54 : i1 to i32
    %sign3A_56 = arith.constant 0 : i32
    %sign3A_57 = arith.cmpi slt, %jit3A_41, %sign3A_56 : i32
    %sign3A_58 = arith.extui %sign3A_57 : i1 to i32
    %sign3A_59 = arith.subi %sign3A_55, %sign3A_58 : i32
    %ne3A_60 = vector.broadcast %sign3A_59 : i32 to vector<256x8xi32>
    %ne3A_61 = arith.cmpi ne, %sign3A_52, %ne3A_60 : vector<256x8xi32>
    %rem3A_62 = vector.broadcast %jit3A_41 : i32 to vector<256x8xi32>
    %rem3A_63 = arith.remsi %iota3A_39, %rem3A_62 : vector<256x8xi32>
    %ne3A_64 = arith.constant 0 : i32
    %ne3A_65 = vector.broadcast %ne3A_64 : i32 to vector<256x8xi32>
    %ne3A_66 = arith.cmpi ne, %rem3A_63, %ne3A_65 : vector<256x8xi32>
    %and3A_67 = arith.andi %ne3A_61, %ne3A_66 : vector<256x8xi1>
    %sub3A_68 = arith.constant 1 : i32
    %sub3A_69 = vector.broadcast %sub3A_68 : i32 to vector<256x8xi32>
    %sub3A_70 = arith.subi %div3A_43, %sub3A_69 : vector<256x8xi32>
    %select_n3A_71 = arith.select %and3A_67, %sub3A_70, %div3A_43 : vector<256x8xi1>, vector<256x8xi32>
    %eq3A_72 = arith.cmpi eq, %select_n3A_71, %iota3A_40 : vector<256x8xi32>
    %convert_element_type3A_73 = arith.extui %eq3A_72 : vector<256x8xi1> to vector<256x8xi32>
    %convert_element_type3A_74 = arith.sitofp %convert_element_type3A_73 : vector<256x8xi32> to vector<256x8xf32>
    %get3A_75 = arith.constant 0 : index
    %get3A_76 = arith.constant 0 : index
    %get3A_77 = vector.load %arg3[%get3A_75, %get3A_76] : memref<512x256xf32, #tpu.memory_space<vmem>>, vector<512x256xf32>
    %get3A_78 = arith.constant 0 : index
    %get3A_79 = arith.constant 0 : index
    %get3A_80 = vector.load %arg4[%get3A_78, %get3A_79] : memref<256x256xf32, #tpu.memory_space<vmem>>, vector<256x256xf32>
    %dot_general3A = arith.constant dense<0.000000e+00> : vector<512x256xf32>
    %dot_general3A_81 = tpu.matmul %get3A_77, %get3A_80, %dot_general3A {dimension_numbers = #tpu.dot_dimension_numbers<[1], [0], [0], [1], [0, 0, 1, 1], [], []>, transpose_lhs_hint = false} : vector<512x256xf32>, vector<256x256xf32>, vector<512x256xf32> -> vector<512x256xf32>
    %get3A_82 = arith.constant 0 : index
    %get3A_83 = arith.constant 256 : index
    %get3A_84 = vector.load %arg2[%get3A_82, %get3A_83] : memref<512x512xf32, #tpu.memory_space<vmem>>, vector<512x256xf32>
    %add3A = arith.addf %get3A_84, %dot_general3A_81 : vector<512x256xf32>
    %transpose3A = tpu.transpose %convert_element_type3A_74, [1, 0] : vector<256x8xf32> -> vector<8x256xf32>
    %dot_general3A_85 = arith.constant dense<0.000000e+00> : vector<512x256xf32>
    %dot_general3A_86 = tpu.matmul %exp3A, %transpose3A, %dot_general3A_85 {dimension_numbers = #tpu.dot_dimension_numbers<[1], [0], [0], [1], [0, 0, 1, 1], [], []>, transpose_lhs_hint = false} : vector<512x8xf32>, vector<8x256xf32>, vector<512x256xf32> -> vector<512x256xf32>
    %transpose3A_87 = tpu.transpose %convert_element_type3A_30, [1, 0] : vector<512x528xf32> -> vector<528x512xf32>
    %mul3A_88 = arith.mulf %add3A, %dot_general3A_86 : vector<512x256xf32>
    %dot_general3A_89 = arith.constant dense<0.000000e+00> : vector<528x256xf32>
    %dot_general3A_90 = tpu.matmul %transpose3A_87, %mul3A_88, %dot_general3A_89 {dimension_numbers = #tpu.dot_dimension_numbers<[1], [0], [0], [1], [0, 0, 1, 1], [], []>, transpose_lhs_hint = false} : vector<528x512xf32>, vector<512x256xf32>, vector<528x256xf32> -> vector<528x256xf32>
    %transpose3A_91 = tpu.transpose %convert_element_type3A_30, [1, 0] : vector<512x528xf32> -> vector<528x512xf32>
    %dot_general3A_92 = arith.constant dense<0.000000e+00> : vector<528x8xf32>
    %dot_general3A_93 = tpu.matmul %transpose3A_91, %exp3A, %dot_general3A_92 {dimension_numbers = #tpu.dot_dimension_numbers<[1], [0], [0], [1], [0, 0, 1, 1], [], []>, transpose_lhs_hint = false} : vector<528x512xf32>, vector<512x8xf32>, vector<528x8xf32> -> vector<528x8xf32>
    %get3A_94 = arith.index_cast %mul3A_24 : i32 to index
    %get3A_95 = arith.constant 0 : index
    %get3A_96 = vector.load %arg7[%get3A_94, %get3A_95] : memref<10752x256xf32, #tpu.memory_space<vmem>>, vector<528x256xf32>
    %add3A_97 = arith.addf %get3A_96, %dot_general3A_90 : vector<528x256xf32>
    %swap3A = arith.index_cast %mul3A_24 : i32 to index
    %swap3A_98 = arith.constant 0 : index
    %swap3A_99 = vector.load %arg7[%swap3A, %swap3A_98] : memref<10752x256xf32, #tpu.memory_space<vmem>>, vector<528x256xf32>
    tpu.vector_store %arg7[%swap3A, %swap3A_98], %add3A_97 {strides = array<i32>} : memref<10752x256xf32, #tpu.memory_space<vmem>>, vector<528x256xf32>,
    %get3A_100 = arith.index_cast %mul3A_24 : i32 to index
    %get3A_101 = arith.constant 0 : index
    %get3A_102 = vector.load %arg8[%get3A_100, %get3A_101] : memref<10752x8xf32, #tpu.memory_space<vmem>>, vector<528x8xf32>
    %add3A_103 = arith.addf %get3A_102, %dot_general3A_93 : vector<528x8xf32>
    %swap3A_104 = arith.index_cast %mul3A_24 : i32 to index
    %swap3A_105 = arith.constant 0 : index
    %swap3A_106 = vector.load %arg8[%swap3A_104, %swap3A_105] : memref<10752x8xf32, #tpu.memory_space<vmem>>, vector<528x8xf32>
    tpu.vector_store %arg8[%swap3A_104, %swap3A_105], %add3A_103 {strides = array<i32>} : memref<10752x8xf32, #tpu.memory_space<vmem>>, vector<528x8xf32>,
    return
  }
  func.func @transform_0(%arg0: i32) -> (i32, i32) {
    %c0_i32 = arith.constant 0 : i32
    %c0_i32_0 = arith.constant 0 : i32
    return %arg0, %c0_i32 : i32, i32
  }
  func.func @transform_1(%arg0: i32) -> (i32, i32) {
    %c0_i32 = arith.constant 0 : i32
    %c0_i32_0 = arith.constant 0 : i32
    return %arg0, %c0_i32 : i32, i32
  }
  func.func @transform_2(%arg0: i32) -> (i32, i32) {
    %c0_i32 = arith.constant 0 : i32
    %c0_i32_0 = arith.constant 0 : i32
    return %arg0, %c0_i32 : i32, i32
  }
  func.func @transform_3(%arg0: i32) -> (i32, i32) {
    %c0_i32 = arith.constant 0 : i32
    %c0_i32_0 = arith.constant 0 : i32
    %c0_i32_1 = arith.constant 0 : i32
    return %c0_i32, %c0_i32_0 : i32, i32
  }
  func.func @transform_4(%arg0: i32) -> (i32, i32) {
    %c0_i32 = arith.constant 0 : i32
    %c0_i32_0 = arith.constant 0 : i32
    %c0_i32_1 = arith.constant 0 : i32
    return %c0_i32, %c0_i32_0 : i32, i32
  }
  func.func @transform_5(%arg0: i32) -> (i32, i32) {
    %c0_i32 = arith.constant 0 : i32
    %c0_i32_0 = arith.constant 0 : i32
    return %arg0, %c0_i32 : i32, i32
  }
  func.func @transform_6(%arg0: i32) -> (i32, i32) {
    %c0_i32 = arith.constant 0 : i32
    %c0_i32_0 = arith.constant 0 : i32
    %c0_i32_1 = arith.constant 0 : i32
    return %c0_i32, %c0_i32_0 : i32, i32
  }
  func.func @transform_7(%arg0: i32) -> (i32, i32) {
    %c0_i32 = arith.constant 0 : i32
    %c0_i32_0 = arith.constant 0 : i32
    %c0_i32_1 = arith.constant 0 : i32
    return %c0_i32, %c0_i32_0 : i32, i32
  }
}

module attributes {stable_mosaic.version = 14 : i64} {
  func.func @_combine_body(%arg0: i32, %arg1: memref<512x256xf32, #tpu.memory_space<vmem>>, %arg2: memref<512x256xf32, #tpu.memory_space<vmem>>, %arg3: memref<512x8xf32, #tpu.memory_space<vmem>>, %arg4: memref<512x256xf32, #tpu.memory_space<vmem>>, %arg5: memref<1x1xf32, #tpu.memory_space<vmem>>, %arg6: memref<1x256xf32, #tpu.memory_space<vmem>>, %arg7: memref<1x256xf32, #tpu.memory_space<vmem>>, %arg8: memref<256x1024xf32, #tpu.memory_space<vmem>>, %arg9: memref<1x1024xf32, #tpu.memory_space<vmem>>, %arg10: memref<1024x256xf32, #tpu.memory_space<vmem>>, %arg11: memref<1x256xf32, #tpu.memory_space<vmem>>, %arg12: memref<512x256xf32, #tpu.memory_space<vmem>>) attributes {dimension_semantics = [#tpu.dimension_semantics<arbitrary>], iteration_bounds = array<i64: 21>, scalar_prefetch = 0 : i64, scratch_operands = 0 : i64, tpu.core_type = #tpu.core_type<tc>, window_params = [{transform_indices = @transform_0, window_bounds = array<i64: 512, 256>}, {transform_indices = @transform_1, window_bounds = array<i64: 512, 256>}, {transform_indices = @transform_2, window_bounds = array<i64: 512, 8>}, {transform_indices = @transform_3, window_bounds = array<i64: 512, 256>}, {pipeline_mode = #tpu.pipeline_mode<synchronous>, transform_indices = @transform_4, window_bounds = array<i64: 1, 1>}, {pipeline_mode = #tpu.pipeline_mode<synchronous>, transform_indices = @transform_5, window_bounds = array<i64: 1, 256>}, {pipeline_mode = #tpu.pipeline_mode<synchronous>, transform_indices = @transform_6, window_bounds = array<i64: 1, 256>}, {pipeline_mode = #tpu.pipeline_mode<synchronous>, transform_indices = @transform_7, window_bounds = array<i64: 256, 1024>}, {pipeline_mode = #tpu.pipeline_mode<synchronous>, transform_indices = @transform_8, window_bounds = array<i64: 1, 1024>}, {pipeline_mode = #tpu.pipeline_mode<synchronous>, transform_indices = @transform_9, window_bounds = array<i64: 1024, 256>}, {pipeline_mode = #tpu.pipeline_mode<synchronous>, transform_indices = @transform_10, window_bounds = array<i64: 1, 256>}, {transform_indices = @transform_11, window_bounds = array<i64: 512, 256>}]} {
    %iota3A = tpu.iota {dimensions = array<i32: 0>} : vector<256x8xi32>
    %iota3A_0 = tpu.iota {dimensions = array<i32: 1>} : vector<256x8xi32>
    %jit3A = arith.constant 32 : i32
    %div3A = vector.broadcast %jit3A : i32 to vector<256x8xi32>
    %div3A_1 = arith.divsi %iota3A, %div3A : vector<256x8xi32>
    %sign3A = arith.constant 0 : i32
    %sign3A_2 = vector.broadcast %sign3A : i32 to vector<256x8xi32>
    %sign3A_3 = arith.cmpi sgt, %iota3A, %sign3A_2 : vector<256x8xi32>
    %sign3A_4 = arith.extui %sign3A_3 : vector<256x8xi1> to vector<256x8xi32>
    %sign3A_5 = arith.constant 0 : i32
    %sign3A_6 = vector.broadcast %sign3A_5 : i32 to vector<256x8xi32>
    %sign3A_7 = arith.cmpi slt, %iota3A, %sign3A_6 : vector<256x8xi32>
    %sign3A_8 = arith.extui %sign3A_7 : vector<256x8xi1> to vector<256x8xi32>
    %sign3A_9 = arith.subi %sign3A_4, %sign3A_8 : vector<256x8xi32>
    %sign3A_10 = arith.constant 0 : i32
    %sign3A_11 = arith.cmpi sgt, %jit3A, %sign3A_10 : i32
    %sign3A_12 = arith.extui %sign3A_11 : i1 to i32
    %sign3A_13 = arith.constant 0 : i32
    %sign3A_14 = arith.cmpi slt, %jit3A, %sign3A_13 : i32
    %sign3A_15 = arith.extui %sign3A_14 : i1 to i32
    %sign3A_16 = arith.subi %sign3A_12, %sign3A_15 : i32
    %ne3A = vector.broadcast %sign3A_16 : i32 to vector<256x8xi32>
    %ne3A_17 = arith.cmpi ne, %sign3A_9, %ne3A : vector<256x8xi32>
    %rem3A = vector.broadcast %jit3A : i32 to vector<256x8xi32>
    %rem3A_18 = arith.remsi %iota3A, %rem3A : vector<256x8xi32>
    %ne3A_19 = arith.constant 0 : i32
    %ne3A_20 = vector.broadcast %ne3A_19 : i32 to vector<256x8xi32>
    %ne3A_21 = arith.cmpi ne, %rem3A_18, %ne3A_20 : vector<256x8xi32>
    %and3A = arith.andi %ne3A_17, %ne3A_21 : vector<256x8xi1>
    %sub3A = arith.constant 1 : i32
    %sub3A_22 = vector.broadcast %sub3A : i32 to vector<256x8xi32>
    %sub3A_23 = arith.subi %div3A_1, %sub3A_22 : vector<256x8xi32>
    %select_n3A = arith.select %and3A, %sub3A_23, %div3A_1 : vector<256x8xi1>, vector<256x8xi32>
    %eq3A = arith.cmpi eq, %select_n3A, %iota3A_0 : vector<256x8xi32>
    %convert_element_type3A = arith.extui %eq3A : vector<256x8xi1> to vector<256x8xi32>
    %convert_element_type3A_24 = arith.sitofp %convert_element_type3A : vector<256x8xi32> to vector<256x8xf32>
    %get3A = arith.constant 0 : index
    %get3A_25 = arith.constant 0 : index
    %get3A_26 = vector.load %arg3[%get3A, %get3A_25] : memref<512x8xf32, #tpu.memory_space<vmem>>, vector<512x8xf32>
    %transpose3A = tpu.transpose %convert_element_type3A_24, [1, 0] : vector<256x8xf32> -> vector<8x256xf32>
    %dot_general3A = arith.constant dense<0.000000e+00> : vector<512x256xf32>
    %dot_general3A_27 = tpu.matmul %get3A_26, %transpose3A, %dot_general3A {dimension_numbers = #tpu.dot_dimension_numbers<[1], [0], [0], [1], [0, 0, 1, 1], [], []>, transpose_lhs_hint = false} : vector<512x8xf32>, vector<8x256xf32>, vector<512x256xf32> -> vector<512x256xf32>
    %get3A_28 = arith.constant 0 : index
    %get3A_29 = arith.constant 0 : index
    %get3A_30 = vector.load %arg2[%get3A_28, %get3A_29] : memref<512x256xf32, #tpu.memory_space<vmem>>, vector<512x256xf32>
    %add3A = arith.constant 1.000000e-16 : f32
    %add3A_31 = vector.broadcast %add3A : f32 to vector<512x256xf32>
    %add3A_32 = arith.addf %dot_general3A_27, %add3A_31 : vector<512x256xf32>
    %div3A_33 = arith.divf %get3A_30, %add3A_32 : vector<512x256xf32>
    %get3A_34 = arith.constant 0 : index
    %get3A_35 = arith.constant 0 : index
    %get3A_36 = vector.load %arg4[%get3A_34, %get3A_35] : memref<512x256xf32, #tpu.memory_space<vmem>>, vector<512x256xf32>
    %add3A_37 = arith.addf %div3A_33, %get3A_36 : vector<512x256xf32>
    %get3A_38 = arith.constant 0 : index
    %get3A_39 = arith.constant 0 : index
    %get3A_40 = vector.load %arg1[%get3A_38, %get3A_39] : memref<512x256xf32, #tpu.memory_space<vmem>>, vector<512x256xf32>
    %get3A_41 = arith.constant 0 : index
    %get3A_42 = arith.constant 0 : index
    %get3A_43 = vector.load %arg5[%get3A_41, %get3A_42] : memref<1x1xf32, #tpu.memory_space<vmem>>, vector<1x1xf32>
    %get3A_44 = vector.extract %get3A_43[0, 0] : f32 from vector<1x1xf32>
    %mul3A = vector.broadcast %get3A_44 : f32 to vector<512x256xf32>
    %mul3A_45 = arith.mulf %mul3A, %add3A_37 : vector<512x256xf32>
    %add3A_46 = arith.addf %get3A_40, %mul3A_45 : vector<512x256xf32>
    %get3A_47 = arith.constant 0 : index
    %get3A_48 = arith.constant 0 : index
    %get3A_49 = vector.load %arg6[%get3A_47, %get3A_48] : memref<1x256xf32, #tpu.memory_space<vmem>>, vector<1x256xf32>
    %get3A_50 = arith.constant 0 : index
    %get3A_51 = arith.constant 0 : index
    %get3A_52 = vector.load %arg7[%get3A_50, %get3A_51] : memref<1x256xf32, #tpu.memory_space<vmem>>, vector<1x256xf32>
    %reduce_sum3A = arith.constant dense<0.000000e+00> : vector<512xf32>
    %reduce_sum3A_53 = vector.multi_reduction <add>, %add3A_46, %reduce_sum3A [1] : vector<512x256xf32> to vector<512xf32>
    %broadcast_in_dim3A = vector.shape_cast %reduce_sum3A_53 : vector<512xf32> to vector<512x1xf32>
    %div3A_54 = arith.constant 2.560000e+02 : f32
    %div3A_55 = vector.broadcast %div3A_54 : f32 to vector<512x1xf32>
    %div3A_56 = arith.divf %broadcast_in_dim3A, %div3A_55 : vector<512x1xf32>
    %sub3A_57 = vector.broadcast %div3A_56 : vector<512x1xf32> to vector<512x256xf32>
    %sub3A_58 = arith.subf %add3A_46, %sub3A_57 : vector<512x256xf32>
    %integer_pow3A = arith.mulf %sub3A_58, %sub3A_58 : vector<512x256xf32>
    %reduce_sum3A_59 = arith.constant dense<0.000000e+00> : vector<512xf32>
    %reduce_sum3A_60 = vector.multi_reduction <add>, %integer_pow3A, %reduce_sum3A_59 [1] : vector<512x256xf32> to vector<512xf32>
    %broadcast_in_dim3A_61 = vector.shape_cast %reduce_sum3A_60 : vector<512xf32> to vector<512x1xf32>
    %div3A_62 = arith.constant 2.560000e+02 : f32
    %div3A_63 = vector.broadcast %div3A_62 : f32 to vector<512x1xf32>
    %div3A_64 = arith.divf %broadcast_in_dim3A_61, %div3A_63 : vector<512x1xf32>
    %sub3A_65 = vector.broadcast %div3A_56 : vector<512x1xf32> to vector<512x256xf32>
    %sub3A_66 = arith.subf %add3A_46, %sub3A_65 : vector<512x256xf32>
    %add3A_67 = arith.constant 9.99999974E-6 : f32
    %add3A_68 = vector.broadcast %add3A_67 : f32 to vector<512x1xf32>
    %add3A_69 = arith.addf %div3A_64, %add3A_68 : vector<512x1xf32>
    %rsqrt3A = math.rsqrt %add3A_69 : vector<512x1xf32>
    %mul3A_70 = vector.broadcast %rsqrt3A : vector<512x1xf32> to vector<512x256xf32>
    %mul3A_71 = arith.mulf %sub3A_66, %mul3A_70 : vector<512x256xf32>
    %mul3A_72 = vector.broadcast %get3A_49 : vector<1x256xf32> to vector<512x256xf32>
    %mul3A_73 = arith.mulf %mul3A_71, %mul3A_72 : vector<512x256xf32>
    %add3A_74 = vector.broadcast %get3A_52 : vector<1x256xf32> to vector<512x256xf32>
    %add3A_75 = arith.addf %mul3A_73, %add3A_74 : vector<512x256xf32>
    %get3A_76 = arith.constant 0 : index
    %get3A_77 = arith.constant 0 : index
    %get3A_78 = vector.load %arg8[%get3A_76, %get3A_77] : memref<256x1024xf32, #tpu.memory_space<vmem>>, vector<256x1024xf32>
    %dot_general3A_79 = arith.constant dense<0.000000e+00> : vector<512x1024xf32>
    %dot_general3A_80 = tpu.matmul %add3A_75, %get3A_78, %dot_general3A_79 {dimension_numbers = #tpu.dot_dimension_numbers<[1], [0], [0], [1], [0, 0, 1, 1], [], []>, transpose_lhs_hint = false} : vector<512x256xf32>, vector<256x1024xf32>, vector<512x1024xf32> -> vector<512x1024xf32>
    %get3A_81 = arith.constant 0 : index
    %get3A_82 = arith.constant 0 : index
    %get3A_83 = vector.load %arg9[%get3A_81, %get3A_82] : memref<1x1024xf32, #tpu.memory_space<vmem>>, vector<1x1024xf32>
    %add3A_84 = vector.broadcast %get3A_83 : vector<1x1024xf32> to vector<512x1024xf32>
    %add3A_85 = arith.addf %dot_general3A_80, %add3A_84 : vector<512x1024xf32>
    %logistic3A = arith.negf %add3A_85 : vector<512x1024xf32>
    %logistic3A_86 = math.exp %logistic3A : vector<512x1024xf32>
    %logistic3A_87 = arith.constant 1.000000e+00 : f32
    %logistic3A_88 = vector.broadcast %logistic3A_87 : f32 to vector<512x1024xf32>
    %logistic3A_89 = arith.addf %logistic3A_88, %logistic3A_86 : vector<512x1024xf32>
    %logistic3A_90 = arith.divf %logistic3A_88, %logistic3A_89 : vector<512x1024xf32>
    %mul3A_91 = arith.mulf %add3A_85, %logistic3A_90 : vector<512x1024xf32>
    %get3A_92 = arith.constant 0 : index
    %get3A_93 = arith.constant 0 : index
    %get3A_94 = vector.load %arg10[%get3A_92, %get3A_93] : memref<1024x256xf32, #tpu.memory_space<vmem>>, vector<1024x256xf32>
    %dot_general3A_95 = arith.constant dense<0.000000e+00> : vector<512x256xf32>
    %dot_general3A_96 = tpu.matmul %mul3A_91, %get3A_94, %dot_general3A_95 {dimension_numbers = #tpu.dot_dimension_numbers<[1], [0], [0], [1], [0, 0, 1, 1], [], []>, transpose_lhs_hint = false} : vector<512x1024xf32>, vector<1024x256xf32>, vector<512x256xf32> -> vector<512x256xf32>
    %get3A_97 = arith.constant 0 : index
    %get3A_98 = arith.constant 0 : index
    %get3A_99 = vector.load %arg11[%get3A_97, %get3A_98] : memref<1x256xf32, #tpu.memory_space<vmem>>, vector<1x256xf32>
    %add3A_100 = vector.broadcast %get3A_99 : vector<1x256xf32> to vector<512x256xf32>
    %add3A_101 = arith.addf %dot_general3A_96, %add3A_100 : vector<512x256xf32>
    %add3A_102 = arith.addf %add3A_46, %add3A_101 : vector<512x256xf32>
    %swap3A = arith.constant 0 : index
    %swap3A_103 = arith.constant 0 : index
    %swap3A_104 = vector.load %arg12[%swap3A, %swap3A_103] : memref<512x256xf32, #tpu.memory_space<vmem>>, vector<512x256xf32>
    tpu.vector_store %arg12[%swap3A, %swap3A_103], %add3A_102 {strides = array<i32>} : memref<512x256xf32, #tpu.memory_space<vmem>>, vector<512x256xf32>,
    return
  }
  func.func @transform_0(%arg0: i32) -> (i32, i32) {
    %c0_i32 = arith.constant 0 : i32
    %c0_i32_0 = arith.constant 0 : i32
    return %arg0, %c0_i32 : i32, i32
  }
  func.func @transform_1(%arg0: i32) -> (i32, i32) {
    %c0_i32 = arith.constant 0 : i32
    %c0_i32_0 = arith.constant 0 : i32
    return %arg0, %c0_i32 : i32, i32
  }
  func.func @transform_2(%arg0: i32) -> (i32, i32) {
    %c0_i32 = arith.constant 0 : i32
    %c0_i32_0 = arith.constant 0 : i32
    return %arg0, %c0_i32 : i32, i32
  }
  func.func @transform_3(%arg0: i32) -> (i32, i32) {
    %c0_i32 = arith.constant 0 : i32
    %c0_i32_0 = arith.constant 0 : i32
    return %arg0, %c0_i32 : i32, i32
  }
  func.func @transform_4(%arg0: i32) -> (i32, i32) {
    %c0_i32 = arith.constant 0 : i32
    %c0_i32_0 = arith.constant 0 : i32
    %c0_i32_1 = arith.constant 0 : i32
    return %c0_i32, %c0_i32_0 : i32, i32
  }
  func.func @transform_5(%arg0: i32) -> (i32, i32) {
    %c0_i32 = arith.constant 0 : i32
    %c0_i32_0 = arith.constant 0 : i32
    %c0_i32_1 = arith.constant 0 : i32
    return %c0_i32, %c0_i32_0 : i32, i32
  }
  func.func @transform_6(%arg0: i32) -> (i32, i32) {
    %c0_i32 = arith.constant 0 : i32
    %c0_i32_0 = arith.constant 0 : i32
    %c0_i32_1 = arith.constant 0 : i32
    return %c0_i32, %c0_i32_0 : i32, i32
  }
  func.func @transform_7(%arg0: i32) -> (i32, i32) {
    %c0_i32 = arith.constant 0 : i32
    %c0_i32_0 = arith.constant 0 : i32
    %c0_i32_1 = arith.constant 0 : i32
    return %c0_i32, %c0_i32_0 : i32, i32
  }
  func.func @transform_8(%arg0: i32) -> (i32, i32) {
    %c0_i32 = arith.constant 0 : i32
    %c0_i32_0 = arith.constant 0 : i32
    %c0_i32_1 = arith.constant 0 : i32
    return %c0_i32, %c0_i32_0 : i32, i32
  }
  func.func @transform_9(%arg0: i32) -> (i32, i32) {
    %c0_i32 = arith.constant 0 : i32
    %c0_i32_0 = arith.constant 0 : i32
    %c0_i32_1 = arith.constant 0 : i32
    return %c0_i32, %c0_i32_0 : i32, i32
  }
  func.func @transform_10(%arg0: i32) -> (i32, i32) {
    %c0_i32 = arith.constant 0 : i32
    %c0_i32_0 = arith.constant 0 : i32
    %c0_i32_1 = arith.constant 0 : i32
    return %c0_i32, %c0_i32_0 : i32, i32
  }
  func.func @transform_11(%arg0: i32) -> (i32, i32) {
    %c0_i32 = arith.constant 0 : i32
    %c0_i32_0 = arith.constant 0 : i32
    return %arg0, %c0_i32 : i32, i32
  }
}

module attributes {stable_mosaic.version = 14 : i64} {
  func.func @_head_body(%arg0: i32, %arg1: memref<512x256xf32, #tpu.memory_space<vmem>>, %arg2: memref<512x256xf32, #tpu.memory_space<vmem>>, %arg3: memref<512x256xf32, #tpu.memory_space<vmem>>, %arg4: memref<512x1xi32, #tpu.memory_space<vmem>>, %arg5: memref<256x256xf32, #tpu.memory_space<vmem>>, %arg6: memref<1x256xf32, #tpu.memory_space<vmem>>, %arg7: memref<256x8xf32, #tpu.memory_space<vmem>>, %arg8: memref<1x8xf32, #tpu.memory_space<vmem>>, %arg9: memref<256x256xf32, #tpu.memory_space<vmem>>, %arg10: memref<1x256xf32, #tpu.memory_space<vmem>>, %arg11: memref<256x8xf32, #tpu.memory_space<vmem>>, %arg12: memref<1x8xf32, #tpu.memory_space<vmem>>, %arg13: memref<512x256xf32, #tpu.memory_space<vmem>>, %arg14: memref<64x8xf32, #tpu.memory_space<vmem>>, %arg15: memref<512x8xf32, #tpu.memory_space<vmem>>) attributes {dimension_semantics = [#tpu.dimension_semantics<arbitrary>], iteration_bounds = array<i64: 21>, scalar_prefetch = 0 : i64, scratch_operands = 0 : i64, tpu.core_type = #tpu.core_type<tc>, window_params = [{transform_indices = @transform_0, window_bounds = array<i64: 512, 256>}, {transform_indices = @transform_1, window_bounds = array<i64: 512, 256>}, {transform_indices = @transform_2, window_bounds = array<i64: 512, 256>}, {transform_indices = @transform_3, window_bounds = array<i64: 512, 1>}, {pipeline_mode = #tpu.pipeline_mode<synchronous>, transform_indices = @transform_4, window_bounds = array<i64: 256, 256>}, {pipeline_mode = #tpu.pipeline_mode<synchronous>, transform_indices = @transform_5, window_bounds = array<i64: 1, 256>}, {pipeline_mode = #tpu.pipeline_mode<synchronous>, transform_indices = @transform_6, window_bounds = array<i64: 256, 8>}, {pipeline_mode = #tpu.pipeline_mode<synchronous>, transform_indices = @transform_7, window_bounds = array<i64: 1, 8>}, {pipeline_mode = #tpu.pipeline_mode<synchronous>, transform_indices = @transform_8, window_bounds = array<i64: 256, 256>}, {pipeline_mode = #tpu.pipeline_mode<synchronous>, transform_indices = @transform_9, window_bounds = array<i64: 1, 256>}, {pipeline_mode = #tpu.pipeline_mode<synchronous>, transform_indices = @transform_10, window_bounds = array<i64: 256, 8>}, {pipeline_mode = #tpu.pipeline_mode<synchronous>, transform_indices = @transform_11, window_bounds = array<i64: 1, 8>}, {transform_indices = @transform_12, window_bounds = array<i64: 512, 256>}, {pipeline_mode = #tpu.pipeline_mode<synchronous>, transform_indices = @transform_13, window_bounds = array<i64: 64, 8>}, {transform_indices = @transform_14, window_bounds = array<i64: 512, 8>}]} {
    %get3A = arith.constant 0 : index
    %get3A_0 = arith.constant 0 : index
    %get3A_1 = vector.load %arg1[%get3A, %get3A_0] : memref<512x256xf32, #tpu.memory_space<vmem>>, vector<512x256xf32>
    %get3A_2 = arith.constant 0 : index
    %get3A_3 = arith.constant 0 : index
    %get3A_4 = vector.load %arg2[%get3A_2, %get3A_3] : memref<512x256xf32, #tpu.memory_space<vmem>>, vector<512x256xf32>
    %add3A = arith.addf %get3A_1, %get3A_4 : vector<512x256xf32>
    %get3A_5 = arith.constant 0 : index
    %get3A_6 = arith.constant 0 : index
    %get3A_7 = vector.load %arg3[%get3A_5, %get3A_6] : memref<512x256xf32, #tpu.memory_space<vmem>>, vector<512x256xf32>
    %add3A_8 = arith.addf %add3A, %get3A_7 : vector<512x256xf32>
    %mul3A = arith.constant 0.333333343 : f32
    %mul3A_9 = vector.broadcast %mul3A : f32 to vector<512x256xf32>
    %mul3A_10 = arith.mulf %add3A_8, %mul3A_9 : vector<512x256xf32>
    %swap3A = arith.constant 0 : index
    %swap3A_11 = arith.constant 0 : index
    %swap3A_12 = vector.load %arg13[%swap3A, %swap3A_11] : memref<512x256xf32, #tpu.memory_space<vmem>>, vector<512x256xf32>
    tpu.vector_store %arg13[%swap3A, %swap3A_11], %mul3A_10 {strides = array<i32>} : memref<512x256xf32, #tpu.memory_space<vmem>>, vector<512x256xf32>,
    %get3A_13 = arith.constant 0 : index
    %get3A_14 = arith.constant 0 : index
    %get3A_15 = vector.load %arg5[%get3A_13, %get3A_14] : memref<256x256xf32, #tpu.memory_space<vmem>>, vector<256x256xf32>
    %dot_general3A = arith.constant dense<0.000000e+00> : vector<512x256xf32>
    %dot_general3A_16 = tpu.matmul %mul3A_10, %get3A_15, %dot_general3A {dimension_numbers = #tpu.dot_dimension_numbers<[1], [0], [0], [1], [0, 0, 1, 1], [], []>, transpose_lhs_hint = false} : vector<512x256xf32>, vector<256x256xf32>, vector<512x256xf32> -> vector<512x256xf32>
    %get3A_17 = arith.constant 0 : index
    %get3A_18 = arith.constant 0 : index
    %get3A_19 = vector.load %arg6[%get3A_17, %get3A_18] : memref<1x256xf32, #tpu.memory_space<vmem>>, vector<1x256xf32>
    %add3A_20 = vector.broadcast %get3A_19 : vector<1x256xf32> to vector<512x256xf32>
    %add3A_21 = arith.addf %dot_general3A_16, %add3A_20 : vector<512x256xf32>
    %logistic3A = arith.negf %add3A_21 : vector<512x256xf32>
    %logistic3A_22 = math.exp %logistic3A : vector<512x256xf32>
    %logistic3A_23 = arith.constant 1.000000e+00 : f32
    %logistic3A_24 = vector.broadcast %logistic3A_23 : f32 to vector<512x256xf32>
    %logistic3A_25 = arith.addf %logistic3A_24, %logistic3A_22 : vector<512x256xf32>
    %logistic3A_26 = arith.divf %logistic3A_24, %logistic3A_25 : vector<512x256xf32>
    %mul3A_27 = arith.mulf %add3A_21, %logistic3A_26 : vector<512x256xf32>
    %get3A_28 = arith.constant 0 : index
    %get3A_29 = arith.constant 0 : index
    %get3A_30 = vector.load %arg7[%get3A_28, %get3A_29] : memref<256x8xf32, #tpu.memory_space<vmem>>, vector<256x8xf32>
    %dot_general3A_31 = arith.constant dense<0.000000e+00> : vector<512x8xf32>
    %dot_general3A_32 = tpu.matmul %mul3A_27, %get3A_30, %dot_general3A_31 {dimension_numbers = #tpu.dot_dimension_numbers<[1], [0], [0], [1], [0, 0, 1, 1], [], []>, transpose_lhs_hint = false} : vector<512x256xf32>, vector<256x8xf32>, vector<512x8xf32> -> vector<512x8xf32>
    %get3A_33 = arith.constant 0 : index
    %get3A_34 = arith.constant 0 : index
    %get3A_35 = vector.load %arg8[%get3A_33, %get3A_34] : memref<1x8xf32, #tpu.memory_space<vmem>>, vector<1x8xf32>
    %add3A_36 = vector.broadcast %get3A_35 : vector<1x8xf32> to vector<512x8xf32>
    %add3A_37 = arith.addf %dot_general3A_32, %add3A_36 : vector<512x8xf32>
    %mul3A_38 = arith.constant 512 : i32
    %mul3A_39 = arith.muli %arg0, %mul3A_38 : i32
    %iota3A = tpu.iota {dimensions = array<i32: 0>} : vector<512x8xi32>
    %add3A_40 = vector.broadcast %mul3A_39 : i32 to vector<512x8xi32>
    %add3A_41 = arith.addi %add3A_40, %iota3A : vector<512x8xi32>
    %lt3A = arith.constant 10000 : i32
    %lt3A_42 = vector.broadcast %lt3A : i32 to vector<512x8xi32>
    %lt3A_43 = arith.cmpi slt, %add3A_41, %lt3A_42 : vector<512x8xi32>
    %jit3A = arith.constant 0.000000e+00 : f32
    %broadcast_in_dim3A = vector.broadcast %jit3A : f32 to vector<512x8xf32>
    %select_n3A = arith.select %lt3A_43, %add3A_37, %broadcast_in_dim3A : vector<512x8xi1>, vector<512x8xf32>
    %get3A_44 = arith.constant 0 : index
    %get3A_45 = arith.constant 0 : index
    %get3A_46 = vector.load %arg4[%get3A_44, %get3A_45] : memref<512x1xi32, #tpu.memory_space<vmem>>, vector<512x1xi32>
    %iota3A_47 = tpu.iota {dimensions = array<i32: 1>} : vector<512x64xi32>
    %eq3A = vector.broadcast %get3A_46 : vector<512x1xi32> to vector<512x64xi32>
    %eq3A_48 = arith.cmpi eq, %eq3A, %iota3A_47 : vector<512x64xi32>
    %convert_element_type3A = arith.extui %eq3A_48 : vector<512x64xi1> to vector<512x64xi32>
    %convert_element_type3A_49 = arith.sitofp %convert_element_type3A : vector<512x64xi32> to vector<512x64xf32>
    %eq3A_50 = arith.constant 0 : i32
    %eq3A_51 = arith.cmpi eq, %arg0, %eq3A_50 : i32
    %convert_element_type3A_52 = arith.extui %eq3A_51 : i1 to i32
    %cond3A = arith.constant 0 : i32
    %cond3A_53 = arith.cmpi ne, %convert_element_type3A_52, %cond3A : i32
    scf.if %cond3A_53 {
      %broadcast_in_dim3A_93 = arith.constant 0.000000e+00 : f32
      %broadcast_in_dim3A_94 = vector.broadcast %broadcast_in_dim3A_93 : f32 to vector<64x8xf32>
      %swap3A_95 = arith.constant 0 : index
      %swap3A_96 = arith.constant 0 : index
      %swap3A_97 = vector.load %arg14[%swap3A_95, %swap3A_96] : memref<64x8xf32, #tpu.memory_space<vmem>>, vector<64x8xf32>
      tpu.vector_store %arg14[%swap3A_95, %swap3A_96], %broadcast_in_dim3A_94 {strides = array<i32>} : memref<64x8xf32, #tpu.memory_space<vmem>>, vector<64x8xf32>,
    } else {
    }
    %get3A_54 = arith.constant 0 : index
    %get3A_55 = arith.constant 0 : index
    %get3A_56 = vector.load %arg14[%get3A_54, %get3A_55] : memref<64x8xf32, #tpu.memory_space<vmem>>, vector<64x8xf32>
    %transpose3A = tpu.transpose %convert_element_type3A_49, [1, 0] : vector<512x64xf32> -> vector<64x512xf32>
    %dot_general3A_57 = arith.constant dense<0.000000e+00> : vector<64x8xf32>
    %dot_general3A_58 = tpu.matmul %transpose3A, %select_n3A, %dot_general3A_57 {dimension_numbers = #tpu.dot_dimension_numbers<[1], [0], [0], [1], [0, 0, 1, 1], [], []>, transpose_lhs_hint = false} : vector<64x512xf32>, vector<512x8xf32>, vector<64x8xf32> -> vector<64x8xf32>
    %add3A_59 = arith.addf %get3A_56, %dot_general3A_58 : vector<64x8xf32>
    %swap3A_60 = arith.constant 0 : index
    %swap3A_61 = arith.constant 0 : index
    %swap3A_62 = vector.load %arg14[%swap3A_60, %swap3A_61] : memref<64x8xf32, #tpu.memory_space<vmem>>, vector<64x8xf32>
    tpu.vector_store %arg14[%swap3A_60, %swap3A_61], %add3A_59 {strides = array<i32>} : memref<64x8xf32, #tpu.memory_space<vmem>>, vector<64x8xf32>,
    %get3A_63 = arith.constant 0 : index
    %get3A_64 = arith.constant 0 : index
    %get3A_65 = vector.load %arg9[%get3A_63, %get3A_64] : memref<256x256xf32, #tpu.memory_space<vmem>>, vector<256x256xf32>
    %dot_general3A_66 = arith.constant dense<0.000000e+00> : vector<512x256xf32>
    %dot_general3A_67 = tpu.matmul %mul3A_10, %get3A_65, %dot_general3A_66 {dimension_numbers = #tpu.dot_dimension_numbers<[1], [0], [0], [1], [0, 0, 1, 1], [], []>, transpose_lhs_hint = false} : vector<512x256xf32>, vector<256x256xf32>, vector<512x256xf32> -> vector<512x256xf32>
    %get3A_68 = arith.constant 0 : index
    %get3A_69 = arith.constant 0 : index
    %get3A_70 = vector.load %arg10[%get3A_68, %get3A_69] : memref<1x256xf32, #tpu.memory_space<vmem>>, vector<1x256xf32>
    %add3A_71 = vector.broadcast %get3A_70 : vector<1x256xf32> to vector<512x256xf32>
    %add3A_72 = arith.addf %dot_general3A_67, %add3A_71 : vector<512x256xf32>
    %logistic3A_73 = arith.negf %add3A_72 : vector<512x256xf32>
    %logistic3A_74 = math.exp %logistic3A_73 : vector<512x256xf32>
    %logistic3A_75 = arith.constant 1.000000e+00 : f32
    %logistic3A_76 = vector.broadcast %logistic3A_75 : f32 to vector<512x256xf32>
    %logistic3A_77 = arith.addf %logistic3A_76, %logistic3A_74 : vector<512x256xf32>
    %logistic3A_78 = arith.divf %logistic3A_76, %logistic3A_77 : vector<512x256xf32>
    %mul3A_79 = arith.mulf %add3A_72, %logistic3A_78 : vector<512x256xf32>
    %get3A_80 = arith.constant 0 : index
    %get3A_81 = arith.constant 0 : index
    %get3A_82 = vector.load %arg11[%get3A_80, %get3A_81] : memref<256x8xf32, #tpu.memory_space<vmem>>, vector<256x8xf32>
    %dot_general3A_83 = arith.constant dense<0.000000e+00> : vector<512x8xf32>
    %dot_general3A_84 = tpu.matmul %mul3A_79, %get3A_82, %dot_general3A_83 {dimension_numbers = #tpu.dot_dimension_numbers<[1], [0], [0], [1], [0, 0, 1, 1], [], []>, transpose_lhs_hint = false} : vector<512x256xf32>, vector<256x8xf32>, vector<512x8xf32> -> vector<512x8xf32>
    %get3A_85 = arith.constant 0 : index
    %get3A_86 = arith.constant 0 : index
    %get3A_87 = vector.load %arg12[%get3A_85, %get3A_86] : memref<1x8xf32, #tpu.memory_space<vmem>>, vector<1x8xf32>
    %add3A_88 = vector.broadcast %get3A_87 : vector<1x8xf32> to vector<512x8xf32>
    %add3A_89 = arith.addf %dot_general3A_84, %add3A_88 : vector<512x8xf32>
    %swap3A_90 = arith.constant 0 : index
    %swap3A_91 = arith.constant 0 : index
    %swap3A_92 = vector.load %arg15[%swap3A_90, %swap3A_91] : memref<512x8xf32, #tpu.memory_space<vmem>>, vector<512x8xf32>
    tpu.vector_store %arg15[%swap3A_90, %swap3A_91], %add3A_89 {strides = array<i32>} : memref<512x8xf32, #tpu.memory_space<vmem>>, vector<512x8xf32>,
    return
  }
  func.func @transform_0(%arg0: i32) -> (i32, i32) {
    %c0_i32 = arith.constant 0 : i32
    %c0_i32_0 = arith.constant 0 : i32
    return %arg0, %c0_i32 : i32, i32
  }
  func.func @transform_1(%arg0: i32) -> (i32, i32) {
    %c0_i32 = arith.constant 0 : i32
    %c0_i32_0 = arith.constant 0 : i32
    return %arg0, %c0_i32 : i32, i32
  }
  func.func @transform_2(%arg0: i32) -> (i32, i32) {
    %c0_i32 = arith.constant 0 : i32
    %c0_i32_0 = arith.constant 0 : i32
    return %arg0, %c0_i32 : i32, i32
  }
  func.func @transform_3(%arg0: i32) -> (i32, i32) {
    %c0_i32 = arith.constant 0 : i32
    %c0_i32_0 = arith.constant 0 : i32
    return %arg0, %c0_i32 : i32, i32
  }
  func.func @transform_4(%arg0: i32) -> (i32, i32) {
    %c0_i32 = arith.constant 0 : i32
    %c0_i32_0 = arith.constant 0 : i32
    %c0_i32_1 = arith.constant 0 : i32
    return %c0_i32, %c0_i32_0 : i32, i32
  }
  func.func @transform_5(%arg0: i32) -> (i32, i32) {
    %c0_i32 = arith.constant 0 : i32
    %c0_i32_0 = arith.constant 0 : i32
    %c0_i32_1 = arith.constant 0 : i32
    return %c0_i32, %c0_i32_0 : i32, i32
  }
  func.func @transform_6(%arg0: i32) -> (i32, i32) {
    %c0_i32 = arith.constant 0 : i32
    %c0_i32_0 = arith.constant 0 : i32
    %c0_i32_1 = arith.constant 0 : i32
    return %c0_i32, %c0_i32_0 : i32, i32
  }
  func.func @transform_7(%arg0: i32) -> (i32, i32) {
    %c0_i32 = arith.constant 0 : i32
    %c0_i32_0 = arith.constant 0 : i32
    %c0_i32_1 = arith.constant 0 : i32
    return %c0_i32, %c0_i32_0 : i32, i32
  }
  func.func @transform_8(%arg0: i32) -> (i32, i32) {
    %c0_i32 = arith.constant 0 : i32
    %c0_i32_0 = arith.constant 0 : i32
    %c0_i32_1 = arith.constant 0 : i32
    return %c0_i32, %c0_i32_0 : i32, i32
  }
  func.func @transform_9(%arg0: i32) -> (i32, i32) {
    %c0_i32 = arith.constant 0 : i32
    %c0_i32_0 = arith.constant 0 : i32
    %c0_i32_1 = arith.constant 0 : i32
    return %c0_i32, %c0_i32_0 : i32, i32
  }
  func.func @transform_10(%arg0: i32) -> (i32, i32) {
    %c0_i32 = arith.constant 0 : i32
    %c0_i32_0 = arith.constant 0 : i32
    %c0_i32_1 = arith.constant 0 : i32
    return %c0_i32, %c0_i32_0 : i32, i32
  }
  func.func @transform_11(%arg0: i32) -> (i32, i32) {
    %c0_i32 = arith.constant 0 : i32
    %c0_i32_0 = arith.constant 0 : i32
    %c0_i32_1 = arith.constant 0 : i32
    return %c0_i32, %c0_i32_0 : i32, i32
  }
  func.func @transform_12(%arg0: i32) -> (i32, i32) {
    %c0_i32 = arith.constant 0 : i32
    %c0_i32_0 = arith.constant 0 : i32
    return %arg0, %c0_i32 : i32, i32
  }
  func.func @transform_13(%arg0: i32) -> (i32, i32) {
    %c0_i32 = arith.constant 0 : i32
    %c0_i32_0 = arith.constant 0 : i32
    %c0_i32_1 = arith.constant 0 : i32
    return %c0_i32, %c0_i32_0 : i32, i32
  }
  func.func @transform_14(%arg0: i32) -> (i32, i32) {
    %c0_i32 = arith.constant 0 : i32
    %c0_i32_0 = arith.constant 0 : i32
    return %arg0, %c0_i32 : i32, i32
  }
}

</mosaic_0001>

<sc_bundles>
// kernel: gather_offload_async_start.1
scs
__scs_entry_jumppad:
0x0: {  	(pc) =	sbr.rel $0x88, $3  }
0x1: {  	(tag) =	ssettag $0x0;
	lr =	simm.s32 $0x1  }
0x2: {  	[smem:$0x3F79] =	sst lr;
	_ =	strace $0xD0000000  }
0x3: {  	_ = 	snop  }
0x4: {  	_ = 	snop  }
0x5: {  	_ = 	snop  }
0x6: {  	_ = 	snop  }
0x7: {  	_ = 	snop  }
__scs_overlays_trampoline_lowered:
0x8: {  	[smem:$0x3F88] =	sst s0  }
0x9: {  	[smem:$0x3F89] =	sst s1  }
0xa: {  	[smem:$0x3F8A] =	sst s2  }
0xb: {  	[smem:$0x3F8B] =	sst s3  }
0xc: {  	[smem:$0x3F8C] =	sst s4  }
0xd: {  	[smem:$0x3F8D] =	sst s5  }
0xe: {  	[smem:$0x3F8E] =	sst s6  }
0xf: {  	[smem:$0x3F8F] =	sst s7  }
0x10: {  	[smem:$0x3F90] =	sst s8  }
0x11: {  	[smem:$0x3F91] =	sst s9;
	s0 =	simm.s32 @!p0 $0x0  }
0x12: {  	s1 =	sld [smem:$0x3F77];
	s0 =	simm.s32 @p0 $0x1  }
0x13: {  	[smem:$0x3F92] =	sst s0;
	s0 =	simm.s32 @!p1 $0x0  }
0x14: {  	s2 =	sld [smem:$0x3F76];
	s0 =	simm.s32 @p1 $0x1  }
0x15: {  	[smem:$0x3F93] =	sst s0;
	s0 =	simm.s32 @!p2 $0x0  }
0x16: {  	s3 =	sld [smem:$0x3FDB];
	s0 =	simm.s32 @p2 $0x1  }
0x17: {  	s4 =	simm.s32 $0x1BF5;
	[smem:$0x3F95] =	sst s0  }
0x18: {  	s0 =	sld [smem:$0x3F78];
	_ =	swait.ge [sflag:s4], $0x0  }
0x19: {  	s7 =	sld [smem:$0x3F79]  }
0x1a: {  	s8 =	sadd.s32 $0xFFFFE003, lr  }
0x1b: {  	s9 =	sadd.s32 $0xFFFFFEF7, lr;
	s5 =	simm.s32 $0xFFFFFFFF;
	p2 =	slt.u32 s8, $0xFFFFF086  }
0x1c: {  	p1 =	slt.u32 s9, $0xF7A;
	s5 =	simm.s32 @!p2 $0x0  }
0x1d: {  	s5 =	simm.s32 @p1 $0x1;
	p0 =	seq.s32 s7, s2  }
0x1e: {  	s7 =	smul.u32 @!p0 $0xF7A, s2;
	p2 =	seq.s32 @!p0 s5, $0x0  }
0x1f: {  	s9 =	smul.u32 $0xF7A, s1;
	s8 =	simm.s32 @!p0 $0x1BF5;
	p2 =	por !p2, p0  }
0x20: {  	[sflag:s8] =	ssyncset.s32 @!p0 $0xFFFFF086;
	s6 =	sadd.s32 @!p0 s3, s7;
	s7 =	simm.s32 @!p0 $0x108  }
0x21: {  	s3 =	sadd.s32 s3, s9;
	s6 =	sadd.s32 @!p0 $0x88, s6;
	s7 =	simm.s32 @p2 $0x1082  }
0x22: {  	[simem:s7], [sflag:s8] =	dma.local @!p0 [hbm:s6], $0xF7A  }
0x23: {  	s9 =	sor.u32 $0xD0000000, s2;
	s6 =	simm.s32 $0x108;
	_ =	swait.ge @!p0 [sflag:s8], $0x0  }
0x24: {  	s3 =	sadd.s32 $0x88, s3;
	s6 =	simm.s32 @!p1 $0x1082;
	[sflag:s4] =	ssyncset.s32 $0xFFFFF086  }
0x25: {  	[simem:s6], [sflag:s4] =	dma.local [hbm:s3], $0xF7A  }
0x26: {  	[smem:$0x3F79] =	sst s1;
	(tag) =	ssettag s2;
	_ =	strace s9  }
0x27: {  	s1 =	sld [smem:$0x3F89]  }
0x28: {  	s2 =	sld [smem:$0x3F8A]  }
0x29: {  	s4 =	sld [smem:$0x3F8C]  }
0x2a: {  	p0 =	seq.s32 s5, $0x0;
	s5 =	sld [smem:$0x3F8D]  }
0x2b: {  	s6 =	sld [smem:$0x3F8E]  }
0x2c: {  	s7 =	sld [smem:$0x3F8F]  }
0x2d: {  	s3 =	simm.s32 $0x108;
	s8 =	sld [smem:$0x3F90]  }
0x2e: {  	s3 =	simm.s32 @!p0 $0x1082;
	s9 =	sld [smem:$0x3F91]  }
0x2f: {  	lr =	sadd.s32 s0, s3;
	s0 =	sld [smem:$0x3F88]  }
0x30: {  	s3 =	sld [smem:$0x3F8B]  }
0x31: {  	[smem:$0x3F94] =	sst s10  }
0x32: {  	s10 =	sld [smem:$0x3F92];
	_ =	sdelay $0x3  }
0x33: {  	p0 =	seq.s32 s10, $0x1;
	s10 =	sld [smem:$0x3F94];
	_ =	sdelay $0x3  }
0x34: {  	[smem:$0x3F94] =	sst s10  }
0x35: {  	s10 =	sld [smem:$0x3F93];
	_ =	sdelay $0x3  }
0x36: {  	p1 =	seq.s32 s10, $0x1;
	s10 =	sld [smem:$0x3F94];
	_ =	sdelay $0x3  }
0x37: {  	[smem:$0x3F94] =	sst s10  }
0x38: {  	s10 =	sld [smem:$0x3F95]  }
0x39: {  	_ = 	snop;
	(pc) =	sbr.ind lr, $3  }
0x3a: {  	_ = 	snop  }
0x3b: {  	_ = 	snop  }
0x3c: {  	p2 =	seq.s32 s10, $0x1;
	s10 =	sld [smem:$0x3F94]  }
0x3d: {  	_ =	shalt  }
0x3e: {  	_ =	shalt  }
0x3f: {  	_ =	shalt  }
0x40: {  	_ =	shalt  }
0x41: {  	_ =	shalt  }
0x42: {  	_ =	shalt  }
0x43: {  	_ =	shalt  }
0x44: {  	_ =	shalt  }
0x45: {  	_ =	shalt  }
0x46: {  	_ =	shalt  }
0x47: {  	_ =	shalt  }
0x48: {  	_ =	shalt  }
0x49: {  	_ =	shalt  }
0x4a: {  	_ =	shalt  }
0x4b: {  	_ =	shalt  }
0x4c: {  	_ =	shalt  }
0x4d: {  	_ =	shalt  }
0x4e: {  	_ =	shalt  }
0x4f: {  	_ =	shalt  }
0x50: {  	_ =	shalt  }
0x51: {  	_ =	shalt  }
0x52: {  	_ =	shalt  }
0x53: {  	_ =	shalt  }
0x54: {  	_ =	shalt  }
0x55: {  	_ =	shalt  }
0x56: {  	_ =	shalt  }
0x57: {  	_ =	shalt  }
0x58: {  	_ =	shalt  }
0x59: {  	_ =	shalt  }
0x5a: {  	_ =	shalt  }
0x5b: {  	_ =	shalt  }
0x5c: {  	_ =	shalt  }
0x5d: {  	_ =	shalt  }
0x5e: {  	_ =	shalt  }
0x5f: {  	_ =	shalt  }
0x60: {  	_ =	shalt  }
0x61: {  	_ =	shalt  }
0x62: {  	_ =	shalt  }
0x63: {  	_ =	shalt  }
0x64: {  	_ =	shalt  }
0x65: {  	_ =	shalt  }
0x66: {  	_ =	shalt  }
0x67: {  	_ =	shalt  }
0x68: {  	_ =	shalt  }
0x69: {  	_ =	shalt  }
0x6a: {  	_ =	shalt  }
0x6b: {  	_ =	shalt  }
0x6c: {  	_ =	shalt  }
0x6d: {  	_ =	shalt  }
0x6e: {  	_ =	shalt  }
0x6f: {  	_ =	shalt  }
0x70: {  	_ =	shalt  }
0x71: {  	_ =	shalt  }
0x72: {  	_ =	shalt  }
0x73: {  	_ =	shalt  }
0x74: {  	_ =	shalt  }
0x75: {  	_ =	shalt  }
0x76: {  	_ =	shalt  }
0x77: {  	_ =	shalt  }
0x78: {  	_ =	shalt  }
0x79: {  	_ =	shalt  }
0x7a: {  	_ =	shalt  }
0x7b: {  	_ =	shalt  }
0x7c: {  	_ =	shalt  }
0x7d: {  	_ =	shalt  }
0x7e: {  	_ =	shalt  }
0x7f: {  	_ =	shalt  }
0x80: {  	_ =	shalt  }
0x81: {  	_ =	shalt  }
0x82: {  	_ =	shalt  }
0x83: {  	_ =	shalt  }
0x84: {  	_ =	shalt  }
0x85: {  	_ =	shalt  }
0x86: {  	_ =	shalt  }
0x87: {  	_ =	shalt  }
.Lfunc_end0:
.L_simem_size_0:
called_computation.1_lowered:
.L_overlay_start_0:
0x88: {  	s2 =	sld [smem:$0x3FD9]  }
0x89: {  	s3 =	sld [smem:$0x3FFE];
	_ =	sdelay $0x1  }
0x8a: {  	s1 =	srdreg.scid  }
0x8b: {  	s0 =	sand.u32 $0x1, s1  }
0x8c: {  	s16 =	sshll.u32 s0, $0xA;
	s2 =	sadd.s32 s3, s2  }
0x8d: {  	s2 =	sadd.s32 s2, s16  }
0x8e: {  	[smem:$0x3FA0] =	sst s2  }
0x8f: {  	_ = 	snop  }
0x90: {  	(tm) =	ssettm $0x1  }
0x91: {  	s17 =	sld [smem:$0x3FFB];
	_ =	sdelay $0x3  }
0x92: {  	_ =	strace s17  }
0x93: {  	s2 =	sld [smem:$0x3FFC];
	_ =	sdelay $0x3  }
0x94: {  	_ =	strace s2  }
0x95: {  	s2 =	sld [smem:$0x3FFD];
	_ =	sdelay $0x3  }
0x96: {  	_ =	strace s2  }
0x97: {  	_ =	strace $0x8FFFFFFF  }
0x98: {  	s18 =	sld [smem:$0x3FDB];
	_ =	sdelay $0x1  }
0x99: {  	s19 =	simm.s32 $_scs_section_size  }
0x9a: {  	s4 =	simm.s32 $_size__tile_overlayer_lowered;
	s5 =	simm.s32 $_tile_overlayer_lowered  }
0x9b: {  	s22 =	simm.s32 $0x1BFF;
	s21 =	sshll.u32 s5, $0x1;
	s2 =	sadd.s32 s19, s18  }
0x9c: {  	s6 =	simm.s32 $0x0;
	s20 =	sshll.u32 s4, $0x1;
	s4 =	sadd.s32 s21, s2  }
0x9d: {  	[timem:s6], [sflag:s22] =	dma.local [hbm:s4], s20  }
0x9e: {  	_ =	swait.ge [sflag:s22], s20  }
0x9f: {  	s3 =	ssub.s32 $0x0, s20;
	[sflag:s22] =	ssyncset.done $0x0  }
0xa0: {  	[sflag:s22] =	ssyncadd.s32 s3;
	_ =	sdelay $0x1  }
0xa1: {  	s23 =	simm.s32 $0x1B8B  }
0xa2: {  	_ =	swait.ge [sflag:s23], $0x1  }
0xa3: {  	[sflag:s23] =	ssyncset.done $0x0  }
0xa4: {  	s25 =	simm.s32 $0x1B8E;
	s24 =	sld [smem:$0x3FFE];
	[sflag:s23] =	ssyncadd.s32 $0xFFFFFFFF  }
0xa5: {  	s26 =	simm.s32 $execute0_lowered;
	[smem:$0x3FD2] =	sst s25  }
0xa6: {  	s4 =	sshll.u32 s26, $0x1;
	_ =	strace $0x80000046;
	[dreg:$0x1] =	wrdreg $0xFFFFFFFF  }
0xa7: {  	s28 =	simm.s32 $_size_execute0_lowered;
	s2 =	sadd.s32 s2, s4;
	[dreg:$0x0] =	wrdreg $0x0  }
0xa8: {  	s4 =	sshll.u32 s28, $0x1;
	[dreg:$0x2] =	wrdreg s2  }
0xa9: {  	[dreg:$0x3] =	wrdreg s4  }
0xaa: {  	[dreg:$0x4] =	wrdreg $0xC0  }
0xab: {  	_ =	task [dreg:s6], $0x5FFFF  }
0xac: {  	[dreg:$0x1] =	wrdreg $0xFFFFFFFF  }
0xad: {  	[dreg:$0x0] =	wrdreg $0x60  }
0xae: {  	[dreg:$0x2] =	wrdreg s24  }
0xaf: {  	[dreg:$0x3] =	wrdreg $0x9  }
0xb0: {  	_ =	task.clear_ibuf [dreg:s6], $0x4FFFF;
	_ =	strace $0x90000046  }
0xb1: {  	s29 =	simm.s32 $0x9;
	_ =	strace $0x80000048  }
0xb2: {  	_ =	swait.ge [sflag:s29], $0x1  }
0xb3: {  	[sflag:s29] =	ssyncadd.s32 $0xFFFFFFFF  }
0xb4: {  	_ =	strace $0x90000048  }
0xb5: {  	_ =	sfence  }
0xb6: {  	s30 =	sld [smem:$0x0];
	_ =	sdelay $0x2  }
0xb7: {  	s31 =	sshll.u32 s1, $0xD;
	s1 =	sshrl.u32 s1, $0x2  }
0xb8: {  	s3 =	sand.u32 $0x4000, s31;
	s1 =	sadd.s32 s1, s30  }
0xb9: {  	s0 =	sor.u32 s3, s0;
	s1 =	sshll.u32 s1, $0x11  }
0xba: {  	s0 =	sor.u32 s1, s0  }
0xbb: {  	s0 =	sadd.s32 $0x8F2B, s0  }
0xbc: {  	[sflag:s0] =	ssyncadd.remote.s32 $0x1  }
0xbd: {  	_ =	sfence.sel $0xFFFF  }
0xbe: {  	[dreg:$0x0] =	wrdreg $0xFFFFFFFF;
	(pc) =	sbr.abs _section_cstart, $3  }
0xbf: {  	[dreg:$0x1] =	wrdreg $0xFFFFFFFF  }
0xc0: {  	_ =	task.clear_ibuf [dreg:s6], $0x2FFFF;
	_ =	strace $0x9FFFFFFF  }
0xc1: {  	(tm) =	ssettm $0x7FFFFFFF  }
tec
execute0_lowered:
.L_overlay_start_1:
0x0: {  	(tag) =	ssettag $0x1  }
0x1: {  	s8 =	rddreg [dreg:$0x0]  }
0x2: {  	s0 =	rddreg [dreg:$0x1];
	_ =	strace $0x80000047;
	s1 =	stileid.u32  }
0x3: {  	s3 =	srdreg.scid;
	s4 =	simm.s32 $0x1;
	s7 =	simm.s32 $0x1  }
0x4: {  	s9 =	simm.s32 $0x1;
	s10 =	simm.s32 $0x3;
	s13 =	simm.s32 $0x0  }
0x5: {  	s12 =	simm.s32 $0x0;
	s5 =	sand.u32 $0x1, s3;
	s6 =	sshll.u32 s1, $0x1  }
0x6: {  	s2 =	sadd.s32 $0x1F200, s8;
	s3 =	sadd.s32 $0x24200, s8;
	s5 =	sor.u32 s6, s5  }
.Ltmp0:
0x7: {  	[sflag:s4] =	ssyncpa.u1 $0x0;
	p0 =	slt.u32 s5, $0x9;
	(pc) =	sbr.rel .LBB2_1-.Ltmp0, $4  }
0x8: {  	s6 =	simm.s32 $0x2;
	s7 =	simm.s32 @!p0 $0x0;
	p0 =	sne.s32 s5, $0x8  }
0x9: {  	[sflag:s6] =	ssyncpa.u1 $0x0;
	s5 =	smul.u32 $0xFA0, s5;
	s9 =	simm.s32 @!p0 $0x0  }
0xa: {  	s8 =	sadd.s32 $0x29200, s8;
	[sflag:s10] =	ssyncpa.u1 $0x0;
	s7 =	sadd.s32 s9, s7  }
0xb: {  	vm0 =	vmmov $0xffff;
	s10 =	simm.s32 $0x0;
	s11 =	smov.u32 s5;
	s9 =	sadd.s32 $0x1, s7  }
.LBB2_4:
0xc: {  	v2 =	vnsel vm1, $0x0, v2  }
0xd: {  	vm1 =	vgt.s32 v0, $0x0;
	v2 =	vmin.u32 v2, $0x270FF  }
0xe: {  	v0 =	vnsel vm1, $0x0, v0  }
0xf: {  	v0 =	vmin.u32 v0, $0x270FF  }
0x10: {  	[tilespmem:s18], [sflag:$0x1] =	stream.indirect_vreg.gather [hbm4b:s2+s10], $0x1, v1, vm0, $0x4038;
	[tilespmem:$0x3E80] =	vst v63  }
0x11: {  	(ifvalue) =	ssetifvalue $0x7FFFFFFF  }
0x12: {  	[tilespmem:s15], [sflag:$0x1] =	stream.indirect_vreg.gather [hbm4b:s2+s10], $0x1, v2, vm0, $0x4038;
	[tilespmem:$0x3E80] =	vst v63  }
0x13: {  	s29 =	sadd.s32 $0x10, s15;
	(ifvalue) =	ssetifvalue $0x7FFFFFFF  }
0x14: {  	[tilespmem:s29], [sflag:$0x1] =	stream.indirect_vreg.gather [hbm4b:s2+s10], $0x1, v0, vm0, $0x4038;
	[tilespmem:$0x3E80] =	vst v63  }
0x15: {  	_ =	swait.ge [sflag:s4], $0xFA0  }
0x16: {  	s30 =	sshrl.u32 s13, $0x3;
	[sflag:s4] =	ssyncset.done $0x0  }
0x17: {  	s31 =	sand.u32 $0x7, s13;
	s15 =	sadd.s32 s8, s30;
	[sflag:s4] =	ssyncadd.s32 $0xFFFFF060  }
0x18: {  	[hbm4b:s15+s31] =	stream.linear.scatter [tilespmem:s14], [sflag:$0x3], $0xFA0, $0x38;
	[tilespmem:$0x3E80] =	vst v63  }
.LBB2_5:
0x19: {  	s15 =	sadd.s32 $0x1F400, s11  }
0x1a: {  	p1 =	sgt.s32 s15, $0x270FF  }
0x1b: {  	s15 =	smov.u32 @p1 s5;
	p1 =	sne.s32 s12, s9  }
.Ltmp1:
0x1c: {  	p0 =	slt.u32 s12, $0x2;
	(pc) =	sbr.rel @!p1 .LBB2_6-.Ltmp1, $4  }
0x1d: {  	s14 =	simm.s32 @!p0 $0x3  }
0x1e: {  	_ =	swait.ge @!p0 [sflag:s14], $0xFA0  }
0x1f: {  	s16 =	sadd.s32 $0x1, s12;
	s13 =	smov.u32 s11;
	[sflag:s14] =	ssyncset.done @!p0 $0x0  }
0x20: {  	s12 =	smov.u32 s16;
	s11 =	smov.u32 s15;
	[sflag:s14] =	ssyncadd.s32 @!p0 $0xFFFFF060  }
.LBB2_1:
0x21: {  	p0 =	sge.u32 s12, s7  }
0x22: {  	s14 =	sxor.u32 @!p0 $0x1, s12  }
0x23: {  	s14 =	smul.u32 @!p0 $0x3E80, s14  }
0x24: {  	s31 =	sadd.s32 $0xFFFFFFFF, s12;
	s15 =	sshrl.u32 @!p0 s11, $0x3  }
0x25: {  	s16 =	sand.u32 @!p0 $0x7, s11;
	s15 =	sadd.s32 @!p0 s3, s15;
	s14 =	sshra.s32 @!p0 s14, $0x2  }
0x26: {  	[tilespmem:s14], [sflag:$0x2] =	stream.linear.gather @!p0 [hbm4b:s15+s16], $0xFA0, $0x38;
	[tilespmem:$0x3E80] =	vst v63  }
0x27: {  	p0 =	sge.u32 s31, s7  }
.Ltmp2:
0x28: {  	_ = 	snop;
	(pc) =	sbr.rel @p0 .LBB2_5-.Ltmp2, $1  }
0x29: {  	_ =	sdelay $0x3  }
0x2a: {  	s14 =	sand.u32 $0x1, s12  }
0x2b: {  	_ =	swait.ge [sflag:s6], $0xFA0;
	p0 =	seq.s32 s14, $0x1;
	s14 =	simm.s32 $0xFA0  }
0x2c: {  	[sflag:s6] =	ssyncset.done $0x0;
	s14 =	simm.s32 @!p0 $0x0  }
0x2d: {  	[sflag:s6] =	ssyncadd.s32 $0xFFFFF060;
	(ifvalue) =	ssetifvalue $0x7FFFFFFF;
	v0 =	vld.msk [tilespmem:s14+$0x0 ss:$0x1], $0xffff;
	_ =	sdelay $0x4  }
0x2e: {  	s15 =	sadd.s32 $0x10, s14;
	vm1 =	vgt.s32 v0, $0x0  }
0x2f: {  	v2 =	vld.msk [tilespmem:s15+$0x0 ss:$0x1], $0xffff;
	v1 =	vnsel vm1, $0x0, v0  }
0x30: {  	v1 =	vmin.u32 v1, $0x270FF;
	_ =	sdelay $0x2  }
0x31: {  	s17 =	simm.s32 $0x20;
	s14 =	sadd.s32 $0x1F40, s14;
	s16 =	sadd.s32 $0x10, s15  }
0x32: {  	s15 =	sadd.s32 $0x10, s14;
	s18 =	smov.u32 s14;
	v0 =	vld.msk [tilespmem:s16+$0x0 ss:$0x1], $0xffff;
	vm1 =	vgt.s32 v2, $0x0;
	(ifvalue) =	ssetifvalue $0x7FFFFFFF  }
.LBB2_3:
0x33: {  	[tilespmem:s18], [sflag:$0x1] =	stream.indirect_vreg.gather [hbm4b:s2+s10], $0x1, v1, vm0, $0x4038;
	[tilespmem:$0x3E80] =	vst v63  }
0x34: {  	s17 =	sadd.s32 $0x10, s17  }
0x35: {  	v2 =	vnsel vm1, $0x0, v2;
	p0 =	slt.u32 s17, $0xF90  }
.Ltmp3:
0x36: {  	s18 =	smov.u32 s15;
	v1 =	vmin.u32 v2, $0x270FF;
	(pc) =	sbr.rel @p0 .LBB2_3-.Ltmp3, $3  }
0x37: {  	_ =	sdelay $0x1  }
0x38: {  	s16 =	sadd.s32 $0x10, s16  }
0x39: {  	vm1 =	vgt.s32 v0, $0x0;
	s15 =	sadd.s32 $0x10, s15;
	v2 =	vmov v0;
	(ifvalue) =	ssetifvalue $0x7FFFFFFF;
	v0 =	vld.msk [tilespmem:s16+$0x0 ss:$0x1], $0xffff  }
.Ltmp4:
0x3a: {  	_ = 	snop;
	(pc) =	sbr.rel .LBB2_4-.Ltmp4, $1  }
0x3b: {  	_ =	sdelay $0x3  }
.LBB2_6:
0x3c: {  	_ =	sfence.sel $0x180000  }
0x3d: {  	s2 =	simm.s32 $0x2;
	[bflag:$0x0] =	sbarrier.arrive $0xFFFF  }
0x3e: {  	s30 =	simm.s32 $0x3;
	[sflag:s2] =	ssyncpa.u1 $0x1  }
0x3f: {  	s31 =	simm.s32 $0x1;
	[sflag:s30] =	ssyncpa.u1 $0x1  }
0x40: {  	[sflag:s31] =	ssyncpa.u1 $0x1  }
0x41: {  	p0 =	sne.s32 s1, $0x0;
	_ =	strace $0x90000047  }
0x42: {  	s0 =	sadd.s32 @!p0 $0x100000, s0;
	[bflag:$0x2] =	sbarrier.arrive $0xFFFF  }
0x43: {  	[sflag:s0] =	ssyncadd.tile.s32 @!p0 $0x1;
	_ =	shalt  }
.Lfunc_end2:
_tile_overlayer_lowered:
.L_overlay_start_2:
0x44: {  	(tag) =	ssettag $0x2  }
0x45: {  	s0 =	rddreg [dreg:$0x0];
	s2 =	stileid.u32  }
0x46: {  	s1 =	rddreg [dreg:$0x1];
	p0 =	sne.s32 s2, $0x0  }
0x47: {  	s3 =	rddreg [dreg:$0x2];
	[bflag:$0x3] =	sbarrier.arrive $0xFFFF;
	s2 =	simm.s32 @!p0 $0x1C01  }
0x48: {  	[timem:s3], [sflag:s2] =	dma.local @!p0 [hbm:s0], s1  }
0x49: {  	s0 =	simm.s32 @!p0 $0x1  }
0x4a: {  	_ =	swait.ge @!p0 [sflag:s0], s1  }
0x4b: {  	s1 =	ssub.s32 @!p0 $0x0, s1;
	[sflag:s0] =	ssyncset.done @!p0 $0x0  }
0x4c: {  	[sflag:s0] =	ssyncadd.s32 @!p0 s1  }
0x4d: {  	[bflag:$0x3] =	sbarrier.arrive $0xFFFF  }
0x4e: {  	_ =	shalt  }

// kernel: gather_offload_async_start
scs
__scs_entry_jumppad:
0x0: {  	(pc) =	sbr.rel $0x88, $3  }
0x1: {  	(tag) =	ssettag $0x0;
	lr =	simm.s32 $0x1  }
0x2: {  	[smem:$0x3F79] =	sst lr;
	_ =	strace $0xD0000000  }
0x3: {  	_ = 	snop  }
0x4: {  	_ = 	snop  }
0x5: {  	_ = 	snop  }
0x6: {  	_ = 	snop  }
0x7: {  	_ = 	snop  }
__scs_overlays_trampoline_lowered:
0x8: {  	[smem:$0x3F88] =	sst s0  }
0x9: {  	[smem:$0x3F89] =	sst s1  }
0xa: {  	[smem:$0x3F8A] =	sst s2  }
0xb: {  	[smem:$0x3F8B] =	sst s3  }
0xc: {  	[smem:$0x3F8C] =	sst s4  }
0xd: {  	[smem:$0x3F8D] =	sst s5  }
0xe: {  	[smem:$0x3F8E] =	sst s6  }
0xf: {  	[smem:$0x3F8F] =	sst s7  }
0x10: {  	[smem:$0x3F90] =	sst s8  }
0x11: {  	[smem:$0x3F91] =	sst s9;
	s0 =	simm.s32 @!p0 $0x0  }
0x12: {  	s1 =	sld [smem:$0x3F77];
	s0 =	simm.s32 @p0 $0x1  }
0x13: {  	[smem:$0x3F92] =	sst s0;
	s0 =	simm.s32 @!p1 $0x0  }
0x14: {  	s2 =	sld [smem:$0x3F76];
	s0 =	simm.s32 @p1 $0x1  }
0x15: {  	[smem:$0x3F93] =	sst s0;
	s0 =	simm.s32 @!p2 $0x0  }
0x16: {  	s3 =	sld [smem:$0x3FDB];
	s0 =	simm.s32 @p2 $0x1  }
0x17: {  	s4 =	simm.s32 $0x1BF5;
	[smem:$0x3F95] =	sst s0  }
0x18: {  	s0 =	sld [smem:$0x3F78];
	_ =	swait.ge [sflag:s4], $0x0  }
0x19: {  	s7 =	sld [smem:$0x3F79]  }
0x1a: {  	s8 =	sadd.s32 $0xFFFFE003, lr  }
0x1b: {  	s9 =	sadd.s32 $0xFFFFFEF7, lr;
	s5 =	simm.s32 $0xFFFFFFFF;
	p2 =	slt.u32 s8, $0xFFFFF086  }
0x1c: {  	p1 =	slt.u32 s9, $0xF7A;
	s5 =	simm.s32 @!p2 $0x0  }
0x1d: {  	s5 =	simm.s32 @p1 $0x1;
	p0 =	seq.s32 s7, s2  }
0x1e: {  	s7 =	smul.u32 @!p0 $0xF7A, s2;
	p2 =	seq.s32 @!p0 s5, $0x0  }
0x1f: {  	s9 =	smul.u32 $0xF7A, s1;
	s8 =	simm.s32 @!p0 $0x1BF5;
	p2 =	por !p2, p0  }
0x20: {  	[sflag:s8] =	ssyncset.s32 @!p0 $0xFFFFF086;
	s6 =	sadd.s32 @!p0 s3, s7;
	s7 =	simm.s32 @!p0 $0x108  }
0x21: {  	s3 =	sadd.s32 s3, s9;
	s6 =	sadd.s32 @!p0 $0x88, s6;
	s7 =	simm.s32 @p2 $0x1082  }
0x22: {  	[simem:s7], [sflag:s8] =	dma.local @!p0 [hbm:s6], $0xF7A  }
0x23: {  	s9 =	sor.u32 $0xD0000000, s2;
	s6 =	simm.s32 $0x108;
	_ =	swait.ge @!p0 [sflag:s8], $0x0  }
0x24: {  	s3 =	sadd.s32 $0x88, s3;
	s6 =	simm.s32 @!p1 $0x1082;
	[sflag:s4] =	ssyncset.s32 $0xFFFFF086  }
0x25: {  	[simem:s6], [sflag:s4] =	dma.local [hbm:s3], $0xF7A  }
0x26: {  	[smem:$0x3F79] =	sst s1;
	(tag) =	ssettag s2;
	_ =	strace s9  }
0x27: {  	s1 =	sld [smem:$0x3F89]  }
0x28: {  	s2 =	sld [smem:$0x3F8A]  }
0x29: {  	s4 =	sld [smem:$0x3F8C]  }
0x2a: {  	p0 =	seq.s32 s5, $0x0;
	s5 =	sld [smem:$0x3F8D]  }
0x2b: {  	s6 =	sld [smem:$0x3F8E]  }
0x2c: {  	s7 =	sld [smem:$0x3F8F]  }
0x2d: {  	s3 =	simm.s32 $0x108;
	s8 =	sld [smem:$0x3F90]  }
0x2e: {  	s3 =	simm.s32 @!p0 $0x1082;
	s9 =	sld [smem:$0x3F91]  }
0x2f: {  	lr =	sadd.s32 s0, s3;
	s0 =	sld [smem:$0x3F88]  }
0x30: {  	s3 =	sld [smem:$0x3F8B]  }
0x31: {  	[smem:$0x3F94] =	sst s10  }
0x32: {  	s10 =	sld [smem:$0x3F92];
	_ =	sdelay $0x3  }
0x33: {  	p0 =	seq.s32 s10, $0x1;
	s10 =	sld [smem:$0x3F94];
	_ =	sdelay $0x3  }
0x34: {  	[smem:$0x3F94] =	sst s10  }
0x35: {  	s10 =	sld [smem:$0x3F93];
	_ =	sdelay $0x3  }
0x36: {  	p1 =	seq.s32 s10, $0x1;
	s10 =	sld [smem:$0x3F94];
	_ =	sdelay $0x3  }
0x37: {  	[smem:$0x3F94] =	sst s10  }
0x38: {  	s10 =	sld [smem:$0x3F95]  }
0x39: {  	_ = 	snop;
	(pc) =	sbr.ind lr, $3  }
0x3a: {  	_ = 	snop  }
0x3b: {  	_ = 	snop  }
0x3c: {  	p2 =	seq.s32 s10, $0x1;
	s10 =	sld [smem:$0x3F94]  }
0x3d: {  	_ =	shalt  }
0x3e: {  	_ =	shalt  }
0x3f: {  	_ =	shalt  }
0x40: {  	_ =	shalt  }
0x41: {  	_ =	shalt  }
0x42: {  	_ =	shalt  }
0x43: {  	_ =	shalt  }
0x44: {  	_ =	shalt  }
0x45: {  	_ =	shalt  }
0x46: {  	_ =	shalt  }
0x47: {  	_ =	shalt  }
0x48: {  	_ =	shalt  }
0x49: {  	_ =	shalt  }
0x4a: {  	_ =	shalt  }
0x4b: {  	_ =	shalt  }
0x4c: {  	_ =	shalt  }
0x4d: {  	_ =	shalt  }
0x4e: {  	_ =	shalt  }
0x4f: {  	_ =	shalt  }
0x50: {  	_ =	shalt  }
0x51: {  	_ =	shalt  }
0x52: {  	_ =	shalt  }
0x53: {  	_ =	shalt  }
0x54: {  	_ =	shalt  }
0x55: {  	_ =	shalt  }
0x56: {  	_ =	shalt  }
0x57: {  	_ =	shalt  }
0x58: {  	_ =	shalt  }
0x59: {  	_ =	shalt  }
0x5a: {  	_ =	shalt  }
0x5b: {  	_ =	shalt  }
0x5c: {  	_ =	shalt  }
0x5d: {  	_ =	shalt  }
0x5e: {  	_ =	shalt  }
0x5f: {  	_ =	shalt  }
0x60: {  	_ =	shalt  }
0x61: {  	_ =	shalt  }
0x62: {  	_ =	shalt  }
0x63: {  	_ =	shalt  }
0x64: {  	_ =	shalt  }
0x65: {  	_ =	shalt  }
0x66: {  	_ =	shalt  }
0x67: {  	_ =	shalt  }
0x68: {  	_ =	shalt  }
0x69: {  	_ =	shalt  }
0x6a: {  	_ =	shalt  }
0x6b: {  	_ =	shalt  }
0x6c: {  	_ =	shalt  }
0x6d: {  	_ =	shalt  }
0x6e: {  	_ =	shalt  }
0x6f: {  	_ =	shalt  }
0x70: {  	_ =	shalt  }
0x71: {  	_ =	shalt  }
0x72: {  	_ =	shalt  }
0x73: {  	_ =	shalt  }
0x74: {  	_ =	shalt  }
0x75: {  	_ =	shalt  }
0x76: {  	_ =	shalt  }
0x77: {  	_ =	shalt  }
0x78: {  	_ =	shalt  }
0x79: {  	_ =	shalt  }
0x7a: {  	_ =	shalt  }
0x7b: {  	_ =	shalt  }
0x7c: {  	_ =	shalt  }
0x7d: {  	_ =	shalt  }
0x7e: {  	_ =	shalt  }
0x7f: {  	_ =	shalt  }
0x80: {  	_ =	shalt  }
0x81: {  	_ =	shalt  }
0x82: {  	_ =	shalt  }
0x83: {  	_ =	shalt  }
0x84: {  	_ =	shalt  }
0x85: {  	_ =	shalt  }
0x86: {  	_ =	shalt  }
0x87: {  	_ =	shalt  }
.Lfunc_end0:
.L_simem_size_0:
called_computation_lowered:
.L_overlay_start_0:
0x88: {  	s2 =	sld [smem:$0x3FD9]  }
0x89: {  	s3 =	sld [smem:$0x3FFE];
	_ =	sdelay $0x1  }
0x8a: {  	s1 =	srdreg.scid  }
0x8b: {  	s0 =	sand.u32 $0x1, s1  }
0x8c: {  	s16 =	sshll.u32 s0, $0xA;
	s2 =	sadd.s32 s3, s2  }
0x8d: {  	s2 =	sadd.s32 s2, s16  }
0x8e: {  	[smem:$0x3FA0] =	sst s2  }
0x8f: {  	_ = 	snop  }
0x90: {  	(tm) =	ssettm $0x1  }
0x91: {  	s17 =	sld [smem:$0x3FFB];
	_ =	sdelay $0x3  }
0x92: {  	_ =	strace s17  }
0x93: {  	s2 =	sld [smem:$0x3FFC];
	_ =	sdelay $0x3  }
0x94: {  	_ =	strace s2  }
0x95: {  	s2 =	sld [smem:$0x3FFD];
	_ =	sdelay $0x3  }
0x96: {  	_ =	strace s2  }
0x97: {  	_ =	strace $0x8FFFFFFF  }
0x98: {  	s18 =	sld [smem:$0x3FDB];
	_ =	sdelay $0x1  }
0x99: {  	s19 =	simm.s32 $_scs_section_size  }
0x9a: {  	s4 =	simm.s32 $_size__tile_overlayer_lowered;
	s5 =	simm.s32 $_tile_overlayer_lowered  }
0x9b: {  	s22 =	simm.s32 $0x1BFF;
	s21 =	sshll.u32 s5, $0x1;
	s2 =	sadd.s32 s19, s18  }
0x9c: {  	s6 =	simm.s32 $0x0;
	s20 =	sshll.u32 s4, $0x1;
	s4 =	sadd.s32 s21, s2  }
0x9d: {  	[timem:s6], [sflag:s22] =	dma.local [hbm:s4], s20  }
0x9e: {  	_ =	swait.ge [sflag:s22], s20  }
0x9f: {  	s3 =	ssub.s32 $0x0, s20;
	[sflag:s22] =	ssyncset.done $0x0  }
0xa0: {  	[sflag:s22] =	ssyncadd.s32 s3;
	_ =	sdelay $0x1  }
0xa1: {  	s23 =	simm.s32 $0x1B8B  }
0xa2: {  	_ =	swait.ge [sflag:s23], $0x1  }
0xa3: {  	[sflag:s23] =	ssyncset.done $0x0  }
0xa4: {  	s25 =	simm.s32 $0x1B8E;
	s24 =	sld [smem:$0x3FFE];
	[sflag:s23] =	ssyncadd.s32 $0xFFFFFFFF  }
0xa5: {  	s26 =	simm.s32 $execute0_lowered;
	[smem:$0x3FD2] =	sst s25  }
0xa6: {  	s4 =	sshll.u32 s26, $0x1;
	_ =	strace $0x80000049;
	[dreg:$0x1] =	wrdreg $0xFFFFFFFF  }
0xa7: {  	s28 =	simm.s32 $_size_execute0_lowered;
	s2 =	sadd.s32 s2, s4;
	[dreg:$0x0] =	wrdreg $0x0  }
0xa8: {  	s4 =	sshll.u32 s28, $0x1;
	[dreg:$0x2] =	wrdreg s2  }
0xa9: {  	[dreg:$0x3] =	wrdreg s4  }
0xaa: {  	[dreg:$0x4] =	wrdreg $0xC0  }
0xab: {  	_ =	task [dreg:s6], $0x5FFFF  }
0xac: {  	[dreg:$0x1] =	wrdreg $0xFFFFFFFF  }
0xad: {  	[dreg:$0x0] =	wrdreg $0x60  }
0xae: {  	[dreg:$0x2] =	wrdreg s24  }
0xaf: {  	[dreg:$0x3] =	wrdreg $0x9  }
0xb0: {  	_ =	task.clear_ibuf [dreg:s6], $0x4FFFF;
	_ =	strace $0x90000049  }
0xb1: {  	s29 =	simm.s32 $0x9;
	_ =	strace $0x8000004B  }
0xb2: {  	_ =	swait.ge [sflag:s29], $0x1  }
0xb3: {  	[sflag:s29] =	ssyncadd.s32 $0xFFFFFFFF  }
0xb4: {  	_ =	strace $0x9000004B  }
0xb5: {  	_ =	sfence  }
0xb6: {  	s30 =	sld [smem:$0x0];
	_ =	sdelay $0x2  }
0xb7: {  	s31 =	sshll.u32 s1, $0xD;
	s1 =	sshrl.u32 s1, $0x2  }
0xb8: {  	s3 =	sand.u32 $0x4000, s31;
	s1 =	sadd.s32 s1, s30  }
0xb9: {  	s0 =	sor.u32 s3, s0;
	s1 =	sshll.u32 s1, $0x11  }
0xba: {  	s0 =	sor.u32 s1, s0  }
0xbb: {  	s0 =	sadd.s32 $0x8F2B, s0  }
0xbc: {  	[sflag:s0] =	ssyncadd.remote.s32 $0x1  }
0xbd: {  	_ =	sfence.sel $0xFFFF  }
0xbe: {  	[dreg:$0x0] =	wrdreg $0xFFFFFFFF;
	(pc) =	sbr.abs _section_cstart, $3  }
0xbf: {  	[dreg:$0x1] =	wrdreg $0xFFFFFFFF  }
0xc0: {  	_ =	task.clear_ibuf [dreg:s6], $0x2FFFF;
	_ =	strace $0x9FFFFFFF  }
0xc1: {  	(tm) =	ssettm $0x7FFFFFFF  }
tec
execute0_lowered:
.L_overlay_start_1:
0x0: {  	(tag) =	ssettag $0x1  }
0x1: {  	s8 =	rddreg [dreg:$0x0]  }
0x2: {  	s0 =	rddreg [dreg:$0x1];
	_ =	strace $0x8000004A;
	s1 =	stileid.u32  }
0x3: {  	s3 =	srdreg.scid;
	s4 =	simm.s32 $0x1;
	s7 =	simm.s32 $0x1  }
0x4: {  	s9 =	simm.s32 $0x1;
	s10 =	simm.s32 $0x3;
	s13 =	simm.s32 $0x0  }
0x5: {  	s12 =	simm.s32 $0x0;
	s5 =	sand.u32 $0x1, s3;
	s6 =	sshll.u32 s1, $0x1  }
0x6: {  	s2 =	sadd.s32 $0x1A200, s8;
	s3 =	sadd.s32 $0x24200, s8;
	s5 =	sor.u32 s6, s5  }
.Ltmp0:
0x7: {  	[sflag:s4] =	ssyncpa.u1 $0x0;
	p0 =	slt.u32 s5, $0x9;
	(pc) =	sbr.rel .LBB2_1-.Ltmp0, $4  }
0x8: {  	s6 =	simm.s32 $0x2;
	s7 =	simm.s32 @!p0 $0x0;
	p0 =	sne.s32 s5, $0x8  }
0x9: {  	[sflag:s6] =	ssyncpa.u1 $0x0;
	s5 =	smul.u32 $0xFA0, s5;
	s9 =	simm.s32 @!p0 $0x0  }
0xa: {  	s8 =	sadd.s32 $0x1F200, s8;
	[sflag:s10] =	ssyncpa.u1 $0x0;
	s7 =	sadd.s32 s9, s7  }
0xb: {  	vm0 =	vmmov $0xffff;
	s10 =	simm.s32 $0x0;
	s11 =	smov.u32 s5;
	s9 =	sadd.s32 $0x1, s7  }
.LBB2_4:
0xc: {  	v2 =	vnsel vm1, $0x0, v2  }
0xd: {  	vm1 =	vgt.s32 v0, $0x0;
	v2 =	vmin.u32 v2, $0x270FF  }
0xe: {  	v0 =	vnsel vm1, $0x0, v0  }
0xf: {  	v0 =	vmin.u32 v0, $0x270FF  }
0x10: {  	[tilespmem:s18], [sflag:$0x1] =	stream.indirect_vreg.gather [hbm4b:s2+s10], $0x1, v1, vm0, $0x4038;
	[tilespmem:$0x3E80] =	vst v63  }
0x11: {  	(ifvalue) =	ssetifvalue $0x7FFFFFFF  }
0x12: {  	[tilespmem:s15], [sflag:$0x1] =	stream.indirect_vreg.gather [hbm4b:s2+s10], $0x1, v2, vm0, $0x4038;
	[tilespmem:$0x3E80] =	vst v63  }
0x13: {  	s29 =	sadd.s32 $0x10, s15;
	(ifvalue) =	ssetifvalue $0x7FFFFFFF  }
0x14: {  	[tilespmem:s29], [sflag:$0x1] =	stream.indirect_vreg.gather [hbm4b:s2+s10], $0x1, v0, vm0, $0x4038;
	[tilespmem:$0x3E80] =	vst v63  }
0x15: {  	_ =	swait.ge [sflag:s4], $0xFA0  }
0x16: {  	s30 =	sshrl.u32 s13, $0x3;
	[sflag:s4] =	ssyncset.done $0x0  }
0x17: {  	s31 =	sand.u32 $0x7, s13;
	s15 =	sadd.s32 s8, s30;
	[sflag:s4] =	ssyncadd.s32 $0xFFFFF060  }
0x18: {  	[hbm4b:s15+s31] =	stream.linear.scatter [tilespmem:s14], [sflag:$0x3], $0xFA0, $0x38;
	[tilespmem:$0x3E80] =	vst v63  }
.LBB2_5:
0x19: {  	s15 =	sadd.s32 $0x1F400, s11  }
0x1a: {  	p1 =	sgt.s32 s15, $0x270FF  }
0x1b: {  	s15 =	smov.u32 @p1 s5;
	p1 =	sne.s32 s12, s9  }
.Ltmp1:
0x1c: {  	p0 =	slt.u32 s12, $0x2;
	(pc) =	sbr.rel @!p1 .LBB2_6-.Ltmp1, $4  }
0x1d: {  	s14 =	simm.s32 @!p0 $0x3  }
0x1e: {  	_ =	swait.ge @!p0 [sflag:s14], $0xFA0  }
0x1f: {  	s16 =	sadd.s32 $0x1, s12;
	s13 =	smov.u32 s11;
	[sflag:s14] =	ssyncset.done @!p0 $0x0  }
0x20: {  	s12 =	smov.u32 s16;
	s11 =	smov.u32 s15;
	[sflag:s14] =	ssyncadd.s32 @!p0 $0xFFFFF060  }
.LBB2_1:
0x21: {  	p0 =	sge.u32 s12, s7  }
0x22: {  	s14 =	sxor.u32 @!p0 $0x1, s12  }
0x23: {  	s14 =	smul.u32 @!p0 $0x3E80, s14  }
0x24: {  	s31 =	sadd.s32 $0xFFFFFFFF, s12;
	s15 =	sshrl.u32 @!p0 s11, $0x3  }
0x25: {  	s16 =	sand.u32 @!p0 $0x7, s11;
	s15 =	sadd.s32 @!p0 s3, s15;
	s14 =	sshra.s32 @!p0 s14, $0x2  }
0x26: {  	[tilespmem:s14], [sflag:$0x2] =	stream.linear.gather @!p0 [hbm4b:s15+s16], $0xFA0, $0x38;
	[tilespmem:$0x3E80] =	vst v63  }
0x27: {  	p0 =	sge.u32 s31, s7  }
.Ltmp2:
0x28: {  	_ = 	snop;
	(pc) =	sbr.rel @p0 .LBB2_5-.Ltmp2, $1  }
0x29: {  	_ =	sdelay $0x3  }
0x2a: {  	s14 =	sand.u32 $0x1, s12  }
0x2b: {  	_ =	swait.ge [sflag:s6], $0xFA0;
	p0 =	seq.s32 s14, $0x1;
	s14 =	simm.s32 $0xFA0  }
0x2c: {  	[sflag:s6] =	ssyncset.done $0x0;
	s14 =	simm.s32 @!p0 $0x0  }
0x2d: {  	[sflag:s6] =	ssyncadd.s32 $0xFFFFF060;
	(ifvalue) =	ssetifvalue $0x7FFFFFFF;
	v0 =	vld.msk [tilespmem:s14+$0x0 ss:$0x1], $0xffff;
	_ =	sdelay $0x4  }
0x2e: {  	s15 =	sadd.s32 $0x10, s14;
	vm1 =	vgt.s32 v0, $0x0  }
0x2f: {  	v2 =	vld.msk [tilespmem:s15+$0x0 ss:$0x1], $0xffff;
	v1 =	vnsel vm1, $0x0, v0  }
0x30: {  	v1 =	vmin.u32 v1, $0x270FF;
	_ =	sdelay $0x2  }
0x31: {  	s17 =	simm.s32 $0x20;
	s14 =	sadd.s32 $0x1F40, s14;
	s16 =	sadd.s32 $0x10, s15  }
0x32: {  	s15 =	sadd.s32 $0x10, s14;
	s18 =	smov.u32 s14;
	v0 =	vld.msk [tilespmem:s16+$0x0 ss:$0x1], $0xffff;
	vm1 =	vgt.s32 v2, $0x0;
	(ifvalue) =	ssetifvalue $0x7FFFFFFF  }
.LBB2_3:
0x33: {  	[tilespmem:s18], [sflag:$0x1] =	stream.indirect_vreg.gather [hbm4b:s2+s10], $0x1, v1, vm0, $0x4038;
	[tilespmem:$0x3E80] =	vst v63  }
0x34: {  	s17 =	sadd.s32 $0x10, s17  }
0x35: {  	v2 =	vnsel vm1, $0x0, v2;
	p0 =	slt.u32 s17, $0xF90  }
.Ltmp3:
0x36: {  	s18 =	smov.u32 s15;
	v1 =	vmin.u32 v2, $0x270FF;
	(pc) =	sbr.rel @p0 .LBB2_3-.Ltmp3, $3  }
0x37: {  	_ =	sdelay $0x1  }
0x38: {  	s16 =	sadd.s32 $0x10, s16  }
0x39: {  	vm1 =	vgt.s32 v0, $0x0;
	s15 =	sadd.s32 $0x10, s15;
	v2 =	vmov v0;
	(ifvalue) =	ssetifvalue $0x7FFFFFFF;
	v0 =	vld.msk [tilespmem:s16+$0x0 ss:$0x1], $0xffff  }
.Ltmp4:
0x3a: {  	_ = 	snop;
	(pc) =	sbr.rel .LBB2_4-.Ltmp4, $1  }
0x3b: {  	_ =	sdelay $0x3  }
.LBB2_6:
0x3c: {  	_ =	sfence.sel $0x180000  }
0x3d: {  	s2 =	simm.s32 $0x2;
	[bflag:$0x0] =	sbarrier.arrive $0xFFFF  }
0x3e: {  	s30 =	simm.s32 $0x3;
	[sflag:s2] =	ssyncpa.u1 $0x1  }
0x3f: {  	s31 =	simm.s32 $0x1;
	[sflag:s30] =	ssyncpa.u1 $0x1  }
0x40: {  	[sflag:s31] =	ssyncpa.u1 $0x1  }
0x41: {  	p0 =	sne.s32 s1, $0x0;
	_ =	strace $0x9000004A  }
0x42: {  	s0 =	sadd.s32 @!p0 $0x100000, s0;
	[bflag:$0x2] =	sbarrier.arrive $0xFFFF  }
0x43: {  	[sflag:s0] =	ssyncadd.tile.s32 @!p0 $0x1;
	_ =	shalt  }
.Lfunc_end2:
_tile_overlayer_lowered:
.L_overlay_start_2:
0x44: {  	(tag) =	ssettag $0x2  }
0x45: {  	s0 =	rddreg [dreg:$0x0];
	s2 =	stileid.u32  }
0x46: {  	s1 =	rddreg [dreg:$0x1];
	p0 =	sne.s32 s2, $0x0  }
0x47: {  	s3 =	rddreg [dreg:$0x2];
	[bflag:$0x3] =	sbarrier.arrive $0xFFFF;
	s2 =	simm.s32 @!p0 $0x1C01  }
0x48: {  	[timem:s3], [sflag:s2] =	dma.local @!p0 [hbm:s0], s1  }
0x49: {  	s0 =	simm.s32 @!p0 $0x1  }
0x4a: {  	_ =	swait.ge @!p0 [sflag:s0], s1  }
0x4b: {  	s1 =	ssub.s32 @!p0 $0x0, s1;
	[sflag:s0] =	ssyncset.done @!p0 $0x0  }
0x4c: {  	[sflag:s0] =	ssyncadd.s32 @!p0 s1  }
0x4d: {  	[bflag:$0x3] =	sbarrier.arrive $0xFFFF  }
0x4e: {  	_ =	shalt  }

// kernel: kernel.36.cloned.1.call-start
scs
__scs_entry_jumppad:
0x0: {  	(pc) =	sbr.rel $0x88, $3  }
0x1: {  	(tag) =	ssettag $0x0;
	lr =	simm.s32 $0x1  }
0x2: {  	[smem:$0x3F79] =	sst lr;
	_ =	strace $0xD0000000  }
0x3: {  	_ = 	snop  }
0x4: {  	_ = 	snop  }
0x5: {  	_ = 	snop  }
0x6: {  	_ = 	snop  }
0x7: {  	_ = 	snop  }
__scs_overlays_trampoline_lowered:
0x8: {  	[smem:$0x3F88] =	sst s0  }
0x9: {  	[smem:$0x3F89] =	sst s1  }
0xa: {  	[smem:$0x3F8A] =	sst s2  }
0xb: {  	[smem:$0x3F8B] =	sst s3  }
0xc: {  	[smem:$0x3F8C] =	sst s4  }
0xd: {  	[smem:$0x3F8D] =	sst s5  }
0xe: {  	[smem:$0x3F8E] =	sst s6  }
0xf: {  	[smem:$0x3F8F] =	sst s7  }
0x10: {  	[smem:$0x3F90] =	sst s8  }
0x11: {  	[smem:$0x3F91] =	sst s9;
	s0 =	simm.s32 @!p0 $0x0  }
0x12: {  	s1 =	sld [smem:$0x3F77];
	s0 =	simm.s32 @p0 $0x1  }
0x13: {  	[smem:$0x3F92] =	sst s0;
	s0 =	simm.s32 @!p1 $0x0  }
0x14: {  	s2 =	sld [smem:$0x3F76];
	s0 =	simm.s32 @p1 $0x1  }
0x15: {  	[smem:$0x3F93] =	sst s0;
	s0 =	simm.s32 @!p2 $0x0  }
0x16: {  	s3 =	sld [smem:$0x3FDB];
	s0 =	simm.s32 @p2 $0x1  }
0x17: {  	s4 =	simm.s32 $0x1BF5;
	[smem:$0x3F95] =	sst s0  }
0x18: {  	s0 =	sld [smem:$0x3F78];
	_ =	swait.ge [sflag:s4], $0x0  }
0x19: {  	s7 =	sld [smem:$0x3F79]  }
0x1a: {  	s8 =	sadd.s32 $0xFFFFE003, lr  }
0x1b: {  	s9 =	sadd.s32 $0xFFFFFEF7, lr;
	s5 =	simm.s32 $0xFFFFFFFF;
	p2 =	slt.u32 s8, $0xFFFFF086  }
0x1c: {  	p1 =	slt.u32 s9, $0xF7A;
	s5 =	simm.s32 @!p2 $0x0  }
0x1d: {  	s5 =	simm.s32 @p1 $0x1;
	p0 =	seq.s32 s7, s2  }
0x1e: {  	s7 =	smul.u32 @!p0 $0xF7A, s2;
	p2 =	seq.s32 @!p0 s5, $0x0  }
0x1f: {  	s9 =	smul.u32 $0xF7A, s1;
	s8 =	simm.s32 @!p0 $0x1BF5;
	p2 =	por !p2, p0  }
0x20: {  	[sflag:s8] =	ssyncset.s32 @!p0 $0xFFFFF086;
	s6 =	sadd.s32 @!p0 s3, s7;
	s7 =	simm.s32 @!p0 $0x108  }
0x21: {  	s3 =	sadd.s32 s3, s9;
	s6 =	sadd.s32 @!p0 $0x88, s6;
	s7 =	simm.s32 @p2 $0x1082  }
0x22: {  	[simem:s7], [sflag:s8] =	dma.local @!p0 [hbm:s6], $0xF7A  }
0x23: {  	s9 =	sor.u32 $0xD0000000, s2;
	s6 =	simm.s32 $0x108;
	_ =	swait.ge @!p0 [sflag:s8], $0x0  }
0x24: {  	s3 =	sadd.s32 $0x88, s3;
	s6 =	simm.s32 @!p1 $0x1082;
	[sflag:s4] =	ssyncset.s32 $0xFFFFF086  }
0x25: {  	[simem:s6], [sflag:s4] =	dma.local [hbm:s3], $0xF7A  }
0x26: {  	[smem:$0x3F79] =	sst s1;
	(tag) =	ssettag s2;
	_ =	strace s9  }
0x27: {  	s1 =	sld [smem:$0x3F89]  }
0x28: {  	s2 =	sld [smem:$0x3F8A]  }
0x29: {  	s4 =	sld [smem:$0x3F8C]  }
0x2a: {  	p0 =	seq.s32 s5, $0x0;
	s5 =	sld [smem:$0x3F8D]  }
0x2b: {  	s6 =	sld [smem:$0x3F8E]  }
0x2c: {  	s7 =	sld [smem:$0x3F8F]  }
0x2d: {  	s3 =	simm.s32 $0x108;
	s8 =	sld [smem:$0x3F90]  }
0x2e: {  	s3 =	simm.s32 @!p0 $0x1082;
	s9 =	sld [smem:$0x3F91]  }
0x2f: {  	lr =	sadd.s32 s0, s3;
	s0 =	sld [smem:$0x3F88]  }
0x30: {  	s3 =	sld [smem:$0x3F8B]  }
0x31: {  	[smem:$0x3F94] =	sst s10  }
0x32: {  	s10 =	sld [smem:$0x3F92];
	_ =	sdelay $0x3  }
0x33: {  	p0 =	seq.s32 s10, $0x1;
	s10 =	sld [smem:$0x3F94];
	_ =	sdelay $0x3  }
0x34: {  	[smem:$0x3F94] =	sst s10  }
0x35: {  	s10 =	sld [smem:$0x3F93];
	_ =	sdelay $0x3  }
0x36: {  	p1 =	seq.s32 s10, $0x1;
	s10 =	sld [smem:$0x3F94];
	_ =	sdelay $0x3  }
0x37: {  	[smem:$0x3F94] =	sst s10  }
0x38: {  	s10 =	sld [smem:$0x3F95]  }
0x39: {  	_ = 	snop;
	(pc) =	sbr.ind lr, $3  }
0x3a: {  	_ = 	snop  }
0x3b: {  	_ = 	snop  }
0x3c: {  	p2 =	seq.s32 s10, $0x1;
	s10 =	sld [smem:$0x3F94]  }
0x3d: {  	_ =	shalt  }
0x3e: {  	_ =	shalt  }
0x3f: {  	_ =	shalt  }
0x40: {  	_ =	shalt  }
0x41: {  	_ =	shalt  }
0x42: {  	_ =	shalt  }
0x43: {  	_ =	shalt  }
0x44: {  	_ =	shalt  }
0x45: {  	_ =	shalt  }
0x46: {  	_ =	shalt  }
0x47: {  	_ =	shalt  }
0x48: {  	_ =	shalt  }
0x49: {  	_ =	shalt  }
0x4a: {  	_ =	shalt  }
0x4b: {  	_ =	shalt  }
0x4c: {  	_ =	shalt  }
0x4d: {  	_ =	shalt  }
0x4e: {  	_ =	shalt  }
0x4f: {  	_ =	shalt  }
0x50: {  	_ =	shalt  }
0x51: {  	_ =	shalt  }
0x52: {  	_ =	shalt  }
0x53: {  	_ =	shalt  }
0x54: {  	_ =	shalt  }
0x55: {  	_ =	shalt  }
0x56: {  	_ =	shalt  }
0x57: {  	_ =	shalt  }
0x58: {  	_ =	shalt  }
0x59: {  	_ =	shalt  }
0x5a: {  	_ =	shalt  }
0x5b: {  	_ =	shalt  }
0x5c: {  	_ =	shalt  }
0x5d: {  	_ =	shalt  }
0x5e: {  	_ =	shalt  }
0x5f: {  	_ =	shalt  }
0x60: {  	_ =	shalt  }
0x61: {  	_ =	shalt  }
0x62: {  	_ =	shalt  }
0x63: {  	_ =	shalt  }
0x64: {  	_ =	shalt  }
0x65: {  	_ =	shalt  }
0x66: {  	_ =	shalt  }
0x67: {  	_ =	shalt  }
0x68: {  	_ =	shalt  }
0x69: {  	_ =	shalt  }
0x6a: {  	_ =	shalt  }
0x6b: {  	_ =	shalt  }
0x6c: {  	_ =	shalt  }
0x6d: {  	_ =	shalt  }
0x6e: {  	_ =	shalt  }
0x6f: {  	_ =	shalt  }
0x70: {  	_ =	shalt  }
0x71: {  	_ =	shalt  }
0x72: {  	_ =	shalt  }
0x73: {  	_ =	shalt  }
0x74: {  	_ =	shalt  }
0x75: {  	_ =	shalt  }
0x76: {  	_ =	shalt  }
0x77: {  	_ =	shalt  }
0x78: {  	_ =	shalt  }
0x79: {  	_ =	shalt  }
0x7a: {  	_ =	shalt  }
0x7b: {  	_ =	shalt  }
0x7c: {  	_ =	shalt  }
0x7d: {  	_ =	shalt  }
0x7e: {  	_ =	shalt  }
0x7f: {  	_ =	shalt  }
0x80: {  	_ =	shalt  }
0x81: {  	_ =	shalt  }
0x82: {  	_ =	shalt  }
0x83: {  	_ =	shalt  }
0x84: {  	_ =	shalt  }
0x85: {  	_ =	shalt  }
0x86: {  	_ =	shalt  }
0x87: {  	_ =	shalt  }
.Lfunc_end0:
.L_simem_size_0:
called_computation.2_lowered:
.L_overlay_start_0:
0x88: {  	s2 =	sld [smem:$0x3FD9]  }
0x89: {  	s3 =	sld [smem:$0x3FFE];
	_ =	sdelay $0x1  }
0x8a: {  	s1 =	srdreg.scid  }
0x8b: {  	s0 =	sand.u32 $0x1, s1  }
0x8c: {  	s14 =	sshll.u32 s0, $0xA;
	s2 =	sadd.s32 s3, s2  }
0x8d: {  	s2 =	sadd.s32 s2, s14  }
0x8e: {  	[smem:$0x3FA0] =	sst s2  }
0x8f: {  	_ = 	snop  }
0x90: {  	s2 =	sld [smem:$0x3FD0];
	_ =	sdelay $0x2  }
0x91: {  	s15 =	simm.s32 $0xB;
	s4 =	simm.s32 $0x10  }
0x92: {  	[smem:s4], [sflag:s15] =	dma.local [hbm:s2], $0x1  }
0x93: {  	_ =	swait.eq [sflag:s15], $0x1  }
0x94: {  	[sflag:s15] =	ssyncset.done $0x0  }
0x95: {  	[sflag:s15] =	ssyncadd.s32 $0xFFFFFFFF  }
0x96: {  	s16 =	sld [smem:$0x12];
	(tm) =	ssettm $0x1  }
0x97: {  	s17 =	sld [smem:$0x3FFB];
	_ =	sdelay $0x3  }
0x98: {  	_ =	strace s17  }
0x99: {  	s3 =	sld [smem:$0x3FFC];
	_ =	sdelay $0x3  }
0x9a: {  	_ =	strace s3  }
0x9b: {  	s3 =	sld [smem:$0x3FFD];
	_ =	sdelay $0x3  }
0x9c: {  	_ =	strace s3  }
0x9d: {  	_ =	strace $0x8FFFFFFF  }
0x9e: {  	s18 =	sld [smem:$0x3FDB];
	_ =	sdelay $0x1  }
0x9f: {  	s19 =	simm.s32 $_scs_section_size  }
0xa0: {  	s5 =	simm.s32 $_size__tile_overlayer_lowered;
	s6 =	simm.s32 $_tile_overlayer_lowered  }
0xa1: {  	s22 =	simm.s32 $0x1BFF;
	s21 =	sshll.u32 s6, $0x1;
	s3 =	sadd.s32 s19, s18  }
0xa2: {  	s7 =	simm.s32 $0x0;
	s20 =	sshll.u32 s5, $0x1;
	s5 =	sadd.s32 s21, s3  }
0xa3: {  	[timem:s7], [sflag:s22] =	dma.local [hbm:s5], s20  }
0xa4: {  	_ =	swait.ge [sflag:s22], s20  }
0xa5: {  	s4 =	ssub.s32 $0x0, s20;
	[sflag:s22] =	ssyncset.done $0x0  }
0xa6: {  	[sflag:s22] =	ssyncadd.s32 s4;
	_ =	sdelay $0x1  }
0xa7: {  	s23 =	simm.s32 $0x1B8B  }
0xa8: {  	_ =	swait.ge [sflag:s23], $0x1  }
0xa9: {  	[sflag:s23] =	ssyncset.done $0x0  }
0xaa: {  	s25 =	simm.s32 $0x1B8E;
	s24 =	sld [smem:$0x3FFE];
	[sflag:s23] =	ssyncadd.s32 $0xFFFFFFFF  }
0xab: {  	s26 =	simm.s32 $execute0_lowered;
	[smem:$0x3FD2] =	sst s25  }
0xac: {  	s5 =	sshll.u32 s26, $0x1;
	_ =	strace $0x8000004C;
	[dreg:$0x1] =	wrdreg $0xFFFFFFFF  }
0xad: {  	s28 =	simm.s32 $_size_execute0_lowered;
	s3 =	sadd.s32 s3, s5;
	[dreg:$0x0] =	wrdreg $0x0  }
0xae: {  	s5 =	sshll.u32 s28, $0x1;
	[dreg:$0x2] =	wrdreg s3  }
0xaf: {  	[dreg:$0x3] =	wrdreg s5  }
0xb0: {  	[dreg:$0x4] =	wrdreg $0xC0  }
0xb1: {  	_ =	task [dreg:s7], $0x5FFFF  }
0xb2: {  	[dreg:$0x1] =	wrdreg $0xFFFFFFFF  }
0xb3: {  	[dreg:$0x0] =	wrdreg $0x60  }
0xb4: {  	[dreg:$0x2] =	wrdreg s16  }
0xb5: {  	[dreg:$0x3] =	wrdreg s24  }
0xb6: {  	[dreg:$0x4] =	wrdreg $0x9  }
0xb7: {  	_ =	task.clear_ibuf [dreg:s7], $0x5FFFF;
	_ =	strace $0x9000004C  }
0xb8: {  	s29 =	simm.s32 $0x9;
	_ =	strace $0x8000004E  }
0xb9: {  	_ =	swait.ge [sflag:s29], $0x1  }
0xba: {  	[sflag:s29] =	ssyncadd.s32 $0xFFFFFFFF  }
0xbb: {  	_ =	strace $0x9000004E  }
0xbc: {  	_ =	sfence  }
0xbd: {  	s30 =	sld [smem:$0x0];
	_ =	sdelay $0x2  }
0xbe: {  	s31 =	sshll.u32 s1, $0xD;
	s1 =	sshrl.u32 s1, $0x2  }
0xbf: {  	s3 =	sand.u32 $0x4000, s31;
	s1 =	sadd.s32 s1, s30  }
0xc0: {  	s0 =	sor.u32 s3, s0;
	s1 =	sshll.u32 s1, $0x11  }
0xc1: {  	s0 =	sor.u32 s1, s0  }
0xc2: {  	s0 =	sadd.s32 $0x8F2B, s0  }
0xc3: {  	[sflag:s0] =	ssyncadd.remote.s32 $0x1  }
0xc4: {  	_ =	sfence.sel $0xFFFF  }
0xc5: {  	[dreg:$0x0] =	wrdreg $0xFFFFFFFF;
	(pc) =	sbr.abs _section_cstart, $3  }
0xc6: {  	[dreg:$0x1] =	wrdreg $0xFFFFFFFF  }
0xc7: {  	_ =	task.clear_ibuf [dreg:s7], $0x2FFFF;
	_ =	strace $0x9FFFFFFF  }
0xc8: {  	(tm) =	ssettm $0x7FFFFFFF  }
0xc9: {  	_ =	shalt  }
tec
execute0_lowered:
.L_overlay_start_1:
0x0: {  	(tag) =	ssettag $0x1  }
0x1: {  	s2 =	rddreg [dreg:$0x0]  }
0x2: {  	s4 =	rddreg [dreg:$0x1]  }
0x3: {  	s0 =	rddreg [dreg:$0x2]  }
0x4: {  	s5 =	srdreg.scid;
	s1 =	stileid.u32;
	s3 =	simm.s32 $0x0  }
0x5: {  	s11 =	simm.s32 $0x100;
	s12 =	simm.s32 $0x4100;
	s6 =	smul.u32 $0x2800, s1  }
0x6: {  	s13 =	simm.s32 $0x1;
	s5 =	sand.u32 $0x1, s5;
	s8 =	smul.u32 $0x28000, s1  }
0x7: {  	s14 =	simm.s32 $0x2;
	s15 =	simm.s32 $0x0;
	s7 =	smul.u32 $0x1400, s5  }
0x8: {  	[smem:$0x7FF] =	sst s3;
	s29 =	ssub.s32 $0x2, s5;
	s5 =	smul.u32 $0x14000, s5  }
0x9: {  	_ =	strace $0x8000004D;
	s8 =	sadd.s32 s8, s4;
	s9 =	sshrl.u32 s29, $0x1  }
0xa: {  	s6 =	sadd.s32 s7, s6;
	s30 =	ssub.s32 s29, s9;
	s31 =	sadd.s32 s5, s8  }
0xb: {  	s9 =	simm.s32 $0x3;
	s6 =	sshrl.u32 s6, $0x3;
	s5 =	sadd.s32 $0x38200, s31  }
0xc: {  	s10 =	sadd.s32 s6, s4;
	s4 =	smax.u32 s30, $0x1;
	s6 =	sadd.s32 $0x2B8200, s31  }
0xd: {  	s7 =	sadd.s32 $0x2E200, s10;
	s8 =	sadd.s32 $0x33200, s10;
	s10 =	simm.s32 $0x80  }
.LBB2_1:
0xe: {  	s16 =	sadd.s32 $0x0, s8  }
0xf: {  	[tilespmem:s3], [sflag:$0x3] =	stream.linear.gather [hbm4b:s16+s3], $0x80, $0x38;
	[tilespmem:$0x8100] =	vst v63  }
0x10: {  	_ =	swait.ge [sflag:s9], $0x80  }
0x11: {  	[sflag:s9] =	ssyncset.done $0x0  }
0x12: {  	s31 =	sadd.s32 $0x0, s7;
	[sflag:s9] =	ssyncadd.s32 $0xFFFFFF80  }
0x13: {  	[tilespmem:s10], [sflag:$0x3] =	stream.linear.gather [hbm4b:s31+s3], $0x80, $0x38;
	[tilespmem:$0x8100] =	vst v63  }
0x14: {  	_ =	swait.ge [sflag:s9], $0x80  }
0x15: {  	[sflag:s9] =	ssyncset.done $0x0  }
0x16: {  	[sflag:s9] =	ssyncadd.s32 $0xFFFFFF80  }
0x17: {  	[tilespmem:s11], [sflag:$0x1] =	stream.indirect.gather [hbm4b:s2+s10], $0x80, s3, s10, $0xb8;
	[tilespmem:$0x8100] =	vst v63  }
0x18: {  	_ = 	snop  }
0x19: {  	[tilespmem:s12], [sflag:$0x2] =	stream.indirect.gather [hbm4b:s2+s10], $0x80, s10, s10, $0xb8;
	[tilespmem:$0x8100] =	vst v63  }
0x1a: {  	_ =	swait.ge [sflag:s13], $0x4000  }
0x1b: {  	[sflag:s13] =	ssyncset.done $0x0  }
0x1c: {  	[sflag:s13] =	ssyncadd.s32 $0xFFFFC000  }
0x1d: {  	_ =	swait.ge [sflag:s14], $0x4000  }
0x1e: {  	[sflag:s14] =	ssyncset.done $0x0  }
0x1f: {  	[sflag:s14] =	ssyncadd.s32 $0xFFFFC000  }
0x20: {  	[hbm4b:s5+s3] =	stream.linear.scatter [tilespmem:s11], [sflag:$0x3], $0x4000, $0x38;
	[tilespmem:$0x8100] =	vst v63  }
0x21: {  	_ =	swait.ge [sflag:s9], $0x4000  }
0x22: {  	[sflag:s9] =	ssyncset.done $0x0  }
0x23: {  	[sflag:s9] =	ssyncadd.s32 $0xFFFFC000  }
0x24: {  	[hbm4b:s6+s3] =	stream.linear.scatter [tilespmem:s12], [sflag:$0x3], $0x4000, $0x38;
	[tilespmem:$0x8100] =	vst v63  }
0x25: {  	s18 =	simm.s32 $0x10;
	s19 =	simm.s32 $0x20;
	_ =	swait.ge [sflag:s9], $0x4000  }
0x26: {  	s17 =	sadd.s32 $0x800, s5;
	s16 =	sadd.s32 $0x800, s6;
	[sflag:s9] =	ssyncset.done $0x0  }
.LBB2_2:
0x27: {  	s20 =	sadd.s32 s18, s8  }
0x28: {  	[sflag:s9] =	ssyncadd.s32 $0xFFFFC000;
	s21 =	smov.u32 s19;
	s22 =	sadd.s32 $0x10, s19  }
0x29: {  	[tilespmem:s3], [sflag:$0x3] =	stream.linear.gather [hbm4b:s20+s3], $0x80, $0x38;
	[tilespmem:$0x8100] =	vst v63  }
0x2a: {  	p0 =	sne.s32 s19, $0x270;
	_ =	swait.ge [sflag:s9], $0x80  }
0x2b: {  	[sflag:s9] =	ssyncset.done $0x0  }
0x2c: {  	s19 =	sadd.s32 s18, s7;
	s18 =	smov.u32 s21;
	[sflag:s9] =	ssyncadd.s32 $0xFFFFFF80  }
0x2d: {  	[tilespmem:s10], [sflag:$0x3] =	stream.linear.gather [hbm4b:s19+s3], $0x80, $0x38;
	[tilespmem:$0x8100] =	vst v63  }
0x2e: {  	_ =	swait.ge [sflag:s9], $0x80  }
0x2f: {  	[sflag:s9] =	ssyncset.done $0x0  }
0x30: {  	[sflag:s9] =	ssyncadd.s32 $0xFFFFFF80  }
0x31: {  	[tilespmem:s11], [sflag:$0x1] =	stream.indirect.gather [hbm4b:s2+s10], $0x80, s3, s10, $0xb8;
	[tilespmem:$0x8100] =	vst v63  }
0x32: {  	_ = 	snop  }
0x33: {  	[tilespmem:s12], [sflag:$0x2] =	stream.indirect.gather [hbm4b:s2+s10], $0x80, s10, s10, $0xb8;
	[tilespmem:$0x8100] =	vst v63  }
0x34: {  	_ =	swait.ge [sflag:s13], $0x4000  }
0x35: {  	[sflag:s13] =	ssyncset.done $0x0  }
0x36: {  	[sflag:s13] =	ssyncadd.s32 $0xFFFFC000  }
0x37: {  	_ =	swait.ge [sflag:s14], $0x4000  }
0x38: {  	[sflag:s14] =	ssyncset.done $0x0  }
0x39: {  	[sflag:s14] =	ssyncadd.s32 $0xFFFFC000  }
0x3a: {  	[hbm4b:s17+s3] =	stream.linear.scatter [tilespmem:s11], [sflag:$0x3], $0x4000, $0x38;
	[tilespmem:$0x8100] =	vst v63  }
0x3b: {  	_ =	swait.ge [sflag:s9], $0x4000  }
.Ltmp0:
0x3c: {  	[sflag:s9] =	ssyncset.done $0x0;
	(pc) =	sbr.rel @p0 .LBB2_2-.Ltmp0, $4  }
0x3d: {  	[sflag:s9] =	ssyncadd.s32 $0xFFFFC000  }
0x3e: {  	[hbm4b:s16+s3] =	stream.linear.scatter [tilespmem:s12], [sflag:$0x3], $0x4000, $0x38;
	[tilespmem:$0x8100] =	vst v63  }
0x3f: {  	s19 =	smov.u32 s22;
	_ =	swait.ge [sflag:s9], $0x4000  }
0x40: {  	s17 =	sadd.s32 $0x800, s17;
	s16 =	sadd.s32 $0x800, s16;
	[sflag:s9] =	ssyncset.done $0x0  }
0x41: {  	s19 =	sadd.s32 s18, s8;
	[sflag:s9] =	ssyncadd.s32 $0xFFFFC000  }
0x42: {  	[tilespmem:s3], [sflag:$0x3] =	stream.linear.gather [hbm4b:s19+s3], $0x80, $0x38;
	[tilespmem:$0x8100] =	vst v63  }
0x43: {  	_ =	swait.ge [sflag:s9], $0x80  }
0x44: {  	[sflag:s9] =	ssyncset.done $0x0  }
0x45: {  	s31 =	sadd.s32 s18, s7;
	[sflag:s9] =	ssyncadd.s32 $0xFFFFFF80  }
0x46: {  	[tilespmem:s10], [sflag:$0x3] =	stream.linear.gather [hbm4b:s31+s3], $0x80, $0x38;
	[tilespmem:$0x8100] =	vst v63  }
0x47: {  	_ =	swait.ge [sflag:s9], $0x80  }
0x48: {  	[sflag:s9] =	ssyncset.done $0x0  }
0x49: {  	[sflag:s9] =	ssyncadd.s32 $0xFFFFFF80  }
0x4a: {  	[tilespmem:s11], [sflag:$0x1] =	stream.indirect.gather [hbm4b:s2+s10], $0x80, s3, s10, $0xb8;
	[tilespmem:$0x8100] =	vst v63  }
0x4b: {  	_ = 	snop  }
0x4c: {  	[tilespmem:s12], [sflag:$0x2] =	stream.indirect.gather [hbm4b:s2+s10], $0x80, s10, s10, $0xb8;
	[tilespmem:$0x8100] =	vst v63  }
0x4d: {  	_ =	swait.ge [sflag:s13], $0x4000  }
0x4e: {  	[sflag:s13] =	ssyncset.done $0x0  }
0x4f: {  	[sflag:s13] =	ssyncadd.s32 $0xFFFFC000  }
0x50: {  	_ =	swait.ge [sflag:s14], $0x4000  }
0x51: {  	[sflag:s14] =	ssyncset.done $0x0  }
0x52: {  	[sflag:s14] =	ssyncadd.s32 $0xFFFFC000  }
0x53: {  	[hbm4b:s17+s3] =	stream.linear.scatter [tilespmem:s11], [sflag:$0x3], $0x4000, $0x38;
	[tilespmem:$0x8100] =	vst v63  }
0x54: {  	s15 =	sadd.s32 $0x1, s15;
	_ =	swait.ge [sflag:s9], $0x4000  }
0x55: {  	p0 =	sne.s32 s15, s4;
	[sflag:s9] =	ssyncset.done $0x0  }
.Ltmp1:
0x56: {  	[sflag:s9] =	ssyncadd.s32 $0xFFFFC000;
	(pc) =	sbr.rel @p0 .LBB2_1-.Ltmp1, $4  }
0x57: {  	[hbm4b:s16+s3] =	stream.linear.scatter [tilespmem:s12], [sflag:$0x3], $0x4000, $0x38;
	[tilespmem:$0x8100] =	vst v63  }
0x58: {  	_ =	swait.ge [sflag:s9], $0x4000  }
0x59: {  	[sflag:s9] =	ssyncset.done $0x0  }
0x5a: {  	[sflag:s9] =	ssyncadd.s32 $0xFFFFC000  }
0x5b: {  	_ =	sfence.sel $0x180000  }
0x5c: {  	[bflag:$0x0] =	sbarrier.arrive $0xFFFF  }
0x5d: {  	p0 =	sne.s32 s1, $0x0;
	_ =	strace $0x9000004D  }
0x5e: {  	s0 =	sadd.s32 @!p0 $0x100000, s0;
	[bflag:$0x2] =	sbarrier.arrive $0xFFFF  }
0x5f: {  	[sflag:s0] =	ssyncadd.tile.s32 @!p0 $0x1;
	_ =	shalt  }
.Lfunc_end2:
_tile_overlayer_lowered:
.L_overlay_start_2:
0x60: {  	(tag) =	ssettag $0x2  }
0x61: {  	s0 =	rddreg [dreg:$0x0];
	s2 =	stileid.u32  }
0x62: {  	s1 =	rddreg [dreg:$0x1];
	p0 =	sne.s32 s2, $0x0  }
0x63: {  	s3 =	rddreg [dreg:$0x2];
	[bflag:$0x3] =	sbarrier.arrive $0xFFFF;
	s2 =	simm.s32 @!p0 $0x1C03  }
0x64: {  	[timem:s3], [sflag:s2] =	dma.local @!p0 [hbm:s0], s1  }
0x65: {  	s0 =	simm.s32 @!p0 $0x3  }
0x66: {  	_ =	swait.ge @!p0 [sflag:s0], s1  }
0x67: {  	s1 =	ssub.s32 @!p0 $0x0, s1;
	[sflag:s0] =	ssyncset.done @!p0 $0x0  }
0x68: {  	[sflag:s0] =	ssyncadd.s32 @!p0 s1  }
0x69: {  	[bflag:$0x3] =	sbarrier.arrive $0xFFFF  }
0x6a: {  	_ =	shalt  }

// kernel: kernel.39.cloned.1.call-start
scs
__scs_entry_jumppad:
0x0: {  	(pc) =	sbr.rel $0x88, $3  }
0x1: {  	(tag) =	ssettag $0x0;
	lr =	simm.s32 $0x1  }
0x2: {  	[smem:$0x3F79] =	sst lr;
	_ =	strace $0xD0000000  }
0x3: {  	_ = 	snop  }
0x4: {  	_ = 	snop  }
0x5: {  	_ = 	snop  }
0x6: {  	_ = 	snop  }
0x7: {  	_ = 	snop  }
__scs_overlays_trampoline_lowered:
0x8: {  	[smem:$0x3F88] =	sst s0  }
0x9: {  	[smem:$0x3F89] =	sst s1  }
0xa: {  	[smem:$0x3F8A] =	sst s2  }
0xb: {  	[smem:$0x3F8B] =	sst s3  }
0xc: {  	[smem:$0x3F8C] =	sst s4  }
0xd: {  	[smem:$0x3F8D] =	sst s5  }
0xe: {  	[smem:$0x3F8E] =	sst s6  }
0xf: {  	[smem:$0x3F8F] =	sst s7  }
0x10: {  	[smem:$0x3F90] =	sst s8  }
0x11: {  	[smem:$0x3F91] =	sst s9;
	s0 =	simm.s32 @!p0 $0x0  }
0x12: {  	s1 =	sld [smem:$0x3F77];
	s0 =	simm.s32 @p0 $0x1  }
0x13: {  	[smem:$0x3F92] =	sst s0;
	s0 =	simm.s32 @!p1 $0x0  }
0x14: {  	s2 =	sld [smem:$0x3F76];
	s0 =	simm.s32 @p1 $0x1  }
0x15: {  	[smem:$0x3F93] =	sst s0;
	s0 =	simm.s32 @!p2 $0x0  }
0x16: {  	s3 =	sld [smem:$0x3FDB];
	s0 =	simm.s32 @p2 $0x1  }
0x17: {  	s4 =	simm.s32 $0x1BF5;
	[smem:$0x3F95] =	sst s0  }
0x18: {  	s0 =	sld [smem:$0x3F78];
	_ =	swait.ge [sflag:s4], $0x0  }
0x19: {  	s7 =	sld [smem:$0x3F79]  }
0x1a: {  	s8 =	sadd.s32 $0xFFFFE003, lr  }
0x1b: {  	s9 =	sadd.s32 $0xFFFFFEF7, lr;
	s5 =	simm.s32 $0xFFFFFFFF;
	p2 =	slt.u32 s8, $0xFFFFF086  }
0x1c: {  	p1 =	slt.u32 s9, $0xF7A;
	s5 =	simm.s32 @!p2 $0x0  }
0x1d: {  	s5 =	simm.s32 @p1 $0x1;
	p0 =	seq.s32 s7, s2  }
0x1e: {  	s7 =	smul.u32 @!p0 $0xF7A, s2;
	p2 =	seq.s32 @!p0 s5, $0x0  }
0x1f: {  	s9 =	smul.u32 $0xF7A, s1;
	s8 =	simm.s32 @!p0 $0x1BF5;
	p2 =	por !p2, p0  }
0x20: {  	[sflag:s8] =	ssyncset.s32 @!p0 $0xFFFFF086;
	s6 =	sadd.s32 @!p0 s3, s7;
	s7 =	simm.s32 @!p0 $0x108  }
0x21: {  	s3 =	sadd.s32 s3, s9;
	s6 =	sadd.s32 @!p0 $0x88, s6;
	s7 =	simm.s32 @p2 $0x1082  }
0x22: {  	[simem:s7], [sflag:s8] =	dma.local @!p0 [hbm:s6], $0xF7A  }
0x23: {  	s9 =	sor.u32 $0xD0000000, s2;
	s6 =	simm.s32 $0x108;
	_ =	swait.ge @!p0 [sflag:s8], $0x0  }
0x24: {  	s3 =	sadd.s32 $0x88, s3;
	s6 =	simm.s32 @!p1 $0x1082;
	[sflag:s4] =	ssyncset.s32 $0xFFFFF086  }
0x25: {  	[simem:s6], [sflag:s4] =	dma.local [hbm:s3], $0xF7A  }
0x26: {  	[smem:$0x3F79] =	sst s1;
	(tag) =	ssettag s2;
	_ =	strace s9  }
0x27: {  	s1 =	sld [smem:$0x3F89]  }
0x28: {  	s2 =	sld [smem:$0x3F8A]  }
0x29: {  	s4 =	sld [smem:$0x3F8C]  }
0x2a: {  	p0 =	seq.s32 s5, $0x0;
	s5 =	sld [smem:$0x3F8D]  }
0x2b: {  	s6 =	sld [smem:$0x3F8E]  }
0x2c: {  	s7 =	sld [smem:$0x3F8F]  }
0x2d: {  	s3 =	simm.s32 $0x108;
	s8 =	sld [smem:$0x3F90]  }
0x2e: {  	s3 =	simm.s32 @!p0 $0x1082;
	s9 =	sld [smem:$0x3F91]  }
0x2f: {  	lr =	sadd.s32 s0, s3;
	s0 =	sld [smem:$0x3F88]  }
0x30: {  	s3 =	sld [smem:$0x3F8B]  }
0x31: {  	[smem:$0x3F94] =	sst s10  }
0x32: {  	s10 =	sld [smem:$0x3F92];
	_ =	sdelay $0x3  }
0x33: {  	p0 =	seq.s32 s10, $0x1;
	s10 =	sld [smem:$0x3F94];
	_ =	sdelay $0x3  }
0x34: {  	[smem:$0x3F94] =	sst s10  }
0x35: {  	s10 =	sld [smem:$0x3F93];
	_ =	sdelay $0x3  }
0x36: {  	p1 =	seq.s32 s10, $0x1;
	s10 =	sld [smem:$0x3F94];
	_ =	sdelay $0x3  }
0x37: {  	[smem:$0x3F94] =	sst s10  }
0x38: {  	s10 =	sld [smem:$0x3F95]  }
0x39: {  	_ = 	snop;
	(pc) =	sbr.ind lr, $3  }
0x3a: {  	_ = 	snop  }
0x3b: {  	_ = 	snop  }
0x3c: {  	p2 =	seq.s32 s10, $0x1;
	s10 =	sld [smem:$0x3F94]  }
0x3d: {  	_ =	shalt  }
0x3e: {  	_ =	shalt  }
0x3f: {  	_ =	shalt  }
0x40: {  	_ =	shalt  }
0x41: {  	_ =	shalt  }
0x42: {  	_ =	shalt  }
0x43: {  	_ =	shalt  }
0x44: {  	_ =	shalt  }
0x45: {  	_ =	shalt  }
0x46: {  	_ =	shalt  }
0x47: {  	_ =	shalt  }
0x48: {  	_ =	shalt  }
0x49: {  	_ =	shalt  }
0x4a: {  	_ =	shalt  }
0x4b: {  	_ =	shalt  }
0x4c: {  	_ =	shalt  }
0x4d: {  	_ =	shalt  }
0x4e: {  	_ =	shalt  }
0x4f: {  	_ =	shalt  }
0x50: {  	_ =	shalt  }
0x51: {  	_ =	shalt  }
0x52: {  	_ =	shalt  }
0x53: {  	_ =	shalt  }
0x54: {  	_ =	shalt  }
0x55: {  	_ =	shalt  }
0x56: {  	_ =	shalt  }
0x57: {  	_ =	shalt  }
0x58: {  	_ =	shalt  }
0x59: {  	_ =	shalt  }
0x5a: {  	_ =	shalt  }
0x5b: {  	_ =	shalt  }
0x5c: {  	_ =	shalt  }
0x5d: {  	_ =	shalt  }
0x5e: {  	_ =	shalt  }
0x5f: {  	_ =	shalt  }
0x60: {  	_ =	shalt  }
0x61: {  	_ =	shalt  }
0x62: {  	_ =	shalt  }
0x63: {  	_ =	shalt  }
0x64: {  	_ =	shalt  }
0x65: {  	_ =	shalt  }
0x66: {  	_ =	shalt  }
0x67: {  	_ =	shalt  }
0x68: {  	_ =	shalt  }
0x69: {  	_ =	shalt  }
0x6a: {  	_ =	shalt  }
0x6b: {  	_ =	shalt  }
0x6c: {  	_ =	shalt  }
0x6d: {  	_ =	shalt  }
0x6e: {  	_ =	shalt  }
0x6f: {  	_ =	shalt  }
0x70: {  	_ =	shalt  }
0x71: {  	_ =	shalt  }
0x72: {  	_ =	shalt  }
0x73: {  	_ =	shalt  }
0x74: {  	_ =	shalt  }
0x75: {  	_ =	shalt  }
0x76: {  	_ =	shalt  }
0x77: {  	_ =	shalt  }
0x78: {  	_ =	shalt  }
0x79: {  	_ =	shalt  }
0x7a: {  	_ =	shalt  }
0x7b: {  	_ =	shalt  }
0x7c: {  	_ =	shalt  }
0x7d: {  	_ =	shalt  }
0x7e: {  	_ =	shalt  }
0x7f: {  	_ =	shalt  }
0x80: {  	_ =	shalt  }
0x81: {  	_ =	shalt  }
0x82: {  	_ =	shalt  }
0x83: {  	_ =	shalt  }
0x84: {  	_ =	shalt  }
0x85: {  	_ =	shalt  }
0x86: {  	_ =	shalt  }
0x87: {  	_ =	shalt  }
.Lfunc_end0:
.L_simem_size_0:
called_computation.3_lowered:
.L_overlay_start_0:
0x88: {  	s2 =	sld [smem:$0x3FD9]  }
0x89: {  	s3 =	sld [smem:$0x3FFE];
	_ =	sdelay $0x1  }
0x8a: {  	s1 =	srdreg.scid  }
0x8b: {  	s0 =	sand.u32 $0x1, s1  }
0x8c: {  	s17 =	sshll.u32 s0, $0xA;
	s2 =	sadd.s32 s3, s2  }
0x8d: {  	s2 =	sadd.s32 s2, s17  }
0x8e: {  	[smem:$0x3FA0] =	sst s2  }
0x8f: {  	_ = 	snop  }
0x90: {  	(tm) =	ssettm $0x1  }
0x91: {  	s18 =	sld [smem:$0x3FFB];
	_ =	sdelay $0x3  }
0x92: {  	_ =	strace s18  }
0x93: {  	s2 =	sld [smem:$0x3FFC];
	_ =	sdelay $0x3  }
0x94: {  	_ =	strace s2  }
0x95: {  	s2 =	sld [smem:$0x3FFD];
	_ =	sdelay $0x3  }
0x96: {  	_ =	strace s2  }
0x97: {  	_ =	strace $0x8FFFFFFF  }
0x98: {  	s19 =	sld [smem:$0x3FDB];
	_ =	sdelay $0x1  }
0x99: {  	s20 =	simm.s32 $_scs_section_size  }
0x9a: {  	s4 =	simm.s32 $_size__tile_overlayer_lowered;
	s5 =	simm.s32 $_tile_overlayer_lowered  }
0x9b: {  	s6 =	simm.s32 $0x1BFF;
	s21 =	sshll.u32 s5, $0x1;
	s3 =	sadd.s32 s20, s19  }
0x9c: {  	s22 =	simm.s32 $0x0;
	s4 =	sshll.u32 s4, $0x1;
	s5 =	sadd.s32 s21, s3  }
0x9d: {  	[timem:s22], [sflag:s6] =	dma.local [hbm:s5], s4  }
0x9e: {  	_ =	swait.ge [sflag:s6], s4  }
0x9f: {  	s4 =	ssub.s32 $0x0, s4;
	[sflag:s6] =	ssyncset.done $0x0  }
0xa0: {  	[sflag:s6] =	ssyncadd.s32 s4;
	_ =	sdelay $0x1  }
0xa1: {  	s23 =	simm.s32 $0x1B8B  }
0xa2: {  	_ =	swait.ge [sflag:s23], $0x1  }
0xa3: {  	[sflag:s23] =	ssyncset.done $0x0  }
0xa4: {  	[sflag:s23] =	ssyncadd.s32 $0xFFFFFFFF  }
0xa5: {  	s4 =	sld [smem:$0x0]  }
0xa6: {  	s5 =	sand.u32 $0xFFFFFFFE, s1  }
0xa7: {  	p0 =	sne.s32 s1, s5  }
0xa8: {  	s5 =	sshll.u32 @p0 s5, $0xE  }
0xa9: {  	s5 =	sadd.s32 @p0 $0x11B8D, s5;
	s6 =	sshll.u32 @p0 s4, $0x11  }
0xaa: {  	s5 =	sor.u32 @p0 s6, s5  }
0xab: {  	[sflag:s5] =	ssyncadd.remote.s32 @p0 $0x1;
	_ =	sdelay $0x1  }
0xac: {  	s5 =	simm.s32 @p0 $0x1B8D  }
0xad: {  	_ =	swait.eq @p0 [sflag:s5], $0x1  }
0xae: {  	[sflag:s5] =	ssyncadd.s32 @p0 $0xFFFFFFFF  }
0xaf: {  	s6 =	sshll.u32 @!p0 s1, $0xE  }
0xb0: {  	s6 =	sor.u32 @!p0 $0x4000, s6;
	s5 =	simm.s32 @!p0 $0x1B8D  }
0xb1: {  	s4 =	sshll.u32 @!p0 s4, $0x11;
	s6 =	sadd.s32 @!p0 $0x11B8D, s6;
	_ =	swait.eq @!p0 [sflag:s5], $0x1  }
0xb2: {  	s4 =	sor.u32 @!p0 s4, s6;
	[sflag:s5] =	ssyncadd.s32 @!p0 $0xFFFFFFFF  }
0xb3: {  	s25 =	simm.s32 $0x1B8E;
	s24 =	sld [smem:$0x3FFE];
	[sflag:s4] =	ssyncadd.remote.s32 @!p0 $0x1  }
0xb4: {  	s26 =	simm.s32 $execute0_lowered;
	[smem:$0x3FD2] =	sst s25  }
0xb5: {  	s5 =	sshll.u32 s26, $0x1;
	_ =	strace $0x8000004F;
	[dreg:$0x1] =	wrdreg $0xFFFFFFFF  }
0xb6: {  	s28 =	simm.s32 $_size_execute0_lowered;
	s3 =	sadd.s32 s3, s5;
	[dreg:$0x0] =	wrdreg $0x0  }
0xb7: {  	s5 =	sshll.u32 s28, $0x1;
	[dreg:$0x2] =	wrdreg s3  }
0xb8: {  	[dreg:$0x3] =	wrdreg s5  }
0xb9: {  	[dreg:$0x4] =	wrdreg $0xC0  }
0xba: {  	_ =	task [dreg:s22], $0x5FFFF  }
0xbb: {  	[dreg:$0x1] =	wrdreg $0xFFFFFFFF  }
0xbc: {  	[dreg:$0x0] =	wrdreg $0x60  }
0xbd: {  	[dreg:$0x2] =	wrdreg s24  }
0xbe: {  	[dreg:$0x3] =	wrdreg $0xA  }
0xbf: {  	_ =	task.clear_ibuf [dreg:s22], $0x4FFFF;
	_ =	strace $0x9000004F  }
0xc0: {  	s29 =	simm.s32 $0xA;
	_ =	strace $0x80000051  }
0xc1: {  	_ =	swait.ge [sflag:s29], $0x1  }
0xc2: {  	[sflag:s29] =	ssyncadd.s32 $0xFFFFFFFF  }
0xc3: {  	_ =	strace $0x90000051  }
0xc4: {  	_ =	sfence  }
0xc5: {  	s30 =	sld [smem:$0x0];
	_ =	sdelay $0x2  }
0xc6: {  	s31 =	sshll.u32 s1, $0xD;
	s1 =	sshrl.u32 s1, $0x2  }
0xc7: {  	s4 =	sand.u32 $0x4000, s31;
	s1 =	sadd.s32 s1, s30  }
0xc8: {  	s0 =	sor.u32 s4, s0;
	s1 =	sshll.u32 s1, $0x11  }
0xc9: {  	s0 =	sor.u32 s1, s0  }
0xca: {  	s0 =	sadd.s32 $0x8F2B, s0  }
0xcb: {  	[sflag:s0] =	ssyncadd.remote.s32 $0x1  }
0xcc: {  	_ =	sfence.sel $0xFFFF  }
0xcd: {  	[dreg:$0x0] =	wrdreg $0xFFFFFFFF;
	(pc) =	sbr.abs _section_cstart, $3  }
0xce: {  	[dreg:$0x1] =	wrdreg $0xFFFFFFFF  }
0xcf: {  	_ =	task.clear_ibuf [dreg:s22], $0x2FFFF;
	_ =	strace $0x9FFFFFFF  }
0xd0: {  	(tm) =	ssettm $0x7FFFFFFF  }
0xd1: {  	_ =	shalt  }
tec
execute0_lowered:
.L_overlay_start_1:
0x0: {  	(tag) =	ssettag $0x1  }
0x1: {  	s0 =	srdreg.scid  }
0x2: {  	s3 =	stileid.u32;
	s4 =	rddreg [dreg:$0x0];
	s15 =	simm.s32 $0x880  }
0x3: {  	s16 =	simm.s32 $0x1080;
	s18 =	simm.s32 $0x1880;
	s19 =	simm.s32 $0x2080  }
0x4: {  	s20 =	simm.s32 $0x2880;
	s0 =	sand.u32 $0x1, s0;
	s1 =	smul.u32 $0x2800, s3  }
0x5: {  	s21 =	simm.s32 $0x3080;
	s22 =	simm.s32 $0x3880;
	s2 =	smul.u32 $0x1400, s0  }
0x6: {  	s23 =	simm.s32 $0x4080;
	s24 =	simm.s32 $0x4880;
	s25 =	simm.s32 $0x5080  }
0x7: {  	s26 =	simm.s32 $0x5880;
	s1 =	sadd.s32 s2, s1;
	s2 =	simm.s32 $0x0  }
0x8: {  	s8 =	simm.s32 $0x80;
	s9 =	simm.s32 $0x6080;
	[smem:$0x7FF] =	sst s2  }
0x9: {  	s10 =	simm.s32 $0x6880;
	_ =	strace $0x80000050;
	[dreg:$0x3] =	wrdreg s15  }
0xa: {  	s11 =	simm.s32 $0x7080;
	s12 =	simm.s32 $0x7880;
	[dreg:$0x4] =	wrdreg s16  }
0xb: {  	s5 =	smul.u32 $0xA0000, s3;
	s17 =	ssub.s32 $0x2, s0;
	[dreg:$0x5] =	wrdreg s18  }
0xc: {  	s13 =	simm.s32 $0x8080;
	s7 =	sshrl.u32 s17, $0x1;
	[dreg:$0x6] =	wrdreg s19  }
0xd: {  	s6 =	sadd.s32 s5, s4;
	s5 =	ssub.s32 s17, s7;
	[dreg:$0x7] =	wrdreg s20  }
0xe: {  	s0 =	smul.u32 $0x50000, s0;
	s5 =	smax.u32 s5, $0x1;
	[dreg:$0x8] =	wrdreg s21  }
0xf: {  	s14 =	simm.s32 $0x8880;
	s28 =	simm.s32 $0xF080;
	[dreg:$0xe] =	wrdreg s5  }
0x10: {  	s29 =	simm.s32 $0xF880;
	s0 =	sadd.s32 s0, s6;
	[dreg:$0x9] =	wrdreg s22  }
0x11: {  	s30 =	simm.s32 $0x1;
	s0 =	sadd.s32 $0x6FA200, s0;
	[dreg:$0xa] =	wrdreg s23  }
0x12: {  	s31 =	simm.s32 $0x0;
	s3 =	sadd.s32 $0x5AA200, s4;
	[dreg:$0xf] =	wrdreg s0  }
0x13: {  	s7 =	simm.s32 $0x2;
	s1 =	sshrl.u32 s1, $0x3;
	[dreg:$0xb] =	wrdreg s24  }
0x14: {  	s17 =	simm.s32 $0xA080;
	s1 =	sadd.s32 s1, s4;
	[dreg:$0xc] =	wrdreg s25  }
0x15: {  	s4 =	sadd.s32 $0x5AA300, s4;
	[dreg:$0xd] =	wrdreg s26;
	s15 =	simm.s32 $0x9080  }
0x16: {  	s16 =	simm.s32 $0x9880;
	s18 =	simm.s32 $0xA880;
	s19 =	simm.s32 $0xB080  }
0x17: {  	v2 =	vlaneseq.u32;
	s20 =	simm.s32 $0xB880;
	s21 =	simm.s32 $0xC080;
	s22 =	simm.s32 $0xC880  }
0x18: {  	vm0 =	vmmov $0xffff;
	v1 =	vshrl.u32 v2, $0x3;
	s23 =	simm.s32 $0xD080;
	s24 =	simm.s32 $0xD880;
	s1 =	sadd.s32 $0x33200, s1  }
0x19: {  	v0 =	vand.u32 $0x7, v2;
	v2 =	vor.u32 $0x8, v2;
	v1 =	vmul.u32 $0x8, v1;
	s25 =	simm.s32 $0xE080;
	s26 =	simm.s32 $0xE880;
	[dreg:$0x2] =	wrdreg s1  }
.LBB2_1:
0x1a: {  	s6 =	rddreg [dreg:$0xf];
	s0 =	simm.s32 $0x0  }
.LBB2_2:
0x1b: {  	s5 =	rddreg [dreg:$0x2]  }
0x1c: {  	s5 =	sadd.s32 s0, s5  }
0x1d: {  	[tilespmem:s2], [sflag:$0x2] =	stream.linear.gather [hbm4b:s5+s2], $0x80, $0x38;
	[tilespmem:$0x10080] =	vst v63  }
0x1e: {  	_ =	swait.ge [sflag:s7], $0x80  }
0x1f: {  	[sflag:s7] =	ssyncset.done $0x0  }
0x20: {  	[sflag:s7] =	ssyncadd.s32 $0xFFFFFF80  }
0x21: {  	v3 =	vld [tilespmem:$0x0];
	_ =	sdelay $0x4  }
0x22: {  	v4 =	vshll.u32 v3, $0x2  }
0x23: {  	v3 =	vand.u32 $0x7, v3;
	v4 =	vand.u32 $0xFFFFFFE0, v4  }
0x24: {  	v3 =	vor.u32 v3, v4  }
0x25: {  	v4 =	vperm.xlane v3, v0;
	_ =	sdelay $0x1  }
0x26: {  	v4 =	vadd.s32 v1, v4;
	_ =	sdelay $0x1  }
0x27: {  	v3 =	vperm.xlane v3, v2;
	_ =	sdelay $0x1  }
0x28: {  	v3 =	vadd.s32 v1, v3  }
0x29: {  	[tilespmem:s8], [sflag:$0x1] =	stream.indirect_vreg.gather [hbm4b:s3+s2], $0x80, v4, vm0, $0xb8;
	[tilespmem:$0x10080] =	vst v63  }
0x2a: {  	s5 =	rddreg [dreg:$0x3]  }
0x2b: {  	[tilespmem:s5], [sflag:$0x1] =	stream.indirect_vreg.gather [hbm4b:s4+s2], $0x80, v4, vm0, $0xb8;
	[tilespmem:$0x10080] =	vst v63  }
0x2c: {  	s1 =	rddreg [dreg:$0x4]  }
0x2d: {  	[tilespmem:s1], [sflag:$0x1] =	stream.indirect_vreg.gather [hbm4b:s3+s2], $0x80, v3, vm0, $0xb8;
	[tilespmem:$0x10080] =	vst v63  }
0x2e: {  	s5 =	rddreg [dreg:$0x5]  }
0x2f: {  	[tilespmem:s5], [sflag:$0x1] =	stream.indirect_vreg.gather [hbm4b:s4+s2], $0x80, v3, vm0, $0xb8;
	[tilespmem:$0x10080] =	vst v63  }
0x30: {  	v3 =	vld [tilespmem:$0x10];
	_ =	sdelay $0x4  }
0x31: {  	v57 =	vshll.u32 v3, $0x2  }
0x32: {  	v3 =	vand.u32 $0x7, v3;
	v4 =	vand.u32 $0xFFFFFFE0, v57  }
0x33: {  	v3 =	vor.u32 v3, v4  }
0x34: {  	v4 =	vperm.xlane v3, v0;
	_ =	sdelay $0x1  }
0x35: {  	v4 =	vadd.s32 v1, v4;
	_ =	sdelay $0x1  }
0x36: {  	v3 =	vperm.xlane v3, v2;
	_ =	sdelay $0x1  }
0x37: {  	s1 =	rddreg [dreg:$0x6];
	v3 =	vadd.s32 v1, v3  }
0x38: {  	[tilespmem:s1], [sflag:$0x1] =	stream.indirect_vreg.gather [hbm4b:s3+s2], $0x80, v4, vm0, $0xb8;
	[tilespmem:$0x10080] =	vst v63  }
0x39: {  	s5 =	rddreg [dreg:$0x7]  }
0x3a: {  	[tilespmem:s5], [sflag:$0x1] =	stream.indirect_vreg.gather [hbm4b:s4+s2], $0x80, v4, vm0, $0xb8;
	[tilespmem:$0x10080] =	vst v63  }
0x3b: {  	s1 =	rddreg [dreg:$0x8]  }
0x3c: {  	[tilespmem:s1], [sflag:$0x1] =	stream.indirect_vreg.gather [hbm4b:s3+s2], $0x80, v3, vm0, $0xb8;
	[tilespmem:$0x10080] =	vst v63  }
0x3d: {  	s5 =	rddreg [dreg:$0x9]  }
0x3e: {  	[tilespmem:s5], [sflag:$0x1] =	stream.indirect_vreg.gather [hbm4b:s4+s2], $0x80, v3, vm0, $0xb8;
	[tilespmem:$0x10080] =	vst v63  }
0x3f: {  	v3 =	vld [tilespmem:$0x20];
	_ =	sdelay $0x4  }
0x40: {  	v58 =	vshll.u32 v3, $0x2  }
0x41: {  	v3 =	vand.u32 $0x7, v3;
	v4 =	vand.u32 $0xFFFFFFE0, v58  }
0x42: {  	v3 =	vor.u32 v3, v4  }
0x43: {  	v4 =	vperm.xlane v3, v0;
	_ =	sdelay $0x1  }
0x44: {  	v4 =	vadd.s32 v1, v4;
	_ =	sdelay $0x1  }
0x45: {  	v3 =	vperm.xlane v3, v2;
	_ =	sdelay $0x1  }
0x46: {  	s1 =	rddreg [dreg:$0xa];
	v3 =	vadd.s32 v1, v3  }
0x47: {  	[tilespmem:s1], [sflag:$0x1] =	stream.indirect_vreg.gather [hbm4b:s3+s2], $0x80, v4, vm0, $0xb8;
	[tilespmem:$0x10080] =	vst v63  }
0x48: {  	s5 =	rddreg [dreg:$0xb]  }
0x49: {  	[tilespmem:s5], [sflag:$0x1] =	stream.indirect_vreg.gather [hbm4b:s4+s2], $0x80, v4, vm0, $0xb8;
	[tilespmem:$0x10080] =	vst v63  }
0x4a: {  	s1 =	rddreg [dreg:$0xc]  }
0x4b: {  	[tilespmem:s1], [sflag:$0x1] =	stream.indirect_vreg.gather [hbm4b:s3+s2], $0x80, v3, vm0, $0xb8;
	[tilespmem:$0x10080] =	vst v63  }
0x4c: {  	s5 =	rddreg [dreg:$0xd]  }
0x4d: {  	[tilespmem:s5], [sflag:$0x1] =	stream.indirect_vreg.gather [hbm4b:s4+s2], $0x80, v3, vm0, $0xb8;
	[tilespmem:$0x10080] =	vst v63  }
0x4e: {  	v3 =	vld [tilespmem:$0x30];
	_ =	sdelay $0x4  }
0x4f: {  	v59 =	vshll.u32 v3, $0x2  }
0x50: {  	v3 =	vand.u32 $0x7, v3;
	v4 =	vand.u32 $0xFFFFFFE0, v59  }
0x51: {  	v3 =	vor.u32 v3, v4  }
0x52: {  	v4 =	vperm.xlane v3, v0;
	_ =	sdelay $0x1  }
0x53: {  	v4 =	vadd.s32 v1, v4;
	_ =	sdelay $0x1  }
0x54: {  	v3 =	vperm.xlane v3, v2;
	_ =	sdelay $0x1  }
0x55: {  	v3 =	vadd.s32 v1, v3  }
0x56: {  	[tilespmem:s9], [sflag:$0x1] =	stream.indirect_vreg.gather [hbm4b:s3+s2], $0x80, v4, vm0, $0xb8;
	[tilespmem:$0x10080] =	vst v63  }
0x57: {  	_ = 	snop  }
0x58: {  	[tilespmem:s10], [sflag:$0x1] =	stream.indirect_vreg.gather [hbm4b:s4+s2], $0x80, v4, vm0, $0xb8;
	[tilespmem:$0x10080] =	vst v63  }
0x59: {  	_ = 	snop  }
0x5a: {  	[tilespmem:s11], [sflag:$0x1] =	stream.indirect_vreg.gather [hbm4b:s3+s2], $0x80, v3, vm0, $0xb8;
	[tilespmem:$0x10080] =	vst v63  }
0x5b: {  	_ = 	snop  }
0x5c: {  	[tilespmem:s12], [sflag:$0x1] =	stream.indirect_vreg.gather [hbm4b:s4+s2], $0x80, v3, vm0, $0xb8;
	[tilespmem:$0x10080] =	vst v63  }
0x5d: {  	v3 =	vld [tilespmem:$0x40];
	_ =	sdelay $0x4  }
0x5e: {  	v60 =	vshll.u32 v3, $0x2  }
0x5f: {  	v3 =	vand.u32 $0x7, v3;
	v4 =	vand.u32 $0xFFFFFFE0, v60  }
0x60: {  	v3 =	vor.u32 v3, v4  }
0x61: {  	v4 =	vperm.xlane v3, v0;
	_ =	sdelay $0x1  }
0x62: {  	v4 =	vadd.s32 v1, v4;
	_ =	sdelay $0x1  }
0x63: {  	v3 =	vperm.xlane v3, v2;
	_ =	sdelay $0x1  }
0x64: {  	v3 =	vadd.s32 v1, v3  }
0x65: {  	[tilespmem:s13], [sflag:$0x1] =	stream.indirect_vreg.gather [hbm4b:s3+s2], $0x80, v4, vm0, $0xb8;
	[tilespmem:$0x10080] =	vst v63  }
0x66: {  	_ = 	snop  }
0x67: {  	[tilespmem:s14], [sflag:$0x1] =	stream.indirect_vreg.gather [hbm4b:s4+s2], $0x80, v4, vm0, $0xb8;
	[tilespmem:$0x10080] =	vst v63  }
0x68: {  	_ = 	snop  }
0x69: {  	[tilespmem:s15], [sflag:$0x1] =	stream.indirect_vreg.gather [hbm4b:s3+s2], $0x80, v3, vm0, $0xb8;
	[tilespmem:$0x10080] =	vst v63  }
0x6a: {  	_ = 	snop  }
0x6b: {  	[tilespmem:s16], [sflag:$0x1] =	stream.indirect_vreg.gather [hbm4b:s4+s2], $0x80, v3, vm0, $0xb8;
	[tilespmem:$0x10080] =	vst v63  }
0x6c: {  	v3 =	vld [tilespmem:$0x50];
	_ =	sdelay $0x4  }
0x6d: {  	v61 =	vshll.u32 v3, $0x2  }
0x6e: {  	v3 =	vand.u32 $0x7, v3;
	v4 =	vand.u32 $0xFFFFFFE0, v61  }
0x6f: {  	v3 =	vor.u32 v3, v4  }
0x70: {  	v4 =	vperm.xlane v3, v0;
	_ =	sdelay $0x1  }
0x71: {  	v4 =	vadd.s32 v1, v4;
	_ =	sdelay $0x1  }
0x72: {  	v3 =	vperm.xlane v3, v2;
	_ =	sdelay $0x1  }
0x73: {  	v3 =	vadd.s32 v1, v3  }
0x74: {  	[tilespmem:s17], [sflag:$0x1] =	stream.indirect_vreg.gather [hbm4b:s3+s2], $0x80, v4, vm0, $0xb8;
	[tilespmem:$0x10080] =	vst v63  }
0x75: {  	_ = 	snop  }
0x76: {  	[tilespmem:s18], [sflag:$0x1] =	stream.indirect_vreg.gather [hbm4b:s4+s2], $0x80, v4, vm0, $0xb8;
	[tilespmem:$0x10080] =	vst v63  }
0x77: {  	_ = 	snop  }
0x78: {  	[tilespmem:s19], [sflag:$0x1] =	stream.indirect_vreg.gather [hbm4b:s3+s2], $0x80, v3, vm0, $0xb8;
	[tilespmem:$0x10080] =	vst v63  }
0x79: {  	_ = 	snop  }
0x7a: {  	[tilespmem:s20], [sflag:$0x1] =	stream.indirect_vreg.gather [hbm4b:s4+s2], $0x80, v3, vm0, $0xb8;
	[tilespmem:$0x10080] =	vst v63  }
0x7b: {  	v3 =	vld [tilespmem:$0x60];
	_ =	sdelay $0x4  }
0x7c: {  	v62 =	vshll.u32 v3, $0x2  }
0x7d: {  	v3 =	vand.u32 $0x7, v3;
	v4 =	vand.u32 $0xFFFFFFE0, v62  }
0x7e: {  	v3 =	vor.u32 v3, v4  }
0x7f: {  	v4 =	vperm.xlane v3, v0;
	_ =	sdelay $0x1  }
0x80: {  	v4 =	vadd.s32 v1, v4;
	_ =	sdelay $0x1  }
0x81: {  	v3 =	vperm.xlane v3, v2;
	_ =	sdelay $0x1  }
0x82: {  	v3 =	vadd.s32 v1, v3  }
0x83: {  	[tilespmem:s21], [sflag:$0x1] =	stream.indirect_vreg.gather [hbm4b:s3+s2], $0x80, v4, vm0, $0xb8;
	[tilespmem:$0x10080] =	vst v63  }
0x84: {  	_ = 	snop  }
0x85: {  	[tilespmem:s22], [sflag:$0x1] =	stream.indirect_vreg.gather [hbm4b:s4+s2], $0x80, v4, vm0, $0xb8;
	[tilespmem:$0x10080] =	vst v63  }
0x86: {  	_ = 	snop  }
0x87: {  	[tilespmem:s23], [sflag:$0x1] =	stream.indirect_vreg.gather [hbm4b:s3+s2], $0x80, v3, vm0, $0xb8;
	[tilespmem:$0x10080] =	vst v63  }
0x88: {  	_ = 	snop  }
0x89: {  	[tilespmem:s24], [sflag:$0x1] =	stream.indirect_vreg.gather [hbm4b:s4+s2], $0x80, v3, vm0, $0xb8;
	[tilespmem:$0x10080] =	vst v63  }
0x8a: {  	v3 =	vld [tilespmem:$0x70];
	_ =	sdelay $0x4  }
0x8b: {  	v63 =	vshll.u32 v3, $0x2  }
0x8c: {  	v3 =	vand.u32 $0x7, v3;
	v4 =	vand.u32 $0xFFFFFFE0, v63  }
0x8d: {  	v3 =	vor.u32 v3, v4  }
0x8e: {  	v4 =	vperm.xlane v3, v0;
	_ =	sdelay $0x1  }
0x8f: {  	v4 =	vadd.s32 v1, v4;
	_ =	sdelay $0x1  }
0x90: {  	v3 =	vperm.xlane v3, v2;
	_ =	sdelay $0x1  }
0x91: {  	v3 =	vadd.s32 v1, v3  }
0x92: {  	[tilespmem:s25], [sflag:$0x1] =	stream.indirect_vreg.gather [hbm4b:s3+s2], $0x80, v4, vm0, $0xb8;
	[tilespmem:$0x10080] =	vst v63  }
0x93: {  	_ = 	snop  }
0x94: {  	[tilespmem:s26], [sflag:$0x1] =	stream.indirect_vreg.gather [hbm4b:s4+s2], $0x80, v4, vm0, $0xb8;
	[tilespmem:$0x10080] =	vst v63  }
0x95: {  	_ = 	snop  }
0x96: {  	[tilespmem:s28], [sflag:$0x1] =	stream.indirect_vreg.gather [hbm4b:s3+s2], $0x80, v3, vm0, $0xb8;
	[tilespmem:$0x10080] =	vst v63  }
0x97: {  	_ = 	snop  }
0x98: {  	[tilespmem:s29], [sflag:$0x1] =	stream.indirect_vreg.gather [hbm4b:s4+s2], $0x80, v3, vm0, $0xb8;
	[tilespmem:$0x10080] =	vst v63  }
0x99: {  	_ =	swait.ge [sflag:s30], $0x10000  }
0x9a: {  	p0 =	sne.s32 s0, $0x270;
	[sflag:s30] =	ssyncset.done $0x0  }
.Ltmp0:
0x9b: {  	[sflag:s30] =	ssyncadd.s32 $0xFFFF0000;
	(pc) =	sbr.rel @p0 .LBB2_2-.Ltmp0, $4  }
0x9c: {  	[hbm4b:s6+s2] =	stream.linear.scatter [tilespmem:s8], [sflag:$0x2], $0x10000, $0x38;
	[tilespmem:$0x10080] =	vst v63  }
0x9d: {  	_ =	swait.ge [sflag:s7], $0x10000  }
0x9e: {  	[sflag:s7] =	ssyncset.done $0x0  }
0x9f: {  	s0 =	sadd.s32 $0x10, s0;
	s6 =	sadd.s32 $0x2000, s6;
	[sflag:s7] =	ssyncadd.s32 $0xFFFF0000  }
0xa0: {  	s31 =	sadd.s32 $0x1, s31;
	s0 =	rddreg [dreg:$0xe]  }
0xa1: {  	p0 =	sne.s32 s31, s0  }
.Ltmp1:
0xa2: {  	_ = 	snop;
	(pc) =	sbr.rel @p0 .LBB2_1-.Ltmp1, $1  }
0xa3: {  	_ =	sdelay $0x3  }
0xa4: {  	_ =	sfence.sel $0x180000  }
0xa5: {  	[bflag:$0x0] =	sbarrier.arrive $0xFFFF  }
0xa6: {  	_ =	strace $0x90000050  }
0xa7: {  	s0 =	stileid.u32;
	[bflag:$0x2] =	sbarrier.arrive $0xFFFF  }
0xa8: {  	p0 =	sne.s32 s0, $0x0;
	s0 =	rddreg [dreg:$0x1]  }
0xa9: {  	s0 =	sadd.s32 @!p0 $0x100000, s0  }
0xaa: {  	[sflag:s0] =	ssyncadd.tile.s32 @!p0 $0x1;
	_ =	shalt  }
.Lfunc_end2:
_tile_overlayer_lowered:
.L_overlay_start_2:
0xab: {  	(tag) =	ssettag $0x2  }
0xac: {  	s0 =	rddreg [dreg:$0x0];
	s2 =	stileid.u32  }
0xad: {  	s1 =	rddreg [dreg:$0x1];
	p0 =	sne.s32 s2, $0x0  }
0xae: {  	s3 =	rddreg [dreg:$0x2];
	[bflag:$0x3] =	sbarrier.arrive $0xFFFF;
	s2 =	simm.s32 @!p0 $0x1C02  }
0xaf: {  	[timem:s3], [sflag:s2] =	dma.local @!p0 [hbm:s0], s1  }
0xb0: {  	s0 =	simm.s32 @!p0 $0x2  }
0xb1: {  	_ =	swait.ge @!p0 [sflag:s0], s1  }
0xb2: {  	s1 =	ssub.s32 @!p0 $0x0, s1;
	[sflag:s0] =	ssyncset.done @!p0 $0x0  }
0xb3: {  	[sflag:s0] =	ssyncadd.s32 @!p0 s1  }
0xb4: {  	[bflag:$0x3] =	sbarrier.arrive $0xFFFF  }
0xb5: {  	_ =	shalt  }

// kernel: kernel.42.cloned.1.call-start
scs
__scs_entry_jumppad:
0x0: {  	(pc) =	sbr.rel $0x88, $3  }
0x1: {  	(tag) =	ssettag $0x0;
	lr =	simm.s32 $0x1  }
0x2: {  	[smem:$0x3F79] =	sst lr;
	_ =	strace $0xD0000000  }
0x3: {  	_ = 	snop  }
0x4: {  	_ = 	snop  }
0x5: {  	_ = 	snop  }
0x6: {  	_ = 	snop  }
0x7: {  	_ = 	snop  }
__scs_overlays_trampoline_lowered:
0x8: {  	[smem:$0x3F88] =	sst s0  }
0x9: {  	[smem:$0x3F89] =	sst s1  }
0xa: {  	[smem:$0x3F8A] =	sst s2  }
0xb: {  	[smem:$0x3F8B] =	sst s3  }
0xc: {  	[smem:$0x3F8C] =	sst s4  }
0xd: {  	[smem:$0x3F8D] =	sst s5  }
0xe: {  	[smem:$0x3F8E] =	sst s6  }
0xf: {  	[smem:$0x3F8F] =	sst s7  }
0x10: {  	[smem:$0x3F90] =	sst s8  }
0x11: {  	[smem:$0x3F91] =	sst s9;
	s0 =	simm.s32 @!p0 $0x0  }
0x12: {  	s1 =	sld [smem:$0x3F77];
	s0 =	simm.s32 @p0 $0x1  }
0x13: {  	[smem:$0x3F92] =	sst s0;
	s0 =	simm.s32 @!p1 $0x0  }
0x14: {  	s2 =	sld [smem:$0x3F76];
	s0 =	simm.s32 @p1 $0x1  }
0x15: {  	[smem:$0x3F93] =	sst s0;
	s0 =	simm.s32 @!p2 $0x0  }
0x16: {  	s3 =	sld [smem:$0x3FDB];
	s0 =	simm.s32 @p2 $0x1  }
0x17: {  	s4 =	simm.s32 $0x1BF5;
	[smem:$0x3F95] =	sst s0  }
0x18: {  	s0 =	sld [smem:$0x3F78];
	_ =	swait.ge [sflag:s4], $0x0  }
0x19: {  	s7 =	sld [smem:$0x3F79]  }
0x1a: {  	s8 =	sadd.s32 $0xFFFFE003, lr  }
0x1b: {  	s9 =	sadd.s32 $0xFFFFFEF7, lr;
	s5 =	simm.s32 $0xFFFFFFFF;
	p2 =	slt.u32 s8, $0xFFFFF086  }
0x1c: {  	p1 =	slt.u32 s9, $0xF7A;
	s5 =	simm.s32 @!p2 $0x0  }
0x1d: {  	s5 =	simm.s32 @p1 $0x1;
	p0 =	seq.s32 s7, s2  }
0x1e: {  	s7 =	smul.u32 @!p0 $0xF7A, s2;
	p2 =	seq.s32 @!p0 s5, $0x0  }
0x1f: {  	s9 =	smul.u32 $0xF7A, s1;
	s8 =	simm.s32 @!p0 $0x1BF5;
	p2 =	por !p2, p0  }
0x20: {  	[sflag:s8] =	ssyncset.s32 @!p0 $0xFFFFF086;
	s6 =	sadd.s32 @!p0 s3, s7;
	s7 =	simm.s32 @!p0 $0x108  }
0x21: {  	s3 =	sadd.s32 s3, s9;
	s6 =	sadd.s32 @!p0 $0x88, s6;
	s7 =	simm.s32 @p2 $0x1082  }
0x22: {  	[simem:s7], [sflag:s8] =	dma.local @!p0 [hbm:s6], $0xF7A  }
0x23: {  	s9 =	sor.u32 $0xD0000000, s2;
	s6 =	simm.s32 $0x108;
	_ =	swait.ge @!p0 [sflag:s8], $0x0  }
0x24: {  	s3 =	sadd.s32 $0x88, s3;
	s6 =	simm.s32 @!p1 $0x1082;
	[sflag:s4] =	ssyncset.s32 $0xFFFFF086  }
0x25: {  	[simem:s6], [sflag:s4] =	dma.local [hbm:s3], $0xF7A  }
0x26: {  	[smem:$0x3F79] =	sst s1;
	(tag) =	ssettag s2;
	_ =	strace s9  }
0x27: {  	s1 =	sld [smem:$0x3F89]  }
0x28: {  	s2 =	sld [smem:$0x3F8A]  }
0x29: {  	s4 =	sld [smem:$0x3F8C]  }
0x2a: {  	p0 =	seq.s32 s5, $0x0;
	s5 =	sld [smem:$0x3F8D]  }
0x2b: {  	s6 =	sld [smem:$0x3F8E]  }
0x2c: {  	s7 =	sld [smem:$0x3F8F]  }
0x2d: {  	s3 =	simm.s32 $0x108;
	s8 =	sld [smem:$0x3F90]  }
0x2e: {  	s3 =	simm.s32 @!p0 $0x1082;
	s9 =	sld [smem:$0x3F91]  }
0x2f: {  	lr =	sadd.s32 s0, s3;
	s0 =	sld [smem:$0x3F88]  }
0x30: {  	s3 =	sld [smem:$0x3F8B]  }
0x31: {  	[smem:$0x3F94] =	sst s10  }
0x32: {  	s10 =	sld [smem:$0x3F92];
	_ =	sdelay $0x3  }
0x33: {  	p0 =	seq.s32 s10, $0x1;
	s10 =	sld [smem:$0x3F94];
	_ =	sdelay $0x3  }
0x34: {  	[smem:$0x3F94] =	sst s10  }
0x35: {  	s10 =	sld [smem:$0x3F93];
	_ =	sdelay $0x3  }
0x36: {  	p1 =	seq.s32 s10, $0x1;
	s10 =	sld [smem:$0x3F94];
	_ =	sdelay $0x3  }
0x37: {  	[smem:$0x3F94] =	sst s10  }
0x38: {  	s10 =	sld [smem:$0x3F95]  }
0x39: {  	_ = 	snop;
	(pc) =	sbr.ind lr, $3  }
0x3a: {  	_ = 	snop  }
0x3b: {  	_ = 	snop  }
0x3c: {  	p2 =	seq.s32 s10, $0x1;
	s10 =	sld [smem:$0x3F94]  }
0x3d: {  	_ =	shalt  }
0x3e: {  	_ =	shalt  }
0x3f: {  	_ =	shalt  }
0x40: {  	_ =	shalt  }
0x41: {  	_ =	shalt  }
0x42: {  	_ =	shalt  }
0x43: {  	_ =	shalt  }
0x44: {  	_ =	shalt  }
0x45: {  	_ =	shalt  }
0x46: {  	_ =	shalt  }
0x47: {  	_ =	shalt  }
0x48: {  	_ =	shalt  }
0x49: {  	_ =	shalt  }
0x4a: {  	_ =	shalt  }
0x4b: {  	_ =	shalt  }
0x4c: {  	_ =	shalt  }
0x4d: {  	_ =	shalt  }
0x4e: {  	_ =	shalt  }
0x4f: {  	_ =	shalt  }
0x50: {  	_ =	shalt  }
0x51: {  	_ =	shalt  }
0x52: {  	_ =	shalt  }
0x53: {  	_ =	shalt  }
0x54: {  	_ =	shalt  }
0x55: {  	_ =	shalt  }
0x56: {  	_ =	shalt  }
0x57: {  	_ =	shalt  }
0x58: {  	_ =	shalt  }
0x59: {  	_ =	shalt  }
0x5a: {  	_ =	shalt  }
0x5b: {  	_ =	shalt  }
0x5c: {  	_ =	shalt  }
0x5d: {  	_ =	shalt  }
0x5e: {  	_ =	shalt  }
0x5f: {  	_ =	shalt  }
0x60: {  	_ =	shalt  }
0x61: {  	_ =	shalt  }
0x62: {  	_ =	shalt  }
0x63: {  	_ =	shalt  }
0x64: {  	_ =	shalt  }
0x65: {  	_ =	shalt  }
0x66: {  	_ =	shalt  }
0x67: {  	_ =	shalt  }
0x68: {  	_ =	shalt  }
0x69: {  	_ =	shalt  }
0x6a: {  	_ =	shalt  }
0x6b: {  	_ =	shalt  }
0x6c: {  	_ =	shalt  }
0x6d: {  	_ =	shalt  }
0x6e: {  	_ =	shalt  }
0x6f: {  	_ =	shalt  }
0x70: {  	_ =	shalt  }
0x71: {  	_ =	shalt  }
0x72: {  	_ =	shalt  }
0x73: {  	_ =	shalt  }
0x74: {  	_ =	shalt  }
0x75: {  	_ =	shalt  }
0x76: {  	_ =	shalt  }
0x77: {  	_ =	shalt  }
0x78: {  	_ =	shalt  }
0x79: {  	_ =	shalt  }
0x7a: {  	_ =	shalt  }
0x7b: {  	_ =	shalt  }
0x7c: {  	_ =	shalt  }
0x7d: {  	_ =	shalt  }
0x7e: {  	_ =	shalt  }
0x7f: {  	_ =	shalt  }
0x80: {  	_ =	shalt  }
0x81: {  	_ =	shalt  }
0x82: {  	_ =	shalt  }
0x83: {  	_ =	shalt  }
0x84: {  	_ =	shalt  }
0x85: {  	_ =	shalt  }
0x86: {  	_ =	shalt  }
0x87: {  	_ =	shalt  }
.Lfunc_end0:
.L_simem_size_0:
called_computation.4_lowered:
.L_overlay_start_0:
0x88: {  	s2 =	sld [smem:$0x3FD9]  }
0x89: {  	s3 =	sld [smem:$0x3FFE];
	_ =	sdelay $0x1  }
0x8a: {  	s1 =	srdreg.scid  }
0x8b: {  	s0 =	sand.u32 $0x1, s1  }
0x8c: {  	s16 =	sshll.u32 s0, $0xA;
	s2 =	sadd.s32 s3, s2  }
0x8d: {  	s2 =	sadd.s32 s2, s16  }
0x8e: {  	[smem:$0x3FA0] =	sst s2  }
0x8f: {  	_ = 	snop  }
0x90: {  	(tm) =	ssettm $0x1  }
0x91: {  	s17 =	sld [smem:$0x3FFB];
	_ =	sdelay $0x3  }
0x92: {  	_ =	strace s17  }
0x93: {  	s2 =	sld [smem:$0x3FFC];
	_ =	sdelay $0x3  }
0x94: {  	_ =	strace s2  }
0x95: {  	s2 =	sld [smem:$0x3FFD];
	_ =	sdelay $0x3  }
0x96: {  	_ =	strace s2  }
0x97: {  	_ =	strace $0x8FFFFFFF  }
0x98: {  	s18 =	sld [smem:$0x3FDB];
	_ =	sdelay $0x1  }
0x99: {  	s19 =	simm.s32 $_scs_section_size  }
0x9a: {  	s4 =	simm.s32 $_size__tile_overlayer_lowered;
	s5 =	simm.s32 $_tile_overlayer_lowered  }
0x9b: {  	s22 =	simm.s32 $0x1BFF;
	s21 =	sshll.u32 s5, $0x1;
	s2 =	sadd.s32 s19, s18  }
0x9c: {  	s6 =	simm.s32 $0x0;
	s20 =	sshll.u32 s4, $0x1;
	s4 =	sadd.s32 s21, s2  }
0x9d: {  	[timem:s6], [sflag:s22] =	dma.local [hbm:s4], s20  }
0x9e: {  	_ =	swait.ge [sflag:s22], s20  }
0x9f: {  	s3 =	ssub.s32 $0x0, s20;
	[sflag:s22] =	ssyncset.done $0x0  }
0xa0: {  	[sflag:s22] =	ssyncadd.s32 s3;
	_ =	sdelay $0x1  }
0xa1: {  	s23 =	simm.s32 $0x1B8B  }
0xa2: {  	_ =	swait.ge [sflag:s23], $0x1  }
0xa3: {  	[sflag:s23] =	ssyncset.done $0x0  }
0xa4: {  	s25 =	simm.s32 $0x1B8E;
	s24 =	sld [smem:$0x3FFE];
	[sflag:s23] =	ssyncadd.s32 $0xFFFFFFFF  }
0xa5: {  	s26 =	simm.s32 $execute0_lowered;
	[smem:$0x3FD2] =	sst s25  }
0xa6: {  	s4 =	sshll.u32 s26, $0x1;
	_ =	strace $0x80000052;
	[dreg:$0x1] =	wrdreg $0xFFFFFFFF  }
0xa7: {  	s28 =	simm.s32 $_size_execute0_lowered;
	s2 =	sadd.s32 s2, s4;
	[dreg:$0x0] =	wrdreg $0x0  }
0xa8: {  	s4 =	sshll.u32 s28, $0x1;
	[dreg:$0x2] =	wrdreg s2  }
0xa9: {  	[dreg:$0x3] =	wrdreg s4  }
0xaa: {  	[dreg:$0x4] =	wrdreg $0xC0  }
0xab: {  	_ =	task [dreg:s6], $0x5FFFF  }
0xac: {  	[dreg:$0x1] =	wrdreg $0xFFFFFFFF  }
0xad: {  	[dreg:$0x0] =	wrdreg $0x60  }
0xae: {  	[dreg:$0x2] =	wrdreg s24  }
0xaf: {  	[dreg:$0x3] =	wrdreg $0x9  }
0xb0: {  	_ =	task.clear_ibuf [dreg:s6], $0x4FFFF;
	_ =	strace $0x90000052  }
0xb1: {  	s29 =	simm.s32 $0x9;
	_ =	strace $0x80000054  }
0xb2: {  	_ =	swait.ge [sflag:s29], $0x1  }
0xb3: {  	[sflag:s29] =	ssyncadd.s32 $0xFFFFFFFF  }
0xb4: {  	_ =	strace $0x90000054  }
0xb5: {  	_ =	sfence  }
0xb6: {  	s30 =	sld [smem:$0x0];
	_ =	sdelay $0x2  }
0xb7: {  	s31 =	sshll.u32 s1, $0xD;
	s1 =	sshrl.u32 s1, $0x2  }
0xb8: {  	s3 =	sand.u32 $0x4000, s31;
	s1 =	sadd.s32 s1, s30  }
0xb9: {  	s0 =	sor.u32 s3, s0;
	s1 =	sshll.u32 s1, $0x11  }
0xba: {  	s0 =	sor.u32 s1, s0  }
0xbb: {  	s0 =	sadd.s32 $0x8F2B, s0  }
0xbc: {  	[sflag:s0] =	ssyncadd.remote.s32 $0x1  }
0xbd: {  	_ =	sfence.sel $0xFFFF  }
0xbe: {  	[dreg:$0x0] =	wrdreg $0xFFFFFFFF;
	(pc) =	sbr.abs _section_cstart, $3  }
0xbf: {  	[dreg:$0x1] =	wrdreg $0xFFFFFFFF  }
0xc0: {  	_ =	task.clear_ibuf [dreg:s6], $0x2FFFF;
	_ =	strace $0x9FFFFFFF  }
0xc1: {  	(tm) =	ssettm $0x7FFFFFFF  }
tec
execute0_lowered:
.L_overlay_start_1:
0x0: {  	(tag) =	ssettag $0x1  }
0x1: {  	s0 =	srdreg.scid  }
0x2: {  	s3 =	stileid.u32;
	s4 =	rddreg [dreg:$0x0];
	s15 =	simm.s32 $0x880  }
0x3: {  	s16 =	simm.s32 $0x1080;
	s18 =	simm.s32 $0x1880;
	s19 =	simm.s32 $0x2080  }
0x4: {  	s20 =	simm.s32 $0x2880;
	s0 =	sand.u32 $0x1, s0;
	s1 =	smul.u32 $0x2800, s3  }
0x5: {  	s21 =	simm.s32 $0x3080;
	s22 =	simm.s32 $0x3880;
	s2 =	smul.u32 $0x1400, s0  }
0x6: {  	s23 =	simm.s32 $0x4080;
	s24 =	simm.s32 $0x4880;
	s25 =	simm.s32 $0x5080  }
0x7: {  	s26 =	simm.s32 $0x5880;
	s1 =	sadd.s32 s2, s1;
	s2 =	simm.s32 $0x0  }
0x8: {  	s8 =	simm.s32 $0x80;
	s9 =	simm.s32 $0x6080;
	[smem:$0x7FF] =	sst s2  }
0x9: {  	s10 =	simm.s32 $0x6880;
	_ =	strace $0x80000053;
	[dreg:$0x3] =	wrdreg s15  }
0xa: {  	s11 =	simm.s32 $0x7080;
	s12 =	simm.s32 $0x7880;
	[dreg:$0x4] =	wrdreg s16  }
0xb: {  	s5 =	smul.u32 $0xA0000, s3;
	s17 =	ssub.s32 $0x2, s0;
	[dreg:$0x5] =	wrdreg s18  }
0xc: {  	s13 =	simm.s32 $0x8080;
	s7 =	sshrl.u32 s17, $0x1;
	[dreg:$0x6] =	wrdreg s19  }
0xd: {  	s6 =	sadd.s32 s5, s4;
	s5 =	ssub.s32 s17, s7;
	[dreg:$0x7] =	wrdreg s20  }
0xe: {  	s0 =	smul.u32 $0x50000, s0;
	s5 =	smax.u32 s5, $0x1;
	[dreg:$0x8] =	wrdreg s21  }
0xf: {  	s14 =	simm.s32 $0x8880;
	s28 =	simm.s32 $0xF080;
	[dreg:$0xe] =	wrdreg s5  }
0x10: {  	s29 =	simm.s32 $0xF880;
	s0 =	sadd.s32 s0, s6;
	[dreg:$0x9] =	wrdreg s22  }
0x11: {  	s30 =	simm.s32 $0x1;
	s0 =	sadd.s32 $0x5AA200, s0;
	[dreg:$0xa] =	wrdreg s23  }
0x12: {  	s31 =	simm.s32 $0x0;
	s3 =	sadd.s32 $0x8C200, s4;
	[dreg:$0xf] =	wrdreg s0  }
0x13: {  	s7 =	simm.s32 $0x2;
	s1 =	sshrl.u32 s1, $0x3;
	[dreg:$0xb] =	wrdreg s24  }
0x14: {  	s17 =	simm.s32 $0xA080;
	s1 =	sadd.s32 s1, s4;
	[dreg:$0xc] =	wrdreg s25  }
0x15: {  	s4 =	sadd.s32 $0x8C300, s4;
	[dreg:$0xd] =	wrdreg s26;
	s15 =	simm.s32 $0x9080  }
0x16: {  	s16 =	simm.s32 $0x9880;
	s18 =	simm.s32 $0xA880;
	s19 =	simm.s32 $0xB080  }
0x17: {  	v2 =	vlaneseq.u32;
	s20 =	simm.s32 $0xB880;
	s21 =	simm.s32 $0xC080;
	s22 =	simm.s32 $0xC880  }
0x18: {  	vm0 =	vmmov $0xffff;
	v1 =	vshrl.u32 v2, $0x3;
	s23 =	simm.s32 $0xD080;
	s24 =	simm.s32 $0xD880;
	s1 =	sadd.s32 $0x33200, s1  }
0x19: {  	v0 =	vand.u32 $0x7, v2;
	v2 =	vor.u32 $0x8, v2;
	v1 =	vmul.u32 $0x8, v1;
	s25 =	simm.s32 $0xE080;
	s26 =	simm.s32 $0xE880;
	[dreg:$0x2] =	wrdreg s1  }
.LBB2_1:
0x1a: {  	s6 =	rddreg [dreg:$0xf];
	s0 =	simm.s32 $0x0  }
.LBB2_2:
0x1b: {  	s5 =	rddreg [dreg:$0x2]  }
0x1c: {  	s5 =	sadd.s32 s0, s5  }
0x1d: {  	[tilespmem:s2], [sflag:$0x2] =	stream.linear.gather [hbm4b:s5+s2], $0x80, $0x38;
	[tilespmem:$0x10080] =	vst v63  }
0x1e: {  	_ =	swait.ge [sflag:s7], $0x80  }
0x1f: {  	[sflag:s7] =	ssyncset.done $0x0  }
0x20: {  	[sflag:s7] =	ssyncadd.s32 $0xFFFFFF80  }
0x21: {  	v3 =	vld [tilespmem:$0x0];
	_ =	sdelay $0x4  }
0x22: {  	v4 =	vshll.u32 v3, $0x2  }
0x23: {  	v3 =	vand.u32 $0x7, v3;
	v4 =	vand.u32 $0xFFFFFFE0, v4  }
0x24: {  	v3 =	vor.u32 v3, v4  }
0x25: {  	v4 =	vperm.xlane v3, v0;
	_ =	sdelay $0x1  }
0x26: {  	v4 =	vadd.s32 v1, v4;
	_ =	sdelay $0x1  }
0x27: {  	v3 =	vperm.xlane v3, v2;
	_ =	sdelay $0x1  }
0x28: {  	v3 =	vadd.s32 v1, v3  }
0x29: {  	[tilespmem:s8], [sflag:$0x1] =	stream.indirect_vreg.gather [hbm4b:s3+s2], $0x80, v4, vm0, $0xb8;
	[tilespmem:$0x10080] =	vst v63  }
0x2a: {  	s5 =	rddreg [dreg:$0x3]  }
0x2b: {  	[tilespmem:s5], [sflag:$0x1] =	stream.indirect_vreg.gather [hbm4b:s4+s2], $0x80, v4, vm0, $0xb8;
	[tilespmem:$0x10080] =	vst v63  }
0x2c: {  	s1 =	rddreg [dreg:$0x4]  }
0x2d: {  	[tilespmem:s1], [sflag:$0x1] =	stream.indirect_vreg.gather [hbm4b:s3+s2], $0x80, v3, vm0, $0xb8;
	[tilespmem:$0x10080] =	vst v63  }
0x2e: {  	s5 =	rddreg [dreg:$0x5]  }
0x2f: {  	[tilespmem:s5], [sflag:$0x1] =	stream.indirect_vreg.gather [hbm4b:s4+s2], $0x80, v3, vm0, $0xb8;
	[tilespmem:$0x10080] =	vst v63  }
0x30: {  	v3 =	vld [tilespmem:$0x10];
	_ =	sdelay $0x4  }
0x31: {  	v57 =	vshll.u32 v3, $0x2  }
0x32: {  	v3 =	vand.u32 $0x7, v3;
	v4 =	vand.u32 $0xFFFFFFE0, v57  }
0x33: {  	v3 =	vor.u32 v3, v4  }
0x34: {  	v4 =	vperm.xlane v3, v0;
	_ =	sdelay $0x1  }
0x35: {  	v4 =	vadd.s32 v1, v4;
	_ =	sdelay $0x1  }
0x36: {  	v3 =	vperm.xlane v3, v2;
	_ =	sdelay $0x1  }
0x37: {  	s1 =	rddreg [dreg:$0x6];
	v3 =	vadd.s32 v1, v3  }
0x38: {  	[tilespmem:s1], [sflag:$0x1] =	stream.indirect_vreg.gather [hbm4b:s3+s2], $0x80, v4, vm0, $0xb8;
	[tilespmem:$0x10080] =	vst v63  }
0x39: {  	s5 =	rddreg [dreg:$0x7]  }
0x3a: {  	[tilespmem:s5], [sflag:$0x1] =	stream.indirect_vreg.gather [hbm4b:s4+s2], $0x80, v4, vm0, $0xb8;
	[tilespmem:$0x10080] =	vst v63  }
0x3b: {  	s1 =	rddreg [dreg:$0x8]  }
0x3c: {  	[tilespmem:s1], [sflag:$0x1] =	stream.indirect_vreg.gather [hbm4b:s3+s2], $0x80, v3, vm0, $0xb8;
	[tilespmem:$0x10080] =	vst v63  }
0x3d: {  	s5 =	rddreg [dreg:$0x9]  }
0x3e: {  	[tilespmem:s5], [sflag:$0x1] =	stream.indirect_vreg.gather [hbm4b:s4+s2], $0x80, v3, vm0, $0xb8;
	[tilespmem:$0x10080] =	vst v63  }
0x3f: {  	v3 =	vld [tilespmem:$0x20];
	_ =	sdelay $0x4  }
0x40: {  	v58 =	vshll.u32 v3, $0x2  }
0x41: {  	v3 =	vand.u32 $0x7, v3;
	v4 =	vand.u32 $0xFFFFFFE0, v58  }
0x42: {  	v3 =	vor.u32 v3, v4  }
0x43: {  	v4 =	vperm.xlane v3, v0;
	_ =	sdelay $0x1  }
0x44: {  	v4 =	vadd.s32 v1, v4;
	_ =	sdelay $0x1  }
0x45: {  	v3 =	vperm.xlane v3, v2;
	_ =	sdelay $0x1  }
0x46: {  	s1 =	rddreg [dreg:$0xa];
	v3 =	vadd.s32 v1, v3  }
0x47: {  	[tilespmem:s1], [sflag:$0x1] =	stream.indirect_vreg.gather [hbm4b:s3+s2], $0x80, v4, vm0, $0xb8;
	[tilespmem:$0x10080] =	vst v63  }
0x48: {  	s5 =	rddreg [dreg:$0xb]  }
0x49: {  	[tilespmem:s5], [sflag:$0x1] =	stream.indirect_vreg.gather [hbm4b:s4+s2], $0x80, v4, vm0, $0xb8;
	[tilespmem:$0x10080] =	vst v63  }
0x4a: {  	s1 =	rddreg [dreg:$0xc]  }
0x4b: {  	[tilespmem:s1], [sflag:$0x1] =	stream.indirect_vreg.gather [hbm4b:s3+s2], $0x80, v3, vm0, $0xb8;
	[tilespmem:$0x10080] =	vst v63  }
0x4c: {  	s5 =	rddreg [dreg:$0xd]  }
0x4d: {  	[tilespmem:s5], [sflag:$0x1] =	stream.indirect_vreg.gather [hbm4b:s4+s2], $0x80, v3, vm0, $0xb8;
	[tilespmem:$0x10080] =	vst v63  }
0x4e: {  	v3 =	vld [tilespmem:$0x30];
	_ =	sdelay $0x4  }
0x4f: {  	v59 =	vshll.u32 v3, $0x2  }
0x50: {  	v3 =	vand.u32 $0x7, v3;
	v4 =	vand.u32 $0xFFFFFFE0, v59  }
0x51: {  	v3 =	vor.u32 v3, v4  }
0x52: {  	v4 =	vperm.xlane v3, v0;
	_ =	sdelay $0x1  }
0x53: {  	v4 =	vadd.s32 v1, v4;
	_ =	sdelay $0x1  }
0x54: {  	v3 =	vperm.xlane v3, v2;
	_ =	sdelay $0x1  }
0x55: {  	v3 =	vadd.s32 v1, v3  }
0x56: {  	[tilespmem:s9], [sflag:$0x1] =	stream.indirect_vreg.gather [hbm4b:s3+s2], $0x80, v4, vm0, $0xb8;
	[tilespmem:$0x10080] =	vst v63  }
0x57: {  	_ = 	snop  }
0x58: {  	[tilespmem:s10], [sflag:$0x1] =	stream.indirect_vreg.gather [hbm4b:s4+s2], $0x80, v4, vm0, $0xb8;
	[tilespmem:$0x10080] =	vst v63  }
0x59: {  	_ = 	snop  }
0x5a: {  	[tilespmem:s11], [sflag:$0x1] =	stream.indirect_vreg.gather [hbm4b:s3+s2], $0x80, v3, vm0, $0xb8;
	[tilespmem:$0x10080] =	vst v63  }
0x5b: {  	_ = 	snop  }
0x5c: {  	[tilespmem:s12], [sflag:$0x1] =	stream.indirect_vreg.gather [hbm4b:s4+s2], $0x80, v3, vm0, $0xb8;
	[tilespmem:$0x10080] =	vst v63  }
0x5d: {  	v3 =	vld [tilespmem:$0x40];
	_ =	sdelay $0x4  }
0x5e: {  	v60 =	vshll.u32 v3, $0x2  }
0x5f: {  	v3 =	vand.u32 $0x7, v3;
	v4 =	vand.u32 $0xFFFFFFE0, v60  }
0x60: {  	v3 =	vor.u32 v3, v4  }
0x61: {  	v4 =	vperm.xlane v3, v0;
	_ =	sdelay $0x1  }
0x62: {  	v4 =	vadd.s32 v1, v4;
	_ =	sdelay $0x1  }
0x63: {  	v3 =	vperm.xlane v3, v2;
	_ =	sdelay $0x1  }
0x64: {  	v3 =	vadd.s32 v1, v3  }
0x65: {  	[tilespmem:s13], [sflag:$0x1] =	stream.indirect_vreg.gather [hbm4b:s3+s2], $0x80, v4, vm0, $0xb8;
	[tilespmem:$0x10080] =	vst v63  }
0x66: {  	_ = 	snop  }
0x67: {  	[tilespmem:s14], [sflag:$0x1] =	stream.indirect_vreg.gather [hbm4b:s4+s2], $0x80, v4, vm0, $0xb8;
	[tilespmem:$0x10080] =	vst v63  }
0x68: {  	_ = 	snop  }
0x69: {  	[tilespmem:s15], [sflag:$0x1] =	stream.indirect_vreg.gather [hbm4b:s3+s2], $0x80, v3, vm0, $0xb8;
	[tilespmem:$0x10080] =	vst v63  }
0x6a: {  	_ = 	snop  }
0x6b: {  	[tilespmem:s16], [sflag:$0x1] =	stream.indirect_vreg.gather [hbm4b:s4+s2], $0x80, v3, vm0, $0xb8;
	[tilespmem:$0x10080] =	vst v63  }
0x6c: {  	v3 =	vld [tilespmem:$0x50];
	_ =	sdelay $0x4  }
0x6d: {  	v61 =	vshll.u32 v3, $0x2  }
0x6e: {  	v3 =	vand.u32 $0x7, v3;
	v4 =	vand.u32 $0xFFFFFFE0, v61  }
0x6f: {  	v3 =	vor.u32 v3, v4  }
0x70: {  	v4 =	vperm.xlane v3, v0;
	_ =	sdelay $0x1  }
0x71: {  	v4 =	vadd.s32 v1, v4;
	_ =	sdelay $0x1  }
0x72: {  	v3 =	vperm.xlane v3, v2;
	_ =	sdelay $0x1  }
0x73: {  	v3 =	vadd.s32 v1, v3  }
0x74: {  	[tilespmem:s17], [sflag:$0x1] =	stream.indirect_vreg.gather [hbm4b:s3+s2], $0x80, v4, vm0, $0xb8;
	[tilespmem:$0x10080] =	vst v63  }
0x75: {  	_ = 	snop  }
0x76: {  	[tilespmem:s18], [sflag:$0x1] =	stream.indirect_vreg.gather [hbm4b:s4+s2], $0x80, v4, vm0, $0xb8;
	[tilespmem:$0x10080] =	vst v63  }
0x77: {  	_ = 	snop  }
0x78: {  	[tilespmem:s19], [sflag:$0x1] =	stream.indirect_vreg.gather [hbm4b:s3+s2], $0x80, v3, vm0, $0xb8;
	[tilespmem:$0x10080] =	vst v63  }
0x79: {  	_ = 	snop  }
0x7a: {  	[tilespmem:s20], [sflag:$0x1] =	stream.indirect_vreg.gather [hbm4b:s4+s2], $0x80, v3, vm0, $0xb8;
	[tilespmem:$0x10080] =	vst v63  }
0x7b: {  	v3 =	vld [tilespmem:$0x60];
	_ =	sdelay $0x4  }
0x7c: {  	v62 =	vshll.u32 v3, $0x2  }
0x7d: {  	v3 =	vand.u32 $0x7, v3;
	v4 =	vand.u32 $0xFFFFFFE0, v62  }
0x7e: {  	v3 =	vor.u32 v3, v4  }
0x7f: {  	v4 =	vperm.xlane v3, v0;
	_ =	sdelay $0x1  }
0x80: {  	v4 =	vadd.s32 v1, v4;
	_ =	sdelay $0x1  }
0x81: {  	v3 =	vperm.xlane v3, v2;
	_ =	sdelay $0x1  }
0x82: {  	v3 =	vadd.s32 v1, v3  }
0x83: {  	[tilespmem:s21], [sflag:$0x1] =	stream.indirect_vreg.gather [hbm4b:s3+s2], $0x80, v4, vm0, $0xb8;
	[tilespmem:$0x10080] =	vst v63  }
0x84: {  	_ = 	snop  }
0x85: {  	[tilespmem:s22], [sflag:$0x1] =	stream.indirect_vreg.gather [hbm4b:s4+s2], $0x80, v4, vm0, $0xb8;
	[tilespmem:$0x10080] =	vst v63  }
0x86: {  	_ = 	snop  }
0x87: {  	[tilespmem:s23], [sflag:$0x1] =	stream.indirect_vreg.gather [hbm4b:s3+s2], $0x80, v3, vm0, $0xb8;
	[tilespmem:$0x10080] =	vst v63  }
0x88: {  	_ = 	snop  }
0x89: {  	[tilespmem:s24], [sflag:$0x1] =	stream.indirect_vreg.gather [hbm4b:s4+s2], $0x80, v3, vm0, $0xb8;
	[tilespmem:$0x10080] =	vst v63  }
0x8a: {  	v3 =	vld [tilespmem:$0x70];
	_ =	sdelay $0x4  }
0x8b: {  	v63 =	vshll.u32 v3, $0x2  }
0x8c: {  	v3 =	vand.u32 $0x7, v3;
	v4 =	vand.u32 $0xFFFFFFE0, v63  }
0x8d: {  	v3 =	vor.u32 v3, v4  }
0x8e: {  	v4 =	vperm.xlane v3, v0;
	_ =	sdelay $0x1  }
0x8f: {  	v4 =	vadd.s32 v1, v4;
	_ =	sdelay $0x1  }
0x90: {  	v3 =	vperm.xlane v3, v2;
	_ =	sdelay $0x1  }
0x91: {  	v3 =	vadd.s32 v1, v3  }
0x92: {  	[tilespmem:s25], [sflag:$0x1] =	stream.indirect_vreg.gather [hbm4b:s3+s2], $0x80, v4, vm0, $0xb8;
	[tilespmem:$0x10080] =	vst v63  }
0x93: {  	_ = 	snop  }
0x94: {  	[tilespmem:s26], [sflag:$0x1] =	stream.indirect_vreg.gather [hbm4b:s4+s2], $0x80, v4, vm0, $0xb8;
	[tilespmem:$0x10080] =	vst v63  }
0x95: {  	_ = 	snop  }
0x96: {  	[tilespmem:s28], [sflag:$0x1] =	stream.indirect_vreg.gather [hbm4b:s3+s2], $0x80, v3, vm0, $0xb8;
	[tilespmem:$0x10080] =	vst v63  }
0x97: {  	_ = 	snop  }
0x98: {  	[tilespmem:s29], [sflag:$0x1] =	stream.indirect_vreg.gather [hbm4b:s4+s2], $0x80, v3, vm0, $0xb8;
	[tilespmem:$0x10080] =	vst v63  }
0x99: {  	_ =	swait.ge [sflag:s30], $0x10000  }
0x9a: {  	p0 =	sne.s32 s0, $0x270;
	[sflag:s30] =	ssyncset.done $0x0  }
.Ltmp0:
0x9b: {  	[sflag:s30] =	ssyncadd.s32 $0xFFFF0000;
	(pc) =	sbr.rel @p0 .LBB2_2-.Ltmp0, $4  }
0x9c: {  	[hbm4b:s6+s2] =	stream.linear.scatter [tilespmem:s8], [sflag:$0x2], $0x10000, $0x38;
	[tilespmem:$0x10080] =	vst v63  }
0x9d: {  	_ =	swait.ge [sflag:s7], $0x10000  }
0x9e: {  	[sflag:s7] =	ssyncset.done $0x0  }
0x9f: {  	s0 =	sadd.s32 $0x10, s0;
	s6 =	sadd.s32 $0x2000, s6;
	[sflag:s7] =	ssyncadd.s32 $0xFFFF0000  }
0xa0: {  	s31 =	sadd.s32 $0x1, s31;
	s0 =	rddreg [dreg:$0xe]  }
0xa1: {  	p0 =	sne.s32 s31, s0  }
.Ltmp1:
0xa2: {  	_ = 	snop;
	(pc) =	sbr.rel @p0 .LBB2_1-.Ltmp1, $1  }
0xa3: {  	_ =	sdelay $0x3  }
0xa4: {  	_ =	sfence.sel $0x180000  }
0xa5: {  	[bflag:$0x0] =	sbarrier.arrive $0xFFFF  }
0xa6: {  	_ =	strace $0x90000053  }
0xa7: {  	s0 =	stileid.u32;
	[bflag:$0x2] =	sbarrier.arrive $0xFFFF  }
0xa8: {  	p0 =	sne.s32 s0, $0x0;
	s0 =	rddreg [dreg:$0x1]  }
0xa9: {  	s0 =	sadd.s32 @!p0 $0x100000, s0  }
0xaa: {  	[sflag:s0] =	ssyncadd.tile.s32 @!p0 $0x1;
	_ =	shalt  }
.Lfunc_end2:
_tile_overlayer_lowered:
.L_overlay_start_2:
0xab: {  	(tag) =	ssettag $0x2  }
0xac: {  	s0 =	rddreg [dreg:$0x0];
	s2 =	stileid.u32  }
0xad: {  	s1 =	rddreg [dreg:$0x1];
	p0 =	sne.s32 s2, $0x0  }
0xae: {  	s3 =	rddreg [dreg:$0x2];
	[bflag:$0x3] =	sbarrier.arrive $0xFFFF;
	s2 =	simm.s32 @!p0 $0x1C02  }
0xaf: {  	[timem:s3], [sflag:s2] =	dma.local @!p0 [hbm:s0], s1  }
0xb0: {  	s0 =	simm.s32 @!p0 $0x2  }
0xb1: {  	_ =	swait.ge @!p0 [sflag:s0], s1  }
0xb2: {  	s1 =	ssub.s32 @!p0 $0x0, s1;
	[sflag:s0] =	ssyncset.done @!p0 $0x0  }
0xb3: {  	[sflag:s0] =	ssyncadd.s32 @!p0 s1  }
0xb4: {  	[bflag:$0x3] =	sbarrier.arrive $0xFFFF  }
0xb5: {  	_ =	shalt  }

// kernel: kernel.45.cloned.1.call-start
scs
__scs_entry_jumppad:
0x0: {  	(pc) =	sbr.rel $0x88, $3  }
0x1: {  	(tag) =	ssettag $0x0;
	lr =	simm.s32 $0x1  }
0x2: {  	[smem:$0x3F79] =	sst lr;
	_ =	strace $0xD0000000  }
0x3: {  	_ = 	snop  }
0x4: {  	_ = 	snop  }
0x5: {  	_ = 	snop  }
0x6: {  	_ = 	snop  }
0x7: {  	_ = 	snop  }
__scs_overlays_trampoline_lowered:
0x8: {  	[smem:$0x3F88] =	sst s0  }
0x9: {  	[smem:$0x3F89] =	sst s1  }
0xa: {  	[smem:$0x3F8A] =	sst s2  }
0xb: {  	[smem:$0x3F8B] =	sst s3  }
0xc: {  	[smem:$0x3F8C] =	sst s4  }
0xd: {  	[smem:$0x3F8D] =	sst s5  }
0xe: {  	[smem:$0x3F8E] =	sst s6  }
0xf: {  	[smem:$0x3F8F] =	sst s7  }
0x10: {  	[smem:$0x3F90] =	sst s8  }
0x11: {  	[smem:$0x3F91] =	sst s9;
	s0 =	simm.s32 @!p0 $0x0  }
0x12: {  	s1 =	sld [smem:$0x3F77];
	s0 =	simm.s32 @p0 $0x1  }
0x13: {  	[smem:$0x3F92] =	sst s0;
	s0 =	simm.s32 @!p1 $0x0  }
0x14: {  	s2 =	sld [smem:$0x3F76];
	s0 =	simm.s32 @p1 $0x1  }
0x15: {  	[smem:$0x3F93] =	sst s0;
	s0 =	simm.s32 @!p2 $0x0  }
0x16: {  	s3 =	sld [smem:$0x3FDB];
	s0 =	simm.s32 @p2 $0x1  }
0x17: {  	s4 =	simm.s32 $0x1BF5;
	[smem:$0x3F95] =	sst s0  }
0x18: {  	s0 =	sld [smem:$0x3F78];
	_ =	swait.ge [sflag:s4], $0x0  }
0x19: {  	s7 =	sld [smem:$0x3F79]  }
0x1a: {  	s8 =	sadd.s32 $0xFFFFE003, lr  }
0x1b: {  	s9 =	sadd.s32 $0xFFFFFEF7, lr;
	s5 =	simm.s32 $0xFFFFFFFF;
	p2 =	slt.u32 s8, $0xFFFFF086  }
0x1c: {  	p1 =	slt.u32 s9, $0xF7A;
	s5 =	simm.s32 @!p2 $0x0  }
0x1d: {  	s5 =	simm.s32 @p1 $0x1;
	p0 =	seq.s32 s7, s2  }
0x1e: {  	s7 =	smul.u32 @!p0 $0xF7A, s2;
	p2 =	seq.s32 @!p0 s5, $0x0  }
0x1f: {  	s9 =	smul.u32 $0xF7A, s1;
	s8 =	simm.s32 @!p0 $0x1BF5;
	p2 =	por !p2, p0  }
0x20: {  	[sflag:s8] =	ssyncset.s32 @!p0 $0xFFFFF086;
	s6 =	sadd.s32 @!p0 s3, s7;
	s7 =	simm.s32 @!p0 $0x108  }
0x21: {  	s3 =	sadd.s32 s3, s9;
	s6 =	sadd.s32 @!p0 $0x88, s6;
	s7 =	simm.s32 @p2 $0x1082  }
0x22: {  	[simem:s7], [sflag:s8] =	dma.local @!p0 [hbm:s6], $0xF7A  }
0x23: {  	s9 =	sor.u32 $0xD0000000, s2;
	s6 =	simm.s32 $0x108;
	_ =	swait.ge @!p0 [sflag:s8], $0x0  }
0x24: {  	s3 =	sadd.s32 $0x88, s3;
	s6 =	simm.s32 @!p1 $0x1082;
	[sflag:s4] =	ssyncset.s32 $0xFFFFF086  }
0x25: {  	[simem:s6], [sflag:s4] =	dma.local [hbm:s3], $0xF7A  }
0x26: {  	[smem:$0x3F79] =	sst s1;
	(tag) =	ssettag s2;
	_ =	strace s9  }
0x27: {  	s1 =	sld [smem:$0x3F89]  }
0x28: {  	s2 =	sld [smem:$0x3F8A]  }
0x29: {  	s4 =	sld [smem:$0x3F8C]  }
0x2a: {  	p0 =	seq.s32 s5, $0x0;
	s5 =	sld [smem:$0x3F8D]  }
0x2b: {  	s6 =	sld [smem:$0x3F8E]  }
0x2c: {  	s7 =	sld [smem:$0x3F8F]  }
0x2d: {  	s3 =	simm.s32 $0x108;
	s8 =	sld [smem:$0x3F90]  }
0x2e: {  	s3 =	simm.s32 @!p0 $0x1082;
	s9 =	sld [smem:$0x3F91]  }
0x2f: {  	lr =	sadd.s32 s0, s3;
	s0 =	sld [smem:$0x3F88]  }
0x30: {  	s3 =	sld [smem:$0x3F8B]  }
0x31: {  	[smem:$0x3F94] =	sst s10  }
0x32: {  	s10 =	sld [smem:$0x3F92];
	_ =	sdelay $0x3  }
0x33: {  	p0 =	seq.s32 s10, $0x1;
	s10 =	sld [smem:$0x3F94];
	_ =	sdelay $0x3  }
0x34: {  	[smem:$0x3F94] =	sst s10  }
0x35: {  	s10 =	sld [smem:$0x3F93];
	_ =	sdelay $0x3  }
0x36: {  	p1 =	seq.s32 s10, $0x1;
	s10 =	sld [smem:$0x3F94];
	_ =	sdelay $0x3  }
0x37: {  	[smem:$0x3F94] =	sst s10  }
0x38: {  	s10 =	sld [smem:$0x3F95]  }
0x39: {  	_ = 	snop;
	(pc) =	sbr.ind lr, $3  }
0x3a: {  	_ = 	snop  }
0x3b: {  	_ = 	snop  }
0x3c: {  	p2 =	seq.s32 s10, $0x1;
	s10 =	sld [smem:$0x3F94]  }
0x3d: {  	_ =	shalt  }
0x3e: {  	_ =	shalt  }
0x3f: {  	_ =	shalt  }
0x40: {  	_ =	shalt  }
0x41: {  	_ =	shalt  }
0x42: {  	_ =	shalt  }
0x43: {  	_ =	shalt  }
0x44: {  	_ =	shalt  }
0x45: {  	_ =	shalt  }
0x46: {  	_ =	shalt  }
0x47: {  	_ =	shalt  }
0x48: {  	_ =	shalt  }
0x49: {  	_ =	shalt  }
0x4a: {  	_ =	shalt  }
0x4b: {  	_ =	shalt  }
0x4c: {  	_ =	shalt  }
0x4d: {  	_ =	shalt  }
0x4e: {  	_ =	shalt  }
0x4f: {  	_ =	shalt  }
0x50: {  	_ =	shalt  }
0x51: {  	_ =	shalt  }
0x52: {  	_ =	shalt  }
0x53: {  	_ =	shalt  }
0x54: {  	_ =	shalt  }
0x55: {  	_ =	shalt  }
0x56: {  	_ =	shalt  }
0x57: {  	_ =	shalt  }
0x58: {  	_ =	shalt  }
0x59: {  	_ =	shalt  }
0x5a: {  	_ =	shalt  }
0x5b: {  	_ =	shalt  }
0x5c: {  	_ =	shalt  }
0x5d: {  	_ =	shalt  }
0x5e: {  	_ =	shalt  }
0x5f: {  	_ =	shalt  }
0x60: {  	_ =	shalt  }
0x61: {  	_ =	shalt  }
0x62: {  	_ =	shalt  }
0x63: {  	_ =	shalt  }
0x64: {  	_ =	shalt  }
0x65: {  	_ =	shalt  }
0x66: {  	_ =	shalt  }
0x67: {  	_ =	shalt  }
0x68: {  	_ =	shalt  }
0x69: {  	_ =	shalt  }
0x6a: {  	_ =	shalt  }
0x6b: {  	_ =	shalt  }
0x6c: {  	_ =	shalt  }
0x6d: {  	_ =	shalt  }
0x6e: {  	_ =	shalt  }
0x6f: {  	_ =	shalt  }
0x70: {  	_ =	shalt  }
0x71: {  	_ =	shalt  }
0x72: {  	_ =	shalt  }
0x73: {  	_ =	shalt  }
0x74: {  	_ =	shalt  }
0x75: {  	_ =	shalt  }
0x76: {  	_ =	shalt  }
0x77: {  	_ =	shalt  }
0x78: {  	_ =	shalt  }
0x79: {  	_ =	shalt  }
0x7a: {  	_ =	shalt  }
0x7b: {  	_ =	shalt  }
0x7c: {  	_ =	shalt  }
0x7d: {  	_ =	shalt  }
0x7e: {  	_ =	shalt  }
0x7f: {  	_ =	shalt  }
0x80: {  	_ =	shalt  }
0x81: {  	_ =	shalt  }
0x82: {  	_ =	shalt  }
0x83: {  	_ =	shalt  }
0x84: {  	_ =	shalt  }
0x85: {  	_ =	shalt  }
0x86: {  	_ =	shalt  }
0x87: {  	_ =	shalt  }
.Lfunc_end0:
.L_simem_size_0:
called_computation.5_lowered:
.L_overlay_start_0:
0x88: {  	s2 =	sld [smem:$0x3FD9]  }
0x89: {  	s3 =	sld [smem:$0x3FFE];
	_ =	sdelay $0x1  }
0x8a: {  	s1 =	srdreg.scid  }
0x8b: {  	s0 =	sand.u32 $0x1, s1  }
0x8c: {  	s16 =	sshll.u32 s0, $0xA;
	s2 =	sadd.s32 s3, s2  }
0x8d: {  	s2 =	sadd.s32 s2, s16  }
0x8e: {  	[smem:$0x3FA0] =	sst s2  }
0x8f: {  	_ = 	snop  }
0x90: {  	(tm) =	ssettm $0x1  }
0x91: {  	s17 =	sld [smem:$0x3FFB];
	_ =	sdelay $0x3  }
0x92: {  	_ =	strace s17  }
0x93: {  	s2 =	sld [smem:$0x3FFC];
	_ =	sdelay $0x3  }
0x94: {  	_ =	strace s2  }
0x95: {  	s2 =	sld [smem:$0x3FFD];
	_ =	sdelay $0x3  }
0x96: {  	_ =	strace s2  }
0x97: {  	_ =	strace $0x8FFFFFFF  }
0x98: {  	s18 =	sld [smem:$0x3FDB];
	_ =	sdelay $0x1  }
0x99: {  	s19 =	simm.s32 $_scs_section_size  }
0x9a: {  	s4 =	simm.s32 $_size__tile_overlayer_lowered;
	s5 =	simm.s32 $_tile_overlayer_lowered  }
0x9b: {  	s22 =	simm.s32 $0x1BFF;
	s21 =	sshll.u32 s5, $0x1;
	s2 =	sadd.s32 s19, s18  }
0x9c: {  	s6 =	simm.s32 $0x0;
	s20 =	sshll.u32 s4, $0x1;
	s4 =	sadd.s32 s21, s2  }
0x9d: {  	[timem:s6], [sflag:s22] =	dma.local [hbm:s4], s20  }
0x9e: {  	_ =	swait.ge [sflag:s22], s20  }
0x9f: {  	s3 =	ssub.s32 $0x0, s20;
	[sflag:s22] =	ssyncset.done $0x0  }
0xa0: {  	[sflag:s22] =	ssyncadd.s32 s3;
	_ =	sdelay $0x1  }
0xa1: {  	s23 =	simm.s32 $0x1B8B  }
0xa2: {  	_ =	swait.ge [sflag:s23], $0x1  }
0xa3: {  	[sflag:s23] =	ssyncset.done $0x0  }
0xa4: {  	s25 =	simm.s32 $0x1B8E;
	s24 =	sld [smem:$0x3FFE];
	[sflag:s23] =	ssyncadd.s32 $0xFFFFFFFF  }
0xa5: {  	s26 =	simm.s32 $execute0_lowered;
	[smem:$0x3FD2] =	sst s25  }
0xa6: {  	s4 =	sshll.u32 s26, $0x1;
	_ =	strace $0x80000055;
	[dreg:$0x1] =	wrdreg $0xFFFFFFFF  }
0xa7: {  	s28 =	simm.s32 $_size_execute0_lowered;
	s2 =	sadd.s32 s2, s4;
	[dreg:$0x0] =	wrdreg $0x0  }
0xa8: {  	s4 =	sshll.u32 s28, $0x1;
	[dreg:$0x2] =	wrdreg s2  }
0xa9: {  	[dreg:$0x3] =	wrdreg s4  }
0xaa: {  	[dreg:$0x4] =	wrdreg $0xC0  }
0xab: {  	_ =	task [dreg:s6], $0x5FFFF  }
0xac: {  	[dreg:$0x1] =	wrdreg $0xFFFFFFFF  }
0xad: {  	[dreg:$0x0] =	wrdreg $0x60  }
0xae: {  	[dreg:$0x2] =	wrdreg s24  }
0xaf: {  	[dreg:$0x3] =	wrdreg $0x9  }
0xb0: {  	_ =	task.clear_ibuf [dreg:s6], $0x4FFFF;
	_ =	strace $0x90000055  }
0xb1: {  	s29 =	simm.s32 $0x9;
	_ =	strace $0x80000057  }
0xb2: {  	_ =	swait.ge [sflag:s29], $0x1  }
0xb3: {  	[sflag:s29] =	ssyncadd.s32 $0xFFFFFFFF  }
0xb4: {  	_ =	strace $0x90000057  }
0xb5: {  	_ =	sfence  }
0xb6: {  	s30 =	sld [smem:$0x0];
	_ =	sdelay $0x2  }
0xb7: {  	s31 =	sshll.u32 s1, $0xD;
	s1 =	sshrl.u32 s1, $0x2  }
0xb8: {  	s3 =	sand.u32 $0x4000, s31;
	s1 =	sadd.s32 s1, s30  }
0xb9: {  	s0 =	sor.u32 s3, s0;
	s1 =	sshll.u32 s1, $0x11  }
0xba: {  	s0 =	sor.u32 s1, s0  }
0xbb: {  	s0 =	sadd.s32 $0x8F2B, s0  }
0xbc: {  	[sflag:s0] =	ssyncadd.remote.s32 $0x1  }
0xbd: {  	_ =	sfence.sel $0xFFFF  }
0xbe: {  	[dreg:$0x0] =	wrdreg $0xFFFFFFFF;
	(pc) =	sbr.abs _section_cstart, $3  }
0xbf: {  	[dreg:$0x1] =	wrdreg $0xFFFFFFFF  }
0xc0: {  	_ =	task.clear_ibuf [dreg:s6], $0x2FFFF;
	_ =	strace $0x9FFFFFFF  }
0xc1: {  	(tm) =	ssettm $0x7FFFFFFF  }
tec
execute0_lowered:
.L_overlay_start_1:
0x0: {  	(tag) =	ssettag $0x1  }
0x1: {  	s0 =	srdreg.scid  }
0x2: {  	s3 =	stileid.u32;
	s4 =	rddreg [dreg:$0x0];
	s15 =	simm.s32 $0x880  }
0x3: {  	s16 =	simm.s32 $0x1080;
	s18 =	simm.s32 $0x1880;
	s19 =	simm.s32 $0x2080  }
0x4: {  	s20 =	simm.s32 $0x2880;
	s0 =	sand.u32 $0x1, s0;
	s1 =	smul.u32 $0x2800, s3  }
0x5: {  	s21 =	simm.s32 $0x3080;
	s22 =	simm.s32 $0x3880;
	s2 =	smul.u32 $0x1400, s0  }
0x6: {  	s23 =	simm.s32 $0x4080;
	s24 =	simm.s32 $0x4880;
	s25 =	simm.s32 $0x5080  }
0x7: {  	s26 =	simm.s32 $0x5880;
	s1 =	sadd.s32 s2, s1;
	s2 =	simm.s32 $0x0  }
0x8: {  	s8 =	simm.s32 $0x80;
	s9 =	simm.s32 $0x6080;
	[smem:$0x7FF] =	sst s2  }
0x9: {  	s10 =	simm.s32 $0x6880;
	_ =	strace $0x80000056;
	[dreg:$0x3] =	wrdreg s15  }
0xa: {  	s11 =	simm.s32 $0x7080;
	s12 =	simm.s32 $0x7880;
	[dreg:$0x4] =	wrdreg s16  }
0xb: {  	s5 =	smul.u32 $0xA0000, s3;
	s17 =	ssub.s32 $0x2, s0;
	[dreg:$0x5] =	wrdreg s18  }
0xc: {  	s13 =	simm.s32 $0x8080;
	s7 =	sshrl.u32 s17, $0x1;
	[dreg:$0x6] =	wrdreg s19  }
0xd: {  	s6 =	sadd.s32 s5, s4;
	s5 =	ssub.s32 s17, s7;
	[dreg:$0x7] =	wrdreg s20  }
0xe: {  	s0 =	smul.u32 $0x50000, s0;
	s5 =	smax.u32 s5, $0x1;
	[dreg:$0x8] =	wrdreg s21  }
0xf: {  	s14 =	simm.s32 $0x8880;
	s28 =	simm.s32 $0xF080;
	[dreg:$0xe] =	wrdreg s5  }
0x10: {  	s29 =	simm.s32 $0xF880;
	s0 =	sadd.s32 s0, s6;
	[dreg:$0x9] =	wrdreg s22  }
0x11: {  	s30 =	simm.s32 $0x1;
	s0 =	sadd.s32 $0x5AA200, s0;
	[dreg:$0xa] =	wrdreg s23  }
0x12: {  	s31 =	simm.s32 $0x0;
	s3 =	sadd.s32 $0x8C200, s4;
	[dreg:$0xf] =	wrdreg s0  }
0x13: {  	s7 =	simm.s32 $0x2;
	s1 =	sshrl.u32 s1, $0x3;
	[dreg:$0xb] =	wrdreg s24  }
0x14: {  	s17 =	simm.s32 $0xA080;
	s1 =	sadd.s32 s1, s4;
	[dreg:$0xc] =	wrdreg s25  }
0x15: {  	s4 =	sadd.s32 $0x8C300, s4;
	[dreg:$0xd] =	wrdreg s26;
	s15 =	simm.s32 $0x9080  }
0x16: {  	s16 =	simm.s32 $0x9880;
	s18 =	simm.s32 $0xA880;
	s19 =	simm.s32 $0xB080  }
0x17: {  	v2 =	vlaneseq.u32;
	s20 =	simm.s32 $0xB880;
	s21 =	simm.s32 $0xC080;
	s22 =	simm.s32 $0xC880  }
0x18: {  	vm0 =	vmmov $0xffff;
	v1 =	vshrl.u32 v2, $0x3;
	s23 =	simm.s32 $0xD080;
	s24 =	simm.s32 $0xD880;
	s1 =	sadd.s32 $0x33200, s1  }
0x19: {  	v0 =	vand.u32 $0x7, v2;
	v2 =	vor.u32 $0x8, v2;
	v1 =	vmul.u32 $0x8, v1;
	s25 =	simm.s32 $0xE080;
	s26 =	simm.s32 $0xE880;
	[dreg:$0x2] =	wrdreg s1  }
.LBB2_1:
0x1a: {  	s6 =	rddreg [dreg:$0xf];
	s0 =	simm.s32 $0x0  }
.LBB2_2:
0x1b: {  	s5 =	rddreg [dreg:$0x2]  }
0x1c: {  	s5 =	sadd.s32 s0, s5  }
0x1d: {  	[tilespmem:s2], [sflag:$0x2] =	stream.linear.gather [hbm4b:s5+s2], $0x80, $0x38;
	[tilespmem:$0x10080] =	vst v63  }
0x1e: {  	_ =	swait.ge [sflag:s7], $0x80  }
0x1f: {  	[sflag:s7] =	ssyncset.done $0x0  }
0x20: {  	[sflag:s7] =	ssyncadd.s32 $0xFFFFFF80  }
0x21: {  	v3 =	vld [tilespmem:$0x0];
	_ =	sdelay $0x4  }
0x22: {  	v4 =	vshll.u32 v3, $0x2  }
0x23: {  	v3 =	vand.u32 $0x7, v3;
	v4 =	vand.u32 $0xFFFFFFE0, v4  }
0x24: {  	v3 =	vor.u32 v3, v4  }
0x25: {  	v4 =	vperm.xlane v3, v0;
	_ =	sdelay $0x1  }
0x26: {  	v4 =	vadd.s32 v1, v4;
	_ =	sdelay $0x1  }
0x27: {  	v3 =	vperm.xlane v3, v2;
	_ =	sdelay $0x1  }
0x28: {  	v3 =	vadd.s32 v1, v3  }
0x29: {  	[tilespmem:s8], [sflag:$0x1] =	stream.indirect_vreg.gather [hbm4b:s3+s2], $0x80, v4, vm0, $0xb8;
	[tilespmem:$0x10080] =	vst v63  }
0x2a: {  	s5 =	rddreg [dreg:$0x3]  }
0x2b: {  	[tilespmem:s5], [sflag:$0x1] =	stream.indirect_vreg.gather [hbm4b:s4+s2], $0x80, v4, vm0, $0xb8;
	[tilespmem:$0x10080] =	vst v63  }
0x2c: {  	s1 =	rddreg [dreg:$0x4]  }
0x2d: {  	[tilespmem:s1], [sflag:$0x1] =	stream.indirect_vreg.gather [hbm4b:s3+s2], $0x80, v3, vm0, $0xb8;
	[tilespmem:$0x10080] =	vst v63  }
0x2e: {  	s5 =	rddreg [dreg:$0x5]  }
0x2f: {  	[tilespmem:s5], [sflag:$0x1] =	stream.indirect_vreg.gather [hbm4b:s4+s2], $0x80, v3, vm0, $0xb8;
	[tilespmem:$0x10080] =	vst v63  }
0x30: {  	v3 =	vld [tilespmem:$0x10];
	_ =	sdelay $0x4  }
0x31: {  	v57 =	vshll.u32 v3, $0x2  }
0x32: {  	v3 =	vand.u32 $0x7, v3;
	v4 =	vand.u32 $0xFFFFFFE0, v57  }
0x33: {  	v3 =	vor.u32 v3, v4  }
0x34: {  	v4 =	vperm.xlane v3, v0;
	_ =	sdelay $0x1  }
0x35: {  	v4 =	vadd.s32 v1, v4;
	_ =	sdelay $0x1  }
0x36: {  	v3 =	vperm.xlane v3, v2;
	_ =	sdelay $0x1  }
0x37: {  	s1 =	rddreg [dreg:$0x6];
	v3 =	vadd.s32 v1, v3  }
0x38: {  	[tilespmem:s1], [sflag:$0x1] =	stream.indirect_vreg.gather [hbm4b:s3+s2], $0x80, v4, vm0, $0xb8;
	[tilespmem:$0x10080] =	vst v63  }
0x39: {  	s5 =	rddreg [dreg:$0x7]  }
0x3a: {  	[tilespmem:s5], [sflag:$0x1] =	stream.indirect_vreg.gather [hbm4b:s4+s2], $0x80, v4, vm0, $0xb8;
	[tilespmem:$0x10080] =	vst v63  }
0x3b: {  	s1 =	rddreg [dreg:$0x8]  }
0x3c: {  	[tilespmem:s1], [sflag:$0x1] =	stream.indirect_vreg.gather [hbm4b:s3+s2], $0x80, v3, vm0, $0xb8;
	[tilespmem:$0x10080] =	vst v63  }
0x3d: {  	s5 =	rddreg [dreg:$0x9]  }
0x3e: {  	[tilespmem:s5], [sflag:$0x1] =	stream.indirect_vreg.gather [hbm4b:s4+s2], $0x80, v3, vm0, $0xb8;
	[tilespmem:$0x10080] =	vst v63  }
0x3f: {  	v3 =	vld [tilespmem:$0x20];
	_ =	sdelay $0x4  }
0x40: {  	v58 =	vshll.u32 v3, $0x2  }
0x41: {  	v3 =	vand.u32 $0x7, v3;
	v4 =	vand.u32 $0xFFFFFFE0, v58  }
0x42: {  	v3 =	vor.u32 v3, v4  }
0x43: {  	v4 =	vperm.xlane v3, v0;
	_ =	sdelay $0x1  }
0x44: {  	v4 =	vadd.s32 v1, v4;
	_ =	sdelay $0x1  }
0x45: {  	v3 =	vperm.xlane v3, v2;
	_ =	sdelay $0x1  }
0x46: {  	s1 =	rddreg [dreg:$0xa];
	v3 =	vadd.s32 v1, v3  }
0x47: {  	[tilespmem:s1], [sflag:$0x1] =	stream.indirect_vreg.gather [hbm4b:s3+s2], $0x80, v4, vm0, $0xb8;
	[tilespmem:$0x10080] =	vst v63  }
0x48: {  	s5 =	rddreg [dreg:$0xb]  }
0x49: {  	[tilespmem:s5], [sflag:$0x1] =	stream.indirect_vreg.gather [hbm4b:s4+s2], $0x80, v4, vm0, $0xb8;
	[tilespmem:$0x10080] =	vst v63  }
0x4a: {  	s1 =	rddreg [dreg:$0xc]  }
0x4b: {  	[tilespmem:s1], [sflag:$0x1] =	stream.indirect_vreg.gather [hbm4b:s3+s2], $0x80, v3, vm0, $0xb8;
	[tilespmem:$0x10080] =	vst v63  }
0x4c: {  	s5 =	rddreg [dreg:$0xd]  }
0x4d: {  	[tilespmem:s5], [sflag:$0x1] =	stream.indirect_vreg.gather [hbm4b:s4+s2], $0x80, v3, vm0, $0xb8;
	[tilespmem:$0x10080] =	vst v63  }
0x4e: {  	v3 =	vld [tilespmem:$0x30];
	_ =	sdelay $0x4  }
0x4f: {  	v59 =	vshll.u32 v3, $0x2  }
0x50: {  	v3 =	vand.u32 $0x7, v3;
	v4 =	vand.u32 $0xFFFFFFE0, v59  }
0x51: {  	v3 =	vor.u32 v3, v4  }
0x52: {  	v4 =	vperm.xlane v3, v0;
	_ =	sdelay $0x1  }
0x53: {  	v4 =	vadd.s32 v1, v4;
	_ =	sdelay $0x1  }
0x54: {  	v3 =	vperm.xlane v3, v2;
	_ =	sdelay $0x1  }
0x55: {  	v3 =	vadd.s32 v1, v3  }
0x56: {  	[tilespmem:s9], [sflag:$0x1] =	stream.indirect_vreg.gather [hbm4b:s3+s2], $0x80, v4, vm0, $0xb8;
	[tilespmem:$0x10080] =	vst v63  }
0x57: {  	_ = 	snop  }
0x58: {  	[tilespmem:s10], [sflag:$0x1] =	stream.indirect_vreg.gather [hbm4b:s4+s2], $0x80, v4, vm0, $0xb8;
	[tilespmem:$0x10080] =	vst v63  }
0x59: {  	_ = 	snop  }
0x5a: {  	[tilespmem:s11], [sflag:$0x1] =	stream.indirect_vreg.gather [hbm4b:s3+s2], $0x80, v3, vm0, $0xb8;
	[tilespmem:$0x10080] =	vst v63  }
0x5b: {  	_ = 	snop  }
0x5c: {  	[tilespmem:s12], [sflag:$0x1] =	stream.indirect_vreg.gather [hbm4b:s4+s2], $0x80, v3, vm0, $0xb8;
	[tilespmem:$0x10080] =	vst v63  }
0x5d: {  	v3 =	vld [tilespmem:$0x40];
	_ =	sdelay $0x4  }
0x5e: {  	v60 =	vshll.u32 v3, $0x2  }
0x5f: {  	v3 =	vand.u32 $0x7, v3;
	v4 =	vand.u32 $0xFFFFFFE0, v60  }
0x60: {  	v3 =	vor.u32 v3, v4  }
0x61: {  	v4 =	vperm.xlane v3, v0;
	_ =	sdelay $0x1  }
0x62: {  	v4 =	vadd.s32 v1, v4;
	_ =	sdelay $0x1  }
0x63: {  	v3 =	vperm.xlane v3, v2;
	_ =	sdelay $0x1  }
0x64: {  	v3 =	vadd.s32 v1, v3  }
0x65: {  	[tilespmem:s13], [sflag:$0x1] =	stream.indirect_vreg.gather [hbm4b:s3+s2], $0x80, v4, vm0, $0xb8;
	[tilespmem:$0x10080] =	vst v63  }
0x66: {  	_ = 	snop  }
0x67: {  	[tilespmem:s14], [sflag:$0x1] =	stream.indirect_vreg.gather [hbm4b:s4+s2], $0x80, v4, vm0, $0xb8;
	[tilespmem:$0x10080] =	vst v63  }
0x68: {  	_ = 	snop  }
0x69: {  	[tilespmem:s15], [sflag:$0x1] =	stream.indirect_vreg.gather [hbm4b:s3+s2], $0x80, v3, vm0, $0xb8;
	[tilespmem:$0x10080] =	vst v63  }
0x6a: {  	_ = 	snop  }
0x6b: {  	[tilespmem:s16], [sflag:$0x1] =	stream.indirect_vreg.gather [hbm4b:s4+s2], $0x80, v3, vm0, $0xb8;
	[tilespmem:$0x10080] =	vst v63  }
0x6c: {  	v3 =	vld [tilespmem:$0x50];
	_ =	sdelay $0x4  }
0x6d: {  	v61 =	vshll.u32 v3, $0x2  }
0x6e: {  	v3 =	vand.u32 $0x7, v3;
	v4 =	vand.u32 $0xFFFFFFE0, v61  }
0x6f: {  	v3 =	vor.u32 v3, v4  }
0x70: {  	v4 =	vperm.xlane v3, v0;
	_ =	sdelay $0x1  }
0x71: {  	v4 =	vadd.s32 v1, v4;
	_ =	sdelay $0x1  }
0x72: {  	v3 =	vperm.xlane v3, v2;
	_ =	sdelay $0x1  }
0x73: {  	v3 =	vadd.s32 v1, v3  }
0x74: {  	[tilespmem:s17], [sflag:$0x1] =	stream.indirect_vreg.gather [hbm4b:s3+s2], $0x80, v4, vm0, $0xb8;
	[tilespmem:$0x10080] =	vst v63  }
0x75: {  	_ = 	snop  }
0x76: {  	[tilespmem:s18], [sflag:$0x1] =	stream.indirect_vreg.gather [hbm4b:s4+s2], $0x80, v4, vm0, $0xb8;
	[tilespmem:$0x10080] =	vst v63  }
0x77: {  	_ = 	snop  }
0x78: {  	[tilespmem:s19], [sflag:$0x1] =	stream.indirect_vreg.gather [hbm4b:s3+s2], $0x80, v3, vm0, $0xb8;
	[tilespmem:$0x10080] =	vst v63  }
0x79: {  	_ = 	snop  }
0x7a: {  	[tilespmem:s20], [sflag:$0x1] =	stream.indirect_vreg.gather [hbm4b:s4+s2], $0x80, v3, vm0, $0xb8;
	[tilespmem:$0x10080] =	vst v63  }
0x7b: {  	v3 =	vld [tilespmem:$0x60];
	_ =	sdelay $0x4  }
0x7c: {  	v62 =	vshll.u32 v3, $0x2  }
0x7d: {  	v3 =	vand.u32 $0x7, v3;
	v4 =	vand.u32 $0xFFFFFFE0, v62  }
0x7e: {  	v3 =	vor.u32 v3, v4  }
0x7f: {  	v4 =	vperm.xlane v3, v0;
	_ =	sdelay $0x1  }
0x80: {  	v4 =	vadd.s32 v1, v4;
	_ =	sdelay $0x1  }
0x81: {  	v3 =	vperm.xlane v3, v2;
	_ =	sdelay $0x1  }
0x82: {  	v3 =	vadd.s32 v1, v3  }
0x83: {  	[tilespmem:s21], [sflag:$0x1] =	stream.indirect_vreg.gather [hbm4b:s3+s2], $0x80, v4, vm0, $0xb8;
	[tilespmem:$0x10080] =	vst v63  }
0x84: {  	_ = 	snop  }
0x85: {  	[tilespmem:s22], [sflag:$0x1] =	stream.indirect_vreg.gather [hbm4b:s4+s2], $0x80, v4, vm0, $0xb8;
	[tilespmem:$0x10080] =	vst v63  }
0x86: {  	_ = 	snop  }
0x87: {  	[tilespmem:s23], [sflag:$0x1] =	stream.indirect_vreg.gather [hbm4b:s3+s2], $0x80, v3, vm0, $0xb8;
	[tilespmem:$0x10080] =	vst v63  }
0x88: {  	_ = 	snop  }
0x89: {  	[tilespmem:s24], [sflag:$0x1] =	stream.indirect_vreg.gather [hbm4b:s4+s2], $0x80, v3, vm0, $0xb8;
	[tilespmem:$0x10080] =	vst v63  }
0x8a: {  	v3 =	vld [tilespmem:$0x70];
	_ =	sdelay $0x4  }
0x8b: {  	v63 =	vshll.u32 v3, $0x2  }
0x8c: {  	v3 =	vand.u32 $0x7, v3;
	v4 =	vand.u32 $0xFFFFFFE0, v63  }
0x8d: {  	v3 =	vor.u32 v3, v4  }
0x8e: {  	v4 =	vperm.xlane v3, v0;
	_ =	sdelay $0x1  }
0x8f: {  	v4 =	vadd.s32 v1, v4;
	_ =	sdelay $0x1  }
0x90: {  	v3 =	vperm.xlane v3, v2;
	_ =	sdelay $0x1  }
0x91: {  	v3 =	vadd.s32 v1, v3  }
0x92: {  	[tilespmem:s25], [sflag:$0x1] =	stream.indirect_vreg.gather [hbm4b:s3+s2], $0x80, v4, vm0, $0xb8;
	[tilespmem:$0x10080] =	vst v63  }
0x93: {  	_ = 	snop  }
0x94: {  	[tilespmem:s26], [sflag:$0x1] =	stream.indirect_vreg.gather [hbm4b:s4+s2], $0x80, v4, vm0, $0xb8;
	[tilespmem:$0x10080] =	vst v63  }
0x95: {  	_ = 	snop  }
0x96: {  	[tilespmem:s28], [sflag:$0x1] =	stream.indirect_vreg.gather [hbm4b:s3+s2], $0x80, v3, vm0, $0xb8;
	[tilespmem:$0x10080] =	vst v63  }
0x97: {  	_ = 	snop  }
0x98: {  	[tilespmem:s29], [sflag:$0x1] =	stream.indirect_vreg.gather [hbm4b:s4+s2], $0x80, v3, vm0, $0xb8;
	[tilespmem:$0x10080] =	vst v63  }
0x99: {  	_ =	swait.ge [sflag:s30], $0x10000  }
0x9a: {  	p0 =	sne.s32 s0, $0x270;
	[sflag:s30] =	ssyncset.done $0x0  }
.Ltmp0:
0x9b: {  	[sflag:s30] =	ssyncadd.s32 $0xFFFF0000;
	(pc) =	sbr.rel @p0 .LBB2_2-.Ltmp0, $4  }
0x9c: {  	[hbm4b:s6+s2] =	stream.linear.scatter [tilespmem:s8], [sflag:$0x2], $0x10000, $0x38;
	[tilespmem:$0x10080] =	vst v63  }
0x9d: {  	_ =	swait.ge [sflag:s7], $0x10000  }
0x9e: {  	[sflag:s7] =	ssyncset.done $0x0  }
0x9f: {  	s0 =	sadd.s32 $0x10, s0;
	s6 =	sadd.s32 $0x2000, s6;
	[sflag:s7] =	ssyncadd.s32 $0xFFFF0000  }
0xa0: {  	s31 =	sadd.s32 $0x1, s31;
	s0 =	rddreg [dreg:$0xe]  }
0xa1: {  	p0 =	sne.s32 s31, s0  }
.Ltmp1:
0xa2: {  	_ = 	snop;
	(pc) =	sbr.rel @p0 .LBB2_1-.Ltmp1, $1  }
0xa3: {  	_ =	sdelay $0x3  }
0xa4: {  	_ =	sfence.sel $0x180000  }
0xa5: {  	[bflag:$0x0] =	sbarrier.arrive $0xFFFF  }
0xa6: {  	_ =	strace $0x90000056  }
0xa7: {  	s0 =	stileid.u32;
	[bflag:$0x2] =	sbarrier.arrive $0xFFFF  }
0xa8: {  	p0 =	sne.s32 s0, $0x0;
	s0 =	rddreg [dreg:$0x1]  }
0xa9: {  	s0 =	sadd.s32 @!p0 $0x100000, s0  }
0xaa: {  	[sflag:s0] =	ssyncadd.tile.s32 @!p0 $0x1;
	_ =	shalt  }
.Lfunc_end2:
_tile_overlayer_lowered:
.L_overlay_start_2:
0xab: {  	(tag) =	ssettag $0x2  }
0xac: {  	s0 =	rddreg [dreg:$0x0];
	s2 =	stileid.u32  }
0xad: {  	s1 =	rddreg [dreg:$0x1];
	p0 =	sne.s32 s2, $0x0  }
0xae: {  	s3 =	rddreg [dreg:$0x2];
	[bflag:$0x3] =	sbarrier.arrive $0xFFFF;
	s2 =	simm.s32 @!p0 $0x1C02  }
0xaf: {  	[timem:s3], [sflag:s2] =	dma.local @!p0 [hbm:s0], s1  }
0xb0: {  	s0 =	simm.s32 @!p0 $0x2  }
0xb1: {  	_ =	swait.ge @!p0 [sflag:s0], s1  }
0xb2: {  	s1 =	ssub.s32 @!p0 $0x0, s1;
	[sflag:s0] =	ssyncset.done @!p0 $0x0  }
0xb3: {  	[sflag:s0] =	ssyncadd.s32 @!p0 s1  }
0xb4: {  	[bflag:$0x3] =	sbarrier.arrive $0xFFFF  }
0xb5: {  	_ =	shalt  }

// kernel: kernel.48.cloned.1.call-start
scs
__scs_entry_jumppad:
0x0: {  	(pc) =	sbr.rel $0x88, $3  }
0x1: {  	(tag) =	ssettag $0x0;
	lr =	simm.s32 $0x1  }
0x2: {  	[smem:$0x3F79] =	sst lr;
	_ =	strace $0xD0000000  }
0x3: {  	_ = 	snop  }
0x4: {  	_ = 	snop  }
0x5: {  	_ = 	snop  }
0x6: {  	_ = 	snop  }
0x7: {  	_ = 	snop  }
__scs_overlays_trampoline_lowered:
0x8: {  	[smem:$0x3F88] =	sst s0  }
0x9: {  	[smem:$0x3F89] =	sst s1  }
0xa: {  	[smem:$0x3F8A] =	sst s2  }
0xb: {  	[smem:$0x3F8B] =	sst s3  }
0xc: {  	[smem:$0x3F8C] =	sst s4  }
0xd: {  	[smem:$0x3F8D] =	sst s5  }
0xe: {  	[smem:$0x3F8E] =	sst s6  }
0xf: {  	[smem:$0x3F8F] =	sst s7  }
0x10: {  	[smem:$0x3F90] =	sst s8  }
0x11: {  	[smem:$0x3F91] =	sst s9;
	s0 =	simm.s32 @!p0 $0x0  }
0x12: {  	s1 =	sld [smem:$0x3F77];
	s0 =	simm.s32 @p0 $0x1  }
0x13: {  	[smem:$0x3F92] =	sst s0;
	s0 =	simm.s32 @!p1 $0x0  }
0x14: {  	s2 =	sld [smem:$0x3F76];
	s0 =	simm.s32 @p1 $0x1  }
0x15: {  	[smem:$0x3F93] =	sst s0;
	s0 =	simm.s32 @!p2 $0x0  }
0x16: {  	s3 =	sld [smem:$0x3FDB];
	s0 =	simm.s32 @p2 $0x1  }
0x17: {  	s4 =	simm.s32 $0x1BF5;
	[smem:$0x3F95] =	sst s0  }
0x18: {  	s0 =	sld [smem:$0x3F78];
	_ =	swait.ge [sflag:s4], $0x0  }
0x19: {  	s7 =	sld [smem:$0x3F79]  }
0x1a: {  	s8 =	sadd.s32 $0xFFFFE003, lr  }
0x1b: {  	s9 =	sadd.s32 $0xFFFFFEF7, lr;
	s5 =	simm.s32 $0xFFFFFFFF;
	p2 =	slt.u32 s8, $0xFFFFF086  }
0x1c: {  	p1 =	slt.u32 s9, $0xF7A;
	s5 =	simm.s32 @!p2 $0x0  }
0x1d: {  	s5 =	simm.s32 @p1 $0x1;
	p0 =	seq.s32 s7, s2  }
0x1e: {  	s7 =	smul.u32 @!p0 $0xF7A, s2;
	p2 =	seq.s32 @!p0 s5, $0x0  }
0x1f: {  	s9 =	smul.u32 $0xF7A, s1;
	s8 =	simm.s32 @!p0 $0x1BF5;
	p2 =	por !p2, p0  }
0x20: {  	[sflag:s8] =	ssyncset.s32 @!p0 $0xFFFFF086;
	s6 =	sadd.s32 @!p0 s3, s7;
	s7 =	simm.s32 @!p0 $0x108  }
0x21: {  	s3 =	sadd.s32 s3, s9;
	s6 =	sadd.s32 @!p0 $0x88, s6;
	s7 =	simm.s32 @p2 $0x1082  }
0x22: {  	[simem:s7], [sflag:s8] =	dma.local @!p0 [hbm:s6], $0xF7A  }
0x23: {  	s9 =	sor.u32 $0xD0000000, s2;
	s6 =	simm.s32 $0x108;
	_ =	swait.ge @!p0 [sflag:s8], $0x0  }
0x24: {  	s3 =	sadd.s32 $0x88, s3;
	s6 =	simm.s32 @!p1 $0x1082;
	[sflag:s4] =	ssyncset.s32 $0xFFFFF086  }
0x25: {  	[simem:s6], [sflag:s4] =	dma.local [hbm:s3], $0xF7A  }
0x26: {  	[smem:$0x3F79] =	sst s1;
	(tag) =	ssettag s2;
	_ =	strace s9  }
0x27: {  	s1 =	sld [smem:$0x3F89]  }
0x28: {  	s2 =	sld [smem:$0x3F8A]  }
0x29: {  	s4 =	sld [smem:$0x3F8C]  }
0x2a: {  	p0 =	seq.s32 s5, $0x0;
	s5 =	sld [smem:$0x3F8D]  }
0x2b: {  	s6 =	sld [smem:$0x3F8E]  }
0x2c: {  	s7 =	sld [smem:$0x3F8F]  }
0x2d: {  	s3 =	simm.s32 $0x108;
	s8 =	sld [smem:$0x3F90]  }
0x2e: {  	s3 =	simm.s32 @!p0 $0x1082;
	s9 =	sld [smem:$0x3F91]  }
0x2f: {  	lr =	sadd.s32 s0, s3;
	s0 =	sld [smem:$0x3F88]  }
0x30: {  	s3 =	sld [smem:$0x3F8B]  }
0x31: {  	[smem:$0x3F94] =	sst s10  }
0x32: {  	s10 =	sld [smem:$0x3F92];
	_ =	sdelay $0x3  }
0x33: {  	p0 =	seq.s32 s10, $0x1;
	s10 =	sld [smem:$0x3F94];
	_ =	sdelay $0x3  }
0x34: {  	[smem:$0x3F94] =	sst s10  }
0x35: {  	s10 =	sld [smem:$0x3F93];
	_ =	sdelay $0x3  }
0x36: {  	p1 =	seq.s32 s10, $0x1;
	s10 =	sld [smem:$0x3F94];
	_ =	sdelay $0x3  }
0x37: {  	[smem:$0x3F94] =	sst s10  }
0x38: {  	s10 =	sld [smem:$0x3F95]  }
0x39: {  	_ = 	snop;
	(pc) =	sbr.ind lr, $3  }
0x3a: {  	_ = 	snop  }
0x3b: {  	_ = 	snop  }
0x3c: {  	p2 =	seq.s32 s10, $0x1;
	s10 =	sld [smem:$0x3F94]  }
0x3d: {  	_ =	shalt  }
0x3e: {  	_ =	shalt  }
0x3f: {  	_ =	shalt  }
0x40: {  	_ =	shalt  }
0x41: {  	_ =	shalt  }
0x42: {  	_ =	shalt  }
0x43: {  	_ =	shalt  }
0x44: {  	_ =	shalt  }
0x45: {  	_ =	shalt  }
0x46: {  	_ =	shalt  }
0x47: {  	_ =	shalt  }
0x48: {  	_ =	shalt  }
0x49: {  	_ =	shalt  }
0x4a: {  	_ =	shalt  }
0x4b: {  	_ =	shalt  }
0x4c: {  	_ =	shalt  }
0x4d: {  	_ =	shalt  }
0x4e: {  	_ =	shalt  }
0x4f: {  	_ =	shalt  }
0x50: {  	_ =	shalt  }
0x51: {  	_ =	shalt  }
0x52: {  	_ =	shalt  }
0x53: {  	_ =	shalt  }
0x54: {  	_ =	shalt  }
0x55: {  	_ =	shalt  }
0x56: {  	_ =	shalt  }
0x57: {  	_ =	shalt  }
0x58: {  	_ =	shalt  }
0x59: {  	_ =	shalt  }
0x5a: {  	_ =	shalt  }
0x5b: {  	_ =	shalt  }
0x5c: {  	_ =	shalt  }
0x5d: {  	_ =	shalt  }
0x5e: {  	_ =	shalt  }
0x5f: {  	_ =	shalt  }
0x60: {  	_ =	shalt  }
0x61: {  	_ =	shalt  }
0x62: {  	_ =	shalt  }
0x63: {  	_ =	shalt  }
0x64: {  	_ =	shalt  }
0x65: {  	_ =	shalt  }
0x66: {  	_ =	shalt  }
0x67: {  	_ =	shalt  }
0x68: {  	_ =	shalt  }
0x69: {  	_ =	shalt  }
0x6a: {  	_ =	shalt  }
0x6b: {  	_ =	shalt  }
0x6c: {  	_ =	shalt  }
0x6d: {  	_ =	shalt  }
0x6e: {  	_ =	shalt  }
0x6f: {  	_ =	shalt  }
0x70: {  	_ =	shalt  }
0x71: {  	_ =	shalt  }
0x72: {  	_ =	shalt  }
0x73: {  	_ =	shalt  }
0x74: {  	_ =	shalt  }
0x75: {  	_ =	shalt  }
0x76: {  	_ =	shalt  }
0x77: {  	_ =	shalt  }
0x78: {  	_ =	shalt  }
0x79: {  	_ =	shalt  }
0x7a: {  	_ =	shalt  }
0x7b: {  	_ =	shalt  }
0x7c: {  	_ =	shalt  }
0x7d: {  	_ =	shalt  }
0x7e: {  	_ =	shalt  }
0x7f: {  	_ =	shalt  }
0x80: {  	_ =	shalt  }
0x81: {  	_ =	shalt  }
0x82: {  	_ =	shalt  }
0x83: {  	_ =	shalt  }
0x84: {  	_ =	shalt  }
0x85: {  	_ =	shalt  }
0x86: {  	_ =	shalt  }
0x87: {  	_ =	shalt  }
.Lfunc_end0:
.L_simem_size_0:
called_computation.6_lowered:
.L_overlay_start_0:
0x88: {  	s2 =	sld [smem:$0x3FD9]  }
0x89: {  	s3 =	sld [smem:$0x3FFE];
	_ =	sdelay $0x1  }
0x8a: {  	s1 =	srdreg.scid  }
0x8b: {  	s0 =	sand.u32 $0x1, s1  }
0x8c: {  	s16 =	sshll.u32 s0, $0xA;
	s2 =	sadd.s32 s3, s2  }
0x8d: {  	s2 =	sadd.s32 s2, s16  }
0x8e: {  	[smem:$0x3FA0] =	sst s2  }
0x8f: {  	_ = 	snop  }
0x90: {  	(tm) =	ssettm $0x1  }
0x91: {  	s17 =	sld [smem:$0x3FFB];
	_ =	sdelay $0x3  }
0x92: {  	_ =	strace s17  }
0x93: {  	s2 =	sld [smem:$0x3FFC];
	_ =	sdelay $0x3  }
0x94: {  	_ =	strace s2  }
0x95: {  	s2 =	sld [smem:$0x3FFD];
	_ =	sdelay $0x3  }
0x96: {  	_ =	strace s2  }
0x97: {  	_ =	strace $0x8FFFFFFF  }
0x98: {  	s18 =	sld [smem:$0x3FDB];
	_ =	sdelay $0x1  }
0x99: {  	s19 =	simm.s32 $_scs_section_size  }
0x9a: {  	s4 =	simm.s32 $_size__tile_overlayer_lowered;
	s5 =	simm.s32 $_tile_overlayer_lowered  }
0x9b: {  	s22 =	simm.s32 $0x1BFF;
	s21 =	sshll.u32 s5, $0x1;
	s2 =	sadd.s32 s19, s18  }
0x9c: {  	s6 =	simm.s32 $0x0;
	s20 =	sshll.u32 s4, $0x1;
	s4 =	sadd.s32 s21, s2  }
0x9d: {  	[timem:s6], [sflag:s22] =	dma.local [hbm:s4], s20  }
0x9e: {  	_ =	swait.ge [sflag:s22], s20  }
0x9f: {  	s3 =	ssub.s32 $0x0, s20;
	[sflag:s22] =	ssyncset.done $0x0  }
0xa0: {  	[sflag:s22] =	ssyncadd.s32 s3;
	_ =	sdelay $0x1  }
0xa1: {  	s23 =	simm.s32 $0x1B8B  }
0xa2: {  	_ =	swait.ge [sflag:s23], $0x1  }
0xa3: {  	[sflag:s23] =	ssyncset.done $0x0  }
0xa4: {  	s25 =	simm.s32 $0x1B8E;
	s24 =	sld [smem:$0x3FFE];
	[sflag:s23] =	ssyncadd.s32 $0xFFFFFFFF  }
0xa5: {  	s26 =	simm.s32 $execute0_lowered;
	[smem:$0x3FD2] =	sst s25  }
0xa6: {  	s4 =	sshll.u32 s26, $0x1;
	_ =	strace $0x80000058;
	[dreg:$0x1] =	wrdreg $0xFFFFFFFF  }
0xa7: {  	s28 =	simm.s32 $_size_execute0_lowered;
	s2 =	sadd.s32 s2, s4;
	[dreg:$0x0] =	wrdreg $0x0  }
0xa8: {  	s4 =	sshll.u32 s28, $0x1;
	[dreg:$0x2] =	wrdreg s2  }
0xa9: {  	[dreg:$0x3] =	wrdreg s4  }
0xaa: {  	[dreg:$0x4] =	wrdreg $0xC0  }
0xab: {  	_ =	task [dreg:s6], $0x5FFFF  }
0xac: {  	[dreg:$0x1] =	wrdreg $0xFFFFFFFF  }
0xad: {  	[dreg:$0x0] =	wrdreg $0x60  }
0xae: {  	[dreg:$0x2] =	wrdreg s24  }
0xaf: {  	[dreg:$0x3] =	wrdreg $0x9  }
0xb0: {  	_ =	task.clear_ibuf [dreg:s6], $0x4FFFF;
	_ =	strace $0x90000058  }
0xb1: {  	s29 =	simm.s32 $0x9;
	_ =	strace $0x8000005A  }
0xb2: {  	_ =	swait.ge [sflag:s29], $0x1  }
0xb3: {  	[sflag:s29] =	ssyncadd.s32 $0xFFFFFFFF  }
0xb4: {  	_ =	strace $0x9000005A  }
0xb5: {  	_ =	sfence  }
0xb6: {  	s30 =	sld [smem:$0x0];
	_ =	sdelay $0x2  }
0xb7: {  	s31 =	sshll.u32 s1, $0xD;
	s1 =	sshrl.u32 s1, $0x2  }
0xb8: {  	s3 =	sand.u32 $0x4000, s31;
	s1 =	sadd.s32 s1, s30  }
0xb9: {  	s0 =	sor.u32 s3, s0;
	s1 =	sshll.u32 s1, $0x11  }
0xba: {  	s0 =	sor.u32 s1, s0  }
0xbb: {  	s0 =	sadd.s32 $0x8F2B, s0  }
0xbc: {  	[sflag:s0] =	ssyncadd.remote.s32 $0x1  }
0xbd: {  	_ =	sfence.sel $0xFFFF  }
0xbe: {  	[dreg:$0x0] =	wrdreg $0xFFFFFFFF;
	(pc) =	sbr.abs _section_cstart, $3  }
0xbf: {  	[dreg:$0x1] =	wrdreg $0xFFFFFFFF  }
0xc0: {  	_ =	task.clear_ibuf [dreg:s6], $0x2FFFF;
	_ =	strace $0x9FFFFFFF  }
0xc1: {  	(tm) =	ssettm $0x7FFFFFFF  }
tec
execute0_lowered:
.L_overlay_start_1:
0x0: {  	(tag) =	ssettag $0x1  }
0x1: {  	s0 =	srdreg.scid  }
0x2: {  	s3 =	stileid.u32;
	s4 =	rddreg [dreg:$0x0];
	s15 =	simm.s32 $0x880  }
0x3: {  	s16 =	simm.s32 $0x1080;
	s18 =	simm.s32 $0x1880;
	s19 =	simm.s32 $0x2080  }
0x4: {  	s20 =	simm.s32 $0x2880;
	s0 =	sand.u32 $0x1, s0;
	s1 =	smul.u32 $0x2800, s3  }
0x5: {  	s21 =	simm.s32 $0x3080;
	s22 =	simm.s32 $0x3880;
	s2 =	smul.u32 $0x1400, s0  }
0x6: {  	s23 =	simm.s32 $0x4080;
	s24 =	simm.s32 $0x4880;
	s25 =	simm.s32 $0x5080  }
0x7: {  	s26 =	simm.s32 $0x5880;
	s1 =	sadd.s32 s2, s1;
	s2 =	simm.s32 $0x0  }
0x8: {  	s8 =	simm.s32 $0x80;
	s9 =	simm.s32 $0x6080;
	[smem:$0x7FF] =	sst s2  }
0x9: {  	s10 =	simm.s32 $0x6880;
	_ =	strace $0x80000059;
	[dreg:$0x3] =	wrdreg s15  }
0xa: {  	s11 =	simm.s32 $0x7080;
	s12 =	simm.s32 $0x7880;
	[dreg:$0x4] =	wrdreg s16  }
0xb: {  	s5 =	smul.u32 $0xA0000, s3;
	s17 =	ssub.s32 $0x2, s0;
	[dreg:$0x5] =	wrdreg s18  }
0xc: {  	s13 =	simm.s32 $0x8080;
	s7 =	sshrl.u32 s17, $0x1;
	[dreg:$0x6] =	wrdreg s19  }
0xd: {  	s6 =	sadd.s32 s5, s4;
	s5 =	ssub.s32 s17, s7;
	[dreg:$0x7] =	wrdreg s20  }
0xe: {  	s0 =	smul.u32 $0x50000, s0;
	s5 =	smax.u32 s5, $0x1;
	[dreg:$0x8] =	wrdreg s21  }
0xf: {  	s14 =	simm.s32 $0x8880;
	s28 =	simm.s32 $0xF080;
	[dreg:$0xe] =	wrdreg s5  }
0x10: {  	s29 =	simm.s32 $0xF880;
	s0 =	sadd.s32 s0, s6;
	[dreg:$0x9] =	wrdreg s22  }
0x11: {  	s30 =	simm.s32 $0x1;
	s0 =	sadd.s32 $0x5AA200, s0;
	[dreg:$0xa] =	wrdreg s23  }
0x12: {  	s31 =	simm.s32 $0x0;
	s3 =	sadd.s32 $0x8C200, s4;
	[dreg:$0xf] =	wrdreg s0  }
0x13: {  	s7 =	simm.s32 $0x2;
	s1 =	sshrl.u32 s1, $0x3;
	[dreg:$0xb] =	wrdreg s24  }
0x14: {  	s17 =	simm.s32 $0xA080;
	s1 =	sadd.s32 s1, s4;
	[dreg:$0xc] =	wrdreg s25  }
0x15: {  	s4 =	sadd.s32 $0x8C300, s4;
	[dreg:$0xd] =	wrdreg s26;
	s15 =	simm.s32 $0x9080  }
0x16: {  	s16 =	simm.s32 $0x9880;
	s18 =	simm.s32 $0xA880;
	s19 =	simm.s32 $0xB080  }
0x17: {  	v2 =	vlaneseq.u32;
	s20 =	simm.s32 $0xB880;
	s21 =	simm.s32 $0xC080;
	s22 =	simm.s32 $0xC880  }
0x18: {  	vm0 =	vmmov $0xffff;
	v1 =	vshrl.u32 v2, $0x3;
	s23 =	simm.s32 $0xD080;
	s24 =	simm.s32 $0xD880;
	s1 =	sadd.s32 $0x33200, s1  }
0x19: {  	v0 =	vand.u32 $0x7, v2;
	v2 =	vor.u32 $0x8, v2;
	v1 =	vmul.u32 $0x8, v1;
	s25 =	simm.s32 $0xE080;
	s26 =	simm.s32 $0xE880;
	[dreg:$0x2] =	wrdreg s1  }
.LBB2_1:
0x1a: {  	s6 =	rddreg [dreg:$0xf];
	s0 =	simm.s32 $0x0  }
.LBB2_2:
0x1b: {  	s5 =	rddreg [dreg:$0x2]  }
0x1c: {  	s5 =	sadd.s32 s0, s5  }
0x1d: {  	[tilespmem:s2], [sflag:$0x2] =	stream.linear.gather [hbm4b:s5+s2], $0x80, $0x38;
	[tilespmem:$0x10080] =	vst v63  }
0x1e: {  	_ =	swait.ge [sflag:s7], $0x80  }
0x1f: {  	[sflag:s7] =	ssyncset.done $0x0  }
0x20: {  	[sflag:s7] =	ssyncadd.s32 $0xFFFFFF80  }
0x21: {  	v3 =	vld [tilespmem:$0x0];
	_ =	sdelay $0x4  }
0x22: {  	v4 =	vshll.u32 v3, $0x2  }
0x23: {  	v3 =	vand.u32 $0x7, v3;
	v4 =	vand.u32 $0xFFFFFFE0, v4  }
0x24: {  	v3 =	vor.u32 v3, v4  }
0x25: {  	v4 =	vperm.xlane v3, v0;
	_ =	sdelay $0x1  }
0x26: {  	v4 =	vadd.s32 v1, v4;
	_ =	sdelay $0x1  }
0x27: {  	v3 =	vperm.xlane v3, v2;
	_ =	sdelay $0x1  }
0x28: {  	v3 =	vadd.s32 v1, v3  }
0x29: {  	[tilespmem:s8], [sflag:$0x1] =	stream.indirect_vreg.gather [hbm4b:s3+s2], $0x80, v4, vm0, $0xb8;
	[tilespmem:$0x10080] =	vst v63  }
0x2a: {  	s5 =	rddreg [dreg:$0x3]  }
0x2b: {  	[tilespmem:s5], [sflag:$0x1] =	stream.indirect_vreg.gather [hbm4b:s4+s2], $0x80, v4, vm0, $0xb8;
	[tilespmem:$0x10080] =	vst v63  }
0x2c: {  	s1 =	rddreg [dreg:$0x4]  }
0x2d: {  	[tilespmem:s1], [sflag:$0x1] =	stream.indirect_vreg.gather [hbm4b:s3+s2], $0x80, v3, vm0, $0xb8;
	[tilespmem:$0x10080] =	vst v63  }
0x2e: {  	s5 =	rddreg [dreg:$0x5]  }
0x2f: {  	[tilespmem:s5], [sflag:$0x1] =	stream.indirect_vreg.gather [hbm4b:s4+s2], $0x80, v3, vm0, $0xb8;
	[tilespmem:$0x10080] =	vst v63  }
0x30: {  	v3 =	vld [tilespmem:$0x10];
	_ =	sdelay $0x4  }
0x31: {  	v57 =	vshll.u32 v3, $0x2  }
0x32: {  	v3 =	vand.u32 $0x7, v3;
	v4 =	vand.u32 $0xFFFFFFE0, v57  }
0x33: {  	v3 =	vor.u32 v3, v4  }
0x34: {  	v4 =	vperm.xlane v3, v0;
	_ =	sdelay $0x1  }
0x35: {  	v4 =	vadd.s32 v1, v4;
	_ =	sdelay $0x1  }
0x36: {  	v3 =	vperm.xlane v3, v2;
	_ =	sdelay $0x1  }
0x37: {  	s1 =	rddreg [dreg:$0x6];
	v3 =	vadd.s32 v1, v3  }
0x38: {  	[tilespmem:s1], [sflag:$0x1] =	stream.indirect_vreg.gather [hbm4b:s3+s2], $0x80, v4, vm0, $0xb8;
	[tilespmem:$0x10080] =	vst v63  }
0x39: {  	s5 =	rddreg [dreg:$0x7]  }
0x3a: {  	[tilespmem:s5], [sflag:$0x1] =	stream.indirect_vreg.gather [hbm4b:s4+s2], $0x80, v4, vm0, $0xb8;
	[tilespmem:$0x10080] =	vst v63  }
0x3b: {  	s1 =	rddreg [dreg:$0x8]  }
0x3c: {  	[tilespmem:s1], [sflag:$0x1] =	stream.indirect_vreg.gather [hbm4b:s3+s2], $0x80, v3, vm0, $0xb8;
	[tilespmem:$0x10080] =	vst v63  }
0x3d: {  	s5 =	rddreg [dreg:$0x9]  }
0x3e: {  	[tilespmem:s5], [sflag:$0x1] =	stream.indirect_vreg.gather [hbm4b:s4+s2], $0x80, v3, vm0, $0xb8;
	[tilespmem:$0x10080] =	vst v63  }
0x3f: {  	v3 =	vld [tilespmem:$0x20];
	_ =	sdelay $0x4  }
0x40: {  	v58 =	vshll.u32 v3, $0x2  }
0x41: {  	v3 =	vand.u32 $0x7, v3;
	v4 =	vand.u32 $0xFFFFFFE0, v58  }
0x42: {  	v3 =	vor.u32 v3, v4  }
0x43: {  	v4 =	vperm.xlane v3, v0;
	_ =	sdelay $0x1  }
0x44: {  	v4 =	vadd.s32 v1, v4;
	_ =	sdelay $0x1  }
0x45: {  	v3 =	vperm.xlane v3, v2;
	_ =	sdelay $0x1  }
0x46: {  	s1 =	rddreg [dreg:$0xa];
	v3 =	vadd.s32 v1, v3  }
0x47: {  	[tilespmem:s1], [sflag:$0x1] =	stream.indirect_vreg.gather [hbm4b:s3+s2], $0x80, v4, vm0, $0xb8;
	[tilespmem:$0x10080] =	vst v63  }
0x48: {  	s5 =	rddreg [dreg:$0xb]  }
0x49: {  	[tilespmem:s5], [sflag:$0x1] =	stream.indirect_vreg.gather [hbm4b:s4+s2], $0x80, v4, vm0, $0xb8;
	[tilespmem:$0x10080] =	vst v63  }
0x4a: {  	s1 =	rddreg [dreg:$0xc]  }
0x4b: {  	[tilespmem:s1], [sflag:$0x1] =	stream.indirect_vreg.gather [hbm4b:s3+s2], $0x80, v3, vm0, $0xb8;
	[tilespmem:$0x10080] =	vst v63  }
0x4c: {  	s5 =	rddreg [dreg:$0xd]  }
0x4d: {  	[tilespmem:s5], [sflag:$0x1] =	stream.indirect_vreg.gather [hbm4b:s4+s2], $0x80, v3, vm0, $0xb8;
	[tilespmem:$0x10080] =	vst v63  }
0x4e: {  	v3 =	vld [tilespmem:$0x30];
	_ =	sdelay $0x4  }
0x4f: {  	v59 =	vshll.u32 v3, $0x2  }
0x50: {  	v3 =	vand.u32 $0x7, v3;
	v4 =	vand.u32 $0xFFFFFFE0, v59  }
0x51: {  	v3 =	vor.u32 v3, v4  }
0x52: {  	v4 =	vperm.xlane v3, v0;
	_ =	sdelay $0x1  }
0x53: {  	v4 =	vadd.s32 v1, v4;
	_ =	sdelay $0x1  }
0x54: {  	v3 =	vperm.xlane v3, v2;
	_ =	sdelay $0x1  }
0x55: {  	v3 =	vadd.s32 v1, v3  }
0x56: {  	[tilespmem:s9], [sflag:$0x1] =	stream.indirect_vreg.gather [hbm4b:s3+s2], $0x80, v4, vm0, $0xb8;
	[tilespmem:$0x10080] =	vst v63  }
0x57: {  	_ = 	snop  }
0x58: {  	[tilespmem:s10], [sflag:$0x1] =	stream.indirect_vreg.gather [hbm4b:s4+s2], $0x80, v4, vm0, $0xb8;
	[tilespmem:$0x10080] =	vst v63  }
0x59: {  	_ = 	snop  }
0x5a: {  	[tilespmem:s11], [sflag:$0x1] =	stream.indirect_vreg.gather [hbm4b:s3+s2], $0x80, v3, vm0, $0xb8;
	[tilespmem:$0x10080] =	vst v63  }
0x5b: {  	_ = 	snop  }
0x5c: {  	[tilespmem:s12], [sflag:$0x1] =	stream.indirect_vreg.gather [hbm4b:s4+s2], $0x80, v3, vm0, $0xb8;
	[tilespmem:$0x10080] =	vst v63  }
0x5d: {  	v3 =	vld [tilespmem:$0x40];
	_ =	sdelay $0x4  }
0x5e: {  	v60 =	vshll.u32 v3, $0x2  }
0x5f: {  	v3 =	vand.u32 $0x7, v3;
	v4 =	vand.u32 $0xFFFFFFE0, v60  }
0x60: {  	v3 =	vor.u32 v3, v4  }
0x61: {  	v4 =	vperm.xlane v3, v0;
	_ =	sdelay $0x1  }
0x62: {  	v4 =	vadd.s32 v1, v4;
	_ =	sdelay $0x1  }
0x63: {  	v3 =	vperm.xlane v3, v2;
	_ =	sdelay $0x1  }
0x64: {  	v3 =	vadd.s32 v1, v3  }
0x65: {  	[tilespmem:s13], [sflag:$0x1] =	stream.indirect_vreg.gather [hbm4b:s3+s2], $0x80, v4, vm0, $0xb8;
	[tilespmem:$0x10080] =	vst v63  }
0x66: {  	_ = 	snop  }
0x67: {  	[tilespmem:s14], [sflag:$0x1] =	stream.indirect_vreg.gather [hbm4b:s4+s2], $0x80, v4, vm0, $0xb8;
	[tilespmem:$0x10080] =	vst v63  }
0x68: {  	_ = 	snop  }
0x69: {  	[tilespmem:s15], [sflag:$0x1] =	stream.indirect_vreg.gather [hbm4b:s3+s2], $0x80, v3, vm0, $0xb8;
	[tilespmem:$0x10080] =	vst v63  }
0x6a: {  	_ = 	snop  }
0x6b: {  	[tilespmem:s16], [sflag:$0x1] =	stream.indirect_vreg.gather [hbm4b:s4+s2], $0x80, v3, vm0, $0xb8;
	[tilespmem:$0x10080] =	vst v63  }
0x6c: {  	v3 =	vld [tilespmem:$0x50];
	_ =	sdelay $0x4  }
0x6d: {  	v61 =	vshll.u32 v3, $0x2  }
0x6e: {  	v3 =	vand.u32 $0x7, v3;
	v4 =	vand.u32 $0xFFFFFFE0, v61  }
0x6f: {  	v3 =	vor.u32 v3, v4  }
0x70: {  	v4 =	vperm.xlane v3, v0;
	_ =	sdelay $0x1  }
0x71: {  	v4 =	vadd.s32 v1, v4;
	_ =	sdelay $0x1  }
0x72: {  	v3 =	vperm.xlane v3, v2;
	_ =	sdelay $0x1  }
0x73: {  	v3 =	vadd.s32 v1, v3  }
0x74: {  	[tilespmem:s17], [sflag:$0x1] =	stream.indirect_vreg.gather [hbm4b:s3+s2], $0x80, v4, vm0, $0xb8;
	[tilespmem:$0x10080] =	vst v63  }
0x75: {  	_ = 	snop  }
0x76: {  	[tilespmem:s18], [sflag:$0x1] =	stream.indirect_vreg.gather [hbm4b:s4+s2], $0x80, v4, vm0, $0xb8;
	[tilespmem:$0x10080] =	vst v63  }
0x77: {  	_ = 	snop  }
0x78: {  	[tilespmem:s19], [sflag:$0x1] =	stream.indirect_vreg.gather [hbm4b:s3+s2], $0x80, v3, vm0, $0xb8;
	[tilespmem:$0x10080] =	vst v63  }
0x79: {  	_ = 	snop  }
0x7a: {  	[tilespmem:s20], [sflag:$0x1] =	stream.indirect_vreg.gather [hbm4b:s4+s2], $0x80, v3, vm0, $0xb8;
	[tilespmem:$0x10080] =	vst v63  }
0x7b: {  	v3 =	vld [tilespmem:$0x60];
	_ =	sdelay $0x4  }
0x7c: {  	v62 =	vshll.u32 v3, $0x2  }
0x7d: {  	v3 =	vand.u32 $0x7, v3;
	v4 =	vand.u32 $0xFFFFFFE0, v62  }
0x7e: {  	v3 =	vor.u32 v3, v4  }
0x7f: {  	v4 =	vperm.xlane v3, v0;
	_ =	sdelay $0x1  }
0x80: {  	v4 =	vadd.s32 v1, v4;
	_ =	sdelay $0x1  }
0x81: {  	v3 =	vperm.xlane v3, v2;
	_ =	sdelay $0x1  }
0x82: {  	v3 =	vadd.s32 v1, v3  }
0x83: {  	[tilespmem:s21], [sflag:$0x1] =	stream.indirect_vreg.gather [hbm4b:s3+s2], $0x80, v4, vm0, $0xb8;
	[tilespmem:$0x10080] =	vst v63  }
0x84: {  	_ = 	snop  }
0x85: {  	[tilespmem:s22], [sflag:$0x1] =	stream.indirect_vreg.gather [hbm4b:s4+s2], $0x80, v4, vm0, $0xb8;
	[tilespmem:$0x10080] =	vst v63  }
0x86: {  	_ = 	snop  }
0x87: {  	[tilespmem:s23], [sflag:$0x1] =	stream.indirect_vreg.gather [hbm4b:s3+s2], $0x80, v3, vm0, $0xb8;
	[tilespmem:$0x10080] =	vst v63  }
0x88: {  	_ = 	snop  }
0x89: {  	[tilespmem:s24], [sflag:$0x1] =	stream.indirect_vreg.gather [hbm4b:s4+s2], $0x80, v3, vm0, $0xb8;
	[tilespmem:$0x10080] =	vst v63  }
0x8a: {  	v3 =	vld [tilespmem:$0x70];
	_ =	sdelay $0x4  }
0x8b: {  	v63 =	vshll.u32 v3, $0x2  }
0x8c: {  	v3 =	vand.u32 $0x7, v3;
	v4 =	vand.u32 $0xFFFFFFE0, v63  }
0x8d: {  	v3 =	vor.u32 v3, v4  }
0x8e: {  	v4 =	vperm.xlane v3, v0;
	_ =	sdelay $0x1  }
0x8f: {  	v4 =	vadd.s32 v1, v4;
	_ =	sdelay $0x1  }
0x90: {  	v3 =	vperm.xlane v3, v2;
	_ =	sdelay $0x1  }
0x91: {  	v3 =	vadd.s32 v1, v3  }
0x92: {  	[tilespmem:s25], [sflag:$0x1] =	stream.indirect_vreg.gather [hbm4b:s3+s2], $0x80, v4, vm0, $0xb8;
	[tilespmem:$0x10080] =	vst v63  }
0x93: {  	_ = 	snop  }
0x94: {  	[tilespmem:s26], [sflag:$0x1] =	stream.indirect_vreg.gather [hbm4b:s4+s2], $0x80, v4, vm0, $0xb8;
	[tilespmem:$0x10080] =	vst v63  }
0x95: {  	_ = 	snop  }
0x96: {  	[tilespmem:s28], [sflag:$0x1] =	stream.indirect_vreg.gather [hbm4b:s3+s2], $0x80, v3, vm0, $0xb8;
	[tilespmem:$0x10080] =	vst v63  }
0x97: {  	_ = 	snop  }
0x98: {  	[tilespmem:s29], [sflag:$0x1] =	stream.indirect_vreg.gather [hbm4b:s4+s2], $0x80, v3, vm0, $0xb8;
	[tilespmem:$0x10080] =	vst v63  }
0x99: {  	_ =	swait.ge [sflag:s30], $0x10000  }
0x9a: {  	p0 =	sne.s32 s0, $0x270;
	[sflag:s30] =	ssyncset.done $0x0  }
.Ltmp0:
0x9b: {  	[sflag:s30] =	ssyncadd.s32 $0xFFFF0000;
	(pc) =	sbr.rel @p0 .LBB2_2-.Ltmp0, $4  }
0x9c: {  	[hbm4b:s6+s2] =	stream.linear.scatter [tilespmem:s8], [sflag:$0x2], $0x10000, $0x38;
	[tilespmem:$0x10080] =	vst v63  }
0x9d: {  	_ =	swait.ge [sflag:s7], $0x10000  }
0x9e: {  	[sflag:s7] =	ssyncset.done $0x0  }
0x9f: {  	s0 =	sadd.s32 $0x10, s0;
	s6 =	sadd.s32 $0x2000, s6;
	[sflag:s7] =	ssyncadd.s32 $0xFFFF0000  }
0xa0: {  	s31 =	sadd.s32 $0x1, s31;
	s0 =	rddreg [dreg:$0xe]  }
0xa1: {  	p0 =	sne.s32 s31, s0  }
.Ltmp1:
0xa2: {  	_ = 	snop;
	(pc) =	sbr.rel @p0 .LBB2_1-.Ltmp1, $1  }
0xa3: {  	_ =	sdelay $0x3  }
0xa4: {  	_ =	sfence.sel $0x180000  }
0xa5: {  	[bflag:$0x0] =	sbarrier.arrive $0xFFFF  }
0xa6: {  	_ =	strace $0x90000059  }
0xa7: {  	s0 =	stileid.u32;
	[bflag:$0x2] =	sbarrier.arrive $0xFFFF  }
0xa8: {  	p0 =	sne.s32 s0, $0x0;
	s0 =	rddreg [dreg:$0x1]  }
0xa9: {  	s0 =	sadd.s32 @!p0 $0x100000, s0  }
0xaa: {  	[sflag:s0] =	ssyncadd.tile.s32 @!p0 $0x1;
	_ =	shalt  }
.Lfunc_end2:
_tile_overlayer_lowered:
.L_overlay_start_2:
0xab: {  	(tag) =	ssettag $0x2  }
0xac: {  	s0 =	rddreg [dreg:$0x0];
	s2 =	stileid.u32  }
0xad: {  	s1 =	rddreg [dreg:$0x1];
	p0 =	sne.s32 s2, $0x0  }
0xae: {  	s3 =	rddreg [dreg:$0x2];
	[bflag:$0x3] =	sbarrier.arrive $0xFFFF;
	s2 =	simm.s32 @!p0 $0x1C02  }
0xaf: {  	[timem:s3], [sflag:s2] =	dma.local @!p0 [hbm:s0], s1  }
0xb0: {  	s0 =	simm.s32 @!p0 $0x2  }
0xb1: {  	_ =	swait.ge @!p0 [sflag:s0], s1  }
0xb2: {  	s1 =	ssub.s32 @!p0 $0x0, s1;
	[sflag:s0] =	ssyncset.done @!p0 $0x0  }
0xb3: {  	[sflag:s0] =	ssyncadd.s32 @!p0 s1  }
0xb4: {  	[bflag:$0x3] =	sbarrier.arrive $0xFFFF  }
0xb5: {  	_ =	shalt  }

// kernel: kernel.51.cloned.1.call-start
scs
__scs_entry_jumppad:
0x0: {  	(pc) =	sbr.rel $0x88, $3  }
0x1: {  	(tag) =	ssettag $0x0;
	lr =	simm.s32 $0x1  }
0x2: {  	[smem:$0x3F79] =	sst lr;
	_ =	strace $0xD0000000  }
0x3: {  	_ = 	snop  }
0x4: {  	_ = 	snop  }
0x5: {  	_ = 	snop  }
0x6: {  	_ = 	snop  }
0x7: {  	_ = 	snop  }
__scs_overlays_trampoline_lowered:
0x8: {  	[smem:$0x3F88] =	sst s0  }
0x9: {  	[smem:$0x3F89] =	sst s1  }
0xa: {  	[smem:$0x3F8A] =	sst s2  }
0xb: {  	[smem:$0x3F8B] =	sst s3  }
0xc: {  	[smem:$0x3F8C] =	sst s4  }
0xd: {  	[smem:$0x3F8D] =	sst s5  }
0xe: {  	[smem:$0x3F8E] =	sst s6  }
0xf: {  	[smem:$0x3F8F] =	sst s7  }
0x10: {  	[smem:$0x3F90] =	sst s8  }
0x11: {  	[smem:$0x3F91] =	sst s9;
	s0 =	simm.s32 @!p0 $0x0  }
0x12: {  	s1 =	sld [smem:$0x3F77];
	s0 =	simm.s32 @p0 $0x1  }
0x13: {  	[smem:$0x3F92] =	sst s0;
	s0 =	simm.s32 @!p1 $0x0  }
0x14: {  	s2 =	sld [smem:$0x3F76];
	s0 =	simm.s32 @p1 $0x1  }
0x15: {  	[smem:$0x3F93] =	sst s0;
	s0 =	simm.s32 @!p2 $0x0  }
0x16: {  	s3 =	sld [smem:$0x3FDB];
	s0 =	simm.s32 @p2 $0x1  }
0x17: {  	s4 =	simm.s32 $0x1BF5;
	[smem:$0x3F95] =	sst s0  }
0x18: {  	s0 =	sld [smem:$0x3F78];
	_ =	swait.ge [sflag:s4], $0x0  }
0x19: {  	s7 =	sld [smem:$0x3F79]  }
0x1a: {  	s8 =	sadd.s32 $0xFFFFE003, lr  }
0x1b: {  	s9 =	sadd.s32 $0xFFFFFEF7, lr;
	s5 =	simm.s32 $0xFFFFFFFF;
	p2 =	slt.u32 s8, $0xFFFFF086  }
0x1c: {  	p1 =	slt.u32 s9, $0xF7A;
	s5 =	simm.s32 @!p2 $0x0  }
0x1d: {  	s5 =	simm.s32 @p1 $0x1;
	p0 =	seq.s32 s7, s2  }
0x1e: {  	s7 =	smul.u32 @!p0 $0xF7A, s2;
	p2 =	seq.s32 @!p0 s5, $0x0  }
0x1f: {  	s9 =	smul.u32 $0xF7A, s1;
	s8 =	simm.s32 @!p0 $0x1BF5;
	p2 =	por !p2, p0  }
0x20: {  	[sflag:s8] =	ssyncset.s32 @!p0 $0xFFFFF086;
	s6 =	sadd.s32 @!p0 s3, s7;
	s7 =	simm.s32 @!p0 $0x108  }
0x21: {  	s3 =	sadd.s32 s3, s9;
	s6 =	sadd.s32 @!p0 $0x88, s6;
	s7 =	simm.s32 @p2 $0x1082  }
0x22: {  	[simem:s7], [sflag:s8] =	dma.local @!p0 [hbm:s6], $0xF7A  }
0x23: {  	s9 =	sor.u32 $0xD0000000, s2;
	s6 =	simm.s32 $0x108;
	_ =	swait.ge @!p0 [sflag:s8], $0x0  }
0x24: {  	s3 =	sadd.s32 $0x88, s3;
	s6 =	simm.s32 @!p1 $0x1082;
	[sflag:s4] =	ssyncset.s32 $0xFFFFF086  }
0x25: {  	[simem:s6], [sflag:s4] =	dma.local [hbm:s3], $0xF7A  }
0x26: {  	[smem:$0x3F79] =	sst s1;
	(tag) =	ssettag s2;
	_ =	strace s9  }
0x27: {  	s1 =	sld [smem:$0x3F89]  }
0x28: {  	s2 =	sld [smem:$0x3F8A]  }
0x29: {  	s4 =	sld [smem:$0x3F8C]  }
0x2a: {  	p0 =	seq.s32 s5, $0x0;
	s5 =	sld [smem:$0x3F8D]  }
0x2b: {  	s6 =	sld [smem:$0x3F8E]  }
0x2c: {  	s7 =	sld [smem:$0x3F8F]  }
0x2d: {  	s3 =	simm.s32 $0x108;
	s8 =	sld [smem:$0x3F90]  }
0x2e: {  	s3 =	simm.s32 @!p0 $0x1082;
	s9 =	sld [smem:$0x3F91]  }
0x2f: {  	lr =	sadd.s32 s0, s3;
	s0 =	sld [smem:$0x3F88]  }
0x30: {  	s3 =	sld [smem:$0x3F8B]  }
0x31: {  	[smem:$0x3F94] =	sst s10  }
0x32: {  	s10 =	sld [smem:$0x3F92];
	_ =	sdelay $0x3  }
0x33: {  	p0 =	seq.s32 s10, $0x1;
	s10 =	sld [smem:$0x3F94];
	_ =	sdelay $0x3  }
0x34: {  	[smem:$0x3F94] =	sst s10  }
0x35: {  	s10 =	sld [smem:$0x3F93];
	_ =	sdelay $0x3  }
0x36: {  	p1 =	seq.s32 s10, $0x1;
	s10 =	sld [smem:$0x3F94];
	_ =	sdelay $0x3  }
0x37: {  	[smem:$0x3F94] =	sst s10  }
0x38: {  	s10 =	sld [smem:$0x3F95]  }
0x39: {  	_ = 	snop;
	(pc) =	sbr.ind lr, $3  }
0x3a: {  	_ = 	snop  }
0x3b: {  	_ = 	snop  }
0x3c: {  	p2 =	seq.s32 s10, $0x1;
	s10 =	sld [smem:$0x3F94]  }
0x3d: {  	_ =	shalt  }
0x3e: {  	_ =	shalt  }
0x3f: {  	_ =	shalt  }
0x40: {  	_ =	shalt  }
0x41: {  	_ =	shalt  }
0x42: {  	_ =	shalt  }
0x43: {  	_ =	shalt  }
0x44: {  	_ =	shalt  }
0x45: {  	_ =	shalt  }
0x46: {  	_ =	shalt  }
0x47: {  	_ =	shalt  }
0x48: {  	_ =	shalt  }
0x49: {  	_ =	shalt  }
0x4a: {  	_ =	shalt  }
0x4b: {  	_ =	shalt  }
0x4c: {  	_ =	shalt  }
0x4d: {  	_ =	shalt  }
0x4e: {  	_ =	shalt  }
0x4f: {  	_ =	shalt  }
0x50: {  	_ =	shalt  }
0x51: {  	_ =	shalt  }
0x52: {  	_ =	shalt  }
0x53: {  	_ =	shalt  }
0x54: {  	_ =	shalt  }
0x55: {  	_ =	shalt  }
0x56: {  	_ =	shalt  }
0x57: {  	_ =	shalt  }
0x58: {  	_ =	shalt  }
0x59: {  	_ =	shalt  }
0x5a: {  	_ =	shalt  }
0x5b: {  	_ =	shalt  }
0x5c: {  	_ =	shalt  }
0x5d: {  	_ =	shalt  }
0x5e: {  	_ =	shalt  }
0x5f: {  	_ =	shalt  }
0x60: {  	_ =	shalt  }
0x61: {  	_ =	shalt  }
0x62: {  	_ =	shalt  }
0x63: {  	_ =	shalt  }
0x64: {  	_ =	shalt  }
0x65: {  	_ =	shalt  }
0x66: {  	_ =	shalt  }
0x67: {  	_ =	shalt  }
0x68: {  	_ =	shalt  }
0x69: {  	_ =	shalt  }
0x6a: {  	_ =	shalt  }
0x6b: {  	_ =	shalt  }
0x6c: {  	_ =	shalt  }
0x6d: {  	_ =	shalt  }
0x6e: {  	_ =	shalt  }
0x6f: {  	_ =	shalt  }
0x70: {  	_ =	shalt  }
0x71: {  	_ =	shalt  }
0x72: {  	_ =	shalt  }
0x73: {  	_ =	shalt  }
0x74: {  	_ =	shalt  }
0x75: {  	_ =	shalt  }
0x76: {  	_ =	shalt  }
0x77: {  	_ =	shalt  }
0x78: {  	_ =	shalt  }
0x79: {  	_ =	shalt  }
0x7a: {  	_ =	shalt  }
0x7b: {  	_ =	shalt  }
0x7c: {  	_ =	shalt  }
0x7d: {  	_ =	shalt  }
0x7e: {  	_ =	shalt  }
0x7f: {  	_ =	shalt  }
0x80: {  	_ =	shalt  }
0x81: {  	_ =	shalt  }
0x82: {  	_ =	shalt  }
0x83: {  	_ =	shalt  }
0x84: {  	_ =	shalt  }
0x85: {  	_ =	shalt  }
0x86: {  	_ =	shalt  }
0x87: {  	_ =	shalt  }
.Lfunc_end0:
.L_simem_size_0:
called_computation.7_lowered:
.L_overlay_start_0:
0x88: {  	s2 =	sld [smem:$0x3FD9]  }
0x89: {  	s3 =	sld [smem:$0x3FFE];
	_ =	sdelay $0x1  }
0x8a: {  	s1 =	srdreg.scid  }
0x8b: {  	s0 =	sand.u32 $0x1, s1  }
0x8c: {  	s16 =	sshll.u32 s0, $0xA;
	s2 =	sadd.s32 s3, s2  }
0x8d: {  	s2 =	sadd.s32 s2, s16  }
0x8e: {  	[smem:$0x3FA0] =	sst s2  }
0x8f: {  	_ = 	snop  }
0x90: {  	(tm) =	ssettm $0x1  }
0x91: {  	s17 =	sld [smem:$0x3FFB];
	_ =	sdelay $0x3  }
0x92: {  	_ =	strace s17  }
0x93: {  	s2 =	sld [smem:$0x3FFC];
	_ =	sdelay $0x3  }
0x94: {  	_ =	strace s2  }
0x95: {  	s2 =	sld [smem:$0x3FFD];
	_ =	sdelay $0x3  }
0x96: {  	_ =	strace s2  }
0x97: {  	_ =	strace $0x8FFFFFFF  }
0x98: {  	s18 =	sld [smem:$0x3FDB];
	_ =	sdelay $0x1  }
0x99: {  	s19 =	simm.s32 $_scs_section_size  }
0x9a: {  	s4 =	simm.s32 $_size__tile_overlayer_lowered;
	s5 =	simm.s32 $_tile_overlayer_lowered  }
0x9b: {  	s22 =	simm.s32 $0x1BFF;
	s21 =	sshll.u32 s5, $0x1;
	s2 =	sadd.s32 s19, s18  }
0x9c: {  	s6 =	simm.s32 $0x0;
	s20 =	sshll.u32 s4, $0x1;
	s4 =	sadd.s32 s21, s2  }
0x9d: {  	[timem:s6], [sflag:s22] =	dma.local [hbm:s4], s20  }
0x9e: {  	_ =	swait.ge [sflag:s22], s20  }
0x9f: {  	s3 =	ssub.s32 $0x0, s20;
	[sflag:s22] =	ssyncset.done $0x0  }
0xa0: {  	[sflag:s22] =	ssyncadd.s32 s3;
	_ =	sdelay $0x1  }
0xa1: {  	s23 =	simm.s32 $0x1B8B  }
0xa2: {  	_ =	swait.ge [sflag:s23], $0x1  }
0xa3: {  	[sflag:s23] =	ssyncset.done $0x0  }
0xa4: {  	s25 =	simm.s32 $0x1B8E;
	s24 =	sld [smem:$0x3FFE];
	[sflag:s23] =	ssyncadd.s32 $0xFFFFFFFF  }
0xa5: {  	s26 =	simm.s32 $execute0_lowered;
	[smem:$0x3FD2] =	sst s25  }
0xa6: {  	s4 =	sshll.u32 s26, $0x1;
	_ =	strace $0x8000005B;
	[dreg:$0x1] =	wrdreg $0xFFFFFFFF  }
0xa7: {  	s28 =	simm.s32 $_size_execute0_lowered;
	s2 =	sadd.s32 s2, s4;
	[dreg:$0x0] =	wrdreg $0x0  }
0xa8: {  	s4 =	sshll.u32 s28, $0x1;
	[dreg:$0x2] =	wrdreg s2  }
0xa9: {  	[dreg:$0x3] =	wrdreg s4  }
0xaa: {  	[dreg:$0x4] =	wrdreg $0xC0  }
0xab: {  	_ =	task [dreg:s6], $0x5FFFF  }
0xac: {  	[dreg:$0x1] =	wrdreg $0xFFFFFFFF  }
0xad: {  	[dreg:$0x0] =	wrdreg $0x60  }
0xae: {  	[dreg:$0x2] =	wrdreg s24  }
0xaf: {  	[dreg:$0x3] =	wrdreg $0x9  }
0xb0: {  	_ =	task.clear_ibuf [dreg:s6], $0x4FFFF;
	_ =	strace $0x9000005B  }
0xb1: {  	s29 =	simm.s32 $0x9;
	_ =	strace $0x8000005D  }
0xb2: {  	_ =	swait.ge [sflag:s29], $0x1  }
0xb3: {  	[sflag:s29] =	ssyncadd.s32 $0xFFFFFFFF  }
0xb4: {  	_ =	strace $0x9000005D  }
0xb5: {  	_ =	sfence  }
0xb6: {  	s30 =	sld [smem:$0x0];
	_ =	sdelay $0x2  }
0xb7: {  	s31 =	sshll.u32 s1, $0xD;
	s1 =	sshrl.u32 s1, $0x2  }
0xb8: {  	s3 =	sand.u32 $0x4000, s31;
	s1 =	sadd.s32 s1, s30  }
0xb9: {  	s0 =	sor.u32 s3, s0;
	s1 =	sshll.u32 s1, $0x11  }
0xba: {  	s0 =	sor.u32 s1, s0  }
0xbb: {  	s0 =	sadd.s32 $0x8F2B, s0  }
0xbc: {  	[sflag:s0] =	ssyncadd.remote.s32 $0x1  }
0xbd: {  	_ =	sfence.sel $0xFFFF  }
0xbe: {  	[dreg:$0x0] =	wrdreg $0xFFFFFFFF;
	(pc) =	sbr.abs _section_cstart, $3  }
0xbf: {  	[dreg:$0x1] =	wrdreg $0xFFFFFFFF  }
0xc0: {  	_ =	task.clear_ibuf [dreg:s6], $0x2FFFF;
	_ =	strace $0x9FFFFFFF  }
0xc1: {  	(tm) =	ssettm $0x7FFFFFFF  }
tec
execute0_lowered:
.L_overlay_start_1:
0x0: {  	(tag) =	ssettag $0x1  }
0x1: {  	s0 =	srdreg.scid  }
0x2: {  	s3 =	stileid.u32;
	s4 =	rddreg [dreg:$0x0];
	s15 =	simm.s32 $0x880  }
0x3: {  	s16 =	simm.s32 $0x1080;
	s18 =	simm.s32 $0x1880;
	s19 =	simm.s32 $0x2080  }
0x4: {  	s20 =	simm.s32 $0x2880;
	s0 =	sand.u32 $0x1, s0;
	s1 =	smul.u32 $0x2800, s3  }
0x5: {  	s21 =	simm.s32 $0x3080;
	s22 =	simm.s32 $0x3880;
	s2 =	smul.u32 $0x1400, s0  }
0x6: {  	s23 =	simm.s32 $0x4080;
	s24 =	simm.s32 $0x4880;
	s25 =	simm.s32 $0x5080  }
0x7: {  	s26 =	simm.s32 $0x5880;
	s1 =	sadd.s32 s2, s1;
	s2 =	simm.s32 $0x0  }
0x8: {  	s8 =	simm.s32 $0x80;
	s9 =	simm.s32 $0x6080;
	[smem:$0x7FF] =	sst s2  }
0x9: {  	s10 =	simm.s32 $0x6880;
	_ =	strace $0x8000005C;
	[dreg:$0x3] =	wrdreg s15  }
0xa: {  	s11 =	simm.s32 $0x7080;
	s12 =	simm.s32 $0x7880;
	[dreg:$0x4] =	wrdreg s16  }
0xb: {  	s5 =	smul.u32 $0xA0000, s3;
	s17 =	ssub.s32 $0x2, s0;
	[dreg:$0x5] =	wrdreg s18  }
0xc: {  	s13 =	simm.s32 $0x8080;
	s7 =	sshrl.u32 s17, $0x1;
	[dreg:$0x6] =	wrdreg s19  }
0xd: {  	s6 =	sadd.s32 s5, s4;
	s5 =	ssub.s32 s17, s7;
	[dreg:$0x7] =	wrdreg s20  }
0xe: {  	s0 =	smul.u32 $0x50000, s0;
	s5 =	smax.u32 s5, $0x1;
	[dreg:$0x8] =	wrdreg s21  }
0xf: {  	s14 =	simm.s32 $0x8880;
	s28 =	simm.s32 $0xF080;
	[dreg:$0xe] =	wrdreg s5  }
0x10: {  	s29 =	simm.s32 $0xF880;
	s0 =	sadd.s32 s0, s6;
	[dreg:$0x9] =	wrdreg s22  }
0x11: {  	s30 =	simm.s32 $0x1;
	s0 =	sadd.s32 $0x5AA200, s0;
	[dreg:$0xa] =	wrdreg s23  }
0x12: {  	s31 =	simm.s32 $0x0;
	s3 =	sadd.s32 $0x8C200, s4;
	[dreg:$0xf] =	wrdreg s0  }
0x13: {  	s7 =	simm.s32 $0x2;
	s1 =	sshrl.u32 s1, $0x3;
	[dreg:$0xb] =	wrdreg s24  }
0x14: {  	s17 =	simm.s32 $0xA080;
	s1 =	sadd.s32 s1, s4;
	[dreg:$0xc] =	wrdreg s25  }
0x15: {  	s4 =	sadd.s32 $0x8C300, s4;
	[dreg:$0xd] =	wrdreg s26;
	s15 =	simm.s32 $0x9080  }
0x16: {  	s16 =	simm.s32 $0x9880;
	s18 =	simm.s32 $0xA880;
	s19 =	simm.s32 $0xB080  }
0x17: {  	v2 =	vlaneseq.u32;
	s20 =	simm.s32 $0xB880;
	s21 =	simm.s32 $0xC080;
	s22 =	simm.s32 $0xC880  }
0x18: {  	vm0 =	vmmov $0xffff;
	v1 =	vshrl.u32 v2, $0x3;
	s23 =	simm.s32 $0xD080;
	s24 =	simm.s32 $0xD880;
	s1 =	sadd.s32 $0x33200, s1  }
0x19: {  	v0 =	vand.u32 $0x7, v2;
	v2 =	vor.u32 $0x8, v2;
	v1 =	vmul.u32 $0x8, v1;
	s25 =	simm.s32 $0xE080;
	s26 =	simm.s32 $0xE880;
	[dreg:$0x2] =	wrdreg s1  }
.LBB2_1:
0x1a: {  	s6 =	rddreg [dreg:$0xf];
	s0 =	simm.s32 $0x0  }
.LBB2_2:
0x1b: {  	s5 =	rddreg [dreg:$0x2]  }
0x1c: {  	s5 =	sadd.s32 s0, s5  }
0x1d: {  	[tilespmem:s2], [sflag:$0x2] =	stream.linear.gather [hbm4b:s5+s2], $0x80, $0x38;
	[tilespmem:$0x10080] =	vst v63  }
0x1e: {  	_ =	swait.ge [sflag:s7], $0x80  }
0x1f: {  	[sflag:s7] =	ssyncset.done $0x0  }
0x20: {  	[sflag:s7] =	ssyncadd.s32 $0xFFFFFF80  }
0x21: {  	v3 =	vld [tilespmem:$0x0];
	_ =	sdelay $0x4  }
0x22: {  	v4 =	vshll.u32 v3, $0x2  }
0x23: {  	v3 =	vand.u32 $0x7, v3;
	v4 =	vand.u32 $0xFFFFFFE0, v4  }
0x24: {  	v3 =	vor.u32 v3, v4  }
0x25: {  	v4 =	vperm.xlane v3, v0;
	_ =	sdelay $0x1  }
0x26: {  	v4 =	vadd.s32 v1, v4;
	_ =	sdelay $0x1  }
0x27: {  	v3 =	vperm.xlane v3, v2;
	_ =	sdelay $0x1  }
0x28: {  	v3 =	vadd.s32 v1, v3  }
0x29: {  	[tilespmem:s8], [sflag:$0x1] =	stream.indirect_vreg.gather [hbm4b:s3+s2], $0x80, v4, vm0, $0xb8;
	[tilespmem:$0x10080] =	vst v63  }
0x2a: {  	s5 =	rddreg [dreg:$0x3]  }
0x2b: {  	[tilespmem:s5], [sflag:$0x1] =	stream.indirect_vreg.gather [hbm4b:s4+s2], $0x80, v4, vm0, $0xb8;
	[tilespmem:$0x10080] =	vst v63  }
0x2c: {  	s1 =	rddreg [dreg:$0x4]  }
0x2d: {  	[tilespmem:s1], [sflag:$0x1] =	stream.indirect_vreg.gather [hbm4b:s3+s2], $0x80, v3, vm0, $0xb8;
	[tilespmem:$0x10080] =	vst v63  }
0x2e: {  	s5 =	rddreg [dreg:$0x5]  }
0x2f: {  	[tilespmem:s5], [sflag:$0x1] =	stream.indirect_vreg.gather [hbm4b:s4+s2], $0x80, v3, vm0, $0xb8;
	[tilespmem:$0x10080] =	vst v63  }
0x30: {  	v3 =	vld [tilespmem:$0x10];
	_ =	sdelay $0x4  }
0x31: {  	v57 =	vshll.u32 v3, $0x2  }
0x32: {  	v3 =	vand.u32 $0x7, v3;
	v4 =	vand.u32 $0xFFFFFFE0, v57  }
0x33: {  	v3 =	vor.u32 v3, v4  }
0x34: {  	v4 =	vperm.xlane v3, v0;
	_ =	sdelay $0x1  }
0x35: {  	v4 =	vadd.s32 v1, v4;
	_ =	sdelay $0x1  }
0x36: {  	v3 =	vperm.xlane v3, v2;
	_ =	sdelay $0x1  }
0x37: {  	s1 =	rddreg [dreg:$0x6];
	v3 =	vadd.s32 v1, v3  }
0x38: {  	[tilespmem:s1], [sflag:$0x1] =	stream.indirect_vreg.gather [hbm4b:s3+s2], $0x80, v4, vm0, $0xb8;
	[tilespmem:$0x10080] =	vst v63  }
0x39: {  	s5 =	rddreg [dreg:$0x7]  }
0x3a: {  	[tilespmem:s5], [sflag:$0x1] =	stream.indirect_vreg.gather [hbm4b:s4+s2], $0x80, v4, vm0, $0xb8;
	[tilespmem:$0x10080] =	vst v63  }
0x3b: {  	s1 =	rddreg [dreg:$0x8]  }
0x3c: {  	[tilespmem:s1], [sflag:$0x1] =	stream.indirect_vreg.gather [hbm4b:s3+s2], $0x80, v3, vm0, $0xb8;
	[tilespmem:$0x10080] =	vst v63  }
0x3d: {  	s5 =	rddreg [dreg:$0x9]  }
0x3e: {  	[tilespmem:s5], [sflag:$0x1] =	stream.indirect_vreg.gather [hbm4b:s4+s2], $0x80, v3, vm0, $0xb8;
	[tilespmem:$0x10080] =	vst v63  }
0x3f: {  	v3 =	vld [tilespmem:$0x20];
	_ =	sdelay $0x4  }
0x40: {  	v58 =	vshll.u32 v3, $0x2  }
0x41: {  	v3 =	vand.u32 $0x7, v3;
	v4 =	vand.u32 $0xFFFFFFE0, v58  }
0x42: {  	v3 =	vor.u32 v3, v4  }
0x43: {  	v4 =	vperm.xlane v3, v0;
	_ =	sdelay $0x1  }
0x44: {  	v4 =	vadd.s32 v1, v4;
	_ =	sdelay $0x1  }
0x45: {  	v3 =	vperm.xlane v3, v2;
	_ =	sdelay $0x1  }
0x46: {  	s1 =	rddreg [dreg:$0xa];
	v3 =	vadd.s32 v1, v3  }
0x47: {  	[tilespmem:s1], [sflag:$0x1] =	stream.indirect_vreg.gather [hbm4b:s3+s2], $0x80, v4, vm0, $0xb8;
	[tilespmem:$0x10080] =	vst v63  }
0x48: {  	s5 =	rddreg [dreg:$0xb]  }
0x49: {  	[tilespmem:s5], [sflag:$0x1] =	stream.indirect_vreg.gather [hbm4b:s4+s2], $0x80, v4, vm0, $0xb8;
	[tilespmem:$0x10080] =	vst v63  }
0x4a: {  	s1 =	rddreg [dreg:$0xc]  }
0x4b: {  	[tilespmem:s1], [sflag:$0x1] =	stream.indirect_vreg.gather [hbm4b:s3+s2], $0x80, v3, vm0, $0xb8;
	[tilespmem:$0x10080] =	vst v63  }
0x4c: {  	s5 =	rddreg [dreg:$0xd]  }
0x4d: {  	[tilespmem:s5], [sflag:$0x1] =	stream.indirect_vreg.gather [hbm4b:s4+s2], $0x80, v3, vm0, $0xb8;
	[tilespmem:$0x10080] =	vst v63  }
0x4e: {  	v3 =	vld [tilespmem:$0x30];
	_ =	sdelay $0x4  }
0x4f: {  	v59 =	vshll.u32 v3, $0x2  }
0x50: {  	v3 =	vand.u32 $0x7, v3;
	v4 =	vand.u32 $0xFFFFFFE0, v59  }
0x51: {  	v3 =	vor.u32 v3, v4  }
0x52: {  	v4 =	vperm.xlane v3, v0;
	_ =	sdelay $0x1  }
0x53: {  	v4 =	vadd.s32 v1, v4;
	_ =	sdelay $0x1  }
0x54: {  	v3 =	vperm.xlane v3, v2;
	_ =	sdelay $0x1  }
0x55: {  	v3 =	vadd.s32 v1, v3  }
0x56: {  	[tilespmem:s9], [sflag:$0x1] =	stream.indirect_vreg.gather [hbm4b:s3+s2], $0x80, v4, vm0, $0xb8;
	[tilespmem:$0x10080] =	vst v63  }
0x57: {  	_ = 	snop  }
0x58: {  	[tilespmem:s10], [sflag:$0x1] =	stream.indirect_vreg.gather [hbm4b:s4+s2], $0x80, v4, vm0, $0xb8;
	[tilespmem:$0x10080] =	vst v63  }
0x59: {  	_ = 	snop  }
0x5a: {  	[tilespmem:s11], [sflag:$0x1] =	stream.indirect_vreg.gather [hbm4b:s3+s2], $0x80, v3, vm0, $0xb8;
	[tilespmem:$0x10080] =	vst v63  }
0x5b: {  	_ = 	snop  }
0x5c: {  	[tilespmem:s12], [sflag:$0x1] =	stream.indirect_vreg.gather [hbm4b:s4+s2], $0x80, v3, vm0, $0xb8;
	[tilespmem:$0x10080] =	vst v63  }
0x5d: {  	v3 =	vld [tilespmem:$0x40];
	_ =	sdelay $0x4  }
0x5e: {  	v60 =	vshll.u32 v3, $0x2  }
0x5f: {  	v3 =	vand.u32 $0x7, v3;
	v4 =	vand.u32 $0xFFFFFFE0, v60  }
0x60: {  	v3 =	vor.u32 v3, v4  }
0x61: {  	v4 =	vperm.xlane v3, v0;
	_ =	sdelay $0x1  }
0x62: {  	v4 =	vadd.s32 v1, v4;
	_ =	sdelay $0x1  }
0x63: {  	v3 =	vperm.xlane v3, v2;
	_ =	sdelay $0x1  }
0x64: {  	v3 =	vadd.s32 v1, v3  }
0x65: {  	[tilespmem:s13], [sflag:$0x1] =	stream.indirect_vreg.gather [hbm4b:s3+s2], $0x80, v4, vm0, $0xb8;
	[tilespmem:$0x10080] =	vst v63  }
0x66: {  	_ = 	snop  }
0x67: {  	[tilespmem:s14], [sflag:$0x1] =	stream.indirect_vreg.gather [hbm4b:s4+s2], $0x80, v4, vm0, $0xb8;
	[tilespmem:$0x10080] =	vst v63  }
0x68: {  	_ = 	snop  }
0x69: {  	[tilespmem:s15], [sflag:$0x1] =	stream.indirect_vreg.gather [hbm4b:s3+s2], $0x80, v3, vm0, $0xb8;
	[tilespmem:$0x10080] =	vst v63  }
0x6a: {  	_ = 	snop  }
0x6b: {  	[tilespmem:s16], [sflag:$0x1] =	stream.indirect_vreg.gather [hbm4b:s4+s2], $0x80, v3, vm0, $0xb8;
	[tilespmem:$0x10080] =	vst v63  }
0x6c: {  	v3 =	vld [tilespmem:$0x50];
	_ =	sdelay $0x4  }
0x6d: {  	v61 =	vshll.u32 v3, $0x2  }
0x6e: {  	v3 =	vand.u32 $0x7, v3;
	v4 =	vand.u32 $0xFFFFFFE0, v61  }
0x6f: {  	v3 =	vor.u32 v3, v4  }
0x70: {  	v4 =	vperm.xlane v3, v0;
	_ =	sdelay $0x1  }
0x71: {  	v4 =	vadd.s32 v1, v4;
	_ =	sdelay $0x1  }
0x72: {  	v3 =	vperm.xlane v3, v2;
	_ =	sdelay $0x1  }
0x73: {  	v3 =	vadd.s32 v1, v3  }
0x74: {  	[tilespmem:s17], [sflag:$0x1] =	stream.indirect_vreg.gather [hbm4b:s3+s2], $0x80, v4, vm0, $0xb8;
	[tilespmem:$0x10080] =	vst v63  }
0x75: {  	_ = 	snop  }
0x76: {  	[tilespmem:s18], [sflag:$0x1] =	stream.indirect_vreg.gather [hbm4b:s4+s2], $0x80, v4, vm0, $0xb8;
	[tilespmem:$0x10080] =	vst v63  }
0x77: {  	_ = 	snop  }
0x78: {  	[tilespmem:s19], [sflag:$0x1] =	stream.indirect_vreg.gather [hbm4b:s3+s2], $0x80, v3, vm0, $0xb8;
	[tilespmem:$0x10080] =	vst v63  }
0x79: {  	_ = 	snop  }
0x7a: {  	[tilespmem:s20], [sflag:$0x1] =	stream.indirect_vreg.gather [hbm4b:s4+s2], $0x80, v3, vm0, $0xb8;
	[tilespmem:$0x10080] =	vst v63  }
0x7b: {  	v3 =	vld [tilespmem:$0x60];
	_ =	sdelay $0x4  }
0x7c: {  	v62 =	vshll.u32 v3, $0x2  }
0x7d: {  	v3 =	vand.u32 $0x7, v3;
	v4 =	vand.u32 $0xFFFFFFE0, v62  }
0x7e: {  	v3 =	vor.u32 v3, v4  }
0x7f: {  	v4 =	vperm.xlane v3, v0;
	_ =	sdelay $0x1  }
0x80: {  	v4 =	vadd.s32 v1, v4;
	_ =	sdelay $0x1  }
0x81: {  	v3 =	vperm.xlane v3, v2;
	_ =	sdelay $0x1  }
0x82: {  	v3 =	vadd.s32 v1, v3  }
0x83: {  	[tilespmem:s21], [sflag:$0x1] =	stream.indirect_vreg.gather [hbm4b:s3+s2], $0x80, v4, vm0, $0xb8;
	[tilespmem:$0x10080] =	vst v63  }
0x84: {  	_ = 	snop  }
0x85: {  	[tilespmem:s22], [sflag:$0x1] =	stream.indirect_vreg.gather [hbm4b:s4+s2], $0x80, v4, vm0, $0xb8;
	[tilespmem:$0x10080] =	vst v63  }
0x86: {  	_ = 	snop  }
0x87: {  	[tilespmem:s23], [sflag:$0x1] =	stream.indirect_vreg.gather [hbm4b:s3+s2], $0x80, v3, vm0, $0xb8;
	[tilespmem:$0x10080] =	vst v63  }
0x88: {  	_ = 	snop  }
0x89: {  	[tilespmem:s24], [sflag:$0x1] =	stream.indirect_vreg.gather [hbm4b:s4+s2], $0x80, v3, vm0, $0xb8;
	[tilespmem:$0x10080] =	vst v63  }
0x8a: {  	v3 =	vld [tilespmem:$0x70];
	_ =	sdelay $0x4  }
0x8b: {  	v63 =	vshll.u32 v3, $0x2  }
0x8c: {  	v3 =	vand.u32 $0x7, v3;
	v4 =	vand.u32 $0xFFFFFFE0, v63  }
0x8d: {  	v3 =	vor.u32 v3, v4  }
0x8e: {  	v4 =	vperm.xlane v3, v0;
	_ =	sdelay $0x1  }
0x8f: {  	v4 =	vadd.s32 v1, v4;
	_ =	sdelay $0x1  }
0x90: {  	v3 =	vperm.xlane v3, v2;
	_ =	sdelay $0x1  }
0x91: {  	v3 =	vadd.s32 v1, v3  }
0x92: {  	[tilespmem:s25], [sflag:$0x1] =	stream.indirect_vreg.gather [hbm4b:s3+s2], $0x80, v4, vm0, $0xb8;
	[tilespmem:$0x10080] =	vst v63  }
0x93: {  	_ = 	snop  }
0x94: {  	[tilespmem:s26], [sflag:$0x1] =	stream.indirect_vreg.gather [hbm4b:s4+s2], $0x80, v4, vm0, $0xb8;
	[tilespmem:$0x10080] =	vst v63  }
0x95: {  	_ = 	snop  }
0x96: {  	[tilespmem:s28], [sflag:$0x1] =	stream.indirect_vreg.gather [hbm4b:s3+s2], $0x80, v3, vm0, $0xb8;
	[tilespmem:$0x10080] =	vst v63  }
0x97: {  	_ = 	snop  }
0x98: {  	[tilespmem:s29], [sflag:$0x1] =	stream.indirect_vreg.gather [hbm4b:s4+s2], $0x80, v3, vm0, $0xb8;
	[tilespmem:$0x10080] =	vst v63  }
0x99: {  	_ =	swait.ge [sflag:s30], $0x10000  }
0x9a: {  	p0 =	sne.s32 s0, $0x270;
	[sflag:s30] =	ssyncset.done $0x0  }
.Ltmp0:
0x9b: {  	[sflag:s30] =	ssyncadd.s32 $0xFFFF0000;
	(pc) =	sbr.rel @p0 .LBB2_2-.Ltmp0, $4  }
0x9c: {  	[hbm4b:s6+s2] =	stream.linear.scatter [tilespmem:s8], [sflag:$0x2], $0x10000, $0x38;
	[tilespmem:$0x10080] =	vst v63  }
0x9d: {  	_ =	swait.ge [sflag:s7], $0x10000  }
0x9e: {  	[sflag:s7] =	ssyncset.done $0x0  }
0x9f: {  	s0 =	sadd.s32 $0x10, s0;
	s6 =	sadd.s32 $0x2000, s6;
	[sflag:s7] =	ssyncadd.s32 $0xFFFF0000  }
0xa0: {  	s31 =	sadd.s32 $0x1, s31;
	s0 =	rddreg [dreg:$0xe]  }
0xa1: {  	p0 =	sne.s32 s31, s0  }
.Ltmp1:
0xa2: {  	_ = 	snop;
	(pc) =	sbr.rel @p0 .LBB2_1-.Ltmp1, $1  }
0xa3: {  	_ =	sdelay $0x3  }
0xa4: {  	_ =	sfence.sel $0x180000  }
0xa5: {  	[bflag:$0x0] =	sbarrier.arrive $0xFFFF  }
0xa6: {  	_ =	strace $0x9000005C  }
0xa7: {  	s0 =	stileid.u32;
	[bflag:$0x2] =	sbarrier.arrive $0xFFFF  }
0xa8: {  	p0 =	sne.s32 s0, $0x0;
	s0 =	rddreg [dreg:$0x1]  }
0xa9: {  	s0 =	sadd.s32 @!p0 $0x100000, s0  }
0xaa: {  	[sflag:s0] =	ssyncadd.tile.s32 @!p0 $0x1;
	_ =	shalt  }
.Lfunc_end2:
_tile_overlayer_lowered:
.L_overlay_start_2:
0xab: {  	(tag) =	ssettag $0x2  }
0xac: {  	s0 =	rddreg [dreg:$0x0];
	s2 =	stileid.u32  }
0xad: {  	s1 =	rddreg [dreg:$0x1];
	p0 =	sne.s32 s2, $0x0  }
0xae: {  	s3 =	rddreg [dreg:$0x2];
	[bflag:$0x3] =	sbarrier.arrive $0xFFFF;
	s2 =	simm.s32 @!p0 $0x1C02  }
0xaf: {  	[timem:s3], [sflag:s2] =	dma.local @!p0 [hbm:s0], s1  }
0xb0: {  	s0 =	simm.s32 @!p0 $0x2  }
0xb1: {  	_ =	swait.ge @!p0 [sflag:s0], s1  }
0xb2: {  	s1 =	ssub.s32 @!p0 $0x0, s1;
	[sflag:s0] =	ssyncset.done @!p0 $0x0  }
0xb3: {  	[sflag:s0] =	ssyncadd.s32 @!p0 s1  }
0xb4: {  	[bflag:$0x3] =	sbarrier.arrive $0xFFFF  }
0xb5: {  	_ =	shalt  }

// kernel: kernel.54.cloned.1.call-start
scs
__scs_entry_jumppad:
0x0: {  	(pc) =	sbr.rel $0x88, $3  }
0x1: {  	(tag) =	ssettag $0x0;
	lr =	simm.s32 $0x1  }
0x2: {  	[smem:$0x3F79] =	sst lr;
	_ =	strace $0xD0000000  }
0x3: {  	_ = 	snop  }
0x4: {  	_ = 	snop  }
0x5: {  	_ = 	snop  }
0x6: {  	_ = 	snop  }
0x7: {  	_ = 	snop  }
__scs_overlays_trampoline_lowered:
0x8: {  	[smem:$0x3F88] =	sst s0  }
0x9: {  	[smem:$0x3F89] =	sst s1  }
0xa: {  	[smem:$0x3F8A] =	sst s2  }
0xb: {  	[smem:$0x3F8B] =	sst s3  }
0xc: {  	[smem:$0x3F8C] =	sst s4  }
0xd: {  	[smem:$0x3F8D] =	sst s5  }
0xe: {  	[smem:$0x3F8E] =	sst s6  }
0xf: {  	[smem:$0x3F8F] =	sst s7  }
0x10: {  	[smem:$0x3F90] =	sst s8  }
0x11: {  	[smem:$0x3F91] =	sst s9;
	s0 =	simm.s32 @!p0 $0x0  }
0x12: {  	s1 =	sld [smem:$0x3F77];
	s0 =	simm.s32 @p0 $0x1  }
0x13: {  	[smem:$0x3F92] =	sst s0;
	s0 =	simm.s32 @!p1 $0x0  }
0x14: {  	s2 =	sld [smem:$0x3F76];
	s0 =	simm.s32 @p1 $0x1  }
0x15: {  	[smem:$0x3F93] =	sst s0;
	s0 =	simm.s32 @!p2 $0x0  }
0x16: {  	s3 =	sld [smem:$0x3FDB];
	s0 =	simm.s32 @p2 $0x1  }
0x17: {  	s4 =	simm.s32 $0x1BF5;
	[smem:$0x3F95] =	sst s0  }
0x18: {  	s0 =	sld [smem:$0x3F78];
	_ =	swait.ge [sflag:s4], $0x0  }
0x19: {  	s7 =	sld [smem:$0x3F79]  }
0x1a: {  	s8 =	sadd.s32 $0xFFFFE003, lr  }
0x1b: {  	s9 =	sadd.s32 $0xFFFFFEF7, lr;
	s5 =	simm.s32 $0xFFFFFFFF;
	p2 =	slt.u32 s8, $0xFFFFF086  }
0x1c: {  	p1 =	slt.u32 s9, $0xF7A;
	s5 =	simm.s32 @!p2 $0x0  }
0x1d: {  	s5 =	simm.s32 @p1 $0x1;
	p0 =	seq.s32 s7, s2  }
0x1e: {  	s7 =	smul.u32 @!p0 $0xF7A, s2;
	p2 =	seq.s32 @!p0 s5, $0x0  }
0x1f: {  	s9 =	smul.u32 $0xF7A, s1;
	s8 =	simm.s32 @!p0 $0x1BF5;
	p2 =	por !p2, p0  }
0x20: {  	[sflag:s8] =	ssyncset.s32 @!p0 $0xFFFFF086;
	s6 =	sadd.s32 @!p0 s3, s7;
	s7 =	simm.s32 @!p0 $0x108  }
0x21: {  	s3 =	sadd.s32 s3, s9;
	s6 =	sadd.s32 @!p0 $0x88, s6;
	s7 =	simm.s32 @p2 $0x1082  }
0x22: {  	[simem:s7], [sflag:s8] =	dma.local @!p0 [hbm:s6], $0xF7A  }
0x23: {  	s9 =	sor.u32 $0xD0000000, s2;
	s6 =	simm.s32 $0x108;
	_ =	swait.ge @!p0 [sflag:s8], $0x0  }
0x24: {  	s3 =	sadd.s32 $0x88, s3;
	s6 =	simm.s32 @!p1 $0x1082;
	[sflag:s4] =	ssyncset.s32 $0xFFFFF086  }
0x25: {  	[simem:s6], [sflag:s4] =	dma.local [hbm:s3], $0xF7A  }
0x26: {  	[smem:$0x3F79] =	sst s1;
	(tag) =	ssettag s2;
	_ =	strace s9  }
0x27: {  	s1 =	sld [smem:$0x3F89]  }
0x28: {  	s2 =	sld [smem:$0x3F8A]  }
0x29: {  	s4 =	sld [smem:$0x3F8C]  }
0x2a: {  	p0 =	seq.s32 s5, $0x0;
	s5 =	sld [smem:$0x3F8D]  }
0x2b: {  	s6 =	sld [smem:$0x3F8E]  }
0x2c: {  	s7 =	sld [smem:$0x3F8F]  }
0x2d: {  	s3 =	simm.s32 $0x108;
	s8 =	sld [smem:$0x3F90]  }
0x2e: {  	s3 =	simm.s32 @!p0 $0x1082;
	s9 =	sld [smem:$0x3F91]  }
0x2f: {  	lr =	sadd.s32 s0, s3;
	s0 =	sld [smem:$0x3F88]  }
0x30: {  	s3 =	sld [smem:$0x3F8B]  }
0x31: {  	[smem:$0x3F94] =	sst s10  }
0x32: {  	s10 =	sld [smem:$0x3F92];
	_ =	sdelay $0x3  }
0x33: {  	p0 =	seq.s32 s10, $0x1;
	s10 =	sld [smem:$0x3F94];
	_ =	sdelay $0x3  }
0x34: {  	[smem:$0x3F94] =	sst s10  }
0x35: {  	s10 =	sld [smem:$0x3F93];
	_ =	sdelay $0x3  }
0x36: {  	p1 =	seq.s32 s10, $0x1;
	s10 =	sld [smem:$0x3F94];
	_ =	sdelay $0x3  }
0x37: {  	[smem:$0x3F94] =	sst s10  }
0x38: {  	s10 =	sld [smem:$0x3F95]  }
0x39: {  	_ = 	snop;
	(pc) =	sbr.ind lr, $3  }
0x3a: {  	_ = 	snop  }
0x3b: {  	_ = 	snop  }
0x3c: {  	p2 =	seq.s32 s10, $0x1;
	s10 =	sld [smem:$0x3F94]  }
0x3d: {  	_ =	shalt  }
0x3e: {  	_ =	shalt  }
0x3f: {  	_ =	shalt  }
0x40: {  	_ =	shalt  }
0x41: {  	_ =	shalt  }
0x42: {  	_ =	shalt  }
0x43: {  	_ =	shalt  }
0x44: {  	_ =	shalt  }
0x45: {  	_ =	shalt  }
0x46: {  	_ =	shalt  }
0x47: {  	_ =	shalt  }
0x48: {  	_ =	shalt  }
0x49: {  	_ =	shalt  }
0x4a: {  	_ =	shalt  }
0x4b: {  	_ =	shalt  }
0x4c: {  	_ =	shalt  }
0x4d: {  	_ =	shalt  }
0x4e: {  	_ =	shalt  }
0x4f: {  	_ =	shalt  }
0x50: {  	_ =	shalt  }
0x51: {  	_ =	shalt  }
0x52: {  	_ =	shalt  }
0x53: {  	_ =	shalt  }
0x54: {  	_ =	shalt  }
0x55: {  	_ =	shalt  }
0x56: {  	_ =	shalt  }
0x57: {  	_ =	shalt  }
0x58: {  	_ =	shalt  }
0x59: {  	_ =	shalt  }
0x5a: {  	_ =	shalt  }
0x5b: {  	_ =	shalt  }
0x5c: {  	_ =	shalt  }
0x5d: {  	_ =	shalt  }
0x5e: {  	_ =	shalt  }
0x5f: {  	_ =	shalt  }
0x60: {  	_ =	shalt  }
0x61: {  	_ =	shalt  }
0x62: {  	_ =	shalt  }
0x63: {  	_ =	shalt  }
0x64: {  	_ =	shalt  }
0x65: {  	_ =	shalt  }
0x66: {  	_ =	shalt  }
0x67: {  	_ =	shalt  }
0x68: {  	_ =	shalt  }
0x69: {  	_ =	shalt  }
0x6a: {  	_ =	shalt  }
0x6b: {  	_ =	shalt  }
0x6c: {  	_ =	shalt  }
0x6d: {  	_ =	shalt  }
0x6e: {  	_ =	shalt  }
0x6f: {  	_ =	shalt  }
0x70: {  	_ =	shalt  }
0x71: {  	_ =	shalt  }
0x72: {  	_ =	shalt  }
0x73: {  	_ =	shalt  }
0x74: {  	_ =	shalt  }
0x75: {  	_ =	shalt  }
0x76: {  	_ =	shalt  }
0x77: {  	_ =	shalt  }
0x78: {  	_ =	shalt  }
0x79: {  	_ =	shalt  }
0x7a: {  	_ =	shalt  }
0x7b: {  	_ =	shalt  }
0x7c: {  	_ =	shalt  }
0x7d: {  	_ =	shalt  }
0x7e: {  	_ =	shalt  }
0x7f: {  	_ =	shalt  }
0x80: {  	_ =	shalt  }
0x81: {  	_ =	shalt  }
0x82: {  	_ =	shalt  }
0x83: {  	_ =	shalt  }
0x84: {  	_ =	shalt  }
0x85: {  	_ =	shalt  }
0x86: {  	_ =	shalt  }
0x87: {  	_ =	shalt  }
.Lfunc_end0:
.L_simem_size_0:
called_computation.8_lowered:
.L_overlay_start_0:
0x88: {  	s2 =	sld [smem:$0x3FD9]  }
0x89: {  	s3 =	sld [smem:$0x3FFE];
	_ =	sdelay $0x1  }
0x8a: {  	s1 =	srdreg.scid  }
0x8b: {  	s0 =	sand.u32 $0x1, s1  }
0x8c: {  	s16 =	sshll.u32 s0, $0xA;
	s2 =	sadd.s32 s3, s2  }
0x8d: {  	s2 =	sadd.s32 s2, s16  }
0x8e: {  	[smem:$0x3FA0] =	sst s2  }
0x8f: {  	_ = 	snop  }
0x90: {  	(tm) =	ssettm $0x1  }
0x91: {  	s17 =	sld [smem:$0x3FFB];
	_ =	sdelay $0x3  }
0x92: {  	_ =	strace s17  }
0x93: {  	s2 =	sld [smem:$0x3FFC];
	_ =	sdelay $0x3  }
0x94: {  	_ =	strace s2  }
0x95: {  	s2 =	sld [smem:$0x3FFD];
	_ =	sdelay $0x3  }
0x96: {  	_ =	strace s2  }
0x97: {  	_ =	strace $0x8FFFFFFF  }
0x98: {  	s18 =	sld [smem:$0x3FDB];
	_ =	sdelay $0x1  }
0x99: {  	s19 =	simm.s32 $_scs_section_size  }
0x9a: {  	s4 =	simm.s32 $_size__tile_overlayer_lowered;
	s5 =	simm.s32 $_tile_overlayer_lowered  }
0x9b: {  	s22 =	simm.s32 $0x1BFF;
	s21 =	sshll.u32 s5, $0x1;
	s2 =	sadd.s32 s19, s18  }
0x9c: {  	s6 =	simm.s32 $0x0;
	s20 =	sshll.u32 s4, $0x1;
	s4 =	sadd.s32 s21, s2  }
0x9d: {  	[timem:s6], [sflag:s22] =	dma.local [hbm:s4], s20  }
0x9e: {  	_ =	swait.ge [sflag:s22], s20  }
0x9f: {  	s3 =	ssub.s32 $0x0, s20;
	[sflag:s22] =	ssyncset.done $0x0  }
0xa0: {  	[sflag:s22] =	ssyncadd.s32 s3;
	_ =	sdelay $0x1  }
0xa1: {  	s23 =	simm.s32 $0x1B8B  }
0xa2: {  	_ =	swait.ge [sflag:s23], $0x1  }
0xa3: {  	[sflag:s23] =	ssyncset.done $0x0  }
0xa4: {  	s25 =	simm.s32 $0x1B8E;
	s24 =	sld [smem:$0x3FFE];
	[sflag:s23] =	ssyncadd.s32 $0xFFFFFFFF  }
0xa5: {  	s26 =	simm.s32 $execute0_lowered;
	[smem:$0x3FD2] =	sst s25  }
0xa6: {  	s4 =	sshll.u32 s26, $0x1;
	_ =	strace $0x8000005E;
	[dreg:$0x1] =	wrdreg $0xFFFFFFFF  }
0xa7: {  	s28 =	simm.s32 $_size_execute0_lowered;
	s2 =	sadd.s32 s2, s4;
	[dreg:$0x0] =	wrdreg $0x0  }
0xa8: {  	s4 =	sshll.u32 s28, $0x1;
	[dreg:$0x2] =	wrdreg s2  }
0xa9: {  	[dreg:$0x3] =	wrdreg s4  }
0xaa: {  	[dreg:$0x4] =	wrdreg $0xC0  }
0xab: {  	_ =	task [dreg:s6], $0x5FFFF  }
0xac: {  	[dreg:$0x1] =	wrdreg $0xFFFFFFFF  }
0xad: {  	[dreg:$0x0] =	wrdreg $0x60  }
0xae: {  	[dreg:$0x2] =	wrdreg s24  }
0xaf: {  	[dreg:$0x3] =	wrdreg $0x9  }
0xb0: {  	_ =	task.clear_ibuf [dreg:s6], $0x4FFFF;
	_ =	strace $0x9000005E  }
0xb1: {  	s29 =	simm.s32 $0x9;
	_ =	strace $0x80000060  }
0xb2: {  	_ =	swait.ge [sflag:s29], $0x1  }
0xb3: {  	[sflag:s29] =	ssyncadd.s32 $0xFFFFFFFF  }
0xb4: {  	_ =	strace $0x90000060  }
0xb5: {  	_ =	sfence  }
0xb6: {  	s30 =	sld [smem:$0x0];
	_ =	sdelay $0x2  }
0xb7: {  	s31 =	sshll.u32 s1, $0xD;
	s1 =	sshrl.u32 s1, $0x2  }
0xb8: {  	s3 =	sand.u32 $0x4000, s31;
	s1 =	sadd.s32 s1, s30  }
0xb9: {  	s0 =	sor.u32 s3, s0;
	s1 =	sshll.u32 s1, $0x11  }
0xba: {  	s0 =	sor.u32 s1, s0  }
0xbb: {  	s0 =	sadd.s32 $0x8F2B, s0  }
0xbc: {  	[sflag:s0] =	ssyncadd.remote.s32 $0x1  }
0xbd: {  	_ =	sfence.sel $0xFFFF  }
0xbe: {  	[dreg:$0x0] =	wrdreg $0xFFFFFFFF;
	(pc) =	sbr.abs _section_cstart, $3  }
0xbf: {  	[dreg:$0x1] =	wrdreg $0xFFFFFFFF  }
0xc0: {  	_ =	task.clear_ibuf [dreg:s6], $0x2FFFF;
	_ =	strace $0x9FFFFFFF  }
0xc1: {  	(tm) =	ssettm $0x7FFFFFFF  }
tec
execute0_lowered:
.L_overlay_start_1:
0x0: {  	(tag) =	ssettag $0x1  }
0x1: {  	s0 =	srdreg.scid  }
0x2: {  	s3 =	stileid.u32;
	s4 =	rddreg [dreg:$0x0];
	s15 =	simm.s32 $0x880  }
0x3: {  	s16 =	simm.s32 $0x1080;
	s18 =	simm.s32 $0x1880;
	s19 =	simm.s32 $0x2080  }
0x4: {  	s20 =	simm.s32 $0x2880;
	s0 =	sand.u32 $0x1, s0;
	s1 =	smul.u32 $0x2800, s3  }
0x5: {  	s21 =	simm.s32 $0x3080;
	s22 =	simm.s32 $0x3880;
	s2 =	smul.u32 $0x1400, s0  }
0x6: {  	s23 =	simm.s32 $0x4080;
	s24 =	simm.s32 $0x4880;
	s25 =	simm.s32 $0x5080  }
0x7: {  	s26 =	simm.s32 $0x5880;
	s1 =	sadd.s32 s2, s1;
	s2 =	simm.s32 $0x0  }
0x8: {  	s8 =	simm.s32 $0x80;
	s9 =	simm.s32 $0x6080;
	[smem:$0x7FF] =	sst s2  }
0x9: {  	s10 =	simm.s32 $0x6880;
	_ =	strace $0x8000005F;
	[dreg:$0x3] =	wrdreg s15  }
0xa: {  	s11 =	simm.s32 $0x7080;
	s12 =	simm.s32 $0x7880;
	[dreg:$0x4] =	wrdreg s16  }
0xb: {  	s5 =	smul.u32 $0xA0000, s3;
	s17 =	ssub.s32 $0x2, s0;
	[dreg:$0x5] =	wrdreg s18  }
0xc: {  	s13 =	simm.s32 $0x8080;
	s7 =	sshrl.u32 s17, $0x1;
	[dreg:$0x6] =	wrdreg s19  }
0xd: {  	s6 =	sadd.s32 s5, s4;
	s5 =	ssub.s32 s17, s7;
	[dreg:$0x7] =	wrdreg s20  }
0xe: {  	s0 =	smul.u32 $0x50000, s0;
	s5 =	smax.u32 s5, $0x1;
	[dreg:$0x8] =	wrdreg s21  }
0xf: {  	s14 =	simm.s32 $0x8880;
	s28 =	simm.s32 $0xF080;
	[dreg:$0xe] =	wrdreg s5  }
0x10: {  	s29 =	simm.s32 $0xF880;
	s0 =	sadd.s32 s0, s6;
	[dreg:$0x9] =	wrdreg s22  }
0x11: {  	s30 =	simm.s32 $0x1;
	s0 =	sadd.s32 $0x230200, s0;
	[dreg:$0xa] =	wrdreg s23  }
0x12: {  	s31 =	simm.s32 $0x0;
	s3 =	sadd.s32 $0xE0200, s4;
	[dreg:$0xf] =	wrdreg s0  }
0x13: {  	s7 =	simm.s32 $0x2;
	s1 =	sshrl.u32 s1, $0x3;
	[dreg:$0xb] =	wrdreg s24  }
0x14: {  	s17 =	simm.s32 $0xA080;
	s1 =	sadd.s32 s1, s4;
	[dreg:$0xc] =	wrdreg s25  }
0x15: {  	s4 =	sadd.s32 $0xE0300, s4;
	[dreg:$0xd] =	wrdreg s26;
	s15 =	simm.s32 $0x9080  }
0x16: {  	s16 =	simm.s32 $0x9880;
	s18 =	simm.s32 $0xA880;
	s19 =	simm.s32 $0xB080  }
0x17: {  	v2 =	vlaneseq.u32;
	s20 =	simm.s32 $0xB880;
	s21 =	simm.s32 $0xC080;
	s22 =	simm.s32 $0xC880  }
0x18: {  	vm0 =	vmmov $0xffff;
	v1 =	vshrl.u32 v2, $0x3;
	s23 =	simm.s32 $0xD080;
	s24 =	simm.s32 $0xD880;
	s1 =	sadd.s32 $0x33200, s1  }
0x19: {  	v0 =	vand.u32 $0x7, v2;
	v2 =	vor.u32 $0x8, v2;
	v1 =	vmul.u32 $0x8, v1;
	s25 =	simm.s32 $0xE080;
	s26 =	simm.s32 $0xE880;
	[dreg:$0x2] =	wrdreg s1  }
.LBB2_1:
0x1a: {  	s6 =	rddreg [dreg:$0xf];
	s0 =	simm.s32 $0x0  }
.LBB2_2:
0x1b: {  	s5 =	rddreg [dreg:$0x2]  }
0x1c: {  	s5 =	sadd.s32 s0, s5  }
0x1d: {  	[tilespmem:s2], [sflag:$0x2] =	stream.linear.gather [hbm4b:s5+s2], $0x80, $0x38;
	[tilespmem:$0x10080] =	vst v63  }
0x1e: {  	_ =	swait.ge [sflag:s7], $0x80  }
0x1f: {  	[sflag:s7] =	ssyncset.done $0x0  }
0x20: {  	[sflag:s7] =	ssyncadd.s32 $0xFFFFFF80  }
0x21: {  	v3 =	vld [tilespmem:$0x0];
	_ =	sdelay $0x4  }
0x22: {  	v4 =	vshll.u32 v3, $0x2  }
0x23: {  	v3 =	vand.u32 $0x7, v3;
	v4 =	vand.u32 $0xFFFFFFE0, v4  }
0x24: {  	v3 =	vor.u32 v3, v4  }
0x25: {  	v4 =	vperm.xlane v3, v0;
	_ =	sdelay $0x1  }
0x26: {  	v4 =	vadd.s32 v1, v4;
	_ =	sdelay $0x1  }
0x27: {  	v3 =	vperm.xlane v3, v2;
	_ =	sdelay $0x1  }
0x28: {  	v3 =	vadd.s32 v1, v3  }
0x29: {  	[tilespmem:s8], [sflag:$0x1] =	stream.indirect_vreg.gather [hbm4b:s3+s2], $0x80, v4, vm0, $0xb8;
	[tilespmem:$0x10080] =	vst v63  }
0x2a: {  	s5 =	rddreg [dreg:$0x3]  }
0x2b: {  	[tilespmem:s5], [sflag:$0x1] =	stream.indirect_vreg.gather [hbm4b:s4+s2], $0x80, v4, vm0, $0xb8;
	[tilespmem:$0x10080] =	vst v63  }
0x2c: {  	s1 =	rddreg [dreg:$0x4]  }
0x2d: {  	[tilespmem:s1], [sflag:$0x1] =	stream.indirect_vreg.gather [hbm4b:s3+s2], $0x80, v3, vm0, $0xb8;
	[tilespmem:$0x10080] =	vst v63  }
0x2e: {  	s5 =	rddreg [dreg:$0x5]  }
0x2f: {  	[tilespmem:s5], [sflag:$0x1] =	stream.indirect_vreg.gather [hbm4b:s4+s2], $0x80, v3, vm0, $0xb8;
	[tilespmem:$0x10080] =	vst v63  }
0x30: {  	v3 =	vld [tilespmem:$0x10];
	_ =	sdelay $0x4  }
0x31: {  	v57 =	vshll.u32 v3, $0x2  }
0x32: {  	v3 =	vand.u32 $0x7, v3;
	v4 =	vand.u32 $0xFFFFFFE0, v57  }
0x33: {  	v3 =	vor.u32 v3, v4  }
0x34: {  	v4 =	vperm.xlane v3, v0;
	_ =	sdelay $0x1  }
0x35: {  	v4 =	vadd.s32 v1, v4;
	_ =	sdelay $0x1  }
0x36: {  	v3 =	vperm.xlane v3, v2;
	_ =	sdelay $0x1  }
0x37: {  	s1 =	rddreg [dreg:$0x6];
	v3 =	vadd.s32 v1, v3  }
0x38: {  	[tilespmem:s1], [sflag:$0x1] =	stream.indirect_vreg.gather [hbm4b:s3+s2], $0x80, v4, vm0, $0xb8;
	[tilespmem:$0x10080] =	vst v63  }
0x39: {  	s5 =	rddreg [dreg:$0x7]  }
0x3a: {  	[tilespmem:s5], [sflag:$0x1] =	stream.indirect_vreg.gather [hbm4b:s4+s2], $0x80, v4, vm0, $0xb8;
	[tilespmem:$0x10080] =	vst v63  }
0x3b: {  	s1 =	rddreg [dreg:$0x8]  }
0x3c: {  	[tilespmem:s1], [sflag:$0x1] =	stream.indirect_vreg.gather [hbm4b:s3+s2], $0x80, v3, vm0, $0xb8;
	[tilespmem:$0x10080] =	vst v63  }
0x3d: {  	s5 =	rddreg [dreg:$0x9]  }
0x3e: {  	[tilespmem:s5], [sflag:$0x1] =	stream.indirect_vreg.gather [hbm4b:s4+s2], $0x80, v3, vm0, $0xb8;
	[tilespmem:$0x10080] =	vst v63  }
0x3f: {  	v3 =	vld [tilespmem:$0x20];
	_ =	sdelay $0x4  }
0x40: {  	v58 =	vshll.u32 v3, $0x2  }
0x41: {  	v3 =	vand.u32 $0x7, v3;
	v4 =	vand.u32 $0xFFFFFFE0, v58  }
0x42: {  	v3 =	vor.u32 v3, v4  }
0x43: {  	v4 =	vperm.xlane v3, v0;
	_ =	sdelay $0x1  }
0x44: {  	v4 =	vadd.s32 v1, v4;
	_ =	sdelay $0x1  }
0x45: {  	v3 =	vperm.xlane v3, v2;
	_ =	sdelay $0x1  }
0x46: {  	s1 =	rddreg [dreg:$0xa];
	v3 =	vadd.s32 v1, v3  }
0x47: {  	[tilespmem:s1], [sflag:$0x1] =	stream.indirect_vreg.gather [hbm4b:s3+s2], $0x80, v4, vm0, $0xb8;
	[tilespmem:$0x10080] =	vst v63  }
0x48: {  	s5 =	rddreg [dreg:$0xb]  }
0x49: {  	[tilespmem:s5], [sflag:$0x1] =	stream.indirect_vreg.gather [hbm4b:s4+s2], $0x80, v4, vm0, $0xb8;
	[tilespmem:$0x10080] =	vst v63  }
0x4a: {  	s1 =	rddreg [dreg:$0xc]  }
0x4b: {  	[tilespmem:s1], [sflag:$0x1] =	stream.indirect_vreg.gather [hbm4b:s3+s2], $0x80, v3, vm0, $0xb8;
	[tilespmem:$0x10080] =	vst v63  }
0x4c: {  	s5 =	rddreg [dreg:$0xd]  }
0x4d: {  	[tilespmem:s5], [sflag:$0x1] =	stream.indirect_vreg.gather [hbm4b:s4+s2], $0x80, v3, vm0, $0xb8;
	[tilespmem:$0x10080] =	vst v63  }
0x4e: {  	v3 =	vld [tilespmem:$0x30];
	_ =	sdelay $0x4  }
0x4f: {  	v59 =	vshll.u32 v3, $0x2  }
0x50: {  	v3 =	vand.u32 $0x7, v3;
	v4 =	vand.u32 $0xFFFFFFE0, v59  }
0x51: {  	v3 =	vor.u32 v3, v4  }
0x52: {  	v4 =	vperm.xlane v3, v0;
	_ =	sdelay $0x1  }
0x53: {  	v4 =	vadd.s32 v1, v4;
	_ =	sdelay $0x1  }
0x54: {  	v3 =	vperm.xlane v3, v2;
	_ =	sdelay $0x1  }
0x55: {  	v3 =	vadd.s32 v1, v3  }
0x56: {  	[tilespmem:s9], [sflag:$0x1] =	stream.indirect_vreg.gather [hbm4b:s3+s2], $0x80, v4, vm0, $0xb8;
	[tilespmem:$0x10080] =	vst v63  }
0x57: {  	_ = 	snop  }
0x58: {  	[tilespmem:s10], [sflag:$0x1] =	stream.indirect_vreg.gather [hbm4b:s4+s2], $0x80, v4, vm0, $0xb8;
	[tilespmem:$0x10080] =	vst v63  }
0x59: {  	_ = 	snop  }
0x5a: {  	[tilespmem:s11], [sflag:$0x1] =	stream.indirect_vreg.gather [hbm4b:s3+s2], $0x80, v3, vm0, $0xb8;
	[tilespmem:$0x10080] =	vst v63  }
0x5b: {  	_ = 	snop  }
0x5c: {  	[tilespmem:s12], [sflag:$0x1] =	stream.indirect_vreg.gather [hbm4b:s4+s2], $0x80, v3, vm0, $0xb8;
	[tilespmem:$0x10080] =	vst v63  }
0x5d: {  	v3 =	vld [tilespmem:$0x40];
	_ =	sdelay $0x4  }
0x5e: {  	v60 =	vshll.u32 v3, $0x2  }
0x5f: {  	v3 =	vand.u32 $0x7, v3;
	v4 =	vand.u32 $0xFFFFFFE0, v60  }
0x60: {  	v3 =	vor.u32 v3, v4  }
0x61: {  	v4 =	vperm.xlane v3, v0;
	_ =	sdelay $0x1  }
0x62: {  	v4 =	vadd.s32 v1, v4;
	_ =	sdelay $0x1  }
0x63: {  	v3 =	vperm.xlane v3, v2;
	_ =	sdelay $0x1  }
0x64: {  	v3 =	vadd.s32 v1, v3  }
0x65: {  	[tilespmem:s13], [sflag:$0x1] =	stream.indirect_vreg.gather [hbm4b:s3+s2], $0x80, v4, vm0, $0xb8;
	[tilespmem:$0x10080] =	vst v63  }
0x66: {  	_ = 	snop  }
0x67: {  	[tilespmem:s14], [sflag:$0x1] =	stream.indirect_vreg.gather [hbm4b:s4+s2], $0x80, v4, vm0, $0xb8;
	[tilespmem:$0x10080] =	vst v63  }
0x68: {  	_ = 	snop  }
0x69: {  	[tilespmem:s15], [sflag:$0x1] =	stream.indirect_vreg.gather [hbm4b:s3+s2], $0x80, v3, vm0, $0xb8;
	[tilespmem:$0x10080] =	vst v63  }
0x6a: {  	_ = 	snop  }
0x6b: {  	[tilespmem:s16], [sflag:$0x1] =	stream.indirect_vreg.gather [hbm4b:s4+s2], $0x80, v3, vm0, $0xb8;
	[tilespmem:$0x10080] =	vst v63  }
0x6c: {  	v3 =	vld [tilespmem:$0x50];
	_ =	sdelay $0x4  }
0x6d: {  	v61 =	vshll.u32 v3, $0x2  }
0x6e: {  	v3 =	vand.u32 $0x7, v3;
	v4 =	vand.u32 $0xFFFFFFE0, v61  }
0x6f: {  	v3 =	vor.u32 v3, v4  }
0x70: {  	v4 =	vperm.xlane v3, v0;
	_ =	sdelay $0x1  }
0x71: {  	v4 =	vadd.s32 v1, v4;
	_ =	sdelay $0x1  }
0x72: {  	v3 =	vperm.xlane v3, v2;
	_ =	sdelay $0x1  }
0x73: {  	v3 =	vadd.s32 v1, v3  }
0x74: {  	[tilespmem:s17], [sflag:$0x1] =	stream.indirect_vreg.gather [hbm4b:s3+s2], $0x80, v4, vm0, $0xb8;
	[tilespmem:$0x10080] =	vst v63  }
0x75: {  	_ = 	snop  }
0x76: {  	[tilespmem:s18], [sflag:$0x1] =	stream.indirect_vreg.gather [hbm4b:s4+s2], $0x80, v4, vm0, $0xb8;
	[tilespmem:$0x10080] =	vst v63  }
0x77: {  	_ = 	snop  }
0x78: {  	[tilespmem:s19], [sflag:$0x1] =	stream.indirect_vreg.gather [hbm4b:s3+s2], $0x80, v3, vm0, $0xb8;
	[tilespmem:$0x10080] =	vst v63  }
0x79: {  	_ = 	snop  }
0x7a: {  	[tilespmem:s20], [sflag:$0x1] =	stream.indirect_vreg.gather [hbm4b:s4+s2], $0x80, v3, vm0, $0xb8;
	[tilespmem:$0x10080] =	vst v63  }
0x7b: {  	v3 =	vld [tilespmem:$0x60];
	_ =	sdelay $0x4  }
0x7c: {  	v62 =	vshll.u32 v3, $0x2  }
0x7d: {  	v3 =	vand.u32 $0x7, v3;
	v4 =	vand.u32 $0xFFFFFFE0, v62  }
0x7e: {  	v3 =	vor.u32 v3, v4  }
0x7f: {  	v4 =	vperm.xlane v3, v0;
	_ =	sdelay $0x1  }
0x80: {  	v4 =	vadd.s32 v1, v4;
	_ =	sdelay $0x1  }
0x81: {  	v3 =	vperm.xlane v3, v2;
	_ =	sdelay $0x1  }
0x82: {  	v3 =	vadd.s32 v1, v3  }
0x83: {  	[tilespmem:s21], [sflag:$0x1] =	stream.indirect_vreg.gather [hbm4b:s3+s2], $0x80, v4, vm0, $0xb8;
	[tilespmem:$0x10080] =	vst v63  }
0x84: {  	_ = 	snop  }
0x85: {  	[tilespmem:s22], [sflag:$0x1] =	stream.indirect_vreg.gather [hbm4b:s4+s2], $0x80, v4, vm0, $0xb8;
	[tilespmem:$0x10080] =	vst v63  }
0x86: {  	_ = 	snop  }
0x87: {  	[tilespmem:s23], [sflag:$0x1] =	stream.indirect_vreg.gather [hbm4b:s3+s2], $0x80, v3, vm0, $0xb8;
	[tilespmem:$0x10080] =	vst v63  }
0x88: {  	_ = 	snop  }
0x89: {  	[tilespmem:s24], [sflag:$0x1] =	stream.indirect_vreg.gather [hbm4b:s4+s2], $0x80, v3, vm0, $0xb8;
	[tilespmem:$0x10080] =	vst v63  }
0x8a: {  	v3 =	vld [tilespmem:$0x70];
	_ =	sdelay $0x4  }
0x8b: {  	v63 =	vshll.u32 v3, $0x2  }
0x8c: {  	v3 =	vand.u32 $0x7, v3;
	v4 =	vand.u32 $0xFFFFFFE0, v63  }
0x8d: {  	v3 =	vor.u32 v3, v4  }
0x8e: {  	v4 =	vperm.xlane v3, v0;
	_ =	sdelay $0x1  }
0x8f: {  	v4 =	vadd.s32 v1, v4;
	_ =	sdelay $0x1  }
0x90: {  	v3 =	vperm.xlane v3, v2;
	_ =	sdelay $0x1  }
0x91: {  	v3 =	vadd.s32 v1, v3  }
0x92: {  	[tilespmem:s25], [sflag:$0x1] =	stream.indirect_vreg.gather [hbm4b:s3+s2], $0x80, v4, vm0, $0xb8;
	[tilespmem:$0x10080] =	vst v63  }
0x93: {  	_ = 	snop  }
0x94: {  	[tilespmem:s26], [sflag:$0x1] =	stream.indirect_vreg.gather [hbm4b:s4+s2], $0x80, v4, vm0, $0xb8;
	[tilespmem:$0x10080] =	vst v63  }
0x95: {  	_ = 	snop  }
0x96: {  	[tilespmem:s28], [sflag:$0x1] =	stream.indirect_vreg.gather [hbm4b:s3+s2], $0x80, v3, vm0, $0xb8;
	[tilespmem:$0x10080] =	vst v63  }
0x97: {  	_ = 	snop  }
0x98: {  	[tilespmem:s29], [sflag:$0x1] =	stream.indirect_vreg.gather [hbm4b:s4+s2], $0x80, v3, vm0, $0xb8;
	[tilespmem:$0x10080] =	vst v63  }
0x99: {  	_ =	swait.ge [sflag:s30], $0x10000  }
0x9a: {  	p0 =	sne.s32 s0, $0x270;
	[sflag:s30] =	ssyncset.done $0x0  }
.Ltmp0:
0x9b: {  	[sflag:s30] =	ssyncadd.s32 $0xFFFF0000;
	(pc) =	sbr.rel @p0 .LBB2_2-.Ltmp0, $4  }
0x9c: {  	[hbm4b:s6+s2] =	stream.linear.scatter [tilespmem:s8], [sflag:$0x2], $0x10000, $0x38;
	[tilespmem:$0x10080] =	vst v63  }
0x9d: {  	_ =	swait.ge [sflag:s7], $0x10000  }
0x9e: {  	[sflag:s7] =	ssyncset.done $0x0  }
0x9f: {  	s0 =	sadd.s32 $0x10, s0;
	s6 =	sadd.s32 $0x2000, s6;
	[sflag:s7] =	ssyncadd.s32 $0xFFFF0000  }
0xa0: {  	s31 =	sadd.s32 $0x1, s31;
	s0 =	rddreg [dreg:$0xe]  }
0xa1: {  	p0 =	sne.s32 s31, s0  }
.Ltmp1:
0xa2: {  	_ = 	snop;
	(pc) =	sbr.rel @p0 .LBB2_1-.Ltmp1, $1  }
0xa3: {  	_ =	sdelay $0x3  }
0xa4: {  	_ =	sfence.sel $0x180000  }
0xa5: {  	[bflag:$0x0] =	sbarrier.arrive $0xFFFF  }
0xa6: {  	_ =	strace $0x9000005F  }
0xa7: {  	s0 =	stileid.u32;
	[bflag:$0x2] =	sbarrier.arrive $0xFFFF  }
0xa8: {  	p0 =	sne.s32 s0, $0x0;
	s0 =	rddreg [dreg:$0x1]  }
0xa9: {  	s0 =	sadd.s32 @!p0 $0x100000, s0  }
0xaa: {  	[sflag:s0] =	ssyncadd.tile.s32 @!p0 $0x1;
	_ =	shalt  }
.Lfunc_end2:
_tile_overlayer_lowered:
.L_overlay_start_2:
0xab: {  	(tag) =	ssettag $0x2  }
0xac: {  	s0 =	rddreg [dreg:$0x0];
	s2 =	stileid.u32  }
0xad: {  	s1 =	rddreg [dreg:$0x1];
	p0 =	sne.s32 s2, $0x0  }
0xae: {  	s3 =	rddreg [dreg:$0x2];
	[bflag:$0x3] =	sbarrier.arrive $0xFFFF;
	s2 =	simm.s32 @!p0 $0x1C02  }
0xaf: {  	[timem:s3], [sflag:s2] =	dma.local @!p0 [hbm:s0], s1  }
0xb0: {  	s0 =	simm.s32 @!p0 $0x2  }
0xb1: {  	_ =	swait.ge @!p0 [sflag:s0], s1  }
0xb2: {  	s1 =	ssub.s32 @!p0 $0x0, s1;
	[sflag:s0] =	ssyncset.done @!p0 $0x0  }
0xb3: {  	[sflag:s0] =	ssyncadd.s32 @!p0 s1  }
0xb4: {  	[bflag:$0x3] =	sbarrier.arrive $0xFFFF  }
0xb5: {  	_ =	shalt  }

</sc_bundles>
